<compile_context>
chip_gen: v7x
topology: tpu7x:2x2x1
jax: 0.10.2.dev20260603
libtpu: 0.0.44.dev20260713+nightly
codegen_flags: <defaults>
</compile_context>

<pallas_src>
import jax
import jax.numpy as jnp
from jax import lax
from jax.experimental import pallas as pl
from jax.experimental.pallas import tpu as pltpu
from jax.experimental.pallas import tpu_sc as plsc

_N_NODES = 10000
_N_PAD = 10240
_NROW = 80
_D = 128
_LAMB_INV = 1.0 / 10.0
_L = 16
_NC = 2
_NS = 16
_BLK = 128
_REM = 16
_SUPA = 400
_MROW = 128
_PER_TILE = _N_PAD // _NS
_MERGE_W = 10


def _dbuf_loop(nblocks, start_fn, proc_fn):
    start_fn(0, 0)

    def body(i, carry):
        @pl.when(i % 2 == 0)
        def _():
            @pl.when(i + 1 < nblocks)
            def _():
                start_fn(i + 1, 1)
            proc_fn(i, 0)

        @pl.when(i % 2 == 1)
        def _():
            @pl.when(i + 1 < nblocks)
            def _():
                start_fn(i + 1, 0)
            proc_fn(i, 1)

        return carry

    lax.fori_loop(0, nblocks, body, 0)


def _sc_body(nid_hbm, ts_hbm, msg_hbm, part_hbm, tpad_hbm,
             hpad_hbm, na0, na1, tb0, tb1, mb0, mb1, nbB0, nbB1,
             nbS, wb, tlb, sem0, sem1, ssem0, ssem1, acc_out, acc_t):
    cid = lax.axis_index("c")
    sid = lax.axis_index("s")
    n_msg = nid_hbm.shape[0]
    ca = n_msg // _NS
    cb = n_msg // (_NC * _NS)
    na_blocks = ca // _SUPA
    nb_blocks = (cb - _REM) // _BLK
    zero16 = jnp.zeros((_L,), jnp.float32)
    nas = (na0, na1)
    tbs = (tb0, tb1)
    mbs = (mb0, mb1)
    sems = (sem0, sem1)
    nbBs = (nbB0, nbB1)
    ssems = (ssem0, ssem1)

    def zrow(r, carry):
        for c in range(_D // _L):
            mb0[r, pl.ds(c * _L, _L)] = zero16
        return carry

    lax.fori_loop(0, _NROW, zrow, 0)

    def a_start(i, buf):
        start = pl.multiple_of(sid * ca + i * _SUPA, 8)
        la = pl.multiple_of(jnp.minimum(start + _SUPA, n_msg - _L), 8)
        pltpu.async_copy(nid_hbm.at[pl.ds(start, _SUPA)],
                         nas[buf].at[pl.ds(0, _SUPA)], sems[buf])
        pltpu.async_copy(nid_hbm.at[pl.ds(la, _L)],
                         nas[buf].at[pl.ds(_SUPA, _L)], sems[buf])
        pltpu.async_copy(ts_hbm.at[pl.ds(start, _SUPA)], tbs[buf], sems[buf])

    def a_proc(i, buf):
        start = pl.multiple_of(sid * ca + i * _SUPA, 8)
        la = pl.multiple_of(jnp.minimum(start + _SUPA, n_msg - _L), 8)
        pltpu.make_async_copy(nid_hbm.at[pl.ds(start, _SUPA)],
                              nas[buf].at[pl.ds(0, _SUPA)], sems[buf]).wait()
        pltpu.make_async_copy(nid_hbm.at[pl.ds(la, _L)],
                              nas[buf].at[pl.ds(_SUPA, _L)], sems[buf]).wait()
        pltpu.make_async_copy(ts_hbm.at[pl.ds(start, _SUPA)], tbs[buf],
                              sems[buf]).wait()

        @pl.when(start + _SUPA >= n_msg)
        def _():
            nas[buf][pl.ds(_SUPA, _L)] = jnp.full((_L,), -1, jnp.int32)

        for g in range(_SUPA // _L):
            cur = nas[buf][pl.ds(g * _L, _L)]
            nxt = nas[buf][pl.ds(g * _L + 1, _L)]
            vals = tbs[buf][pl.ds(g * _L, _L)] + 1.0
            plsc.store_scatter(mb0, [cur >> 7, cur & 127], vals,
                               mask=cur != nxt)

    _dbuf_loop(na_blocks, a_start, a_proc)

    stage0 = pl.multiple_of(sid * _NROW, 8)
    pltpu.sync_copy(mb0.at[pl.ds(0, _NROW), :],
                    acc_out.at[pl.ds(stage0, _NROW), :])
    plsc.subcore_barrier()

    @pl.when(sid < _MERGE_W)
    def _():
        for t in range(_NS):
            pltpu.async_copy(
                acc_out.at[pl.ds(pl.multiple_of(t * _NROW + sid * 8, 8), 8), :],
                mb1.at[pl.ds(t * 8, 8), :], sem0)
        for t in range(_NS):
            pltpu.make_async_copy(
                acc_out.at[pl.ds(pl.multiple_of(t * _NROW + sid * 8, 8), 8), :],
                mb1.at[pl.ds(t * 8, 8), :], sem0).wait()
        def merge_fn(g, carry):
            r = g // (_D // _L)
            c0 = pl.multiple_of((g % (_D // _L)) * _L, _L)
            acc = mb1[r, pl.ds(c0, _L)]
            for t in range(1, _NS):
                acc = acc + mb1[t * 8 + r, pl.ds(c0, _L)]
            mb0[r, pl.ds(c0, _L)] = acc
            mb0[8 + r, pl.ds(c0, _L)] = jnp.maximum(acc - 1.0, 0.0)
            mb0[16 + r, pl.ds(c0, _L)] = jnp.where(acc > 0.0, 1.0, 0.0)
            return carry

        lax.fori_loop(0, 8 * _D // _L, merge_fn, 0)
        mrow = pl.multiple_of(sid * 8, 8)
        pltpu.sync_copy(mb0.at[pl.ds(0, 8), :], acc_t.at[pl.ds(mrow, 8), :])

        @pl.when(cid == 0)
        def _():
            pltpu.sync_copy(mb0.at[pl.ds(8, 8), :],
                            tpad_hbm.at[pl.ds(mrow, 8), :])
            pltpu.sync_copy(mb0.at[pl.ds(16, 8), :],
                            hpad_hbm.at[pl.ds(mrow, 8), :])

    plsc.subcore_barrier()

    pltpu.sync_copy(acc_t, tlb)
    lax.fori_loop(0, _MROW, zrow, 0)
    tile0 = pl.multiple_of(sid * _PER_TILE, 8)
    for k in range(_PER_TILE // _MROW):
        pltpu.sync_copy(mb0.at[pl.ds(0, _MROW), :],
                        acc_out.at[pl.ds(tile0 + k * _MROW, _MROW), :])
    plsc.subcore_barrier()

    def b_start(i, buf):
        if not (isinstance(i, int) and i < 2):
            @pl.when(i >= 2)
            def _():
                pltpu.make_async_copy(mbs[buf].at[pl.ds(0, _BLK), :],
                                      acc_out.at[nbBs[buf].at[0]],
                                      ssems[buf]).wait()
        base = pl.multiple_of(cid * (n_msg // _NC) + sid * cb + i * _BLK, 8)
        pltpu.async_copy(nid_hbm.at[pl.ds(base, _BLK)],
                         nbBs[buf].at[0], sems[buf])
        pltpu.async_copy(ts_hbm.at[pl.ds(base, _BLK)],
                         tbs[buf].at[pl.ds(0, _BLK)], sems[buf])
        pltpu.async_copy(msg_hbm.at[pl.ds(base, _BLK), :],
                         mbs[buf].at[pl.ds(0, _BLK), :], sems[buf])

    def b_proc(i, buf):
        base = pl.multiple_of(cid * (n_msg // _NC) + sid * cb + i * _BLK, 8)
        pltpu.make_async_copy(nid_hbm.at[pl.ds(base, _BLK)],
                              nbBs[buf].at[0], sems[buf]).wait()
        pltpu.make_async_copy(ts_hbm.at[pl.ds(base, _BLK)],
                              tbs[buf].at[pl.ds(0, _BLK)], sems[buf]).wait()
        pltpu.make_async_copy(msg_hbm.at[pl.ds(base, _BLK), :],
                              mbs[buf].at[pl.ds(0, _BLK), :], sems[buf]).wait()
        for g in range(_BLK // _L):
            idxv = nbBs[buf][0, pl.ds(g * _L, _L)]
            tl1 = plsc.load_gather(tlb, [idxv >> 7, idxv & 127])
            w = jnp.exp((tbs[buf][pl.ds(g * _L, _L)] - (tl1 - 1.0)) * _LAMB_INV)
            wb[pl.ds(g * _L, _L)] = w

        @plsc.parallel_loop(0, _BLK, unroll=4)
        def row_fn(r):
            wsp = plsc.load_gather(wb, [lax.broadcast(r, (_L,))])
            for c in range(_D // _L):
                mbs[buf][r, pl.ds(c * _L, _L)] = (
                    mbs[buf][r, pl.ds(c * _L, _L)] * wsp)

        pltpu.async_copy(mbs[buf].at[pl.ds(0, _BLK), :],
                         acc_out.at[nbBs[buf].at[0]], ssems[buf], add=True)

    _dbuf_loop(nb_blocks, b_start, b_proc)
    for buf in range(2):
        pltpu.make_async_copy(mbs[buf].at[pl.ds(0, _BLK), :],
                              acc_out.at[nbBs[buf].at[0]], ssems[buf]).wait()

    rbase = pl.multiple_of(
        cid * (n_msg // _NC) + sid * cb + nb_blocks * _BLK, 8)
    pltpu.sync_copy(nid_hbm.at[pl.ds(rbase, _REM)], nbS.at[0])
    pltpu.sync_copy(ts_hbm.at[pl.ds(rbase, _REM)], tb0.at[pl.ds(0, _REM)])
    pltpu.sync_copy(msg_hbm.at[pl.ds(rbase, _REM), :],
                    mb0.at[pl.ds(0, _REM), :])
    idxr = nbS[0, pl.ds(0, _L)]
    tl1r = plsc.load_gather(tlb, [idxr >> 7, idxr & 127])
    wr = jnp.exp((tb0[pl.ds(0, _REM)] - (tl1r - 1.0)) * _LAMB_INV)
    wb[pl.ds(0, _REM)] = wr

    @plsc.parallel_loop(0, _REM, unroll=4)
    def rem_fn(r):
        wsp = plsc.load_gather(wb, [lax.broadcast(r, (_L,))])
        for c in range(_D // _L):
            mb0[r, pl.ds(c * _L, _L)] = mb0[r, pl.ds(c * _L, _L)] * wsp

    pltpu.sync_copy(mb0.at[pl.ds(0, _REM), :], acc_out.at[nbS.at[0]],
                    add=True)
    plsc.subcore_barrier()

    out0 = pl.multiple_of(sid * _PER_TILE, 8)
    pltpu.sync_copy(acc_out.at[pl.ds(out0, _PER_TILE), :],
                    part_hbm.at[cid, pl.ds(out0, _PER_TILE), :])


@jax.jit
def _sc_call(node_ids, timestamps, messages):
    mesh = plsc.VectorSubcoreMesh(core_axis_name="c", subcore_axis_name="s",
                                  num_cores=_NC, num_subcores=_NS)
    fn = pl.kernel(
        _sc_body,
        out_type=(
            jax.ShapeDtypeStruct((_NC, _N_PAD, _D), jnp.float32),
            jax.ShapeDtypeStruct((_NROW, _D), jnp.float32),
            jax.ShapeDtypeStruct((_NROW, _D), jnp.float32),
        ),
        mesh=mesh,
        compiler_params=pltpu.CompilerParams(needs_layout_passes=False),
        scratch_types=[
            pltpu.VMEM((_SUPA + _L,), jnp.int32),
            pltpu.VMEM((_SUPA + _L,), jnp.int32),
            pltpu.VMEM((_SUPA,), jnp.float32),
            pltpu.VMEM((_SUPA,), jnp.float32),
            pltpu.VMEM((_MROW, _D), jnp.float32),
            pltpu.VMEM((_MROW, _D), jnp.float32),
            pltpu.VMEM((1, _BLK), jnp.int32),
            pltpu.VMEM((1, _BLK), jnp.int32),
            pltpu.VMEM((1, _REM), jnp.int32),
            pltpu.VMEM((_BLK,), jnp.float32),
            pltpu.VMEM((_NROW, _D), jnp.float32),
            pltpu.SemaphoreType.DMA,
            pltpu.SemaphoreType.DMA,
            pltpu.SemaphoreType.DMA,
            pltpu.SemaphoreType.DMA,
            pltpu.VMEM_SHARED((_N_PAD, _D), jnp.float32),
            pltpu.VMEM_SHARED((_NROW, _D), jnp.float32),
        ],
    )
    return fn(node_ids, timestamps, messages)


def _combine_body(p_ref, o_ref):
    o_ref[...] = p_ref[0] + p_ref[1]


@jax.jit
def _combine(part):
    return pl.pallas_call(
        _combine_body,
        grid=(_N_PAD // _PER_TILE,),
        in_specs=[pl.BlockSpec((_NC, _PER_TILE, _D), lambda i: (0, i, 0))],
        out_specs=pl.BlockSpec((_PER_TILE, _D), lambda i: (i, 0)),
        out_shape=jax.ShapeDtypeStruct((_N_PAD, _D), jnp.float32),
    )(part)


def kernel(node_ids, messages, timestamps):
    part, tpad, hpad = _sc_call(node_ids.astype(jnp.int32),
                                timestamps.astype(jnp.float32),
                                messages)
    out = _combine(part)
    return (hpad.reshape(-1)[:_N_NODES] > 0.5,
            out[:_N_NODES],
            tpad.reshape(-1)[:_N_NODES])

# --- scband reference (transcript-rebuilt; emitter-appended) ---
"""Pipeline reference for scband-exp-message-aggregator-63024350102031 (READ-ONLY COPY).

The authoritative reference and input builder live on the scoring server;
editing this copy changes nothing except your own understanding.
"""

import jax, jax.numpy as jnp
import numpy as np

NUM_NODES = 10000
N_MSG = 320000
EMBED_DIM = 128
LAMB = 10.0


def setup_inputs(seed: int = 0):
    key = jax.random.key(seed)
    k1, k2 = jax.random.split(key)
    node_ids = jnp.sort(jax.random.randint(k1, (N_MSG,), 0, NUM_NODES, dtype=jnp.int64 if jax.config.jax_enable_x64 else jnp.int32)).astype(jnp.int32)
    messages = jax.random.normal(k2, (N_MSG, EMBED_DIM), dtype=jnp.float32)
    timestamps = jnp.arange(N_MSG, dtype=jnp.float32)
    return {"node_ids": node_ids, "messages": messages, "timestamps": timestamps}


def reference(node_ids, messages, timestamps):
    # Flattened, vectorized translation of ExpMessageAggregator.forward:
    # the original iterates over unique node ids and, for each node with
    # pending messages, computes sum_i m_i * exp((t_i - t_last) / lamb)
    # and reports t_last. Here messages are stored flat with per-message
    # node ids (segment ids, sorted) and timestamps (monotone within a
    # node's segment, so the last timestamp equals the segment max).
    counts = jnp.bincount(node_ids, length=NUM_NODES)
    has_msgs = counts > 0  # dense analogue of to_update_node_ids
    t_last = jax.ops.segment_max(timestamps, node_ids, num_segments=NUM_NODES)
    t_last_safe = jnp.where(has_msgs, t_last, 0.0)
    # exponential decay weight per message relative to its node's last timestamp
    w = jnp.exp((timestamps - t_last_safe[node_ids]) / LAMB)
    unique_messages = jax.ops.segment_sum(messages * w[:, None], node_ids, num_segments=NUM_NODES)
    return (has_msgs, unique_messages, t_last_safe)

if __name__ == "__main__":
    import jax
    _d = setup_inputs()
    print(jax.jit(kernel)(*tuple(_d.values())))

</pallas_src>

<mosaic_0001>
#map = affine_map<(d0, d1) -> (0)>
#map1 = affine_map<(d0, d1) -> (0, 0)>
#map2 = affine_map<(d0, d1) -> (0, 0, 0)>
module attributes {stable_mosaic.version = 14 : i64} {
  func.func @_sc_body(%arg0: i32, %arg1: i32, %arg2: memref<320000xi32, #tpu.memory_space<hbm>>, %arg3: memref<320000xf32, #tpu.memory_space<hbm>>, %arg4: memref<320000x128xf32, #tpu.memory_space<hbm>>, %arg5: memref<2x10240x128xf32, #tpu.memory_space<hbm>>, %arg6: memref<80x128xf32, #tpu.memory_space<hbm>>, %arg7: memref<80x128xf32, #tpu.memory_space<hbm>>, %arg8: memref<416xi32, #tpu.memory_space<vmem>>, %arg9: memref<416xi32, #tpu.memory_space<vmem>>, %arg10: memref<400xf32, #tpu.memory_space<vmem>>, %arg11: memref<400xf32, #tpu.memory_space<vmem>>, %arg12: memref<128x128xf32, #tpu.memory_space<vmem>>, %arg13: memref<128x128xf32, #tpu.memory_space<vmem>>, %arg14: memref<1x128xi32, #tpu.memory_space<vmem>>, %arg15: memref<1x128xi32, #tpu.memory_space<vmem>>, %arg16: memref<1x16xi32, #tpu.memory_space<vmem>>, %arg17: memref<128xf32, #tpu.memory_space<vmem>>, %arg18: memref<80x128xf32, #tpu.memory_space<vmem>>, %arg19: memref<!tpu.dma_semaphore, #tpu.memory_space<semaphore_mem>>, %arg20: memref<!tpu.dma_semaphore, #tpu.memory_space<semaphore_mem>>, %arg21: memref<!tpu.dma_semaphore, #tpu.memory_space<semaphore_mem>>, %arg22: memref<!tpu.dma_semaphore, #tpu.memory_space<semaphore_mem>>, %arg23: memref<10240x128xf32, #tpu.memory_space<vmem_shared>>, %arg24: memref<80x128xf32, #tpu.memory_space<vmem_shared>>) attributes {dimension_semantics = [#tpu.dimension_semantics<core_parallel>, #tpu.dimension_semantics<subcore_parallel>], iteration_bounds = array<i64: 2, 16>, scalar_prefetch = 0 : i64, scratch_operands = 17 : i64, tpu.core_type = #tpu.core_type<sc_vector_subcore>, window_params = [{transform_indices = #map}, {transform_indices = #map}, {transform_indices = #map1}, {transform_indices = #map2}, {transform_indices = #map1}, {transform_indices = #map1}]} {
    %broadcast_in_dim3A = arith.constant 0.000000e+00 : f32
    %broadcast_in_dim3A_0 = vector.broadcast %broadcast_in_dim3A : f32 to vector<16xf32>
    %scan3A = arith.constant 0 : i32
    %scan3A_1 = arith.constant 0 : i32
    %scan3A_2 = arith.constant 80 : i32
    %scan3A_3 = arith.addi %scan3A_1, %scan3A_2 : i32
    %scan3A_4 = arith.constant 1 : i32
    scf.for %scan3A_146 = %scan3A_1 to %scan3A_3 step %scan3A_4  : i32 {
      %swap3A_147 = arith.index_cast %scan3A_146 : i32 to index
      %swap3A_148 = arith.constant 0 : index
      %swap3A_149 = tpu.vector_load %arg12[%swap3A_147, %swap3A_148] {strides = array<i32>} : memref<128x128xf32, #tpu.memory_space<vmem>>, vector<16xf32>,
      tpu.vector_store %arg12[%swap3A_147, %swap3A_148], %broadcast_in_dim3A_0 {strides = array<i32>} : memref<128x128xf32, #tpu.memory_space<vmem>>, vector<16xf32>,
      %swap3A_150 = arith.index_cast %scan3A_146 : i32 to index
      %swap3A_151 = arith.constant 16 : index
      %swap3A_152 = tpu.vector_load %arg12[%swap3A_150, %swap3A_151] {strides = array<i32>} : memref<128x128xf32, #tpu.memory_space<vmem>>, vector<16xf32>,
      tpu.vector_store %arg12[%swap3A_150, %swap3A_151], %broadcast_in_dim3A_0 {strides = array<i32>} : memref<128x128xf32, #tpu.memory_space<vmem>>, vector<16xf32>,
      %swap3A_153 = arith.index_cast %scan3A_146 : i32 to index
      %swap3A_154 = arith.constant 32 : index
      %swap3A_155 = tpu.vector_load %arg12[%swap3A_153, %swap3A_154] {strides = array<i32>} : memref<128x128xf32, #tpu.memory_space<vmem>>, vector<16xf32>,
      tpu.vector_store %arg12[%swap3A_153, %swap3A_154], %broadcast_in_dim3A_0 {strides = array<i32>} : memref<128x128xf32, #tpu.memory_space<vmem>>, vector<16xf32>,
      %swap3A_156 = arith.index_cast %scan3A_146 : i32 to index
      %swap3A_157 = arith.constant 48 : index
      %swap3A_158 = tpu.vector_load %arg12[%swap3A_156, %swap3A_157] {strides = array<i32>} : memref<128x128xf32, #tpu.memory_space<vmem>>, vector<16xf32>,
      tpu.vector_store %arg12[%swap3A_156, %swap3A_157], %broadcast_in_dim3A_0 {strides = array<i32>} : memref<128x128xf32, #tpu.memory_space<vmem>>, vector<16xf32>,
      %swap3A_159 = arith.index_cast %scan3A_146 : i32 to index
      %swap3A_160 = arith.constant 64 : index
      %swap3A_161 = tpu.vector_load %arg12[%swap3A_159, %swap3A_160] {strides = array<i32>} : memref<128x128xf32, #tpu.memory_space<vmem>>, vector<16xf32>,
      tpu.vector_store %arg12[%swap3A_159, %swap3A_160], %broadcast_in_dim3A_0 {strides = array<i32>} : memref<128x128xf32, #tpu.memory_space<vmem>>, vector<16xf32>,
      %swap3A_162 = arith.index_cast %scan3A_146 : i32 to index
      %swap3A_163 = arith.constant 80 : index
      %swap3A_164 = tpu.vector_load %arg12[%swap3A_162, %swap3A_163] {strides = array<i32>} : memref<128x128xf32, #tpu.memory_space<vmem>>, vector<16xf32>,
      tpu.vector_store %arg12[%swap3A_162, %swap3A_163], %broadcast_in_dim3A_0 {strides = array<i32>} : memref<128x128xf32, #tpu.memory_space<vmem>>, vector<16xf32>,
      %swap3A_165 = arith.index_cast %scan3A_146 : i32 to index
      %swap3A_166 = arith.constant 96 : index
      %swap3A_167 = tpu.vector_load %arg12[%swap3A_165, %swap3A_166] {strides = array<i32>} : memref<128x128xf32, #tpu.memory_space<vmem>>, vector<16xf32>,
      tpu.vector_store %arg12[%swap3A_165, %swap3A_166], %broadcast_in_dim3A_0 {strides = array<i32>} : memref<128x128xf32, #tpu.memory_space<vmem>>, vector<16xf32>,
      %swap3A_168 = arith.index_cast %scan3A_146 : i32 to index
      %swap3A_169 = arith.constant 112 : index
      %swap3A_170 = tpu.vector_load %arg12[%swap3A_168, %swap3A_169] {strides = array<i32>} : memref<128x128xf32, #tpu.memory_space<vmem>>, vector<16xf32>,
      tpu.vector_store %arg12[%swap3A_168, %swap3A_169], %broadcast_in_dim3A_0 {strides = array<i32>} : memref<128x128xf32, #tpu.memory_space<vmem>>, vector<16xf32>,
    }
    %scan3A_5 = arith.constant 80 : i32
    %mul3A = arith.constant 20000 : i32
    %mul3A_6 = arith.muli %arg1, %mul3A : i32
    %add3A = arith.constant 0 : i32
    %add3A_7 = arith.addi %mul3A_6, %add3A : i32
    %multiple_of3A = tpu.assume_multiple %add3A_7, 8 : i32
    %add3A_8 = arith.constant 400 : i32
    %add3A_9 = arith.addi %multiple_of3A, %add3A_8 : i32
    %min3A = arith.constant 319984 : i32
    %min3A_10 = arith.minsi %add3A_9, %min3A : i32
    %multiple_of3A_11 = tpu.assume_multiple %min3A_10, 8 : i32
    %dma_start3A = arith.constant 0 : i32
    %dma_start3A_12 = tpu.memref_slice %arg8[%dma_start3A] : memref<416xi32, #tpu.memory_space<vmem>> -> memref<400xi32, #tpu.memory_space<vmem>>
    %dma_start3A_13 = tpu.memref_slice %arg2[%multiple_of3A] : memref<320000xi32, #tpu.memory_space<hbm>> -> memref<400xi32, #tpu.memory_space<hbm>>
    %dma_start3A_14 = arith.constant 0 : i32
    %dma_start3A_15 = tpu.memref_slice %arg8[%dma_start3A_14] : memref<416xi32, #tpu.memory_space<vmem>> -> memref<400xi32, #tpu.memory_space<vmem>>
    %dma_start3A_16 = tpu.memref_slice %arg2[%multiple_of3A] : memref<320000xi32, #tpu.memory_space<hbm>> -> memref<400xi32, #tpu.memory_space<hbm>>
    tpu.enqueue_dma source(%dma_start3A_16 : memref<400xi32, #tpu.memory_space<hbm>>) target(%dma_start3A_15 : memref<400xi32, #tpu.memory_space<vmem>>) target_semaphore(%arg19 : memref<!tpu.dma_semaphore, #tpu.memory_space<semaphore_mem>>)
    %dma_start3A_17 = arith.constant 400 : i32
    %dma_start3A_18 = tpu.memref_slice %arg8[%dma_start3A_17] : memref<416xi32, #tpu.memory_space<vmem>> -> memref<16xi32, #tpu.memory_space<vmem>>
    %dma_start3A_19 = tpu.memref_slice %arg2[%multiple_of3A_11] : memref<320000xi32, #tpu.memory_space<hbm>> -> memref<16xi32, #tpu.memory_space<hbm>>
    %dma_start3A_20 = arith.constant 400 : i32
    %dma_start3A_21 = tpu.memref_slice %arg8[%dma_start3A_20] : memref<416xi32, #tpu.memory_space<vmem>> -> memref<16xi32, #tpu.memory_space<vmem>>
    %dma_start3A_22 = tpu.memref_slice %arg2[%multiple_of3A_11] : memref<320000xi32, #tpu.memory_space<hbm>> -> memref<16xi32, #tpu.memory_space<hbm>>
    tpu.enqueue_dma source(%dma_start3A_22 : memref<16xi32, #tpu.memory_space<hbm>>) target(%dma_start3A_21 : memref<16xi32, #tpu.memory_space<vmem>>) target_semaphore(%arg19 : memref<!tpu.dma_semaphore, #tpu.memory_space<semaphore_mem>>)
    %dma_start3A_23 = tpu.memref_slice %arg3[%multiple_of3A] : memref<320000xf32, #tpu.memory_space<hbm>> -> memref<400xf32, #tpu.memory_space<hbm>>
    %dma_start3A_24 = tpu.memref_slice %arg3[%multiple_of3A] : memref<320000xf32, #tpu.memory_space<hbm>> -> memref<400xf32, #tpu.memory_space<hbm>>
    tpu.enqueue_dma source(%dma_start3A_24 : memref<400xf32, #tpu.memory_space<hbm>>) target(%arg10 : memref<400xf32, #tpu.memory_space<vmem>>) target_semaphore(%arg19 : memref<!tpu.dma_semaphore, #tpu.memory_space<semaphore_mem>>)
    %scan3A_25 = arith.constant 0 : i32
    %scan3A_26 = arith.constant 0 : i32
    %scan3A_27 = arith.constant 50 : i32
    %scan3A_28 = arith.addi %scan3A_26, %scan3A_27 : i32
    %scan3A_29 = arith.constant 1 : i32
    scf.for %scan3A_146 = %scan3A_26 to %scan3A_28 step %scan3A_29  : i32 {
      %jit3A = arith.constant 2 : i32
      %eq3A = arith.constant 0 : i32
      %eq3A_147 = arith.cmpi eq, %jit3A, %eq3A : i32
      %jit3A_148 = arith.constant 1 : i32
      %select_n3A = arith.select %eq3A_147, %jit3A_148, %jit3A : i32
      %rem3A = arith.remsi %scan3A_146, %select_n3A : i32
      %ne3A = arith.constant 0 : i32
      %ne3A_149 = arith.cmpi ne, %rem3A, %ne3A : i32
      %lt3A_150 = arith.constant 0 : i32
      %lt3A_151 = arith.cmpi slt, %rem3A, %lt3A_150 : i32
      %lt3A_152 = arith.constant 0 : i32
      %lt3A_153 = arith.cmpi slt, %select_n3A, %lt3A_152 : i32
      %ne3A_154 = arith.xori %lt3A_151, %lt3A_153 : i1
      %and3A_155 = arith.andi %ne3A_154, %ne3A_149 : i1
      %add3A_156 = arith.addi %rem3A, %select_n3A : i32
      %select_n3A_157 = arith.select %and3A_155, %add3A_156, %rem3A : i32
      %eq3A_158 = arith.constant 0 : i32
      %eq3A_159 = arith.cmpi eq, %select_n3A_157, %eq3A_158 : i32
      %convert_element_type3A_160 = arith.extui %eq3A_159 : i1 to i32
      %cond3A_161 = arith.constant 0 : i32
      %cond3A_162 = arith.cmpi ne, %convert_element_type3A_160, %cond3A_161 : i32
      scf.if %cond3A_162 {
        %add3A_184 = arith.constant 1 : i32
        %add3A_185 = arith.addi %scan3A_146, %add3A_184 : i32
        %lt3A_186 = arith.constant 50 : i32
        %lt3A_187 = arith.cmpi slt, %add3A_185, %lt3A_186 : i32
        %convert_element_type3A_188 = arith.extui %lt3A_187 : i1 to i32
        %cond3A_189 = arith.constant 0 : i32
        %cond3A_190 = arith.cmpi ne, %convert_element_type3A_188, %cond3A_189 : i32
        scf.if %cond3A_190 {
          %add3A_622 = arith.constant 1 : i32
          %add3A_623 = arith.addi %scan3A_146, %add3A_622 : i32
          %mul3A_624 = arith.constant 20000 : i32
          %mul3A_625 = arith.muli %arg1, %mul3A_624 : i32
          %mul3A_626 = arith.constant 400 : i32
          %mul3A_627 = arith.muli %add3A_623, %mul3A_626 : i32
          %add3A_628 = arith.addi %mul3A_625, %mul3A_627 : i32
          %multiple_of3A_629 = tpu.assume_multiple %add3A_628, 8 : i32
          %add3A_630 = arith.constant 400 : i32
          %add3A_631 = arith.addi %multiple_of3A_629, %add3A_630 : i32
          %min3A_632 = arith.constant 319984 : i32
          %min3A_633 = arith.minsi %add3A_631, %min3A_632 : i32
          %multiple_of3A_634 = tpu.assume_multiple %min3A_633, 8 : i32
          %dma_start3A_635 = arith.constant 0 : i32
          %dma_start3A_636 = tpu.memref_slice %arg9[%dma_start3A_635] : memref<416xi32, #tpu.memory_space<vmem>> -> memref<400xi32, #tpu.memory_space<vmem>>
          %dma_start3A_637 = tpu.memref_slice %arg2[%multiple_of3A_629] : memref<320000xi32, #tpu.memory_space<hbm>> -> memref<400xi32, #tpu.memory_space<hbm>>
          %dma_start3A_638 = arith.constant 0 : i32
          %dma_start3A_639 = tpu.memref_slice %arg9[%dma_start3A_638] : memref<416xi32, #tpu.memory_space<vmem>> -> memref<400xi32, #tpu.memory_space<vmem>>
          %dma_start3A_640 = tpu.memref_slice %arg2[%multiple_of3A_629] : memref<320000xi32, #tpu.memory_space<hbm>> -> memref<400xi32, #tpu.memory_space<hbm>>
          tpu.enqueue_dma source(%dma_start3A_640 : memref<400xi32, #tpu.memory_space<hbm>>) target(%dma_start3A_639 : memref<400xi32, #tpu.memory_space<vmem>>) target_semaphore(%arg20 : memref<!tpu.dma_semaphore, #tpu.memory_space<semaphore_mem>>)
          %dma_start3A_641 = arith.constant 400 : i32
          %dma_start3A_642 = tpu.memref_slice %arg9[%dma_start3A_641] : memref<416xi32, #tpu.memory_space<vmem>> -> memref<16xi32, #tpu.memory_space<vmem>>
          %dma_start3A_643 = tpu.memref_slice %arg2[%multiple_of3A_634] : memref<320000xi32, #tpu.memory_space<hbm>> -> memref<16xi32, #tpu.memory_space<hbm>>
          %dma_start3A_644 = arith.constant 400 : i32
          %dma_start3A_645 = tpu.memref_slice %arg9[%dma_start3A_644] : memref<416xi32, #tpu.memory_space<vmem>> -> memref<16xi32, #tpu.memory_space<vmem>>
          %dma_start3A_646 = tpu.memref_slice %arg2[%multiple_of3A_634] : memref<320000xi32, #tpu.memory_space<hbm>> -> memref<16xi32, #tpu.memory_space<hbm>>
          tpu.enqueue_dma source(%dma_start3A_646 : memref<16xi32, #tpu.memory_space<hbm>>) target(%dma_start3A_645 : memref<16xi32, #tpu.memory_space<vmem>>) target_semaphore(%arg20 : memref<!tpu.dma_semaphore, #tpu.memory_space<semaphore_mem>>)
          %dma_start3A_647 = tpu.memref_slice %arg3[%multiple_of3A_629] : memref<320000xf32, #tpu.memory_space<hbm>> -> memref<400xf32, #tpu.memory_space<hbm>>
          %dma_start3A_648 = tpu.memref_slice %arg3[%multiple_of3A_629] : memref<320000xf32, #tpu.memory_space<hbm>> -> memref<400xf32, #tpu.memory_space<hbm>>
          tpu.enqueue_dma source(%dma_start3A_648 : memref<400xf32, #tpu.memory_space<hbm>>) target(%arg11 : memref<400xf32, #tpu.memory_space<vmem>>) target_semaphore(%arg20 : memref<!tpu.dma_semaphore, #tpu.memory_space<semaphore_mem>>)
        } else {
        }
        %mul3A_191 = arith.constant 20000 : i32
        %mul3A_192 = arith.muli %arg1, %mul3A_191 : i32
        %mul3A_193 = arith.constant 400 : i32
        %mul3A_194 = arith.muli %scan3A_146, %mul3A_193 : i32
        %add3A_195 = arith.addi %mul3A_192, %mul3A_194 : i32
        %multiple_of3A_196 = tpu.assume_multiple %add3A_195, 8 : i32
        %add3A_197 = arith.constant 400 : i32
        %add3A_198 = arith.addi %multiple_of3A_196, %add3A_197 : i32
        %min3A_199 = arith.constant 319984 : i32
        %min3A_200 = arith.minsi %add3A_198, %min3A_199 : i32
        %multiple_of3A_201 = tpu.assume_multiple %min3A_200, 8 : i32
        %dma_wait3A_202 = arith.constant 0 : i32
        %dma_wait3A_203 = tpu.memref_slice %arg8[%dma_wait3A_202] : memref<416xi32, #tpu.memory_space<vmem>> -> memref<400xi32, #tpu.memory_space<vmem>>
        %dma_wait3A_204 = tpu.memref_slice %arg2[%multiple_of3A_196] : memref<320000xi32, #tpu.memory_space<hbm>> -> memref<400xi32, #tpu.memory_space<hbm>>
        %dma_wait3A_205 = arith.constant 0 : i32
        %dma_wait3A_206 = tpu.memref_slice %arg8[%dma_wait3A_205] : memref<416xi32, #tpu.memory_space<vmem>> -> memref<400xi32, #tpu.memory_space<vmem>>
        %dma_wait3A_207 = tpu.memref_slice %arg2[%multiple_of3A_196] : memref<320000xi32, #tpu.memory_space<hbm>> -> memref<400xi32, #tpu.memory_space<hbm>>
        tpu.wait_dma2 semaphore(%arg19 : memref<!tpu.dma_semaphore, #tpu.memory_space<semaphore_mem>>) src(%dma_wait3A_207 : memref<400xi32, #tpu.memory_space<hbm>>) dst(%dma_wait3A_206 : memref<400xi32, #tpu.memory_space<vmem>>)
        %dma_wait3A_208 = arith.constant 400 : i32
        %dma_wait3A_209 = tpu.memref_slice %arg8[%dma_wait3A_208] : memref<416xi32, #tpu.memory_space<vmem>> -> memref<16xi32, #tpu.memory_space<vmem>>
        %dma_wait3A_210 = tpu.memref_slice %arg2[%multiple_of3A_201] : memref<320000xi32, #tpu.memory_space<hbm>> -> memref<16xi32, #tpu.memory_space<hbm>>
        %dma_wait3A_211 = arith.constant 400 : i32
        %dma_wait3A_212 = tpu.memref_slice %arg8[%dma_wait3A_211] : memref<416xi32, #tpu.memory_space<vmem>> -> memref<16xi32, #tpu.memory_space<vmem>>
        %dma_wait3A_213 = tpu.memref_slice %arg2[%multiple_of3A_201] : memref<320000xi32, #tpu.memory_space<hbm>> -> memref<16xi32, #tpu.memory_space<hbm>>
        tpu.wait_dma2 semaphore(%arg19 : memref<!tpu.dma_semaphore, #tpu.memory_space<semaphore_mem>>) src(%dma_wait3A_213 : memref<16xi32, #tpu.memory_space<hbm>>) dst(%dma_wait3A_212 : memref<16xi32, #tpu.memory_space<vmem>>)
        %dma_wait3A_214 = tpu.memref_slice %arg3[%multiple_of3A_196] : memref<320000xf32, #tpu.memory_space<hbm>> -> memref<400xf32, #tpu.memory_space<hbm>>
        %dma_wait3A_215 = tpu.memref_slice %arg3[%multiple_of3A_196] : memref<320000xf32, #tpu.memory_space<hbm>> -> memref<400xf32, #tpu.memory_space<hbm>>
        tpu.wait_dma2 semaphore(%arg19 : memref<!tpu.dma_semaphore, #tpu.memory_space<semaphore_mem>>) src(%dma_wait3A_215 : memref<400xf32, #tpu.memory_space<hbm>>) dst(%arg10 : memref<400xf32, #tpu.memory_space<vmem>>)
        %add3A_216 = arith.constant 400 : i32
        %add3A_217 = arith.addi %multiple_of3A_196, %add3A_216 : i32
        %ge3A = arith.constant 320000 : i32
        %ge3A_218 = arith.cmpi sge, %add3A_217, %ge3A : i32
        %convert_element_type3A_219 = arith.extui %ge3A_218 : i1 to i32
        %cond3A_220 = arith.constant 0 : i32
        %cond3A_221 = arith.cmpi ne, %convert_element_type3A_219, %cond3A_220 : i32
        scf.if %cond3A_221 {
          %broadcast_in_dim3A_622 = arith.constant -1 : i32
          %broadcast_in_dim3A_623 = vector.broadcast %broadcast_in_dim3A_622 : i32 to vector<16xi32>
          %swap3A_624 = arith.constant 400 : index
          %swap3A_625 = tpu.vector_load %arg8[%swap3A_624] {strides = array<i32>} : memref<416xi32, #tpu.memory_space<vmem>>, vector<16xi32>,
          tpu.vector_store %arg8[%swap3A_624], %broadcast_in_dim3A_623 {strides = array<i32>} : memref<416xi32, #tpu.memory_space<vmem>>, vector<16xi32>,
        } else {
        }
        %get3A_222 = arith.constant 0 : index
        %get3A_223 = tpu.vector_load %arg8[%get3A_222] {strides = array<i32>} : memref<416xi32, #tpu.memory_space<vmem>>, vector<16xi32>,
        %get3A_224 = arith.constant 1 : index
        %get3A_225 = tpu.vector_load %arg8[%get3A_224] {strides = array<i32>} : memref<416xi32, #tpu.memory_space<vmem>>, vector<16xi32>,
        %get3A_226 = arith.constant 0 : index
        %get3A_227 = tpu.vector_load %arg10[%get3A_226] {strides = array<i32>} : memref<400xf32, #tpu.memory_space<vmem>>, vector<16xf32>,
        %add3A_228 = arith.constant 1.000000e+00 : f32
        %add3A_229 = vector.broadcast %add3A_228 : f32 to vector<16xf32>
        %add3A_230 = arith.addf %get3A_227, %add3A_229 : vector<16xf32>
        %shift_right_arithmetic3A_231 = arith.constant 7 : i32
        %shift_right_arithmetic3A_232 = vector.broadcast %shift_right_arithmetic3A_231 : i32 to vector<16xi32>
        %shift_right_arithmetic3A_233 = arith.shrsi %get3A_223, %shift_right_arithmetic3A_232 : vector<16xi32>
        %and3A_234 = arith.constant 127 : i32
        %and3A_235 = vector.broadcast %and3A_234 : i32 to vector<16xi32>
        %and3A_236 = arith.andi %get3A_223, %and3A_235 : vector<16xi32>
        %ne3A_237 = arith.cmpi ne, %get3A_223, %get3A_225 : vector<16xi32>
        tpu.vector_store_idx %arg12[%shift_right_arithmetic3A_233, %and3A_236], %add3A_230 masked %ne3A_237 : memref<128x128xf32, #tpu.memory_space<vmem>>[vector<16xi32>, vector<16xi32>], vector<16xf32>, vector<16xi1>
        %get3A_238 = arith.constant 16 : index
        %get3A_239 = tpu.vector_load %arg8[%get3A_238] {strides = array<i32>} : memref<416xi32, #tpu.memory_space<vmem>>, vector<16xi32>,
        %get3A_240 = arith.constant 17 : index
        %get3A_241 = tpu.vector_load %arg8[%get3A_240] {strides = array<i32>} : memref<416xi32, #tpu.memory_space<vmem>>, vector<16xi32>,
        %get3A_242 = arith.constant 16 : index
        %get3A_243 = tpu.vector_load %arg10[%get3A_242] {strides = array<i32>} : memref<400xf32, #tpu.memory_space<vmem>>, vector<16xf32>,
        %add3A_244 = arith.constant 1.000000e+00 : f32
        %add3A_245 = vector.broadcast %add3A_244 : f32 to vector<16xf32>
        %add3A_246 = arith.addf %get3A_243, %add3A_245 : vector<16xf32>
        %shift_right_arithmetic3A_247 = arith.constant 7 : i32
        %shift_right_arithmetic3A_248 = vector.broadcast %shift_right_arithmetic3A_247 : i32 to vector<16xi32>
        %shift_right_arithmetic3A_249 = arith.shrsi %get3A_239, %shift_right_arithmetic3A_248 : vector<16xi32>
        %and3A_250 = arith.constant 127 : i32
        %and3A_251 = vector.broadcast %and3A_250 : i32 to vector<16xi32>
        %and3A_252 = arith.andi %get3A_239, %and3A_251 : vector<16xi32>
        %ne3A_253 = arith.cmpi ne, %get3A_239, %get3A_241 : vector<16xi32>
        tpu.vector_store_idx %arg12[%shift_right_arithmetic3A_249, %and3A_252], %add3A_246 masked %ne3A_253 : memref<128x128xf32, #tpu.memory_space<vmem>>[vector<16xi32>, vector<16xi32>], vector<16xf32>, vector<16xi1>
        %get3A_254 = arith.constant 32 : index
        %get3A_255 = tpu.vector_load %arg8[%get3A_254] {strides = array<i32>} : memref<416xi32, #tpu.memory_space<vmem>>, vector<16xi32>,
        %get3A_256 = arith.constant 33 : index
        %get3A_257 = tpu.vector_load %arg8[%get3A_256] {strides = array<i32>} : memref<416xi32, #tpu.memory_space<vmem>>, vector<16xi32>,
        %get3A_258 = arith.constant 32 : index
        %get3A_259 = tpu.vector_load %arg10[%get3A_258] {strides = array<i32>} : memref<400xf32, #tpu.memory_space<vmem>>, vector<16xf32>,
        %add3A_260 = arith.constant 1.000000e+00 : f32
        %add3A_261 = vector.broadcast %add3A_260 : f32 to vector<16xf32>
        %add3A_262 = arith.addf %get3A_259, %add3A_261 : vector<16xf32>
        %shift_right_arithmetic3A_263 = arith.constant 7 : i32
        %shift_right_arithmetic3A_264 = vector.broadcast %shift_right_arithmetic3A_263 : i32 to vector<16xi32>
        %shift_right_arithmetic3A_265 = arith.shrsi %get3A_255, %shift_right_arithmetic3A_264 : vector<16xi32>
        %and3A_266 = arith.constant 127 : i32
        %and3A_267 = vector.broadcast %and3A_266 : i32 to vector<16xi32>
        %and3A_268 = arith.andi %get3A_255, %and3A_267 : vector<16xi32>
        %ne3A_269 = arith.cmpi ne, %get3A_255, %get3A_257 : vector<16xi32>
        tpu.vector_store_idx %arg12[%shift_right_arithmetic3A_265, %and3A_268], %add3A_262 masked %ne3A_269 : memref<128x128xf32, #tpu.memory_space<vmem>>[vector<16xi32>, vector<16xi32>], vector<16xf32>, vector<16xi1>
        %get3A_270 = arith.constant 48 : index
        %get3A_271 = tpu.vector_load %arg8[%get3A_270] {strides = array<i32>} : memref<416xi32, #tpu.memory_space<vmem>>, vector<16xi32>,
        %get3A_272 = arith.constant 49 : index
        %get3A_273 = tpu.vector_load %arg8[%get3A_272] {strides = array<i32>} : memref<416xi32, #tpu.memory_space<vmem>>, vector<16xi32>,
        %get3A_274 = arith.constant 48 : index
        %get3A_275 = tpu.vector_load %arg10[%get3A_274] {strides = array<i32>} : memref<400xf32, #tpu.memory_space<vmem>>, vector<16xf32>,
        %add3A_276 = arith.constant 1.000000e+00 : f32
        %add3A_277 = vector.broadcast %add3A_276 : f32 to vector<16xf32>
        %add3A_278 = arith.addf %get3A_275, %add3A_277 : vector<16xf32>
        %shift_right_arithmetic3A_279 = arith.constant 7 : i32
        %shift_right_arithmetic3A_280 = vector.broadcast %shift_right_arithmetic3A_279 : i32 to vector<16xi32>
        %shift_right_arithmetic3A_281 = arith.shrsi %get3A_271, %shift_right_arithmetic3A_280 : vector<16xi32>
        %and3A_282 = arith.constant 127 : i32
        %and3A_283 = vector.broadcast %and3A_282 : i32 to vector<16xi32>
        %and3A_284 = arith.andi %get3A_271, %and3A_283 : vector<16xi32>
        %ne3A_285 = arith.cmpi ne, %get3A_271, %get3A_273 : vector<16xi32>
        tpu.vector_store_idx %arg12[%shift_right_arithmetic3A_281, %and3A_284], %add3A_278 masked %ne3A_285 : memref<128x128xf32, #tpu.memory_space<vmem>>[vector<16xi32>, vector<16xi32>], vector<16xf32>, vector<16xi1>
        %get3A_286 = arith.constant 64 : index
        %get3A_287 = tpu.vector_load %arg8[%get3A_286] {strides = array<i32>} : memref<416xi32, #tpu.memory_space<vmem>>, vector<16xi32>,
        %get3A_288 = arith.constant 65 : index
        %get3A_289 = tpu.vector_load %arg8[%get3A_288] {strides = array<i32>} : memref<416xi32, #tpu.memory_space<vmem>>, vector<16xi32>,
        %get3A_290 = arith.constant 64 : index
        %get3A_291 = tpu.vector_load %arg10[%get3A_290] {strides = array<i32>} : memref<400xf32, #tpu.memory_space<vmem>>, vector<16xf32>,
        %add3A_292 = arith.constant 1.000000e+00 : f32
        %add3A_293 = vector.broadcast %add3A_292 : f32 to vector<16xf32>
        %add3A_294 = arith.addf %get3A_291, %add3A_293 : vector<16xf32>
        %shift_right_arithmetic3A_295 = arith.constant 7 : i32
        %shift_right_arithmetic3A_296 = vector.broadcast %shift_right_arithmetic3A_295 : i32 to vector<16xi32>
        %shift_right_arithmetic3A_297 = arith.shrsi %get3A_287, %shift_right_arithmetic3A_296 : vector<16xi32>
        %and3A_298 = arith.constant 127 : i32
        %and3A_299 = vector.broadcast %and3A_298 : i32 to vector<16xi32>
        %and3A_300 = arith.andi %get3A_287, %and3A_299 : vector<16xi32>
        %ne3A_301 = arith.cmpi ne, %get3A_287, %get3A_289 : vector<16xi32>
        tpu.vector_store_idx %arg12[%shift_right_arithmetic3A_297, %and3A_300], %add3A_294 masked %ne3A_301 : memref<128x128xf32, #tpu.memory_space<vmem>>[vector<16xi32>, vector<16xi32>], vector<16xf32>, vector<16xi1>
        %get3A_302 = arith.constant 80 : index
        %get3A_303 = tpu.vector_load %arg8[%get3A_302] {strides = array<i32>} : memref<416xi32, #tpu.memory_space<vmem>>, vector<16xi32>,
        %get3A_304 = arith.constant 81 : index
        %get3A_305 = tpu.vector_load %arg8[%get3A_304] {strides = array<i32>} : memref<416xi32, #tpu.memory_space<vmem>>, vector<16xi32>,
        %get3A_306 = arith.constant 80 : index
        %get3A_307 = tpu.vector_load %arg10[%get3A_306] {strides = array<i32>} : memref<400xf32, #tpu.memory_space<vmem>>, vector<16xf32>,
        %add3A_308 = arith.constant 1.000000e+00 : f32
        %add3A_309 = vector.broadcast %add3A_308 : f32 to vector<16xf32>
        %add3A_310 = arith.addf %get3A_307, %add3A_309 : vector<16xf32>
        %shift_right_arithmetic3A_311 = arith.constant 7 : i32
        %shift_right_arithmetic3A_312 = vector.broadcast %shift_right_arithmetic3A_311 : i32 to vector<16xi32>
        %shift_right_arithmetic3A_313 = arith.shrsi %get3A_303, %shift_right_arithmetic3A_312 : vector<16xi32>
        %and3A_314 = arith.constant 127 : i32
        %and3A_315 = vector.broadcast %and3A_314 : i32 to vector<16xi32>
        %and3A_316 = arith.andi %get3A_303, %and3A_315 : vector<16xi32>
        %ne3A_317 = arith.cmpi ne, %get3A_303, %get3A_305 : vector<16xi32>
        tpu.vector_store_idx %arg12[%shift_right_arithmetic3A_313, %and3A_316], %add3A_310 masked %ne3A_317 : memref<128x128xf32, #tpu.memory_space<vmem>>[vector<16xi32>, vector<16xi32>], vector<16xf32>, vector<16xi1>
        %get3A_318 = arith.constant 96 : index
        %get3A_319 = tpu.vector_load %arg8[%get3A_318] {strides = array<i32>} : memref<416xi32, #tpu.memory_space<vmem>>, vector<16xi32>,
        %get3A_320 = arith.constant 97 : index
        %get3A_321 = tpu.vector_load %arg8[%get3A_320] {strides = array<i32>} : memref<416xi32, #tpu.memory_space<vmem>>, vector<16xi32>,
        %get3A_322 = arith.constant 96 : index
        %get3A_323 = tpu.vector_load %arg10[%get3A_322] {strides = array<i32>} : memref<400xf32, #tpu.memory_space<vmem>>, vector<16xf32>,
        %add3A_324 = arith.constant 1.000000e+00 : f32
        %add3A_325 = vector.broadcast %add3A_324 : f32 to vector<16xf32>
        %add3A_326 = arith.addf %get3A_323, %add3A_325 : vector<16xf32>
        %shift_right_arithmetic3A_327 = arith.constant 7 : i32
        %shift_right_arithmetic3A_328 = vector.broadcast %shift_right_arithmetic3A_327 : i32 to vector<16xi32>
        %shift_right_arithmetic3A_329 = arith.shrsi %get3A_319, %shift_right_arithmetic3A_328 : vector<16xi32>
        %and3A_330 = arith.constant 127 : i32
        %and3A_331 = vector.broadcast %and3A_330 : i32 to vector<16xi32>
        %and3A_332 = arith.andi %get3A_319, %and3A_331 : vector<16xi32>
        %ne3A_333 = arith.cmpi ne, %get3A_319, %get3A_321 : vector<16xi32>
        tpu.vector_store_idx %arg12[%shift_right_arithmetic3A_329, %and3A_332], %add3A_326 masked %ne3A_333 : memref<128x128xf32, #tpu.memory_space<vmem>>[vector<16xi32>, vector<16xi32>], vector<16xf32>, vector<16xi1>
        %get3A_334 = arith.constant 112 : index
        %get3A_335 = tpu.vector_load %arg8[%get3A_334] {strides = array<i32>} : memref<416xi32, #tpu.memory_space<vmem>>, vector<16xi32>,
        %get3A_336 = arith.constant 113 : index
        %get3A_337 = tpu.vector_load %arg8[%get3A_336] {strides = array<i32>} : memref<416xi32, #tpu.memory_space<vmem>>, vector<16xi32>,
        %get3A_338 = arith.constant 112 : index
        %get3A_339 = tpu.vector_load %arg10[%get3A_338] {strides = array<i32>} : memref<400xf32, #tpu.memory_space<vmem>>, vector<16xf32>,
        %add3A_340 = arith.constant 1.000000e+00 : f32
        %add3A_341 = vector.broadcast %add3A_340 : f32 to vector<16xf32>
        %add3A_342 = arith.addf %get3A_339, %add3A_341 : vector<16xf32>
        %shift_right_arithmetic3A_343 = arith.constant 7 : i32
        %shift_right_arithmetic3A_344 = vector.broadcast %shift_right_arithmetic3A_343 : i32 to vector<16xi32>
        %shift_right_arithmetic3A_345 = arith.shrsi %get3A_335, %shift_right_arithmetic3A_344 : vector<16xi32>
        %and3A_346 = arith.constant 127 : i32
        %and3A_347 = vector.broadcast %and3A_346 : i32 to vector<16xi32>
        %and3A_348 = arith.andi %get3A_335, %and3A_347 : vector<16xi32>
        %ne3A_349 = arith.cmpi ne, %get3A_335, %get3A_337 : vector<16xi32>
        tpu.vector_store_idx %arg12[%shift_right_arithmetic3A_345, %and3A_348], %add3A_342 masked %ne3A_349 : memref<128x128xf32, #tpu.memory_space<vmem>>[vector<16xi32>, vector<16xi32>], vector<16xf32>, vector<16xi1>
        %get3A_350 = arith.constant 128 : index
        %get3A_351 = tpu.vector_load %arg8[%get3A_350] {strides = array<i32>} : memref<416xi32, #tpu.memory_space<vmem>>, vector<16xi32>,
        %get3A_352 = arith.constant 129 : index
        %get3A_353 = tpu.vector_load %arg8[%get3A_352] {strides = array<i32>} : memref<416xi32, #tpu.memory_space<vmem>>, vector<16xi32>,
        %get3A_354 = arith.constant 128 : index
        %get3A_355 = tpu.vector_load %arg10[%get3A_354] {strides = array<i32>} : memref<400xf32, #tpu.memory_space<vmem>>, vector<16xf32>,
        %add3A_356 = arith.constant 1.000000e+00 : f32
        %add3A_357 = vector.broadcast %add3A_356 : f32 to vector<16xf32>
        %add3A_358 = arith.addf %get3A_355, %add3A_357 : vector<16xf32>
        %shift_right_arithmetic3A_359 = arith.constant 7 : i32
        %shift_right_arithmetic3A_360 = vector.broadcast %shift_right_arithmetic3A_359 : i32 to vector<16xi32>
        %shift_right_arithmetic3A_361 = arith.shrsi %get3A_351, %shift_right_arithmetic3A_360 : vector<16xi32>
        %and3A_362 = arith.constant 127 : i32
        %and3A_363 = vector.broadcast %and3A_362 : i32 to vector<16xi32>
        %and3A_364 = arith.andi %get3A_351, %and3A_363 : vector<16xi32>
        %ne3A_365 = arith.cmpi ne, %get3A_351, %get3A_353 : vector<16xi32>
        tpu.vector_store_idx %arg12[%shift_right_arithmetic3A_361, %and3A_364], %add3A_358 masked %ne3A_365 : memref<128x128xf32, #tpu.memory_space<vmem>>[vector<16xi32>, vector<16xi32>], vector<16xf32>, vector<16xi1>
        %get3A_366 = arith.constant 144 : index
        %get3A_367 = tpu.vector_load %arg8[%get3A_366] {strides = array<i32>} : memref<416xi32, #tpu.memory_space<vmem>>, vector<16xi32>,
        %get3A_368 = arith.constant 145 : index
        %get3A_369 = tpu.vector_load %arg8[%get3A_368] {strides = array<i32>} : memref<416xi32, #tpu.memory_space<vmem>>, vector<16xi32>,
        %get3A_370 = arith.constant 144 : index
        %get3A_371 = tpu.vector_load %arg10[%get3A_370] {strides = array<i32>} : memref<400xf32, #tpu.memory_space<vmem>>, vector<16xf32>,
        %add3A_372 = arith.constant 1.000000e+00 : f32
        %add3A_373 = vector.broadcast %add3A_372 : f32 to vector<16xf32>
        %add3A_374 = arith.addf %get3A_371, %add3A_373 : vector<16xf32>
        %shift_right_arithmetic3A_375 = arith.constant 7 : i32
        %shift_right_arithmetic3A_376 = vector.broadcast %shift_right_arithmetic3A_375 : i32 to vector<16xi32>
        %shift_right_arithmetic3A_377 = arith.shrsi %get3A_367, %shift_right_arithmetic3A_376 : vector<16xi32>
        %and3A_378 = arith.constant 127 : i32
        %and3A_379 = vector.broadcast %and3A_378 : i32 to vector<16xi32>
        %and3A_380 = arith.andi %get3A_367, %and3A_379 : vector<16xi32>
        %ne3A_381 = arith.cmpi ne, %get3A_367, %get3A_369 : vector<16xi32>
        tpu.vector_store_idx %arg12[%shift_right_arithmetic3A_377, %and3A_380], %add3A_374 masked %ne3A_381 : memref<128x128xf32, #tpu.memory_space<vmem>>[vector<16xi32>, vector<16xi32>], vector<16xf32>, vector<16xi1>
        %get3A_382 = arith.constant 160 : index
        %get3A_383 = tpu.vector_load %arg8[%get3A_382] {strides = array<i32>} : memref<416xi32, #tpu.memory_space<vmem>>, vector<16xi32>,
        %get3A_384 = arith.constant 161 : index
        %get3A_385 = tpu.vector_load %arg8[%get3A_384] {strides = array<i32>} : memref<416xi32, #tpu.memory_space<vmem>>, vector<16xi32>,
        %get3A_386 = arith.constant 160 : index
        %get3A_387 = tpu.vector_load %arg10[%get3A_386] {strides = array<i32>} : memref<400xf32, #tpu.memory_space<vmem>>, vector<16xf32>,
        %add3A_388 = arith.constant 1.000000e+00 : f32
        %add3A_389 = vector.broadcast %add3A_388 : f32 to vector<16xf32>
        %add3A_390 = arith.addf %get3A_387, %add3A_389 : vector<16xf32>
        %shift_right_arithmetic3A_391 = arith.constant 7 : i32
        %shift_right_arithmetic3A_392 = vector.broadcast %shift_right_arithmetic3A_391 : i32 to vector<16xi32>
        %shift_right_arithmetic3A_393 = arith.shrsi %get3A_383, %shift_right_arithmetic3A_392 : vector<16xi32>
        %and3A_394 = arith.constant 127 : i32
        %and3A_395 = vector.broadcast %and3A_394 : i32 to vector<16xi32>
        %and3A_396 = arith.andi %get3A_383, %and3A_395 : vector<16xi32>
        %ne3A_397 = arith.cmpi ne, %get3A_383, %get3A_385 : vector<16xi32>
        tpu.vector_store_idx %arg12[%shift_right_arithmetic3A_393, %and3A_396], %add3A_390 masked %ne3A_397 : memref<128x128xf32, #tpu.memory_space<vmem>>[vector<16xi32>, vector<16xi32>], vector<16xf32>, vector<16xi1>
        %get3A_398 = arith.constant 176 : index
        %get3A_399 = tpu.vector_load %arg8[%get3A_398] {strides = array<i32>} : memref<416xi32, #tpu.memory_space<vmem>>, vector<16xi32>,
        %get3A_400 = arith.constant 177 : index
        %get3A_401 = tpu.vector_load %arg8[%get3A_400] {strides = array<i32>} : memref<416xi32, #tpu.memory_space<vmem>>, vector<16xi32>,
        %get3A_402 = arith.constant 176 : index
        %get3A_403 = tpu.vector_load %arg10[%get3A_402] {strides = array<i32>} : memref<400xf32, #tpu.memory_space<vmem>>, vector<16xf32>,
        %add3A_404 = arith.constant 1.000000e+00 : f32
        %add3A_405 = vector.broadcast %add3A_404 : f32 to vector<16xf32>
        %add3A_406 = arith.addf %get3A_403, %add3A_405 : vector<16xf32>
        %shift_right_arithmetic3A_407 = arith.constant 7 : i32
        %shift_right_arithmetic3A_408 = vector.broadcast %shift_right_arithmetic3A_407 : i32 to vector<16xi32>
        %shift_right_arithmetic3A_409 = arith.shrsi %get3A_399, %shift_right_arithmetic3A_408 : vector<16xi32>
        %and3A_410 = arith.constant 127 : i32
        %and3A_411 = vector.broadcast %and3A_410 : i32 to vector<16xi32>
        %and3A_412 = arith.andi %get3A_399, %and3A_411 : vector<16xi32>
        %ne3A_413 = arith.cmpi ne, %get3A_399, %get3A_401 : vector<16xi32>
        tpu.vector_store_idx %arg12[%shift_right_arithmetic3A_409, %and3A_412], %add3A_406 masked %ne3A_413 : memref<128x128xf32, #tpu.memory_space<vmem>>[vector<16xi32>, vector<16xi32>], vector<16xf32>, vector<16xi1>
        %get3A_414 = arith.constant 192 : index
        %get3A_415 = tpu.vector_load %arg8[%get3A_414] {strides = array<i32>} : memref<416xi32, #tpu.memory_space<vmem>>, vector<16xi32>,
        %get3A_416 = arith.constant 193 : index
        %get3A_417 = tpu.vector_load %arg8[%get3A_416] {strides = array<i32>} : memref<416xi32, #tpu.memory_space<vmem>>, vector<16xi32>,
        %get3A_418 = arith.constant 192 : index
        %get3A_419 = tpu.vector_load %arg10[%get3A_418] {strides = array<i32>} : memref<400xf32, #tpu.memory_space<vmem>>, vector<16xf32>,
        %add3A_420 = arith.constant 1.000000e+00 : f32
        %add3A_421 = vector.broadcast %add3A_420 : f32 to vector<16xf32>
        %add3A_422 = arith.addf %get3A_419, %add3A_421 : vector<16xf32>
        %shift_right_arithmetic3A_423 = arith.constant 7 : i32
        %shift_right_arithmetic3A_424 = vector.broadcast %shift_right_arithmetic3A_423 : i32 to vector<16xi32>
        %shift_right_arithmetic3A_425 = arith.shrsi %get3A_415, %shift_right_arithmetic3A_424 : vector<16xi32>
        %and3A_426 = arith.constant 127 : i32
        %and3A_427 = vector.broadcast %and3A_426 : i32 to vector<16xi32>
        %and3A_428 = arith.andi %get3A_415, %and3A_427 : vector<16xi32>
        %ne3A_429 = arith.cmpi ne, %get3A_415, %get3A_417 : vector<16xi32>
        tpu.vector_store_idx %arg12[%shift_right_arithmetic3A_425, %and3A_428], %add3A_422 masked %ne3A_429 : memref<128x128xf32, #tpu.memory_space<vmem>>[vector<16xi32>, vector<16xi32>], vector<16xf32>, vector<16xi1>
        %get3A_430 = arith.constant 208 : index
        %get3A_431 = tpu.vector_load %arg8[%get3A_430] {strides = array<i32>} : memref<416xi32, #tpu.memory_space<vmem>>, vector<16xi32>,
        %get3A_432 = arith.constant 209 : index
        %get3A_433 = tpu.vector_load %arg8[%get3A_432] {strides = array<i32>} : memref<416xi32, #tpu.memory_space<vmem>>, vector<16xi32>,
        %get3A_434 = arith.constant 208 : index
        %get3A_435 = tpu.vector_load %arg10[%get3A_434] {strides = array<i32>} : memref<400xf32, #tpu.memory_space<vmem>>, vector<16xf32>,
        %add3A_436 = arith.constant 1.000000e+00 : f32
        %add3A_437 = vector.broadcast %add3A_436 : f32 to vector<16xf32>
        %add3A_438 = arith.addf %get3A_435, %add3A_437 : vector<16xf32>
        %shift_right_arithmetic3A_439 = arith.constant 7 : i32
        %shift_right_arithmetic3A_440 = vector.broadcast %shift_right_arithmetic3A_439 : i32 to vector<16xi32>
        %shift_right_arithmetic3A_441 = arith.shrsi %get3A_431, %shift_right_arithmetic3A_440 : vector<16xi32>
        %and3A_442 = arith.constant 127 : i32
        %and3A_443 = vector.broadcast %and3A_442 : i32 to vector<16xi32>
        %and3A_444 = arith.andi %get3A_431, %and3A_443 : vector<16xi32>
        %ne3A_445 = arith.cmpi ne, %get3A_431, %get3A_433 : vector<16xi32>
        tpu.vector_store_idx %arg12[%shift_right_arithmetic3A_441, %and3A_444], %add3A_438 masked %ne3A_445 : memref<128x128xf32, #tpu.memory_space<vmem>>[vector<16xi32>, vector<16xi32>], vector<16xf32>, vector<16xi1>
        %get3A_446 = arith.constant 224 : index
        %get3A_447 = tpu.vector_load %arg8[%get3A_446] {strides = array<i32>} : memref<416xi32, #tpu.memory_space<vmem>>, vector<16xi32>,
        %get3A_448 = arith.constant 225 : index
        %get3A_449 = tpu.vector_load %arg8[%get3A_448] {strides = array<i32>} : memref<416xi32, #tpu.memory_space<vmem>>, vector<16xi32>,
        %get3A_450 = arith.constant 224 : index
        %get3A_451 = tpu.vector_load %arg10[%get3A_450] {strides = array<i32>} : memref<400xf32, #tpu.memory_space<vmem>>, vector<16xf32>,
        %add3A_452 = arith.constant 1.000000e+00 : f32
        %add3A_453 = vector.broadcast %add3A_452 : f32 to vector<16xf32>
        %add3A_454 = arith.addf %get3A_451, %add3A_453 : vector<16xf32>
        %shift_right_arithmetic3A_455 = arith.constant 7 : i32
        %shift_right_arithmetic3A_456 = vector.broadcast %shift_right_arithmetic3A_455 : i32 to vector<16xi32>
        %shift_right_arithmetic3A_457 = arith.shrsi %get3A_447, %shift_right_arithmetic3A_456 : vector<16xi32>
        %and3A_458 = arith.constant 127 : i32
        %and3A_459 = vector.broadcast %and3A_458 : i32 to vector<16xi32>
        %and3A_460 = arith.andi %get3A_447, %and3A_459 : vector<16xi32>
        %ne3A_461 = arith.cmpi ne, %get3A_447, %get3A_449 : vector<16xi32>
        tpu.vector_store_idx %arg12[%shift_right_arithmetic3A_457, %and3A_460], %add3A_454 masked %ne3A_461 : memref<128x128xf32, #tpu.memory_space<vmem>>[vector<16xi32>, vector<16xi32>], vector<16xf32>, vector<16xi1>
        %get3A_462 = arith.constant 240 : index
        %get3A_463 = tpu.vector_load %arg8[%get3A_462] {strides = array<i32>} : memref<416xi32, #tpu.memory_space<vmem>>, vector<16xi32>,
        %get3A_464 = arith.constant 241 : index
        %get3A_465 = tpu.vector_load %arg8[%get3A_464] {strides = array<i32>} : memref<416xi32, #tpu.memory_space<vmem>>, vector<16xi32>,
        %get3A_466 = arith.constant 240 : index
        %get3A_467 = tpu.vector_load %arg10[%get3A_466] {strides = array<i32>} : memref<400xf32, #tpu.memory_space<vmem>>, vector<16xf32>,
        %add3A_468 = arith.constant 1.000000e+00 : f32
        %add3A_469 = vector.broadcast %add3A_468 : f32 to vector<16xf32>
        %add3A_470 = arith.addf %get3A_467, %add3A_469 : vector<16xf32>
        %shift_right_arithmetic3A_471 = arith.constant 7 : i32
        %shift_right_arithmetic3A_472 = vector.broadcast %shift_right_arithmetic3A_471 : i32 to vector<16xi32>
        %shift_right_arithmetic3A_473 = arith.shrsi %get3A_463, %shift_right_arithmetic3A_472 : vector<16xi32>
        %and3A_474 = arith.constant 127 : i32
        %and3A_475 = vector.broadcast %and3A_474 : i32 to vector<16xi32>
        %and3A_476 = arith.andi %get3A_463, %and3A_475 : vector<16xi32>
        %ne3A_477 = arith.cmpi ne, %get3A_463, %get3A_465 : vector<16xi32>
        tpu.vector_store_idx %arg12[%shift_right_arithmetic3A_473, %and3A_476], %add3A_470 masked %ne3A_477 : memref<128x128xf32, #tpu.memory_space<vmem>>[vector<16xi32>, vector<16xi32>], vector<16xf32>, vector<16xi1>
        %get3A_478 = arith.constant 256 : index
        %get3A_479 = tpu.vector_load %arg8[%get3A_478] {strides = array<i32>} : memref<416xi32, #tpu.memory_space<vmem>>, vector<16xi32>,
        %get3A_480 = arith.constant 257 : index
        %get3A_481 = tpu.vector_load %arg8[%get3A_480] {strides = array<i32>} : memref<416xi32, #tpu.memory_space<vmem>>, vector<16xi32>,
        %get3A_482 = arith.constant 256 : index
        %get3A_483 = tpu.vector_load %arg10[%get3A_482] {strides = array<i32>} : memref<400xf32, #tpu.memory_space<vmem>>, vector<16xf32>,
        %add3A_484 = arith.constant 1.000000e+00 : f32
        %add3A_485 = vector.broadcast %add3A_484 : f32 to vector<16xf32>
        %add3A_486 = arith.addf %get3A_483, %add3A_485 : vector<16xf32>
        %shift_right_arithmetic3A_487 = arith.constant 7 : i32
        %shift_right_arithmetic3A_488 = vector.broadcast %shift_right_arithmetic3A_487 : i32 to vector<16xi32>
        %shift_right_arithmetic3A_489 = arith.shrsi %get3A_479, %shift_right_arithmetic3A_488 : vector<16xi32>
        %and3A_490 = arith.constant 127 : i32
        %and3A_491 = vector.broadcast %and3A_490 : i32 to vector<16xi32>
        %and3A_492 = arith.andi %get3A_479, %and3A_491 : vector<16xi32>
        %ne3A_493 = arith.cmpi ne, %get3A_479, %get3A_481 : vector<16xi32>
        tpu.vector_store_idx %arg12[%shift_right_arithmetic3A_489, %and3A_492], %add3A_486 masked %ne3A_493 : memref<128x128xf32, #tpu.memory_space<vmem>>[vector<16xi32>, vector<16xi32>], vector<16xf32>, vector<16xi1>
        %get3A_494 = arith.constant 272 : index
        %get3A_495 = tpu.vector_load %arg8[%get3A_494] {strides = array<i32>} : memref<416xi32, #tpu.memory_space<vmem>>, vector<16xi32>,
        %get3A_496 = arith.constant 273 : index
        %get3A_497 = tpu.vector_load %arg8[%get3A_496] {strides = array<i32>} : memref<416xi32, #tpu.memory_space<vmem>>, vector<16xi32>,
        %get3A_498 = arith.constant 272 : index
        %get3A_499 = tpu.vector_load %arg10[%get3A_498] {strides = array<i32>} : memref<400xf32, #tpu.memory_space<vmem>>, vector<16xf32>,
        %add3A_500 = arith.constant 1.000000e+00 : f32
        %add3A_501 = vector.broadcast %add3A_500 : f32 to vector<16xf32>
        %add3A_502 = arith.addf %get3A_499, %add3A_501 : vector<16xf32>
        %shift_right_arithmetic3A_503 = arith.constant 7 : i32
        %shift_right_arithmetic3A_504 = vector.broadcast %shift_right_arithmetic3A_503 : i32 to vector<16xi32>
        %shift_right_arithmetic3A_505 = arith.shrsi %get3A_495, %shift_right_arithmetic3A_504 : vector<16xi32>
        %and3A_506 = arith.constant 127 : i32
        %and3A_507 = vector.broadcast %and3A_506 : i32 to vector<16xi32>
        %and3A_508 = arith.andi %get3A_495, %and3A_507 : vector<16xi32>
        %ne3A_509 = arith.cmpi ne, %get3A_495, %get3A_497 : vector<16xi32>
        tpu.vector_store_idx %arg12[%shift_right_arithmetic3A_505, %and3A_508], %add3A_502 masked %ne3A_509 : memref<128x128xf32, #tpu.memory_space<vmem>>[vector<16xi32>, vector<16xi32>], vector<16xf32>, vector<16xi1>
        %get3A_510 = arith.constant 288 : index
        %get3A_511 = tpu.vector_load %arg8[%get3A_510] {strides = array<i32>} : memref<416xi32, #tpu.memory_space<vmem>>, vector<16xi32>,
        %get3A_512 = arith.constant 289 : index
        %get3A_513 = tpu.vector_load %arg8[%get3A_512] {strides = array<i32>} : memref<416xi32, #tpu.memory_space<vmem>>, vector<16xi32>,
        %get3A_514 = arith.constant 288 : index
        %get3A_515 = tpu.vector_load %arg10[%get3A_514] {strides = array<i32>} : memref<400xf32, #tpu.memory_space<vmem>>, vector<16xf32>,
        %add3A_516 = arith.constant 1.000000e+00 : f32
        %add3A_517 = vector.broadcast %add3A_516 : f32 to vector<16xf32>
        %add3A_518 = arith.addf %get3A_515, %add3A_517 : vector<16xf32>
        %shift_right_arithmetic3A_519 = arith.constant 7 : i32
        %shift_right_arithmetic3A_520 = vector.broadcast %shift_right_arithmetic3A_519 : i32 to vector<16xi32>
        %shift_right_arithmetic3A_521 = arith.shrsi %get3A_511, %shift_right_arithmetic3A_520 : vector<16xi32>
        %and3A_522 = arith.constant 127 : i32
        %and3A_523 = vector.broadcast %and3A_522 : i32 to vector<16xi32>
        %and3A_524 = arith.andi %get3A_511, %and3A_523 : vector<16xi32>
        %ne3A_525 = arith.cmpi ne, %get3A_511, %get3A_513 : vector<16xi32>
        tpu.vector_store_idx %arg12[%shift_right_arithmetic3A_521, %and3A_524], %add3A_518 masked %ne3A_525 : memref<128x128xf32, #tpu.memory_space<vmem>>[vector<16xi32>, vector<16xi32>], vector<16xf32>, vector<16xi1>
        %get3A_526 = arith.constant 304 : index
        %get3A_527 = tpu.vector_load %arg8[%get3A_526] {strides = array<i32>} : memref<416xi32, #tpu.memory_space<vmem>>, vector<16xi32>,
        %get3A_528 = arith.constant 305 : index
        %get3A_529 = tpu.vector_load %arg8[%get3A_528] {strides = array<i32>} : memref<416xi32, #tpu.memory_space<vmem>>, vector<16xi32>,
        %get3A_530 = arith.constant 304 : index
        %get3A_531 = tpu.vector_load %arg10[%get3A_530] {strides = array<i32>} : memref<400xf32, #tpu.memory_space<vmem>>, vector<16xf32>,
        %add3A_532 = arith.constant 1.000000e+00 : f32
        %add3A_533 = vector.broadcast %add3A_532 : f32 to vector<16xf32>
        %add3A_534 = arith.addf %get3A_531, %add3A_533 : vector<16xf32>
        %shift_right_arithmetic3A_535 = arith.constant 7 : i32
        %shift_right_arithmetic3A_536 = vector.broadcast %shift_right_arithmetic3A_535 : i32 to vector<16xi32>
        %shift_right_arithmetic3A_537 = arith.shrsi %get3A_527, %shift_right_arithmetic3A_536 : vector<16xi32>
        %and3A_538 = arith.constant 127 : i32
        %and3A_539 = vector.broadcast %and3A_538 : i32 to vector<16xi32>
        %and3A_540 = arith.andi %get3A_527, %and3A_539 : vector<16xi32>
        %ne3A_541 = arith.cmpi ne, %get3A_527, %get3A_529 : vector<16xi32>
        tpu.vector_store_idx %arg12[%shift_right_arithmetic3A_537, %and3A_540], %add3A_534 masked %ne3A_541 : memref<128x128xf32, #tpu.memory_space<vmem>>[vector<16xi32>, vector<16xi32>], vector<16xf32>, vector<16xi1>
        %get3A_542 = arith.constant 320 : index
        %get3A_543 = tpu.vector_load %arg8[%get3A_542] {strides = array<i32>} : memref<416xi32, #tpu.memory_space<vmem>>, vector<16xi32>,
        %get3A_544 = arith.constant 321 : index
        %get3A_545 = tpu.vector_load %arg8[%get3A_544] {strides = array<i32>} : memref<416xi32, #tpu.memory_space<vmem>>, vector<16xi32>,
        %get3A_546 = arith.constant 320 : index
        %get3A_547 = tpu.vector_load %arg10[%get3A_546] {strides = array<i32>} : memref<400xf32, #tpu.memory_space<vmem>>, vector<16xf32>,
        %add3A_548 = arith.constant 1.000000e+00 : f32
        %add3A_549 = vector.broadcast %add3A_548 : f32 to vector<16xf32>
        %add3A_550 = arith.addf %get3A_547, %add3A_549 : vector<16xf32>
        %shift_right_arithmetic3A_551 = arith.constant 7 : i32
        %shift_right_arithmetic3A_552 = vector.broadcast %shift_right_arithmetic3A_551 : i32 to vector<16xi32>
        %shift_right_arithmetic3A_553 = arith.shrsi %get3A_543, %shift_right_arithmetic3A_552 : vector<16xi32>
        %and3A_554 = arith.constant 127 : i32
        %and3A_555 = vector.broadcast %and3A_554 : i32 to vector<16xi32>
        %and3A_556 = arith.andi %get3A_543, %and3A_555 : vector<16xi32>
        %ne3A_557 = arith.cmpi ne, %get3A_543, %get3A_545 : vector<16xi32>
        tpu.vector_store_idx %arg12[%shift_right_arithmetic3A_553, %and3A_556], %add3A_550 masked %ne3A_557 : memref<128x128xf32, #tpu.memory_space<vmem>>[vector<16xi32>, vector<16xi32>], vector<16xf32>, vector<16xi1>
        %get3A_558 = arith.constant 336 : index
        %get3A_559 = tpu.vector_load %arg8[%get3A_558] {strides = array<i32>} : memref<416xi32, #tpu.memory_space<vmem>>, vector<16xi32>,
        %get3A_560 = arith.constant 337 : index
        %get3A_561 = tpu.vector_load %arg8[%get3A_560] {strides = array<i32>} : memref<416xi32, #tpu.memory_space<vmem>>, vector<16xi32>,
        %get3A_562 = arith.constant 336 : index
        %get3A_563 = tpu.vector_load %arg10[%get3A_562] {strides = array<i32>} : memref<400xf32, #tpu.memory_space<vmem>>, vector<16xf32>,
        %add3A_564 = arith.constant 1.000000e+00 : f32
        %add3A_565 = vector.broadcast %add3A_564 : f32 to vector<16xf32>
        %add3A_566 = arith.addf %get3A_563, %add3A_565 : vector<16xf32>
        %shift_right_arithmetic3A_567 = arith.constant 7 : i32
        %shift_right_arithmetic3A_568 = vector.broadcast %shift_right_arithmetic3A_567 : i32 to vector<16xi32>
        %shift_right_arithmetic3A_569 = arith.shrsi %get3A_559, %shift_right_arithmetic3A_568 : vector<16xi32>
        %and3A_570 = arith.constant 127 : i32
        %and3A_571 = vector.broadcast %and3A_570 : i32 to vector<16xi32>
        %and3A_572 = arith.andi %get3A_559, %and3A_571 : vector<16xi32>
        %ne3A_573 = arith.cmpi ne, %get3A_559, %get3A_561 : vector<16xi32>
        tpu.vector_store_idx %arg12[%shift_right_arithmetic3A_569, %and3A_572], %add3A_566 masked %ne3A_573 : memref<128x128xf32, #tpu.memory_space<vmem>>[vector<16xi32>, vector<16xi32>], vector<16xf32>, vector<16xi1>
        %get3A_574 = arith.constant 352 : index
        %get3A_575 = tpu.vector_load %arg8[%get3A_574] {strides = array<i32>} : memref<416xi32, #tpu.memory_space<vmem>>, vector<16xi32>,
        %get3A_576 = arith.constant 353 : index
        %get3A_577 = tpu.vector_load %arg8[%get3A_576] {strides = array<i32>} : memref<416xi32, #tpu.memory_space<vmem>>, vector<16xi32>,
        %get3A_578 = arith.constant 352 : index
        %get3A_579 = tpu.vector_load %arg10[%get3A_578] {strides = array<i32>} : memref<400xf32, #tpu.memory_space<vmem>>, vector<16xf32>,
        %add3A_580 = arith.constant 1.000000e+00 : f32
        %add3A_581 = vector.broadcast %add3A_580 : f32 to vector<16xf32>
        %add3A_582 = arith.addf %get3A_579, %add3A_581 : vector<16xf32>
        %shift_right_arithmetic3A_583 = arith.constant 7 : i32
        %shift_right_arithmetic3A_584 = vector.broadcast %shift_right_arithmetic3A_583 : i32 to vector<16xi32>
        %shift_right_arithmetic3A_585 = arith.shrsi %get3A_575, %shift_right_arithmetic3A_584 : vector<16xi32>
        %and3A_586 = arith.constant 127 : i32
        %and3A_587 = vector.broadcast %and3A_586 : i32 to vector<16xi32>
        %and3A_588 = arith.andi %get3A_575, %and3A_587 : vector<16xi32>
        %ne3A_589 = arith.cmpi ne, %get3A_575, %get3A_577 : vector<16xi32>
        tpu.vector_store_idx %arg12[%shift_right_arithmetic3A_585, %and3A_588], %add3A_582 masked %ne3A_589 : memref<128x128xf32, #tpu.memory_space<vmem>>[vector<16xi32>, vector<16xi32>], vector<16xf32>, vector<16xi1>
        %get3A_590 = arith.constant 368 : index
        %get3A_591 = tpu.vector_load %arg8[%get3A_590] {strides = array<i32>} : memref<416xi32, #tpu.memory_space<vmem>>, vector<16xi32>,
        %get3A_592 = arith.constant 369 : index
        %get3A_593 = tpu.vector_load %arg8[%get3A_592] {strides = array<i32>} : memref<416xi32, #tpu.memory_space<vmem>>, vector<16xi32>,
        %get3A_594 = arith.constant 368 : index
        %get3A_595 = tpu.vector_load %arg10[%get3A_594] {strides = array<i32>} : memref<400xf32, #tpu.memory_space<vmem>>, vector<16xf32>,
        %add3A_596 = arith.constant 1.000000e+00 : f32
        %add3A_597 = vector.broadcast %add3A_596 : f32 to vector<16xf32>
        %add3A_598 = arith.addf %get3A_595, %add3A_597 : vector<16xf32>
        %shift_right_arithmetic3A_599 = arith.constant 7 : i32
        %shift_right_arithmetic3A_600 = vector.broadcast %shift_right_arithmetic3A_599 : i32 to vector<16xi32>
        %shift_right_arithmetic3A_601 = arith.shrsi %get3A_591, %shift_right_arithmetic3A_600 : vector<16xi32>
        %and3A_602 = arith.constant 127 : i32
        %and3A_603 = vector.broadcast %and3A_602 : i32 to vector<16xi32>
        %and3A_604 = arith.andi %get3A_591, %and3A_603 : vector<16xi32>
        %ne3A_605 = arith.cmpi ne, %get3A_591, %get3A_593 : vector<16xi32>
        tpu.vector_store_idx %arg12[%shift_right_arithmetic3A_601, %and3A_604], %add3A_598 masked %ne3A_605 : memref<128x128xf32, #tpu.memory_space<vmem>>[vector<16xi32>, vector<16xi32>], vector<16xf32>, vector<16xi1>
        %get3A_606 = arith.constant 384 : index
        %get3A_607 = tpu.vector_load %arg8[%get3A_606] {strides = array<i32>} : memref<416xi32, #tpu.memory_space<vmem>>, vector<16xi32>,
        %get3A_608 = arith.constant 385 : index
        %get3A_609 = tpu.vector_load %arg8[%get3A_608] {strides = array<i32>} : memref<416xi32, #tpu.memory_space<vmem>>, vector<16xi32>,
        %get3A_610 = arith.constant 384 : index
        %get3A_611 = tpu.vector_load %arg10[%get3A_610] {strides = array<i32>} : memref<400xf32, #tpu.memory_space<vmem>>, vector<16xf32>,
        %add3A_612 = arith.constant 1.000000e+00 : f32
        %add3A_613 = vector.broadcast %add3A_612 : f32 to vector<16xf32>
        %add3A_614 = arith.addf %get3A_611, %add3A_613 : vector<16xf32>
        %shift_right_arithmetic3A_615 = arith.constant 7 : i32
        %shift_right_arithmetic3A_616 = vector.broadcast %shift_right_arithmetic3A_615 : i32 to vector<16xi32>
        %shift_right_arithmetic3A_617 = arith.shrsi %get3A_607, %shift_right_arithmetic3A_616 : vector<16xi32>
        %and3A_618 = arith.constant 127 : i32
        %and3A_619 = vector.broadcast %and3A_618 : i32 to vector<16xi32>
        %and3A_620 = arith.andi %get3A_607, %and3A_619 : vector<16xi32>
        %ne3A_621 = arith.cmpi ne, %get3A_607, %get3A_609 : vector<16xi32>
        tpu.vector_store_idx %arg12[%shift_right_arithmetic3A_617, %and3A_620], %add3A_614 masked %ne3A_621 : memref<128x128xf32, #tpu.memory_space<vmem>>[vector<16xi32>, vector<16xi32>], vector<16xf32>, vector<16xi1>
      } else {
      }
      %jit3A_163 = arith.constant 2 : i32
      %eq3A_164 = arith.constant 0 : i32
      %eq3A_165 = arith.cmpi eq, %jit3A_163, %eq3A_164 : i32
      %jit3A_166 = arith.constant 1 : i32
      %select_n3A_167 = arith.select %eq3A_165, %jit3A_166, %jit3A_163 : i32
      %rem3A_168 = arith.remsi %scan3A_146, %select_n3A_167 : i32
      %ne3A_169 = arith.constant 0 : i32
      %ne3A_170 = arith.cmpi ne, %rem3A_168, %ne3A_169 : i32
      %lt3A_171 = arith.constant 0 : i32
      %lt3A_172 = arith.cmpi slt, %rem3A_168, %lt3A_171 : i32
      %lt3A_173 = arith.constant 0 : i32
      %lt3A_174 = arith.cmpi slt, %select_n3A_167, %lt3A_173 : i32
      %ne3A_175 = arith.xori %lt3A_172, %lt3A_174 : i1
      %and3A_176 = arith.andi %ne3A_175, %ne3A_170 : i1
      %add3A_177 = arith.addi %rem3A_168, %select_n3A_167 : i32
      %select_n3A_178 = arith.select %and3A_176, %add3A_177, %rem3A_168 : i32
      %eq3A_179 = arith.constant 1 : i32
      %eq3A_180 = arith.cmpi eq, %select_n3A_178, %eq3A_179 : i32
      %convert_element_type3A_181 = arith.extui %eq3A_180 : i1 to i32
      %cond3A_182 = arith.constant 0 : i32
      %cond3A_183 = arith.cmpi ne, %convert_element_type3A_181, %cond3A_182 : i32
      scf.if %cond3A_183 {
        %add3A_184 = arith.constant 1 : i32
        %add3A_185 = arith.addi %scan3A_146, %add3A_184 : i32
        %lt3A_186 = arith.constant 50 : i32
        %lt3A_187 = arith.cmpi slt, %add3A_185, %lt3A_186 : i32
        %convert_element_type3A_188 = arith.extui %lt3A_187 : i1 to i32
        %cond3A_189 = arith.constant 0 : i32
        %cond3A_190 = arith.cmpi ne, %convert_element_type3A_188, %cond3A_189 : i32
        scf.if %cond3A_190 {
          %add3A_622 = arith.constant 1 : i32
          %add3A_623 = arith.addi %scan3A_146, %add3A_622 : i32
          %mul3A_624 = arith.constant 20000 : i32
          %mul3A_625 = arith.muli %arg1, %mul3A_624 : i32
          %mul3A_626 = arith.constant 400 : i32
          %mul3A_627 = arith.muli %add3A_623, %mul3A_626 : i32
          %add3A_628 = arith.addi %mul3A_625, %mul3A_627 : i32
          %multiple_of3A_629 = tpu.assume_multiple %add3A_628, 8 : i32
          %add3A_630 = arith.constant 400 : i32
          %add3A_631 = arith.addi %multiple_of3A_629, %add3A_630 : i32
          %min3A_632 = arith.constant 319984 : i32
          %min3A_633 = arith.minsi %add3A_631, %min3A_632 : i32
          %multiple_of3A_634 = tpu.assume_multiple %min3A_633, 8 : i32
          %dma_start3A_635 = arith.constant 0 : i32
          %dma_start3A_636 = tpu.memref_slice %arg8[%dma_start3A_635] : memref<416xi32, #tpu.memory_space<vmem>> -> memref<400xi32, #tpu.memory_space<vmem>>
          %dma_start3A_637 = tpu.memref_slice %arg2[%multiple_of3A_629] : memref<320000xi32, #tpu.memory_space<hbm>> -> memref<400xi32, #tpu.memory_space<hbm>>
          %dma_start3A_638 = arith.constant 0 : i32
          %dma_start3A_639 = tpu.memref_slice %arg8[%dma_start3A_638] : memref<416xi32, #tpu.memory_space<vmem>> -> memref<400xi32, #tpu.memory_space<vmem>>
          %dma_start3A_640 = tpu.memref_slice %arg2[%multiple_of3A_629] : memref<320000xi32, #tpu.memory_space<hbm>> -> memref<400xi32, #tpu.memory_space<hbm>>
          tpu.enqueue_dma source(%dma_start3A_640 : memref<400xi32, #tpu.memory_space<hbm>>) target(%dma_start3A_639 : memref<400xi32, #tpu.memory_space<vmem>>) target_semaphore(%arg19 : memref<!tpu.dma_semaphore, #tpu.memory_space<semaphore_mem>>)
          %dma_start3A_641 = arith.constant 400 : i32
          %dma_start3A_642 = tpu.memref_slice %arg8[%dma_start3A_641] : memref<416xi32, #tpu.memory_space<vmem>> -> memref<16xi32, #tpu.memory_space<vmem>>
          %dma_start3A_643 = tpu.memref_slice %arg2[%multiple_of3A_634] : memref<320000xi32, #tpu.memory_space<hbm>> -> memref<16xi32, #tpu.memory_space<hbm>>
          %dma_start3A_644 = arith.constant 400 : i32
          %dma_start3A_645 = tpu.memref_slice %arg8[%dma_start3A_644] : memref<416xi32, #tpu.memory_space<vmem>> -> memref<16xi32, #tpu.memory_space<vmem>>
          %dma_start3A_646 = tpu.memref_slice %arg2[%multiple_of3A_634] : memref<320000xi32, #tpu.memory_space<hbm>> -> memref<16xi32, #tpu.memory_space<hbm>>
          tpu.enqueue_dma source(%dma_start3A_646 : memref<16xi32, #tpu.memory_space<hbm>>) target(%dma_start3A_645 : memref<16xi32, #tpu.memory_space<vmem>>) target_semaphore(%arg19 : memref<!tpu.dma_semaphore, #tpu.memory_space<semaphore_mem>>)
          %dma_start3A_647 = tpu.memref_slice %arg3[%multiple_of3A_629] : memref<320000xf32, #tpu.memory_space<hbm>> -> memref<400xf32, #tpu.memory_space<hbm>>
          %dma_start3A_648 = tpu.memref_slice %arg3[%multiple_of3A_629] : memref<320000xf32, #tpu.memory_space<hbm>> -> memref<400xf32, #tpu.memory_space<hbm>>
          tpu.enqueue_dma source(%dma_start3A_648 : memref<400xf32, #tpu.memory_space<hbm>>) target(%arg10 : memref<400xf32, #tpu.memory_space<vmem>>) target_semaphore(%arg19 : memref<!tpu.dma_semaphore, #tpu.memory_space<semaphore_mem>>)
        } else {
        }
        %mul3A_191 = arith.constant 20000 : i32
        %mul3A_192 = arith.muli %arg1, %mul3A_191 : i32
        %mul3A_193 = arith.constant 400 : i32
        %mul3A_194 = arith.muli %scan3A_146, %mul3A_193 : i32
        %add3A_195 = arith.addi %mul3A_192, %mul3A_194 : i32
        %multiple_of3A_196 = tpu.assume_multiple %add3A_195, 8 : i32
        %add3A_197 = arith.constant 400 : i32
        %add3A_198 = arith.addi %multiple_of3A_196, %add3A_197 : i32
        %min3A_199 = arith.constant 319984 : i32
        %min3A_200 = arith.minsi %add3A_198, %min3A_199 : i32
        %multiple_of3A_201 = tpu.assume_multiple %min3A_200, 8 : i32
        %dma_wait3A_202 = arith.constant 0 : i32
        %dma_wait3A_203 = tpu.memref_slice %arg9[%dma_wait3A_202] : memref<416xi32, #tpu.memory_space<vmem>> -> memref<400xi32, #tpu.memory_space<vmem>>
        %dma_wait3A_204 = tpu.memref_slice %arg2[%multiple_of3A_196] : memref<320000xi32, #tpu.memory_space<hbm>> -> memref<400xi32, #tpu.memory_space<hbm>>
        %dma_wait3A_205 = arith.constant 0 : i32
        %dma_wait3A_206 = tpu.memref_slice %arg9[%dma_wait3A_205] : memref<416xi32, #tpu.memory_space<vmem>> -> memref<400xi32, #tpu.memory_space<vmem>>
        %dma_wait3A_207 = tpu.memref_slice %arg2[%multiple_of3A_196] : memref<320000xi32, #tpu.memory_space<hbm>> -> memref<400xi32, #tpu.memory_space<hbm>>
        tpu.wait_dma2 semaphore(%arg20 : memref<!tpu.dma_semaphore, #tpu.memory_space<semaphore_mem>>) src(%dma_wait3A_207 : memref<400xi32, #tpu.memory_space<hbm>>) dst(%dma_wait3A_206 : memref<400xi32, #tpu.memory_space<vmem>>)
        %dma_wait3A_208 = arith.constant 400 : i32
        %dma_wait3A_209 = tpu.memref_slice %arg9[%dma_wait3A_208] : memref<416xi32, #tpu.memory_space<vmem>> -> memref<16xi32, #tpu.memory_space<vmem>>
        %dma_wait3A_210 = tpu.memref_slice %arg2[%multiple_of3A_201] : memref<320000xi32, #tpu.memory_space<hbm>> -> memref<16xi32, #tpu.memory_space<hbm>>
        %dma_wait3A_211 = arith.constant 400 : i32
        %dma_wait3A_212 = tpu.memref_slice %arg9[%dma_wait3A_211] : memref<416xi32, #tpu.memory_space<vmem>> -> memref<16xi32, #tpu.memory_space<vmem>>
        %dma_wait3A_213 = tpu.memref_slice %arg2[%multiple_of3A_201] : memref<320000xi32, #tpu.memory_space<hbm>> -> memref<16xi32, #tpu.memory_space<hbm>>
        tpu.wait_dma2 semaphore(%arg20 : memref<!tpu.dma_semaphore, #tpu.memory_space<semaphore_mem>>) src(%dma_wait3A_213 : memref<16xi32, #tpu.memory_space<hbm>>) dst(%dma_wait3A_212 : memref<16xi32, #tpu.memory_space<vmem>>)
        %dma_wait3A_214 = tpu.memref_slice %arg3[%multiple_of3A_196] : memref<320000xf32, #tpu.memory_space<hbm>> -> memref<400xf32, #tpu.memory_space<hbm>>
        %dma_wait3A_215 = tpu.memref_slice %arg3[%multiple_of3A_196] : memref<320000xf32, #tpu.memory_space<hbm>> -> memref<400xf32, #tpu.memory_space<hbm>>
        tpu.wait_dma2 semaphore(%arg20 : memref<!tpu.dma_semaphore, #tpu.memory_space<semaphore_mem>>) src(%dma_wait3A_215 : memref<400xf32, #tpu.memory_space<hbm>>) dst(%arg11 : memref<400xf32, #tpu.memory_space<vmem>>)
        %add3A_216 = arith.constant 400 : i32
        %add3A_217 = arith.addi %multiple_of3A_196, %add3A_216 : i32
        %ge3A = arith.constant 320000 : i32
        %ge3A_218 = arith.cmpi sge, %add3A_217, %ge3A : i32
        %convert_element_type3A_219 = arith.extui %ge3A_218 : i1 to i32
        %cond3A_220 = arith.constant 0 : i32
        %cond3A_221 = arith.cmpi ne, %convert_element_type3A_219, %cond3A_220 : i32
        scf.if %cond3A_221 {
          %broadcast_in_dim3A_622 = arith.constant -1 : i32
          %broadcast_in_dim3A_623 = vector.broadcast %broadcast_in_dim3A_622 : i32 to vector<16xi32>
          %swap3A_624 = arith.constant 400 : index
          %swap3A_625 = tpu.vector_load %arg9[%swap3A_624] {strides = array<i32>} : memref<416xi32, #tpu.memory_space<vmem>>, vector<16xi32>,
          tpu.vector_store %arg9[%swap3A_624], %broadcast_in_dim3A_623 {strides = array<i32>} : memref<416xi32, #tpu.memory_space<vmem>>, vector<16xi32>,
        } else {
        }
        %get3A_222 = arith.constant 0 : index
        %get3A_223 = tpu.vector_load %arg9[%get3A_222] {strides = array<i32>} : memref<416xi32, #tpu.memory_space<vmem>>, vector<16xi32>,
        %get3A_224 = arith.constant 1 : index
        %get3A_225 = tpu.vector_load %arg9[%get3A_224] {strides = array<i32>} : memref<416xi32, #tpu.memory_space<vmem>>, vector<16xi32>,
        %get3A_226 = arith.constant 0 : index
        %get3A_227 = tpu.vector_load %arg11[%get3A_226] {strides = array<i32>} : memref<400xf32, #tpu.memory_space<vmem>>, vector<16xf32>,
        %add3A_228 = arith.constant 1.000000e+00 : f32
        %add3A_229 = vector.broadcast %add3A_228 : f32 to vector<16xf32>
        %add3A_230 = arith.addf %get3A_227, %add3A_229 : vector<16xf32>
        %shift_right_arithmetic3A_231 = arith.constant 7 : i32
        %shift_right_arithmetic3A_232 = vector.broadcast %shift_right_arithmetic3A_231 : i32 to vector<16xi32>
        %shift_right_arithmetic3A_233 = arith.shrsi %get3A_223, %shift_right_arithmetic3A_232 : vector<16xi32>
        %and3A_234 = arith.constant 127 : i32
        %and3A_235 = vector.broadcast %and3A_234 : i32 to vector<16xi32>
        %and3A_236 = arith.andi %get3A_223, %and3A_235 : vector<16xi32>
        %ne3A_237 = arith.cmpi ne, %get3A_223, %get3A_225 : vector<16xi32>
        tpu.vector_store_idx %arg12[%shift_right_arithmetic3A_233, %and3A_236], %add3A_230 masked %ne3A_237 : memref<128x128xf32, #tpu.memory_space<vmem>>[vector<16xi32>, vector<16xi32>], vector<16xf32>, vector<16xi1>
        %get3A_238 = arith.constant 16 : index
        %get3A_239 = tpu.vector_load %arg9[%get3A_238] {strides = array<i32>} : memref<416xi32, #tpu.memory_space<vmem>>, vector<16xi32>,
        %get3A_240 = arith.constant 17 : index
        %get3A_241 = tpu.vector_load %arg9[%get3A_240] {strides = array<i32>} : memref<416xi32, #tpu.memory_space<vmem>>, vector<16xi32>,
        %get3A_242 = arith.constant 16 : index
        %get3A_243 = tpu.vector_load %arg11[%get3A_242] {strides = array<i32>} : memref<400xf32, #tpu.memory_space<vmem>>, vector<16xf32>,
        %add3A_244 = arith.constant 1.000000e+00 : f32
        %add3A_245 = vector.broadcast %add3A_244 : f32 to vector<16xf32>
        %add3A_246 = arith.addf %get3A_243, %add3A_245 : vector<16xf32>
        %shift_right_arithmetic3A_247 = arith.constant 7 : i32
        %shift_right_arithmetic3A_248 = vector.broadcast %shift_right_arithmetic3A_247 : i32 to vector<16xi32>
        %shift_right_arithmetic3A_249 = arith.shrsi %get3A_239, %shift_right_arithmetic3A_248 : vector<16xi32>
        %and3A_250 = arith.constant 127 : i32
        %and3A_251 = vector.broadcast %and3A_250 : i32 to vector<16xi32>
        %and3A_252 = arith.andi %get3A_239, %and3A_251 : vector<16xi32>
        %ne3A_253 = arith.cmpi ne, %get3A_239, %get3A_241 : vector<16xi32>
        tpu.vector_store_idx %arg12[%shift_right_arithmetic3A_249, %and3A_252], %add3A_246 masked %ne3A_253 : memref<128x128xf32, #tpu.memory_space<vmem>>[vector<16xi32>, vector<16xi32>], vector<16xf32>, vector<16xi1>
        %get3A_254 = arith.constant 32 : index
        %get3A_255 = tpu.vector_load %arg9[%get3A_254] {strides = array<i32>} : memref<416xi32, #tpu.memory_space<vmem>>, vector<16xi32>,
        %get3A_256 = arith.constant 33 : index
        %get3A_257 = tpu.vector_load %arg9[%get3A_256] {strides = array<i32>} : memref<416xi32, #tpu.memory_space<vmem>>, vector<16xi32>,
        %get3A_258 = arith.constant 32 : index
        %get3A_259 = tpu.vector_load %arg11[%get3A_258] {strides = array<i32>} : memref<400xf32, #tpu.memory_space<vmem>>, vector<16xf32>,
        %add3A_260 = arith.constant 1.000000e+00 : f32
        %add3A_261 = vector.broadcast %add3A_260 : f32 to vector<16xf32>
        %add3A_262 = arith.addf %get3A_259, %add3A_261 : vector<16xf32>
        %shift_right_arithmetic3A_263 = arith.constant 7 : i32
        %shift_right_arithmetic3A_264 = vector.broadcast %shift_right_arithmetic3A_263 : i32 to vector<16xi32>
        %shift_right_arithmetic3A_265 = arith.shrsi %get3A_255, %shift_right_arithmetic3A_264 : vector<16xi32>
        %and3A_266 = arith.constant 127 : i32
        %and3A_267 = vector.broadcast %and3A_266 : i32 to vector<16xi32>
        %and3A_268 = arith.andi %get3A_255, %and3A_267 : vector<16xi32>
        %ne3A_269 = arith.cmpi ne, %get3A_255, %get3A_257 : vector<16xi32>
        tpu.vector_store_idx %arg12[%shift_right_arithmetic3A_265, %and3A_268], %add3A_262 masked %ne3A_269 : memref<128x128xf32, #tpu.memory_space<vmem>>[vector<16xi32>, vector<16xi32>], vector<16xf32>, vector<16xi1>
        %get3A_270 = arith.constant 48 : index
        %get3A_271 = tpu.vector_load %arg9[%get3A_270] {strides = array<i32>} : memref<416xi32, #tpu.memory_space<vmem>>, vector<16xi32>,
        %get3A_272 = arith.constant 49 : index
        %get3A_273 = tpu.vector_load %arg9[%get3A_272] {strides = array<i32>} : memref<416xi32, #tpu.memory_space<vmem>>, vector<16xi32>,
        %get3A_274 = arith.constant 48 : index
        %get3A_275 = tpu.vector_load %arg11[%get3A_274] {strides = array<i32>} : memref<400xf32, #tpu.memory_space<vmem>>, vector<16xf32>,
        %add3A_276 = arith.constant 1.000000e+00 : f32
        %add3A_277 = vector.broadcast %add3A_276 : f32 to vector<16xf32>
        %add3A_278 = arith.addf %get3A_275, %add3A_277 : vector<16xf32>
        %shift_right_arithmetic3A_279 = arith.constant 7 : i32
        %shift_right_arithmetic3A_280 = vector.broadcast %shift_right_arithmetic3A_279 : i32 to vector<16xi32>
        %shift_right_arithmetic3A_281 = arith.shrsi %get3A_271, %shift_right_arithmetic3A_280 : vector<16xi32>
        %and3A_282 = arith.constant 127 : i32
        %and3A_283 = vector.broadcast %and3A_282 : i32 to vector<16xi32>
        %and3A_284 = arith.andi %get3A_271, %and3A_283 : vector<16xi32>
        %ne3A_285 = arith.cmpi ne, %get3A_271, %get3A_273 : vector<16xi32>
        tpu.vector_store_idx %arg12[%shift_right_arithmetic3A_281, %and3A_284], %add3A_278 masked %ne3A_285 : memref<128x128xf32, #tpu.memory_space<vmem>>[vector<16xi32>, vector<16xi32>], vector<16xf32>, vector<16xi1>
        %get3A_286 = arith.constant 64 : index
        %get3A_287 = tpu.vector_load %arg9[%get3A_286] {strides = array<i32>} : memref<416xi32, #tpu.memory_space<vmem>>, vector<16xi32>,
        %get3A_288 = arith.constant 65 : index
        %get3A_289 = tpu.vector_load %arg9[%get3A_288] {strides = array<i32>} : memref<416xi32, #tpu.memory_space<vmem>>, vector<16xi32>,
        %get3A_290 = arith.constant 64 : index
        %get3A_291 = tpu.vector_load %arg11[%get3A_290] {strides = array<i32>} : memref<400xf32, #tpu.memory_space<vmem>>, vector<16xf32>,
        %add3A_292 = arith.constant 1.000000e+00 : f32
        %add3A_293 = vector.broadcast %add3A_292 : f32 to vector<16xf32>
        %add3A_294 = arith.addf %get3A_291, %add3A_293 : vector<16xf32>
        %shift_right_arithmetic3A_295 = arith.constant 7 : i32
        %shift_right_arithmetic3A_296 = vector.broadcast %shift_right_arithmetic3A_295 : i32 to vector<16xi32>
        %shift_right_arithmetic3A_297 = arith.shrsi %get3A_287, %shift_right_arithmetic3A_296 : vector<16xi32>
        %and3A_298 = arith.constant 127 : i32
        %and3A_299 = vector.broadcast %and3A_298 : i32 to vector<16xi32>
        %and3A_300 = arith.andi %get3A_287, %and3A_299 : vector<16xi32>
        %ne3A_301 = arith.cmpi ne, %get3A_287, %get3A_289 : vector<16xi32>
        tpu.vector_store_idx %arg12[%shift_right_arithmetic3A_297, %and3A_300], %add3A_294 masked %ne3A_301 : memref<128x128xf32, #tpu.memory_space<vmem>>[vector<16xi32>, vector<16xi32>], vector<16xf32>, vector<16xi1>
        %get3A_302 = arith.constant 80 : index
        %get3A_303 = tpu.vector_load %arg9[%get3A_302] {strides = array<i32>} : memref<416xi32, #tpu.memory_space<vmem>>, vector<16xi32>,
        %get3A_304 = arith.constant 81 : index
        %get3A_305 = tpu.vector_load %arg9[%get3A_304] {strides = array<i32>} : memref<416xi32, #tpu.memory_space<vmem>>, vector<16xi32>,
        %get3A_306 = arith.constant 80 : index
        %get3A_307 = tpu.vector_load %arg11[%get3A_306] {strides = array<i32>} : memref<400xf32, #tpu.memory_space<vmem>>, vector<16xf32>,
        %add3A_308 = arith.constant 1.000000e+00 : f32
        %add3A_309 = vector.broadcast %add3A_308 : f32 to vector<16xf32>
        %add3A_310 = arith.addf %get3A_307, %add3A_309 : vector<16xf32>
        %shift_right_arithmetic3A_311 = arith.constant 7 : i32
        %shift_right_arithmetic3A_312 = vector.broadcast %shift_right_arithmetic3A_311 : i32 to vector<16xi32>
        %shift_right_arithmetic3A_313 = arith.shrsi %get3A_303, %shift_right_arithmetic3A_312 : vector<16xi32>
        %and3A_314 = arith.constant 127 : i32
        %and3A_315 = vector.broadcast %and3A_314 : i32 to vector<16xi32>
        %and3A_316 = arith.andi %get3A_303, %and3A_315 : vector<16xi32>
        %ne3A_317 = arith.cmpi ne, %get3A_303, %get3A_305 : vector<16xi32>
        tpu.vector_store_idx %arg12[%shift_right_arithmetic3A_313, %and3A_316], %add3A_310 masked %ne3A_317 : memref<128x128xf32, #tpu.memory_space<vmem>>[vector<16xi32>, vector<16xi32>], vector<16xf32>, vector<16xi1>
        %get3A_318 = arith.constant 96 : index
        %get3A_319 = tpu.vector_load %arg9[%get3A_318] {strides = array<i32>} : memref<416xi32, #tpu.memory_space<vmem>>, vector<16xi32>,
        %get3A_320 = arith.constant 97 : index
        %get3A_321 = tpu.vector_load %arg9[%get3A_320] {strides = array<i32>} : memref<416xi32, #tpu.memory_space<vmem>>, vector<16xi32>,
        %get3A_322 = arith.constant 96 : index
        %get3A_323 = tpu.vector_load %arg11[%get3A_322] {strides = array<i32>} : memref<400xf32, #tpu.memory_space<vmem>>, vector<16xf32>,
        %add3A_324 = arith.constant 1.000000e+00 : f32
        %add3A_325 = vector.broadcast %add3A_324 : f32 to vector<16xf32>
        %add3A_326 = arith.addf %get3A_323, %add3A_325 : vector<16xf32>
        %shift_right_arithmetic3A_327 = arith.constant 7 : i32
        %shift_right_arithmetic3A_328 = vector.broadcast %shift_right_arithmetic3A_327 : i32 to vector<16xi32>
        %shift_right_arithmetic3A_329 = arith.shrsi %get3A_319, %shift_right_arithmetic3A_328 : vector<16xi32>
        %and3A_330 = arith.constant 127 : i32
        %and3A_331 = vector.broadcast %and3A_330 : i32 to vector<16xi32>
        %and3A_332 = arith.andi %get3A_319, %and3A_331 : vector<16xi32>
        %ne3A_333 = arith.cmpi ne, %get3A_319, %get3A_321 : vector<16xi32>
        tpu.vector_store_idx %arg12[%shift_right_arithmetic3A_329, %and3A_332], %add3A_326 masked %ne3A_333 : memref<128x128xf32, #tpu.memory_space<vmem>>[vector<16xi32>, vector<16xi32>], vector<16xf32>, vector<16xi1>
        %get3A_334 = arith.constant 112 : index
        %get3A_335 = tpu.vector_load %arg9[%get3A_334] {strides = array<i32>} : memref<416xi32, #tpu.memory_space<vmem>>, vector<16xi32>,
        %get3A_336 = arith.constant 113 : index
        %get3A_337 = tpu.vector_load %arg9[%get3A_336] {strides = array<i32>} : memref<416xi32, #tpu.memory_space<vmem>>, vector<16xi32>,
        %get3A_338 = arith.constant 112 : index
        %get3A_339 = tpu.vector_load %arg11[%get3A_338] {strides = array<i32>} : memref<400xf32, #tpu.memory_space<vmem>>, vector<16xf32>,
        %add3A_340 = arith.constant 1.000000e+00 : f32
        %add3A_341 = vector.broadcast %add3A_340 : f32 to vector<16xf32>
        %add3A_342 = arith.addf %get3A_339, %add3A_341 : vector<16xf32>
        %shift_right_arithmetic3A_343 = arith.constant 7 : i32
        %shift_right_arithmetic3A_344 = vector.broadcast %shift_right_arithmetic3A_343 : i32 to vector<16xi32>
        %shift_right_arithmetic3A_345 = arith.shrsi %get3A_335, %shift_right_arithmetic3A_344 : vector<16xi32>
        %and3A_346 = arith.constant 127 : i32
        %and3A_347 = vector.broadcast %and3A_346 : i32 to vector<16xi32>
        %and3A_348 = arith.andi %get3A_335, %and3A_347 : vector<16xi32>
        %ne3A_349 = arith.cmpi ne, %get3A_335, %get3A_337 : vector<16xi32>
        tpu.vector_store_idx %arg12[%shift_right_arithmetic3A_345, %and3A_348], %add3A_342 masked %ne3A_349 : memref<128x128xf32, #tpu.memory_space<vmem>>[vector<16xi32>, vector<16xi32>], vector<16xf32>, vector<16xi1>
        %get3A_350 = arith.constant 128 : index
        %get3A_351 = tpu.vector_load %arg9[%get3A_350] {strides = array<i32>} : memref<416xi32, #tpu.memory_space<vmem>>, vector<16xi32>,
        %get3A_352 = arith.constant 129 : index
        %get3A_353 = tpu.vector_load %arg9[%get3A_352] {strides = array<i32>} : memref<416xi32, #tpu.memory_space<vmem>>, vector<16xi32>,
        %get3A_354 = arith.constant 128 : index
        %get3A_355 = tpu.vector_load %arg11[%get3A_354] {strides = array<i32>} : memref<400xf32, #tpu.memory_space<vmem>>, vector<16xf32>,
        %add3A_356 = arith.constant 1.000000e+00 : f32
        %add3A_357 = vector.broadcast %add3A_356 : f32 to vector<16xf32>
        %add3A_358 = arith.addf %get3A_355, %add3A_357 : vector<16xf32>
        %shift_right_arithmetic3A_359 = arith.constant 7 : i32
        %shift_right_arithmetic3A_360 = vector.broadcast %shift_right_arithmetic3A_359 : i32 to vector<16xi32>
        %shift_right_arithmetic3A_361 = arith.shrsi %get3A_351, %shift_right_arithmetic3A_360 : vector<16xi32>
        %and3A_362 = arith.constant 127 : i32
        %and3A_363 = vector.broadcast %and3A_362 : i32 to vector<16xi32>
        %and3A_364 = arith.andi %get3A_351, %and3A_363 : vector<16xi32>
        %ne3A_365 = arith.cmpi ne, %get3A_351, %get3A_353 : vector<16xi32>
        tpu.vector_store_idx %arg12[%shift_right_arithmetic3A_361, %and3A_364], %add3A_358 masked %ne3A_365 : memref<128x128xf32, #tpu.memory_space<vmem>>[vector<16xi32>, vector<16xi32>], vector<16xf32>, vector<16xi1>
        %get3A_366 = arith.constant 144 : index
        %get3A_367 = tpu.vector_load %arg9[%get3A_366] {strides = array<i32>} : memref<416xi32, #tpu.memory_space<vmem>>, vector<16xi32>,
        %get3A_368 = arith.constant 145 : index
        %get3A_369 = tpu.vector_load %arg9[%get3A_368] {strides = array<i32>} : memref<416xi32, #tpu.memory_space<vmem>>, vector<16xi32>,
        %get3A_370 = arith.constant 144 : index
        %get3A_371 = tpu.vector_load %arg11[%get3A_370] {strides = array<i32>} : memref<400xf32, #tpu.memory_space<vmem>>, vector<16xf32>,
        %add3A_372 = arith.constant 1.000000e+00 : f32
        %add3A_373 = vector.broadcast %add3A_372 : f32 to vector<16xf32>
        %add3A_374 = arith.addf %get3A_371, %add3A_373 : vector<16xf32>
        %shift_right_arithmetic3A_375 = arith.constant 7 : i32
        %shift_right_arithmetic3A_376 = vector.broadcast %shift_right_arithmetic3A_375 : i32 to vector<16xi32>
        %shift_right_arithmetic3A_377 = arith.shrsi %get3A_367, %shift_right_arithmetic3A_376 : vector<16xi32>
        %and3A_378 = arith.constant 127 : i32
        %and3A_379 = vector.broadcast %and3A_378 : i32 to vector<16xi32>
        %and3A_380 = arith.andi %get3A_367, %and3A_379 : vector<16xi32>
        %ne3A_381 = arith.cmpi ne, %get3A_367, %get3A_369 : vector<16xi32>
        tpu.vector_store_idx %arg12[%shift_right_arithmetic3A_377, %and3A_380], %add3A_374 masked %ne3A_381 : memref<128x128xf32, #tpu.memory_space<vmem>>[vector<16xi32>, vector<16xi32>], vector<16xf32>, vector<16xi1>
        %get3A_382 = arith.constant 160 : index
        %get3A_383 = tpu.vector_load %arg9[%get3A_382] {strides = array<i32>} : memref<416xi32, #tpu.memory_space<vmem>>, vector<16xi32>,
        %get3A_384 = arith.constant 161 : index
        %get3A_385 = tpu.vector_load %arg9[%get3A_384] {strides = array<i32>} : memref<416xi32, #tpu.memory_space<vmem>>, vector<16xi32>,
        %get3A_386 = arith.constant 160 : index
        %get3A_387 = tpu.vector_load %arg11[%get3A_386] {strides = array<i32>} : memref<400xf32, #tpu.memory_space<vmem>>, vector<16xf32>,
        %add3A_388 = arith.constant 1.000000e+00 : f32
        %add3A_389 = vector.broadcast %add3A_388 : f32 to vector<16xf32>
        %add3A_390 = arith.addf %get3A_387, %add3A_389 : vector<16xf32>
        %shift_right_arithmetic3A_391 = arith.constant 7 : i32
        %shift_right_arithmetic3A_392 = vector.broadcast %shift_right_arithmetic3A_391 : i32 to vector<16xi32>
        %shift_right_arithmetic3A_393 = arith.shrsi %get3A_383, %shift_right_arithmetic3A_392 : vector<16xi32>
        %and3A_394 = arith.constant 127 : i32
        %and3A_395 = vector.broadcast %and3A_394 : i32 to vector<16xi32>
        %and3A_396 = arith.andi %get3A_383, %and3A_395 : vector<16xi32>
        %ne3A_397 = arith.cmpi ne, %get3A_383, %get3A_385 : vector<16xi32>
        tpu.vector_store_idx %arg12[%shift_right_arithmetic3A_393, %and3A_396], %add3A_390 masked %ne3A_397 : memref<128x128xf32, #tpu.memory_space<vmem>>[vector<16xi32>, vector<16xi32>], vector<16xf32>, vector<16xi1>
        %get3A_398 = arith.constant 176 : index
        %get3A_399 = tpu.vector_load %arg9[%get3A_398] {strides = array<i32>} : memref<416xi32, #tpu.memory_space<vmem>>, vector<16xi32>,
        %get3A_400 = arith.constant 177 : index
        %get3A_401 = tpu.vector_load %arg9[%get3A_400] {strides = array<i32>} : memref<416xi32, #tpu.memory_space<vmem>>, vector<16xi32>,
        %get3A_402 = arith.constant 176 : index
        %get3A_403 = tpu.vector_load %arg11[%get3A_402] {strides = array<i32>} : memref<400xf32, #tpu.memory_space<vmem>>, vector<16xf32>,
        %add3A_404 = arith.constant 1.000000e+00 : f32
        %add3A_405 = vector.broadcast %add3A_404 : f32 to vector<16xf32>
        %add3A_406 = arith.addf %get3A_403, %add3A_405 : vector<16xf32>
        %shift_right_arithmetic3A_407 = arith.constant 7 : i32
        %shift_right_arithmetic3A_408 = vector.broadcast %shift_right_arithmetic3A_407 : i32 to vector<16xi32>
        %shift_right_arithmetic3A_409 = arith.shrsi %get3A_399, %shift_right_arithmetic3A_408 : vector<16xi32>
        %and3A_410 = arith.constant 127 : i32
        %and3A_411 = vector.broadcast %and3A_410 : i32 to vector<16xi32>
        %and3A_412 = arith.andi %get3A_399, %and3A_411 : vector<16xi32>
        %ne3A_413 = arith.cmpi ne, %get3A_399, %get3A_401 : vector<16xi32>
        tpu.vector_store_idx %arg12[%shift_right_arithmetic3A_409, %and3A_412], %add3A_406 masked %ne3A_413 : memref<128x128xf32, #tpu.memory_space<vmem>>[vector<16xi32>, vector<16xi32>], vector<16xf32>, vector<16xi1>
        %get3A_414 = arith.constant 192 : index
        %get3A_415 = tpu.vector_load %arg9[%get3A_414] {strides = array<i32>} : memref<416xi32, #tpu.memory_space<vmem>>, vector<16xi32>,
        %get3A_416 = arith.constant 193 : index
        %get3A_417 = tpu.vector_load %arg9[%get3A_416] {strides = array<i32>} : memref<416xi32, #tpu.memory_space<vmem>>, vector<16xi32>,
        %get3A_418 = arith.constant 192 : index
        %get3A_419 = tpu.vector_load %arg11[%get3A_418] {strides = array<i32>} : memref<400xf32, #tpu.memory_space<vmem>>, vector<16xf32>,
        %add3A_420 = arith.constant 1.000000e+00 : f32
        %add3A_421 = vector.broadcast %add3A_420 : f32 to vector<16xf32>
        %add3A_422 = arith.addf %get3A_419, %add3A_421 : vector<16xf32>
        %shift_right_arithmetic3A_423 = arith.constant 7 : i32
        %shift_right_arithmetic3A_424 = vector.broadcast %shift_right_arithmetic3A_423 : i32 to vector<16xi32>
        %shift_right_arithmetic3A_425 = arith.shrsi %get3A_415, %shift_right_arithmetic3A_424 : vector<16xi32>
        %and3A_426 = arith.constant 127 : i32
        %and3A_427 = vector.broadcast %and3A_426 : i32 to vector<16xi32>
        %and3A_428 = arith.andi %get3A_415, %and3A_427 : vector<16xi32>
        %ne3A_429 = arith.cmpi ne, %get3A_415, %get3A_417 : vector<16xi32>
        tpu.vector_store_idx %arg12[%shift_right_arithmetic3A_425, %and3A_428], %add3A_422 masked %ne3A_429 : memref<128x128xf32, #tpu.memory_space<vmem>>[vector<16xi32>, vector<16xi32>], vector<16xf32>, vector<16xi1>
        %get3A_430 = arith.constant 208 : index
        %get3A_431 = tpu.vector_load %arg9[%get3A_430] {strides = array<i32>} : memref<416xi32, #tpu.memory_space<vmem>>, vector<16xi32>,
        %get3A_432 = arith.constant 209 : index
        %get3A_433 = tpu.vector_load %arg9[%get3A_432] {strides = array<i32>} : memref<416xi32, #tpu.memory_space<vmem>>, vector<16xi32>,
        %get3A_434 = arith.constant 208 : index
        %get3A_435 = tpu.vector_load %arg11[%get3A_434] {strides = array<i32>} : memref<400xf32, #tpu.memory_space<vmem>>, vector<16xf32>,
        %add3A_436 = arith.constant 1.000000e+00 : f32
        %add3A_437 = vector.broadcast %add3A_436 : f32 to vector<16xf32>
        %add3A_438 = arith.addf %get3A_435, %add3A_437 : vector<16xf32>
        %shift_right_arithmetic3A_439 = arith.constant 7 : i32
        %shift_right_arithmetic3A_440 = vector.broadcast %shift_right_arithmetic3A_439 : i32 to vector<16xi32>
        %shift_right_arithmetic3A_441 = arith.shrsi %get3A_431, %shift_right_arithmetic3A_440 : vector<16xi32>
        %and3A_442 = arith.constant 127 : i32
        %and3A_443 = vector.broadcast %and3A_442 : i32 to vector<16xi32>
        %and3A_444 = arith.andi %get3A_431, %and3A_443 : vector<16xi32>
        %ne3A_445 = arith.cmpi ne, %get3A_431, %get3A_433 : vector<16xi32>
        tpu.vector_store_idx %arg12[%shift_right_arithmetic3A_441, %and3A_444], %add3A_438 masked %ne3A_445 : memref<128x128xf32, #tpu.memory_space<vmem>>[vector<16xi32>, vector<16xi32>], vector<16xf32>, vector<16xi1>
        %get3A_446 = arith.constant 224 : index
        %get3A_447 = tpu.vector_load %arg9[%get3A_446] {strides = array<i32>} : memref<416xi32, #tpu.memory_space<vmem>>, vector<16xi32>,
        %get3A_448 = arith.constant 225 : index
        %get3A_449 = tpu.vector_load %arg9[%get3A_448] {strides = array<i32>} : memref<416xi32, #tpu.memory_space<vmem>>, vector<16xi32>,
        %get3A_450 = arith.constant 224 : index
        %get3A_451 = tpu.vector_load %arg11[%get3A_450] {strides = array<i32>} : memref<400xf32, #tpu.memory_space<vmem>>, vector<16xf32>,
        %add3A_452 = arith.constant 1.000000e+00 : f32
        %add3A_453 = vector.broadcast %add3A_452 : f32 to vector<16xf32>
        %add3A_454 = arith.addf %get3A_451, %add3A_453 : vector<16xf32>
        %shift_right_arithmetic3A_455 = arith.constant 7 : i32
        %shift_right_arithmetic3A_456 = vector.broadcast %shift_right_arithmetic3A_455 : i32 to vector<16xi32>
        %shift_right_arithmetic3A_457 = arith.shrsi %get3A_447, %shift_right_arithmetic3A_456 : vector<16xi32>
        %and3A_458 = arith.constant 127 : i32
        %and3A_459 = vector.broadcast %and3A_458 : i32 to vector<16xi32>
        %and3A_460 = arith.andi %get3A_447, %and3A_459 : vector<16xi32>
        %ne3A_461 = arith.cmpi ne, %get3A_447, %get3A_449 : vector<16xi32>
        tpu.vector_store_idx %arg12[%shift_right_arithmetic3A_457, %and3A_460], %add3A_454 masked %ne3A_461 : memref<128x128xf32, #tpu.memory_space<vmem>>[vector<16xi32>, vector<16xi32>], vector<16xf32>, vector<16xi1>
        %get3A_462 = arith.constant 240 : index
        %get3A_463 = tpu.vector_load %arg9[%get3A_462] {strides = array<i32>} : memref<416xi32, #tpu.memory_space<vmem>>, vector<16xi32>,
        %get3A_464 = arith.constant 241 : index
        %get3A_465 = tpu.vector_load %arg9[%get3A_464] {strides = array<i32>} : memref<416xi32, #tpu.memory_space<vmem>>, vector<16xi32>,
        %get3A_466 = arith.constant 240 : index
        %get3A_467 = tpu.vector_load %arg11[%get3A_466] {strides = array<i32>} : memref<400xf32, #tpu.memory_space<vmem>>, vector<16xf32>,
        %add3A_468 = arith.constant 1.000000e+00 : f32
        %add3A_469 = vector.broadcast %add3A_468 : f32 to vector<16xf32>
        %add3A_470 = arith.addf %get3A_467, %add3A_469 : vector<16xf32>
        %shift_right_arithmetic3A_471 = arith.constant 7 : i32
        %shift_right_arithmetic3A_472 = vector.broadcast %shift_right_arithmetic3A_471 : i32 to vector<16xi32>
        %shift_right_arithmetic3A_473 = arith.shrsi %get3A_463, %shift_right_arithmetic3A_472 : vector<16xi32>
        %and3A_474 = arith.constant 127 : i32
        %and3A_475 = vector.broadcast %and3A_474 : i32 to vector<16xi32>
        %and3A_476 = arith.andi %get3A_463, %and3A_475 : vector<16xi32>
        %ne3A_477 = arith.cmpi ne, %get3A_463, %get3A_465 : vector<16xi32>
        tpu.vector_store_idx %arg12[%shift_right_arithmetic3A_473, %and3A_476], %add3A_470 masked %ne3A_477 : memref<128x128xf32, #tpu.memory_space<vmem>>[vector<16xi32>, vector<16xi32>], vector<16xf32>, vector<16xi1>
        %get3A_478 = arith.constant 256 : index
        %get3A_479 = tpu.vector_load %arg9[%get3A_478] {strides = array<i32>} : memref<416xi32, #tpu.memory_space<vmem>>, vector<16xi32>,
        %get3A_480 = arith.constant 257 : index
        %get3A_481 = tpu.vector_load %arg9[%get3A_480] {strides = array<i32>} : memref<416xi32, #tpu.memory_space<vmem>>, vector<16xi32>,
        %get3A_482 = arith.constant 256 : index
        %get3A_483 = tpu.vector_load %arg11[%get3A_482] {strides = array<i32>} : memref<400xf32, #tpu.memory_space<vmem>>, vector<16xf32>,
        %add3A_484 = arith.constant 1.000000e+00 : f32
        %add3A_485 = vector.broadcast %add3A_484 : f32 to vector<16xf32>
        %add3A_486 = arith.addf %get3A_483, %add3A_485 : vector<16xf32>
        %shift_right_arithmetic3A_487 = arith.constant 7 : i32
        %shift_right_arithmetic3A_488 = vector.broadcast %shift_right_arithmetic3A_487 : i32 to vector<16xi32>
        %shift_right_arithmetic3A_489 = arith.shrsi %get3A_479, %shift_right_arithmetic3A_488 : vector<16xi32>
        %and3A_490 = arith.constant 127 : i32
        %and3A_491 = vector.broadcast %and3A_490 : i32 to vector<16xi32>
        %and3A_492 = arith.andi %get3A_479, %and3A_491 : vector<16xi32>
        %ne3A_493 = arith.cmpi ne, %get3A_479, %get3A_481 : vector<16xi32>
        tpu.vector_store_idx %arg12[%shift_right_arithmetic3A_489, %and3A_492], %add3A_486 masked %ne3A_493 : memref<128x128xf32, #tpu.memory_space<vmem>>[vector<16xi32>, vector<16xi32>], vector<16xf32>, vector<16xi1>
        %get3A_494 = arith.constant 272 : index
        %get3A_495 = tpu.vector_load %arg9[%get3A_494] {strides = array<i32>} : memref<416xi32, #tpu.memory_space<vmem>>, vector<16xi32>,
        %get3A_496 = arith.constant 273 : index
        %get3A_497 = tpu.vector_load %arg9[%get3A_496] {strides = array<i32>} : memref<416xi32, #tpu.memory_space<vmem>>, vector<16xi32>,
        %get3A_498 = arith.constant 272 : index
        %get3A_499 = tpu.vector_load %arg11[%get3A_498] {strides = array<i32>} : memref<400xf32, #tpu.memory_space<vmem>>, vector<16xf32>,
        %add3A_500 = arith.constant 1.000000e+00 : f32
        %add3A_501 = vector.broadcast %add3A_500 : f32 to vector<16xf32>
        %add3A_502 = arith.addf %get3A_499, %add3A_501 : vector<16xf32>
        %shift_right_arithmetic3A_503 = arith.constant 7 : i32
        %shift_right_arithmetic3A_504 = vector.broadcast %shift_right_arithmetic3A_503 : i32 to vector<16xi32>
        %shift_right_arithmetic3A_505 = arith.shrsi %get3A_495, %shift_right_arithmetic3A_504 : vector<16xi32>
        %and3A_506 = arith.constant 127 : i32
        %and3A_507 = vector.broadcast %and3A_506 : i32 to vector<16xi32>
        %and3A_508 = arith.andi %get3A_495, %and3A_507 : vector<16xi32>
        %ne3A_509 = arith.cmpi ne, %get3A_495, %get3A_497 : vector<16xi32>
        tpu.vector_store_idx %arg12[%shift_right_arithmetic3A_505, %and3A_508], %add3A_502 masked %ne3A_509 : memref<128x128xf32, #tpu.memory_space<vmem>>[vector<16xi32>, vector<16xi32>], vector<16xf32>, vector<16xi1>
        %get3A_510 = arith.constant 288 : index
        %get3A_511 = tpu.vector_load %arg9[%get3A_510] {strides = array<i32>} : memref<416xi32, #tpu.memory_space<vmem>>, vector<16xi32>,
        %get3A_512 = arith.constant 289 : index
        %get3A_513 = tpu.vector_load %arg9[%get3A_512] {strides = array<i32>} : memref<416xi32, #tpu.memory_space<vmem>>, vector<16xi32>,
        %get3A_514 = arith.constant 288 : index
        %get3A_515 = tpu.vector_load %arg11[%get3A_514] {strides = array<i32>} : memref<400xf32, #tpu.memory_space<vmem>>, vector<16xf32>,
        %add3A_516 = arith.constant 1.000000e+00 : f32
        %add3A_517 = vector.broadcast %add3A_516 : f32 to vector<16xf32>
        %add3A_518 = arith.addf %get3A_515, %add3A_517 : vector<16xf32>
        %shift_right_arithmetic3A_519 = arith.constant 7 : i32
        %shift_right_arithmetic3A_520 = vector.broadcast %shift_right_arithmetic3A_519 : i32 to vector<16xi32>
        %shift_right_arithmetic3A_521 = arith.shrsi %get3A_511, %shift_right_arithmetic3A_520 : vector<16xi32>
        %and3A_522 = arith.constant 127 : i32
        %and3A_523 = vector.broadcast %and3A_522 : i32 to vector<16xi32>
        %and3A_524 = arith.andi %get3A_511, %and3A_523 : vector<16xi32>
        %ne3A_525 = arith.cmpi ne, %get3A_511, %get3A_513 : vector<16xi32>
        tpu.vector_store_idx %arg12[%shift_right_arithmetic3A_521, %and3A_524], %add3A_518 masked %ne3A_525 : memref<128x128xf32, #tpu.memory_space<vmem>>[vector<16xi32>, vector<16xi32>], vector<16xf32>, vector<16xi1>
        %get3A_526 = arith.constant 304 : index
        %get3A_527 = tpu.vector_load %arg9[%get3A_526] {strides = array<i32>} : memref<416xi32, #tpu.memory_space<vmem>>, vector<16xi32>,
        %get3A_528 = arith.constant 305 : index
        %get3A_529 = tpu.vector_load %arg9[%get3A_528] {strides = array<i32>} : memref<416xi32, #tpu.memory_space<vmem>>, vector<16xi32>,
        %get3A_530 = arith.constant 304 : index
        %get3A_531 = tpu.vector_load %arg11[%get3A_530] {strides = array<i32>} : memref<400xf32, #tpu.memory_space<vmem>>, vector<16xf32>,
        %add3A_532 = arith.constant 1.000000e+00 : f32
        %add3A_533 = vector.broadcast %add3A_532 : f32 to vector<16xf32>
        %add3A_534 = arith.addf %get3A_531, %add3A_533 : vector<16xf32>
        %shift_right_arithmetic3A_535 = arith.constant 7 : i32
        %shift_right_arithmetic3A_536 = vector.broadcast %shift_right_arithmetic3A_535 : i32 to vector<16xi32>
        %shift_right_arithmetic3A_537 = arith.shrsi %get3A_527, %shift_right_arithmetic3A_536 : vector<16xi32>
        %and3A_538 = arith.constant 127 : i32
        %and3A_539 = vector.broadcast %and3A_538 : i32 to vector<16xi32>
        %and3A_540 = arith.andi %get3A_527, %and3A_539 : vector<16xi32>
        %ne3A_541 = arith.cmpi ne, %get3A_527, %get3A_529 : vector<16xi32>
        tpu.vector_store_idx %arg12[%shift_right_arithmetic3A_537, %and3A_540], %add3A_534 masked %ne3A_541 : memref<128x128xf32, #tpu.memory_space<vmem>>[vector<16xi32>, vector<16xi32>], vector<16xf32>, vector<16xi1>
        %get3A_542 = arith.constant 320 : index
        %get3A_543 = tpu.vector_load %arg9[%get3A_542] {strides = array<i32>} : memref<416xi32, #tpu.memory_space<vmem>>, vector<16xi32>,
        %get3A_544 = arith.constant 321 : index
        %get3A_545 = tpu.vector_load %arg9[%get3A_544] {strides = array<i32>} : memref<416xi32, #tpu.memory_space<vmem>>, vector<16xi32>,
        %get3A_546 = arith.constant 320 : index
        %get3A_547 = tpu.vector_load %arg11[%get3A_546] {strides = array<i32>} : memref<400xf32, #tpu.memory_space<vmem>>, vector<16xf32>,
        %add3A_548 = arith.constant 1.000000e+00 : f32
        %add3A_549 = vector.broadcast %add3A_548 : f32 to vector<16xf32>
        %add3A_550 = arith.addf %get3A_547, %add3A_549 : vector<16xf32>
        %shift_right_arithmetic3A_551 = arith.constant 7 : i32
        %shift_right_arithmetic3A_552 = vector.broadcast %shift_right_arithmetic3A_551 : i32 to vector<16xi32>
        %shift_right_arithmetic3A_553 = arith.shrsi %get3A_543, %shift_right_arithmetic3A_552 : vector<16xi32>
        %and3A_554 = arith.constant 127 : i32
        %and3A_555 = vector.broadcast %and3A_554 : i32 to vector<16xi32>
        %and3A_556 = arith.andi %get3A_543, %and3A_555 : vector<16xi32>
        %ne3A_557 = arith.cmpi ne, %get3A_543, %get3A_545 : vector<16xi32>
        tpu.vector_store_idx %arg12[%shift_right_arithmetic3A_553, %and3A_556], %add3A_550 masked %ne3A_557 : memref<128x128xf32, #tpu.memory_space<vmem>>[vector<16xi32>, vector<16xi32>], vector<16xf32>, vector<16xi1>
        %get3A_558 = arith.constant 336 : index
        %get3A_559 = tpu.vector_load %arg9[%get3A_558] {strides = array<i32>} : memref<416xi32, #tpu.memory_space<vmem>>, vector<16xi32>,
        %get3A_560 = arith.constant 337 : index
        %get3A_561 = tpu.vector_load %arg9[%get3A_560] {strides = array<i32>} : memref<416xi32, #tpu.memory_space<vmem>>, vector<16xi32>,
        %get3A_562 = arith.constant 336 : index
        %get3A_563 = tpu.vector_load %arg11[%get3A_562] {strides = array<i32>} : memref<400xf32, #tpu.memory_space<vmem>>, vector<16xf32>,
        %add3A_564 = arith.constant 1.000000e+00 : f32
        %add3A_565 = vector.broadcast %add3A_564 : f32 to vector<16xf32>
        %add3A_566 = arith.addf %get3A_563, %add3A_565 : vector<16xf32>
        %shift_right_arithmetic3A_567 = arith.constant 7 : i32
        %shift_right_arithmetic3A_568 = vector.broadcast %shift_right_arithmetic3A_567 : i32 to vector<16xi32>
        %shift_right_arithmetic3A_569 = arith.shrsi %get3A_559, %shift_right_arithmetic3A_568 : vector<16xi32>
        %and3A_570 = arith.constant 127 : i32
        %and3A_571 = vector.broadcast %and3A_570 : i32 to vector<16xi32>
        %and3A_572 = arith.andi %get3A_559, %and3A_571 : vector<16xi32>
        %ne3A_573 = arith.cmpi ne, %get3A_559, %get3A_561 : vector<16xi32>
        tpu.vector_store_idx %arg12[%shift_right_arithmetic3A_569, %and3A_572], %add3A_566 masked %ne3A_573 : memref<128x128xf32, #tpu.memory_space<vmem>>[vector<16xi32>, vector<16xi32>], vector<16xf32>, vector<16xi1>
        %get3A_574 = arith.constant 352 : index
        %get3A_575 = tpu.vector_load %arg9[%get3A_574] {strides = array<i32>} : memref<416xi32, #tpu.memory_space<vmem>>, vector<16xi32>,
        %get3A_576 = arith.constant 353 : index
        %get3A_577 = tpu.vector_load %arg9[%get3A_576] {strides = array<i32>} : memref<416xi32, #tpu.memory_space<vmem>>, vector<16xi32>,
        %get3A_578 = arith.constant 352 : index
        %get3A_579 = tpu.vector_load %arg11[%get3A_578] {strides = array<i32>} : memref<400xf32, #tpu.memory_space<vmem>>, vector<16xf32>,
        %add3A_580 = arith.constant 1.000000e+00 : f32
        %add3A_581 = vector.broadcast %add3A_580 : f32 to vector<16xf32>
        %add3A_582 = arith.addf %get3A_579, %add3A_581 : vector<16xf32>
        %shift_right_arithmetic3A_583 = arith.constant 7 : i32
        %shift_right_arithmetic3A_584 = vector.broadcast %shift_right_arithmetic3A_583 : i32 to vector<16xi32>
        %shift_right_arithmetic3A_585 = arith.shrsi %get3A_575, %shift_right_arithmetic3A_584 : vector<16xi32>
        %and3A_586 = arith.constant 127 : i32
        %and3A_587 = vector.broadcast %and3A_586 : i32 to vector<16xi32>
        %and3A_588 = arith.andi %get3A_575, %and3A_587 : vector<16xi32>
        %ne3A_589 = arith.cmpi ne, %get3A_575, %get3A_577 : vector<16xi32>
        tpu.vector_store_idx %arg12[%shift_right_arithmetic3A_585, %and3A_588], %add3A_582 masked %ne3A_589 : memref<128x128xf32, #tpu.memory_space<vmem>>[vector<16xi32>, vector<16xi32>], vector<16xf32>, vector<16xi1>
        %get3A_590 = arith.constant 368 : index
        %get3A_591 = tpu.vector_load %arg9[%get3A_590] {strides = array<i32>} : memref<416xi32, #tpu.memory_space<vmem>>, vector<16xi32>,
        %get3A_592 = arith.constant 369 : index
        %get3A_593 = tpu.vector_load %arg9[%get3A_592] {strides = array<i32>} : memref<416xi32, #tpu.memory_space<vmem>>, vector<16xi32>,
        %get3A_594 = arith.constant 368 : index
        %get3A_595 = tpu.vector_load %arg11[%get3A_594] {strides = array<i32>} : memref<400xf32, #tpu.memory_space<vmem>>, vector<16xf32>,
        %add3A_596 = arith.constant 1.000000e+00 : f32
        %add3A_597 = vector.broadcast %add3A_596 : f32 to vector<16xf32>
        %add3A_598 = arith.addf %get3A_595, %add3A_597 : vector<16xf32>
        %shift_right_arithmetic3A_599 = arith.constant 7 : i32
        %shift_right_arithmetic3A_600 = vector.broadcast %shift_right_arithmetic3A_599 : i32 to vector<16xi32>
        %shift_right_arithmetic3A_601 = arith.shrsi %get3A_591, %shift_right_arithmetic3A_600 : vector<16xi32>
        %and3A_602 = arith.constant 127 : i32
        %and3A_603 = vector.broadcast %and3A_602 : i32 to vector<16xi32>
        %and3A_604 = arith.andi %get3A_591, %and3A_603 : vector<16xi32>
        %ne3A_605 = arith.cmpi ne, %get3A_591, %get3A_593 : vector<16xi32>
        tpu.vector_store_idx %arg12[%shift_right_arithmetic3A_601, %and3A_604], %add3A_598 masked %ne3A_605 : memref<128x128xf32, #tpu.memory_space<vmem>>[vector<16xi32>, vector<16xi32>], vector<16xf32>, vector<16xi1>
        %get3A_606 = arith.constant 384 : index
        %get3A_607 = tpu.vector_load %arg9[%get3A_606] {strides = array<i32>} : memref<416xi32, #tpu.memory_space<vmem>>, vector<16xi32>,
        %get3A_608 = arith.constant 385 : index
        %get3A_609 = tpu.vector_load %arg9[%get3A_608] {strides = array<i32>} : memref<416xi32, #tpu.memory_space<vmem>>, vector<16xi32>,
        %get3A_610 = arith.constant 384 : index
        %get3A_611 = tpu.vector_load %arg11[%get3A_610] {strides = array<i32>} : memref<400xf32, #tpu.memory_space<vmem>>, vector<16xf32>,
        %add3A_612 = arith.constant 1.000000e+00 : f32
        %add3A_613 = vector.broadcast %add3A_612 : f32 to vector<16xf32>
        %add3A_614 = arith.addf %get3A_611, %add3A_613 : vector<16xf32>
        %shift_right_arithmetic3A_615 = arith.constant 7 : i32
        %shift_right_arithmetic3A_616 = vector.broadcast %shift_right_arithmetic3A_615 : i32 to vector<16xi32>
        %shift_right_arithmetic3A_617 = arith.shrsi %get3A_607, %shift_right_arithmetic3A_616 : vector<16xi32>
        %and3A_618 = arith.constant 127 : i32
        %and3A_619 = vector.broadcast %and3A_618 : i32 to vector<16xi32>
        %and3A_620 = arith.andi %get3A_607, %and3A_619 : vector<16xi32>
        %ne3A_621 = arith.cmpi ne, %get3A_607, %get3A_609 : vector<16xi32>
        tpu.vector_store_idx %arg12[%shift_right_arithmetic3A_617, %and3A_620], %add3A_614 masked %ne3A_621 : memref<128x128xf32, #tpu.memory_space<vmem>>[vector<16xi32>, vector<16xi32>], vector<16xf32>, vector<16xi1>
      } else {
      }
    }
    %scan3A_30 = arith.constant 50 : i32
    %mul3A_31 = arith.constant 80 : i32
    %mul3A_32 = arith.muli %arg1, %mul3A_31 : i32
    %multiple_of3A_33 = tpu.assume_multiple %mul3A_32, 8 : i32
    "tpu.region"() ({
      %run_scoped3A_146 = tpu.sem_alloc : memref<!tpu.dma_semaphore, #tpu.memory_space<semaphore_mem>>
      %dma_start3A_147 = arith.constant 0 : i32
      %dma_start3A_148 = arith.constant 0 : i32
      %dma_start3A_149 = tpu.memref_slice %arg12[%dma_start3A_147, %dma_start3A_148] : memref<128x128xf32, #tpu.memory_space<vmem>> -> memref<80x128xf32, #tpu.memory_space<vmem>>
      %dma_start3A_150 = arith.constant 0 : i32
      %dma_start3A_151 = tpu.memref_slice %arg23[%multiple_of3A_33, %dma_start3A_150] : memref<10240x128xf32, #tpu.memory_space<vmem_shared>> -> memref<80x128xf32, #tpu.memory_space<vmem_shared>>
      %dma_start3A_152 = arith.constant 0 : i32
      %dma_start3A_153 = tpu.memref_slice %arg23[%multiple_of3A_33, %dma_start3A_152] : memref<10240x128xf32, #tpu.memory_space<vmem_shared>> -> memref<80x128xf32, #tpu.memory_space<vmem_shared>>
      %dma_start3A_154 = arith.constant 0 : i32
      %dma_start3A_155 = arith.constant 0 : i32
      %dma_start3A_156 = tpu.memref_slice %arg12[%dma_start3A_154, %dma_start3A_155] : memref<128x128xf32, #tpu.memory_space<vmem>> -> memref<80x128xf32, #tpu.memory_space<vmem>>
      tpu.enqueue_dma source(%dma_start3A_156 : memref<80x128xf32, #tpu.memory_space<vmem>>) target(%dma_start3A_153 : memref<80x128xf32, #tpu.memory_space<vmem_shared>>) target_semaphore(%run_scoped3A_146 : memref<!tpu.dma_semaphore, #tpu.memory_space<semaphore_mem>>)
      %dma_wait3A_157 = arith.constant 0 : i32
      %dma_wait3A_158 = arith.constant 0 : i32
      %dma_wait3A_159 = tpu.memref_slice %arg12[%dma_wait3A_157, %dma_wait3A_158] : memref<128x128xf32, #tpu.memory_space<vmem>> -> memref<80x128xf32, #tpu.memory_space<vmem>>
      %dma_wait3A_160 = arith.constant 0 : i32
      %dma_wait3A_161 = tpu.memref_slice %arg23[%multiple_of3A_33, %dma_wait3A_160] : memref<10240x128xf32, #tpu.memory_space<vmem_shared>> -> memref<80x128xf32, #tpu.memory_space<vmem_shared>>
      %dma_wait3A_162 = arith.constant 0 : i32
      %dma_wait3A_163 = tpu.memref_slice %arg23[%multiple_of3A_33, %dma_wait3A_162] : memref<10240x128xf32, #tpu.memory_space<vmem_shared>> -> memref<80x128xf32, #tpu.memory_space<vmem_shared>>
      %dma_wait3A_164 = arith.constant 0 : i32
      %dma_wait3A_165 = arith.constant 0 : i32
      %dma_wait3A_166 = tpu.memref_slice %arg12[%dma_wait3A_164, %dma_wait3A_165] : memref<128x128xf32, #tpu.memory_space<vmem>> -> memref<80x128xf32, #tpu.memory_space<vmem>>
      tpu.wait_dma2 semaphore(%run_scoped3A_146 : memref<!tpu.dma_semaphore, #tpu.memory_space<semaphore_mem>>) src(%dma_wait3A_166 : memref<80x128xf32, #tpu.memory_space<vmem>>) dst(%dma_wait3A_163 : memref<80x128xf32, #tpu.memory_space<vmem_shared>>)
      tpu.yield
    }) : () -> ()
    %barrier3A = arith.constant 0 : index
    tpu.barrier barrier_id(%barrier3A)
    %lt3A = arith.constant 10 : i32
    %lt3A_34 = arith.cmpi slt, %arg1, %lt3A : i32
    %convert_element_type3A = arith.extui %lt3A_34 : i1 to i32
    %cond3A = arith.constant 0 : i32
    %cond3A_35 = arith.cmpi ne, %convert_element_type3A, %cond3A : i32
    scf.if %cond3A_35 {
      %mul3A_146 = arith.constant 8 : i32
      %mul3A_147 = arith.muli %arg1, %mul3A_146 : i32
      %add3A_148 = arith.constant 0 : i32
      %add3A_149 = arith.addi %add3A_148, %mul3A_147 : i32
      %multiple_of3A_150 = tpu.assume_multiple %add3A_149, 8 : i32
      %dma_start3A_151 = arith.constant 0 : i32
      %dma_start3A_152 = arith.constant 0 : i32
      %dma_start3A_153 = tpu.memref_slice %arg13[%dma_start3A_151, %dma_start3A_152] : memref<128x128xf32, #tpu.memory_space<vmem>> -> memref<8x128xf32, #tpu.memory_space<vmem>>
      %dma_start3A_154 = arith.constant 0 : i32
      %dma_start3A_155 = tpu.memref_slice %arg23[%multiple_of3A_150, %dma_start3A_154] : memref<10240x128xf32, #tpu.memory_space<vmem_shared>> -> memref<8x128xf32, #tpu.memory_space<vmem_shared>>
      %dma_start3A_156 = arith.constant 0 : i32
      %dma_start3A_157 = arith.constant 0 : i32
      %dma_start3A_158 = tpu.memref_slice %arg13[%dma_start3A_156, %dma_start3A_157] : memref<128x128xf32, #tpu.memory_space<vmem>> -> memref<8x128xf32, #tpu.memory_space<vmem>>
      %dma_start3A_159 = arith.constant 0 : i32
      %dma_start3A_160 = tpu.memref_slice %arg23[%multiple_of3A_150, %dma_start3A_159] : memref<10240x128xf32, #tpu.memory_space<vmem_shared>> -> memref<8x128xf32, #tpu.memory_space<vmem_shared>>
      tpu.enqueue_dma source(%dma_start3A_160 : memref<8x128xf32, #tpu.memory_space<vmem_shared>>) target(%dma_start3A_158 : memref<8x128xf32, #tpu.memory_space<vmem>>) target_semaphore(%arg19 : memref<!tpu.dma_semaphore, #tpu.memory_space<semaphore_mem>>)
      %mul3A_161 = arith.constant 8 : i32
      %mul3A_162 = arith.muli %arg1, %mul3A_161 : i32
      %add3A_163 = arith.constant 80 : i32
      %add3A_164 = arith.addi %add3A_163, %mul3A_162 : i32
      %multiple_of3A_165 = tpu.assume_multiple %add3A_164, 8 : i32
      %dma_start3A_166 = arith.constant 8 : i32
      %dma_start3A_167 = arith.constant 0 : i32
      %dma_start3A_168 = tpu.memref_slice %arg13[%dma_start3A_166, %dma_start3A_167] : memref<128x128xf32, #tpu.memory_space<vmem>> -> memref<8x128xf32, #tpu.memory_space<vmem>>
      %dma_start3A_169 = arith.constant 0 : i32
      %dma_start3A_170 = tpu.memref_slice %arg23[%multiple_of3A_165, %dma_start3A_169] : memref<10240x128xf32, #tpu.memory_space<vmem_shared>> -> memref<8x128xf32, #tpu.memory_space<vmem_shared>>
      %dma_start3A_171 = arith.constant 8 : i32
      %dma_start3A_172 = arith.constant 0 : i32
      %dma_start3A_173 = tpu.memref_slice %arg13[%dma_start3A_171, %dma_start3A_172] : memref<128x128xf32, #tpu.memory_space<vmem>> -> memref<8x128xf32, #tpu.memory_space<vmem>>
      %dma_start3A_174 = arith.constant 0 : i32
      %dma_start3A_175 = tpu.memref_slice %arg23[%multiple_of3A_165, %dma_start3A_174] : memref<10240x128xf32, #tpu.memory_space<vmem_shared>> -> memref<8x128xf32, #tpu.memory_space<vmem_shared>>
      tpu.enqueue_dma source(%dma_start3A_175 : memref<8x128xf32, #tpu.memory_space<vmem_shared>>) target(%dma_start3A_173 : memref<8x128xf32, #tpu.memory_space<vmem>>) target_semaphore(%arg19 : memref<!tpu.dma_semaphore, #tpu.memory_space<semaphore_mem>>)
      %mul3A_176 = arith.constant 8 : i32
      %mul3A_177 = arith.muli %arg1, %mul3A_176 : i32
      %add3A_178 = arith.constant 160 : i32
      %add3A_179 = arith.addi %add3A_178, %mul3A_177 : i32
      %multiple_of3A_180 = tpu.assume_multiple %add3A_179, 8 : i32
      %dma_start3A_181 = arith.constant 16 : i32
      %dma_start3A_182 = arith.constant 0 : i32
      %dma_start3A_183 = tpu.memref_slice %arg13[%dma_start3A_181, %dma_start3A_182] : memref<128x128xf32, #tpu.memory_space<vmem>> -> memref<8x128xf32, #tpu.memory_space<vmem>>
      %dma_start3A_184 = arith.constant 0 : i32
      %dma_start3A_185 = tpu.memref_slice %arg23[%multiple_of3A_180, %dma_start3A_184] : memref<10240x128xf32, #tpu.memory_space<vmem_shared>> -> memref<8x128xf32, #tpu.memory_space<vmem_shared>>
      %dma_start3A_186 = arith.constant 16 : i32
      %dma_start3A_187 = arith.constant 0 : i32
      %dma_start3A_188 = tpu.memref_slice %arg13[%dma_start3A_186, %dma_start3A_187] : memref<128x128xf32, #tpu.memory_space<vmem>> -> memref<8x128xf32, #tpu.memory_space<vmem>>
      %dma_start3A_189 = arith.constant 0 : i32
      %dma_start3A_190 = tpu.memref_slice %arg23[%multiple_of3A_180, %dma_start3A_189] : memref<10240x128xf32, #tpu.memory_space<vmem_shared>> -> memref<8x128xf32, #tpu.memory_space<vmem_shared>>
      tpu.enqueue_dma source(%dma_start3A_190 : memref<8x128xf32, #tpu.memory_space<vmem_shared>>) target(%dma_start3A_188 : memref<8x128xf32, #tpu.memory_space<vmem>>) target_semaphore(%arg19 : memref<!tpu.dma_semaphore, #tpu.memory_space<semaphore_mem>>)
      %mul3A_191 = arith.constant 8 : i32
      %mul3A_192 = arith.muli %arg1, %mul3A_191 : i32
      %add3A_193 = arith.constant 240 : i32
      %add3A_194 = arith.addi %add3A_193, %mul3A_192 : i32
      %multiple_of3A_195 = tpu.assume_multiple %add3A_194, 8 : i32
      %dma_start3A_196 = arith.constant 24 : i32
      %dma_start3A_197 = arith.constant 0 : i32
      %dma_start3A_198 = tpu.memref_slice %arg13[%dma_start3A_196, %dma_start3A_197] : memref<128x128xf32, #tpu.memory_space<vmem>> -> memref<8x128xf32, #tpu.memory_space<vmem>>
      %dma_start3A_199 = arith.constant 0 : i32
      %dma_start3A_200 = tpu.memref_slice %arg23[%multiple_of3A_195, %dma_start3A_199] : memref<10240x128xf32, #tpu.memory_space<vmem_shared>> -> memref<8x128xf32, #tpu.memory_space<vmem_shared>>
      %dma_start3A_201 = arith.constant 24 : i32
      %dma_start3A_202 = arith.constant 0 : i32
      %dma_start3A_203 = tpu.memref_slice %arg13[%dma_start3A_201, %dma_start3A_202] : memref<128x128xf32, #tpu.memory_space<vmem>> -> memref<8x128xf32, #tpu.memory_space<vmem>>
      %dma_start3A_204 = arith.constant 0 : i32
      %dma_start3A_205 = tpu.memref_slice %arg23[%multiple_of3A_195, %dma_start3A_204] : memref<10240x128xf32, #tpu.memory_space<vmem_shared>> -> memref<8x128xf32, #tpu.memory_space<vmem_shared>>
      tpu.enqueue_dma source(%dma_start3A_205 : memref<8x128xf32, #tpu.memory_space<vmem_shared>>) target(%dma_start3A_203 : memref<8x128xf32, #tpu.memory_space<vmem>>) target_semaphore(%arg19 : memref<!tpu.dma_semaphore, #tpu.memory_space<semaphore_mem>>)
      %mul3A_206 = arith.constant 8 : i32
      %mul3A_207 = arith.muli %arg1, %mul3A_206 : i32
      %add3A_208 = arith.constant 320 : i32
      %add3A_209 = arith.addi %add3A_208, %mul3A_207 : i32
      %multiple_of3A_210 = tpu.assume_multiple %add3A_209, 8 : i32
      %dma_start3A_211 = arith.constant 32 : i32
      %dma_start3A_212 = arith.constant 0 : i32
      %dma_start3A_213 = tpu.memref_slice %arg13[%dma_start3A_211, %dma_start3A_212] : memref<128x128xf32, #tpu.memory_space<vmem>> -> memref<8x128xf32, #tpu.memory_space<vmem>>
      %dma_start3A_214 = arith.constant 0 : i32
      %dma_start3A_215 = tpu.memref_slice %arg23[%multiple_of3A_210, %dma_start3A_214] : memref<10240x128xf32, #tpu.memory_space<vmem_shared>> -> memref<8x128xf32, #tpu.memory_space<vmem_shared>>
      %dma_start3A_216 = arith.constant 32 : i32
      %dma_start3A_217 = arith.constant 0 : i32
      %dma_start3A_218 = tpu.memref_slice %arg13[%dma_start3A_216, %dma_start3A_217] : memref<128x128xf32, #tpu.memory_space<vmem>> -> memref<8x128xf32, #tpu.memory_space<vmem>>
      %dma_start3A_219 = arith.constant 0 : i32
      %dma_start3A_220 = tpu.memref_slice %arg23[%multiple_of3A_210, %dma_start3A_219] : memref<10240x128xf32, #tpu.memory_space<vmem_shared>> -> memref<8x128xf32, #tpu.memory_space<vmem_shared>>
      tpu.enqueue_dma source(%dma_start3A_220 : memref<8x128xf32, #tpu.memory_space<vmem_shared>>) target(%dma_start3A_218 : memref<8x128xf32, #tpu.memory_space<vmem>>) target_semaphore(%arg19 : memref<!tpu.dma_semaphore, #tpu.memory_space<semaphore_mem>>)
      %mul3A_221 = arith.constant 8 : i32
      %mul3A_222 = arith.muli %arg1, %mul3A_221 : i32
      %add3A_223 = arith.constant 400 : i32
      %add3A_224 = arith.addi %add3A_223, %mul3A_222 : i32
      %multiple_of3A_225 = tpu.assume_multiple %add3A_224, 8 : i32
      %dma_start3A_226 = arith.constant 40 : i32
      %dma_start3A_227 = arith.constant 0 : i32
      %dma_start3A_228 = tpu.memref_slice %arg13[%dma_start3A_226, %dma_start3A_227] : memref<128x128xf32, #tpu.memory_space<vmem>> -> memref<8x128xf32, #tpu.memory_space<vmem>>
      %dma_start3A_229 = arith.constant 0 : i32
      %dma_start3A_230 = tpu.memref_slice %arg23[%multiple_of3A_225, %dma_start3A_229] : memref<10240x128xf32, #tpu.memory_space<vmem_shared>> -> memref<8x128xf32, #tpu.memory_space<vmem_shared>>
      %dma_start3A_231 = arith.constant 40 : i32
      %dma_start3A_232 = arith.constant 0 : i32
      %dma_start3A_233 = tpu.memref_slice %arg13[%dma_start3A_231, %dma_start3A_232] : memref<128x128xf32, #tpu.memory_space<vmem>> -> memref<8x128xf32, #tpu.memory_space<vmem>>
      %dma_start3A_234 = arith.constant 0 : i32
      %dma_start3A_235 = tpu.memref_slice %arg23[%multiple_of3A_225, %dma_start3A_234] : memref<10240x128xf32, #tpu.memory_space<vmem_shared>> -> memref<8x128xf32, #tpu.memory_space<vmem_shared>>
      tpu.enqueue_dma source(%dma_start3A_235 : memref<8x128xf32, #tpu.memory_space<vmem_shared>>) target(%dma_start3A_233 : memref<8x128xf32, #tpu.memory_space<vmem>>) target_semaphore(%arg19 : memref<!tpu.dma_semaphore, #tpu.memory_space<semaphore_mem>>)
      %mul3A_236 = arith.constant 8 : i32
      %mul3A_237 = arith.muli %arg1, %mul3A_236 : i32
      %add3A_238 = arith.constant 480 : i32
      %add3A_239 = arith.addi %add3A_238, %mul3A_237 : i32
      %multiple_of3A_240 = tpu.assume_multiple %add3A_239, 8 : i32
      %dma_start3A_241 = arith.constant 48 : i32
      %dma_start3A_242 = arith.constant 0 : i32
      %dma_start3A_243 = tpu.memref_slice %arg13[%dma_start3A_241, %dma_start3A_242] : memref<128x128xf32, #tpu.memory_space<vmem>> -> memref<8x128xf32, #tpu.memory_space<vmem>>
      %dma_start3A_244 = arith.constant 0 : i32
      %dma_start3A_245 = tpu.memref_slice %arg23[%multiple_of3A_240, %dma_start3A_244] : memref<10240x128xf32, #tpu.memory_space<vmem_shared>> -> memref<8x128xf32, #tpu.memory_space<vmem_shared>>
      %dma_start3A_246 = arith.constant 48 : i32
      %dma_start3A_247 = arith.constant 0 : i32
      %dma_start3A_248 = tpu.memref_slice %arg13[%dma_start3A_246, %dma_start3A_247] : memref<128x128xf32, #tpu.memory_space<vmem>> -> memref<8x128xf32, #tpu.memory_space<vmem>>
      %dma_start3A_249 = arith.constant 0 : i32
      %dma_start3A_250 = tpu.memref_slice %arg23[%multiple_of3A_240, %dma_start3A_249] : memref<10240x128xf32, #tpu.memory_space<vmem_shared>> -> memref<8x128xf32, #tpu.memory_space<vmem_shared>>
      tpu.enqueue_dma source(%dma_start3A_250 : memref<8x128xf32, #tpu.memory_space<vmem_shared>>) target(%dma_start3A_248 : memref<8x128xf32, #tpu.memory_space<vmem>>) target_semaphore(%arg19 : memref<!tpu.dma_semaphore, #tpu.memory_space<semaphore_mem>>)
      %mul3A_251 = arith.constant 8 : i32
      %mul3A_252 = arith.muli %arg1, %mul3A_251 : i32
      %add3A_253 = arith.constant 560 : i32
      %add3A_254 = arith.addi %add3A_253, %mul3A_252 : i32
      %multiple_of3A_255 = tpu.assume_multiple %add3A_254, 8 : i32
      %dma_start3A_256 = arith.constant 56 : i32
      %dma_start3A_257 = arith.constant 0 : i32
      %dma_start3A_258 = tpu.memref_slice %arg13[%dma_start3A_256, %dma_start3A_257] : memref<128x128xf32, #tpu.memory_space<vmem>> -> memref<8x128xf32, #tpu.memory_space<vmem>>
      %dma_start3A_259 = arith.constant 0 : i32
      %dma_start3A_260 = tpu.memref_slice %arg23[%multiple_of3A_255, %dma_start3A_259] : memref<10240x128xf32, #tpu.memory_space<vmem_shared>> -> memref<8x128xf32, #tpu.memory_space<vmem_shared>>
      %dma_start3A_261 = arith.constant 56 : i32
      %dma_start3A_262 = arith.constant 0 : i32
      %dma_start3A_263 = tpu.memref_slice %arg13[%dma_start3A_261, %dma_start3A_262] : memref<128x128xf32, #tpu.memory_space<vmem>> -> memref<8x128xf32, #tpu.memory_space<vmem>>
      %dma_start3A_264 = arith.constant 0 : i32
      %dma_start3A_265 = tpu.memref_slice %arg23[%multiple_of3A_255, %dma_start3A_264] : memref<10240x128xf32, #tpu.memory_space<vmem_shared>> -> memref<8x128xf32, #tpu.memory_space<vmem_shared>>
      tpu.enqueue_dma source(%dma_start3A_265 : memref<8x128xf32, #tpu.memory_space<vmem_shared>>) target(%dma_start3A_263 : memref<8x128xf32, #tpu.memory_space<vmem>>) target_semaphore(%arg19 : memref<!tpu.dma_semaphore, #tpu.memory_space<semaphore_mem>>)
      %mul3A_266 = arith.constant 8 : i32
      %mul3A_267 = arith.muli %arg1, %mul3A_266 : i32
      %add3A_268 = arith.constant 640 : i32
      %add3A_269 = arith.addi %add3A_268, %mul3A_267 : i32
      %multiple_of3A_270 = tpu.assume_multiple %add3A_269, 8 : i32
      %dma_start3A_271 = arith.constant 64 : i32
      %dma_start3A_272 = arith.constant 0 : i32
      %dma_start3A_273 = tpu.memref_slice %arg13[%dma_start3A_271, %dma_start3A_272] : memref<128x128xf32, #tpu.memory_space<vmem>> -> memref<8x128xf32, #tpu.memory_space<vmem>>
      %dma_start3A_274 = arith.constant 0 : i32
      %dma_start3A_275 = tpu.memref_slice %arg23[%multiple_of3A_270, %dma_start3A_274] : memref<10240x128xf32, #tpu.memory_space<vmem_shared>> -> memref<8x128xf32, #tpu.memory_space<vmem_shared>>
      %dma_start3A_276 = arith.constant 64 : i32
      %dma_start3A_277 = arith.constant 0 : i32
      %dma_start3A_278 = tpu.memref_slice %arg13[%dma_start3A_276, %dma_start3A_277] : memref<128x128xf32, #tpu.memory_space<vmem>> -> memref<8x128xf32, #tpu.memory_space<vmem>>
      %dma_start3A_279 = arith.constant 0 : i32
      %dma_start3A_280 = tpu.memref_slice %arg23[%multiple_of3A_270, %dma_start3A_279] : memref<10240x128xf32, #tpu.memory_space<vmem_shared>> -> memref<8x128xf32, #tpu.memory_space<vmem_shared>>
      tpu.enqueue_dma source(%dma_start3A_280 : memref<8x128xf32, #tpu.memory_space<vmem_shared>>) target(%dma_start3A_278 : memref<8x128xf32, #tpu.memory_space<vmem>>) target_semaphore(%arg19 : memref<!tpu.dma_semaphore, #tpu.memory_space<semaphore_mem>>)
      %mul3A_281 = arith.constant 8 : i32
      %mul3A_282 = arith.muli %arg1, %mul3A_281 : i32
      %add3A_283 = arith.constant 720 : i32
      %add3A_284 = arith.addi %add3A_283, %mul3A_282 : i32
      %multiple_of3A_285 = tpu.assume_multiple %add3A_284, 8 : i32
      %dma_start3A_286 = arith.constant 72 : i32
      %dma_start3A_287 = arith.constant 0 : i32
      %dma_start3A_288 = tpu.memref_slice %arg13[%dma_start3A_286, %dma_start3A_287] : memref<128x128xf32, #tpu.memory_space<vmem>> -> memref<8x128xf32, #tpu.memory_space<vmem>>
      %dma_start3A_289 = arith.constant 0 : i32
      %dma_start3A_290 = tpu.memref_slice %arg23[%multiple_of3A_285, %dma_start3A_289] : memref<10240x128xf32, #tpu.memory_space<vmem_shared>> -> memref<8x128xf32, #tpu.memory_space<vmem_shared>>
      %dma_start3A_291 = arith.constant 72 : i32
      %dma_start3A_292 = arith.constant 0 : i32
      %dma_start3A_293 = tpu.memref_slice %arg13[%dma_start3A_291, %dma_start3A_292] : memref<128x128xf32, #tpu.memory_space<vmem>> -> memref<8x128xf32, #tpu.memory_space<vmem>>
      %dma_start3A_294 = arith.constant 0 : i32
      %dma_start3A_295 = tpu.memref_slice %arg23[%multiple_of3A_285, %dma_start3A_294] : memref<10240x128xf32, #tpu.memory_space<vmem_shared>> -> memref<8x128xf32, #tpu.memory_space<vmem_shared>>
      tpu.enqueue_dma source(%dma_start3A_295 : memref<8x128xf32, #tpu.memory_space<vmem_shared>>) target(%dma_start3A_293 : memref<8x128xf32, #tpu.memory_space<vmem>>) target_semaphore(%arg19 : memref<!tpu.dma_semaphore, #tpu.memory_space<semaphore_mem>>)
      %mul3A_296 = arith.constant 8 : i32
      %mul3A_297 = arith.muli %arg1, %mul3A_296 : i32
      %add3A_298 = arith.constant 800 : i32
      %add3A_299 = arith.addi %add3A_298, %mul3A_297 : i32
      %multiple_of3A_300 = tpu.assume_multiple %add3A_299, 8 : i32
      %dma_start3A_301 = arith.constant 80 : i32
      %dma_start3A_302 = arith.constant 0 : i32
      %dma_start3A_303 = tpu.memref_slice %arg13[%dma_start3A_301, %dma_start3A_302] : memref<128x128xf32, #tpu.memory_space<vmem>> -> memref<8x128xf32, #tpu.memory_space<vmem>>
      %dma_start3A_304 = arith.constant 0 : i32
      %dma_start3A_305 = tpu.memref_slice %arg23[%multiple_of3A_300, %dma_start3A_304] : memref<10240x128xf32, #tpu.memory_space<vmem_shared>> -> memref<8x128xf32, #tpu.memory_space<vmem_shared>>
      %dma_start3A_306 = arith.constant 80 : i32
      %dma_start3A_307 = arith.constant 0 : i32
      %dma_start3A_308 = tpu.memref_slice %arg13[%dma_start3A_306, %dma_start3A_307] : memref<128x128xf32, #tpu.memory_space<vmem>> -> memref<8x128xf32, #tpu.memory_space<vmem>>
      %dma_start3A_309 = arith.constant 0 : i32
      %dma_start3A_310 = tpu.memref_slice %arg23[%multiple_of3A_300, %dma_start3A_309] : memref<10240x128xf32, #tpu.memory_space<vmem_shared>> -> memref<8x128xf32, #tpu.memory_space<vmem_shared>>
      tpu.enqueue_dma source(%dma_start3A_310 : memref<8x128xf32, #tpu.memory_space<vmem_shared>>) target(%dma_start3A_308 : memref<8x128xf32, #tpu.memory_space<vmem>>) target_semaphore(%arg19 : memref<!tpu.dma_semaphore, #tpu.memory_space<semaphore_mem>>)
      %mul3A_311 = arith.constant 8 : i32
      %mul3A_312 = arith.muli %arg1, %mul3A_311 : i32
      %add3A_313 = arith.constant 880 : i32
      %add3A_314 = arith.addi %add3A_313, %mul3A_312 : i32
      %multiple_of3A_315 = tpu.assume_multiple %add3A_314, 8 : i32
      %dma_start3A_316 = arith.constant 88 : i32
      %dma_start3A_317 = arith.constant 0 : i32
      %dma_start3A_318 = tpu.memref_slice %arg13[%dma_start3A_316, %dma_start3A_317] : memref<128x128xf32, #tpu.memory_space<vmem>> -> memref<8x128xf32, #tpu.memory_space<vmem>>
      %dma_start3A_319 = arith.constant 0 : i32
      %dma_start3A_320 = tpu.memref_slice %arg23[%multiple_of3A_315, %dma_start3A_319] : memref<10240x128xf32, #tpu.memory_space<vmem_shared>> -> memref<8x128xf32, #tpu.memory_space<vmem_shared>>
      %dma_start3A_321 = arith.constant 88 : i32
      %dma_start3A_322 = arith.constant 0 : i32
      %dma_start3A_323 = tpu.memref_slice %arg13[%dma_start3A_321, %dma_start3A_322] : memref<128x128xf32, #tpu.memory_space<vmem>> -> memref<8x128xf32, #tpu.memory_space<vmem>>
      %dma_start3A_324 = arith.constant 0 : i32
      %dma_start3A_325 = tpu.memref_slice %arg23[%multiple_of3A_315, %dma_start3A_324] : memref<10240x128xf32, #tpu.memory_space<vmem_shared>> -> memref<8x128xf32, #tpu.memory_space<vmem_shared>>
      tpu.enqueue_dma source(%dma_start3A_325 : memref<8x128xf32, #tpu.memory_space<vmem_shared>>) target(%dma_start3A_323 : memref<8x128xf32, #tpu.memory_space<vmem>>) target_semaphore(%arg19 : memref<!tpu.dma_semaphore, #tpu.memory_space<semaphore_mem>>)
      %mul3A_326 = arith.constant 8 : i32
      %mul3A_327 = arith.muli %arg1, %mul3A_326 : i32
      %add3A_328 = arith.constant 960 : i32
      %add3A_329 = arith.addi %add3A_328, %mul3A_327 : i32
      %multiple_of3A_330 = tpu.assume_multiple %add3A_329, 8 : i32
      %dma_start3A_331 = arith.constant 96 : i32
      %dma_start3A_332 = arith.constant 0 : i32
      %dma_start3A_333 = tpu.memref_slice %arg13[%dma_start3A_331, %dma_start3A_332] : memref<128x128xf32, #tpu.memory_space<vmem>> -> memref<8x128xf32, #tpu.memory_space<vmem>>
      %dma_start3A_334 = arith.constant 0 : i32
      %dma_start3A_335 = tpu.memref_slice %arg23[%multiple_of3A_330, %dma_start3A_334] : memref<10240x128xf32, #tpu.memory_space<vmem_shared>> -> memref<8x128xf32, #tpu.memory_space<vmem_shared>>
      %dma_start3A_336 = arith.constant 96 : i32
      %dma_start3A_337 = arith.constant 0 : i32
      %dma_start3A_338 = tpu.memref_slice %arg13[%dma_start3A_336, %dma_start3A_337] : memref<128x128xf32, #tpu.memory_space<vmem>> -> memref<8x128xf32, #tpu.memory_space<vmem>>
      %dma_start3A_339 = arith.constant 0 : i32
      %dma_start3A_340 = tpu.memref_slice %arg23[%multiple_of3A_330, %dma_start3A_339] : memref<10240x128xf32, #tpu.memory_space<vmem_shared>> -> memref<8x128xf32, #tpu.memory_space<vmem_shared>>
      tpu.enqueue_dma source(%dma_start3A_340 : memref<8x128xf32, #tpu.memory_space<vmem_shared>>) target(%dma_start3A_338 : memref<8x128xf32, #tpu.memory_space<vmem>>) target_semaphore(%arg19 : memref<!tpu.dma_semaphore, #tpu.memory_space<semaphore_mem>>)
      %mul3A_341 = arith.constant 8 : i32
      %mul3A_342 = arith.muli %arg1, %mul3A_341 : i32
      %add3A_343 = arith.constant 1040 : i32
      %add3A_344 = arith.addi %add3A_343, %mul3A_342 : i32
      %multiple_of3A_345 = tpu.assume_multiple %add3A_344, 8 : i32
      %dma_start3A_346 = arith.constant 104 : i32
      %dma_start3A_347 = arith.constant 0 : i32
      %dma_start3A_348 = tpu.memref_slice %arg13[%dma_start3A_346, %dma_start3A_347] : memref<128x128xf32, #tpu.memory_space<vmem>> -> memref<8x128xf32, #tpu.memory_space<vmem>>
      %dma_start3A_349 = arith.constant 0 : i32
      %dma_start3A_350 = tpu.memref_slice %arg23[%multiple_of3A_345, %dma_start3A_349] : memref<10240x128xf32, #tpu.memory_space<vmem_shared>> -> memref<8x128xf32, #tpu.memory_space<vmem_shared>>
      %dma_start3A_351 = arith.constant 104 : i32
      %dma_start3A_352 = arith.constant 0 : i32
      %dma_start3A_353 = tpu.memref_slice %arg13[%dma_start3A_351, %dma_start3A_352] : memref<128x128xf32, #tpu.memory_space<vmem>> -> memref<8x128xf32, #tpu.memory_space<vmem>>
      %dma_start3A_354 = arith.constant 0 : i32
      %dma_start3A_355 = tpu.memref_slice %arg23[%multiple_of3A_345, %dma_start3A_354] : memref<10240x128xf32, #tpu.memory_space<vmem_shared>> -> memref<8x128xf32, #tpu.memory_space<vmem_shared>>
      tpu.enqueue_dma source(%dma_start3A_355 : memref<8x128xf32, #tpu.memory_space<vmem_shared>>) target(%dma_start3A_353 : memref<8x128xf32, #tpu.memory_space<vmem>>) target_semaphore(%arg19 : memref<!tpu.dma_semaphore, #tpu.memory_space<semaphore_mem>>)
      %mul3A_356 = arith.constant 8 : i32
      %mul3A_357 = arith.muli %arg1, %mul3A_356 : i32
      %add3A_358 = arith.constant 1120 : i32
      %add3A_359 = arith.addi %add3A_358, %mul3A_357 : i32
      %multiple_of3A_360 = tpu.assume_multiple %add3A_359, 8 : i32
      %dma_start3A_361 = arith.constant 112 : i32
      %dma_start3A_362 = arith.constant 0 : i32
      %dma_start3A_363 = tpu.memref_slice %arg13[%dma_start3A_361, %dma_start3A_362] : memref<128x128xf32, #tpu.memory_space<vmem>> -> memref<8x128xf32, #tpu.memory_space<vmem>>
      %dma_start3A_364 = arith.constant 0 : i32
      %dma_start3A_365 = tpu.memref_slice %arg23[%multiple_of3A_360, %dma_start3A_364] : memref<10240x128xf32, #tpu.memory_space<vmem_shared>> -> memref<8x128xf32, #tpu.memory_space<vmem_shared>>
      %dma_start3A_366 = arith.constant 112 : i32
      %dma_start3A_367 = arith.constant 0 : i32
      %dma_start3A_368 = tpu.memref_slice %arg13[%dma_start3A_366, %dma_start3A_367] : memref<128x128xf32, #tpu.memory_space<vmem>> -> memref<8x128xf32, #tpu.memory_space<vmem>>
      %dma_start3A_369 = arith.constant 0 : i32
      %dma_start3A_370 = tpu.memref_slice %arg23[%multiple_of3A_360, %dma_start3A_369] : memref<10240x128xf32, #tpu.memory_space<vmem_shared>> -> memref<8x128xf32, #tpu.memory_space<vmem_shared>>
      tpu.enqueue_dma source(%dma_start3A_370 : memref<8x128xf32, #tpu.memory_space<vmem_shared>>) target(%dma_start3A_368 : memref<8x128xf32, #tpu.memory_space<vmem>>) target_semaphore(%arg19 : memref<!tpu.dma_semaphore, #tpu.memory_space<semaphore_mem>>)
      %mul3A_371 = arith.constant 8 : i32
      %mul3A_372 = arith.muli %arg1, %mul3A_371 : i32
      %add3A_373 = arith.constant 1200 : i32
      %add3A_374 = arith.addi %add3A_373, %mul3A_372 : i32
      %multiple_of3A_375 = tpu.assume_multiple %add3A_374, 8 : i32
      %dma_start3A_376 = arith.constant 120 : i32
      %dma_start3A_377 = arith.constant 0 : i32
      %dma_start3A_378 = tpu.memref_slice %arg13[%dma_start3A_376, %dma_start3A_377] : memref<128x128xf32, #tpu.memory_space<vmem>> -> memref<8x128xf32, #tpu.memory_space<vmem>>
      %dma_start3A_379 = arith.constant 0 : i32
      %dma_start3A_380 = tpu.memref_slice %arg23[%multiple_of3A_375, %dma_start3A_379] : memref<10240x128xf32, #tpu.memory_space<vmem_shared>> -> memref<8x128xf32, #tpu.memory_space<vmem_shared>>
      %dma_start3A_381 = arith.constant 120 : i32
      %dma_start3A_382 = arith.constant 0 : i32
      %dma_start3A_383 = tpu.memref_slice %arg13[%dma_start3A_381, %dma_start3A_382] : memref<128x128xf32, #tpu.memory_space<vmem>> -> memref<8x128xf32, #tpu.memory_space<vmem>>
      %dma_start3A_384 = arith.constant 0 : i32
      %dma_start3A_385 = tpu.memref_slice %arg23[%multiple_of3A_375, %dma_start3A_384] : memref<10240x128xf32, #tpu.memory_space<vmem_shared>> -> memref<8x128xf32, #tpu.memory_space<vmem_shared>>
      tpu.enqueue_dma source(%dma_start3A_385 : memref<8x128xf32, #tpu.memory_space<vmem_shared>>) target(%dma_start3A_383 : memref<8x128xf32, #tpu.memory_space<vmem>>) target_semaphore(%arg19 : memref<!tpu.dma_semaphore, #tpu.memory_space<semaphore_mem>>)
      %mul3A_386 = arith.constant 8 : i32
      %mul3A_387 = arith.muli %arg1, %mul3A_386 : i32
      %add3A_388 = arith.constant 0 : i32
      %add3A_389 = arith.addi %add3A_388, %mul3A_387 : i32
      %multiple_of3A_390 = tpu.assume_multiple %add3A_389, 8 : i32
      %dma_wait3A_391 = arith.constant 0 : i32
      %dma_wait3A_392 = arith.constant 0 : i32
      %dma_wait3A_393 = tpu.memref_slice %arg13[%dma_wait3A_391, %dma_wait3A_392] : memref<128x128xf32, #tpu.memory_space<vmem>> -> memref<8x128xf32, #tpu.memory_space<vmem>>
      %dma_wait3A_394 = arith.constant 0 : i32
      %dma_wait3A_395 = tpu.memref_slice %arg23[%multiple_of3A_390, %dma_wait3A_394] : memref<10240x128xf32, #tpu.memory_space<vmem_shared>> -> memref<8x128xf32, #tpu.memory_space<vmem_shared>>
      %dma_wait3A_396 = arith.constant 0 : i32
      %dma_wait3A_397 = arith.constant 0 : i32
      %dma_wait3A_398 = tpu.memref_slice %arg13[%dma_wait3A_396, %dma_wait3A_397] : memref<128x128xf32, #tpu.memory_space<vmem>> -> memref<8x128xf32, #tpu.memory_space<vmem>>
      %dma_wait3A_399 = arith.constant 0 : i32
      %dma_wait3A_400 = tpu.memref_slice %arg23[%multiple_of3A_390, %dma_wait3A_399] : memref<10240x128xf32, #tpu.memory_space<vmem_shared>> -> memref<8x128xf32, #tpu.memory_space<vmem_shared>>
      tpu.wait_dma2 semaphore(%arg19 : memref<!tpu.dma_semaphore, #tpu.memory_space<semaphore_mem>>) src(%dma_wait3A_400 : memref<8x128xf32, #tpu.memory_space<vmem_shared>>) dst(%dma_wait3A_398 : memref<8x128xf32, #tpu.memory_space<vmem>>)
      %mul3A_401 = arith.constant 8 : i32
      %mul3A_402 = arith.muli %arg1, %mul3A_401 : i32
      %add3A_403 = arith.constant 80 : i32
      %add3A_404 = arith.addi %add3A_403, %mul3A_402 : i32
      %multiple_of3A_405 = tpu.assume_multiple %add3A_404, 8 : i32
      %dma_wait3A_406 = arith.constant 8 : i32
      %dma_wait3A_407 = arith.constant 0 : i32
      %dma_wait3A_408 = tpu.memref_slice %arg13[%dma_wait3A_406, %dma_wait3A_407] : memref<128x128xf32, #tpu.memory_space<vmem>> -> memref<8x128xf32, #tpu.memory_space<vmem>>
      %dma_wait3A_409 = arith.constant 0 : i32
      %dma_wait3A_410 = tpu.memref_slice %arg23[%multiple_of3A_405, %dma_wait3A_409] : memref<10240x128xf32, #tpu.memory_space<vmem_shared>> -> memref<8x128xf32, #tpu.memory_space<vmem_shared>>
      %dma_wait3A_411 = arith.constant 8 : i32
      %dma_wait3A_412 = arith.constant 0 : i32
      %dma_wait3A_413 = tpu.memref_slice %arg13[%dma_wait3A_411, %dma_wait3A_412] : memref<128x128xf32, #tpu.memory_space<vmem>> -> memref<8x128xf32, #tpu.memory_space<vmem>>
      %dma_wait3A_414 = arith.constant 0 : i32
      %dma_wait3A_415 = tpu.memref_slice %arg23[%multiple_of3A_405, %dma_wait3A_414] : memref<10240x128xf32, #tpu.memory_space<vmem_shared>> -> memref<8x128xf32, #tpu.memory_space<vmem_shared>>
      tpu.wait_dma2 semaphore(%arg19 : memref<!tpu.dma_semaphore, #tpu.memory_space<semaphore_mem>>) src(%dma_wait3A_415 : memref<8x128xf32, #tpu.memory_space<vmem_shared>>) dst(%dma_wait3A_413 : memref<8x128xf32, #tpu.memory_space<vmem>>)
      %mul3A_416 = arith.constant 8 : i32
      %mul3A_417 = arith.muli %arg1, %mul3A_416 : i32
      %add3A_418 = arith.constant 160 : i32
      %add3A_419 = arith.addi %add3A_418, %mul3A_417 : i32
      %multiple_of3A_420 = tpu.assume_multiple %add3A_419, 8 : i32
      %dma_wait3A_421 = arith.constant 16 : i32
      %dma_wait3A_422 = arith.constant 0 : i32
      %dma_wait3A_423 = tpu.memref_slice %arg13[%dma_wait3A_421, %dma_wait3A_422] : memref<128x128xf32, #tpu.memory_space<vmem>> -> memref<8x128xf32, #tpu.memory_space<vmem>>
      %dma_wait3A_424 = arith.constant 0 : i32
      %dma_wait3A_425 = tpu.memref_slice %arg23[%multiple_of3A_420, %dma_wait3A_424] : memref<10240x128xf32, #tpu.memory_space<vmem_shared>> -> memref<8x128xf32, #tpu.memory_space<vmem_shared>>
      %dma_wait3A_426 = arith.constant 16 : i32
      %dma_wait3A_427 = arith.constant 0 : i32
      %dma_wait3A_428 = tpu.memref_slice %arg13[%dma_wait3A_426, %dma_wait3A_427] : memref<128x128xf32, #tpu.memory_space<vmem>> -> memref<8x128xf32, #tpu.memory_space<vmem>>
      %dma_wait3A_429 = arith.constant 0 : i32
      %dma_wait3A_430 = tpu.memref_slice %arg23[%multiple_of3A_420, %dma_wait3A_429] : memref<10240x128xf32, #tpu.memory_space<vmem_shared>> -> memref<8x128xf32, #tpu.memory_space<vmem_shared>>
      tpu.wait_dma2 semaphore(%arg19 : memref<!tpu.dma_semaphore, #tpu.memory_space<semaphore_mem>>) src(%dma_wait3A_430 : memref<8x128xf32, #tpu.memory_space<vmem_shared>>) dst(%dma_wait3A_428 : memref<8x128xf32, #tpu.memory_space<vmem>>)
      %mul3A_431 = arith.constant 8 : i32
      %mul3A_432 = arith.muli %arg1, %mul3A_431 : i32
      %add3A_433 = arith.constant 240 : i32
      %add3A_434 = arith.addi %add3A_433, %mul3A_432 : i32
      %multiple_of3A_435 = tpu.assume_multiple %add3A_434, 8 : i32
      %dma_wait3A_436 = arith.constant 24 : i32
      %dma_wait3A_437 = arith.constant 0 : i32
      %dma_wait3A_438 = tpu.memref_slice %arg13[%dma_wait3A_436, %dma_wait3A_437] : memref<128x128xf32, #tpu.memory_space<vmem>> -> memref<8x128xf32, #tpu.memory_space<vmem>>
      %dma_wait3A_439 = arith.constant 0 : i32
      %dma_wait3A_440 = tpu.memref_slice %arg23[%multiple_of3A_435, %dma_wait3A_439] : memref<10240x128xf32, #tpu.memory_space<vmem_shared>> -> memref<8x128xf32, #tpu.memory_space<vmem_shared>>
      %dma_wait3A_441 = arith.constant 24 : i32
      %dma_wait3A_442 = arith.constant 0 : i32
      %dma_wait3A_443 = tpu.memref_slice %arg13[%dma_wait3A_441, %dma_wait3A_442] : memref<128x128xf32, #tpu.memory_space<vmem>> -> memref<8x128xf32, #tpu.memory_space<vmem>>
      %dma_wait3A_444 = arith.constant 0 : i32
      %dma_wait3A_445 = tpu.memref_slice %arg23[%multiple_of3A_435, %dma_wait3A_444] : memref<10240x128xf32, #tpu.memory_space<vmem_shared>> -> memref<8x128xf32, #tpu.memory_space<vmem_shared>>
      tpu.wait_dma2 semaphore(%arg19 : memref<!tpu.dma_semaphore, #tpu.memory_space<semaphore_mem>>) src(%dma_wait3A_445 : memref<8x128xf32, #tpu.memory_space<vmem_shared>>) dst(%dma_wait3A_443 : memref<8x128xf32, #tpu.memory_space<vmem>>)
      %mul3A_446 = arith.constant 8 : i32
      %mul3A_447 = arith.muli %arg1, %mul3A_446 : i32
      %add3A_448 = arith.constant 320 : i32
      %add3A_449 = arith.addi %add3A_448, %mul3A_447 : i32
      %multiple_of3A_450 = tpu.assume_multiple %add3A_449, 8 : i32
      %dma_wait3A_451 = arith.constant 32 : i32
      %dma_wait3A_452 = arith.constant 0 : i32
      %dma_wait3A_453 = tpu.memref_slice %arg13[%dma_wait3A_451, %dma_wait3A_452] : memref<128x128xf32, #tpu.memory_space<vmem>> -> memref<8x128xf32, #tpu.memory_space<vmem>>
      %dma_wait3A_454 = arith.constant 0 : i32
      %dma_wait3A_455 = tpu.memref_slice %arg23[%multiple_of3A_450, %dma_wait3A_454] : memref<10240x128xf32, #tpu.memory_space<vmem_shared>> -> memref<8x128xf32, #tpu.memory_space<vmem_shared>>
      %dma_wait3A_456 = arith.constant 32 : i32
      %dma_wait3A_457 = arith.constant 0 : i32
      %dma_wait3A_458 = tpu.memref_slice %arg13[%dma_wait3A_456, %dma_wait3A_457] : memref<128x128xf32, #tpu.memory_space<vmem>> -> memref<8x128xf32, #tpu.memory_space<vmem>>
      %dma_wait3A_459 = arith.constant 0 : i32
      %dma_wait3A_460 = tpu.memref_slice %arg23[%multiple_of3A_450, %dma_wait3A_459] : memref<10240x128xf32, #tpu.memory_space<vmem_shared>> -> memref<8x128xf32, #tpu.memory_space<vmem_shared>>
      tpu.wait_dma2 semaphore(%arg19 : memref<!tpu.dma_semaphore, #tpu.memory_space<semaphore_mem>>) src(%dma_wait3A_460 : memref<8x128xf32, #tpu.memory_space<vmem_shared>>) dst(%dma_wait3A_458 : memref<8x128xf32, #tpu.memory_space<vmem>>)
      %mul3A_461 = arith.constant 8 : i32
      %mul3A_462 = arith.muli %arg1, %mul3A_461 : i32
      %add3A_463 = arith.constant 400 : i32
      %add3A_464 = arith.addi %add3A_463, %mul3A_462 : i32
      %multiple_of3A_465 = tpu.assume_multiple %add3A_464, 8 : i32
      %dma_wait3A_466 = arith.constant 40 : i32
      %dma_wait3A_467 = arith.constant 0 : i32
      %dma_wait3A_468 = tpu.memref_slice %arg13[%dma_wait3A_466, %dma_wait3A_467] : memref<128x128xf32, #tpu.memory_space<vmem>> -> memref<8x128xf32, #tpu.memory_space<vmem>>
      %dma_wait3A_469 = arith.constant 0 : i32
      %dma_wait3A_470 = tpu.memref_slice %arg23[%multiple_of3A_465, %dma_wait3A_469] : memref<10240x128xf32, #tpu.memory_space<vmem_shared>> -> memref<8x128xf32, #tpu.memory_space<vmem_shared>>
      %dma_wait3A_471 = arith.constant 40 : i32
      %dma_wait3A_472 = arith.constant 0 : i32
      %dma_wait3A_473 = tpu.memref_slice %arg13[%dma_wait3A_471, %dma_wait3A_472] : memref<128x128xf32, #tpu.memory_space<vmem>> -> memref<8x128xf32, #tpu.memory_space<vmem>>
      %dma_wait3A_474 = arith.constant 0 : i32
      %dma_wait3A_475 = tpu.memref_slice %arg23[%multiple_of3A_465, %dma_wait3A_474] : memref<10240x128xf32, #tpu.memory_space<vmem_shared>> -> memref<8x128xf32, #tpu.memory_space<vmem_shared>>
      tpu.wait_dma2 semaphore(%arg19 : memref<!tpu.dma_semaphore, #tpu.memory_space<semaphore_mem>>) src(%dma_wait3A_475 : memref<8x128xf32, #tpu.memory_space<vmem_shared>>) dst(%dma_wait3A_473 : memref<8x128xf32, #tpu.memory_space<vmem>>)
      %mul3A_476 = arith.constant 8 : i32
      %mul3A_477 = arith.muli %arg1, %mul3A_476 : i32
      %add3A_478 = arith.constant 480 : i32
      %add3A_479 = arith.addi %add3A_478, %mul3A_477 : i32
      %multiple_of3A_480 = tpu.assume_multiple %add3A_479, 8 : i32
      %dma_wait3A_481 = arith.constant 48 : i32
      %dma_wait3A_482 = arith.constant 0 : i32
      %dma_wait3A_483 = tpu.memref_slice %arg13[%dma_wait3A_481, %dma_wait3A_482] : memref<128x128xf32, #tpu.memory_space<vmem>> -> memref<8x128xf32, #tpu.memory_space<vmem>>
      %dma_wait3A_484 = arith.constant 0 : i32
      %dma_wait3A_485 = tpu.memref_slice %arg23[%multiple_of3A_480, %dma_wait3A_484] : memref<10240x128xf32, #tpu.memory_space<vmem_shared>> -> memref<8x128xf32, #tpu.memory_space<vmem_shared>>
      %dma_wait3A_486 = arith.constant 48 : i32
      %dma_wait3A_487 = arith.constant 0 : i32
      %dma_wait3A_488 = tpu.memref_slice %arg13[%dma_wait3A_486, %dma_wait3A_487] : memref<128x128xf32, #tpu.memory_space<vmem>> -> memref<8x128xf32, #tpu.memory_space<vmem>>
      %dma_wait3A_489 = arith.constant 0 : i32
      %dma_wait3A_490 = tpu.memref_slice %arg23[%multiple_of3A_480, %dma_wait3A_489] : memref<10240x128xf32, #tpu.memory_space<vmem_shared>> -> memref<8x128xf32, #tpu.memory_space<vmem_shared>>
      tpu.wait_dma2 semaphore(%arg19 : memref<!tpu.dma_semaphore, #tpu.memory_space<semaphore_mem>>) src(%dma_wait3A_490 : memref<8x128xf32, #tpu.memory_space<vmem_shared>>) dst(%dma_wait3A_488 : memref<8x128xf32, #tpu.memory_space<vmem>>)
      %mul3A_491 = arith.constant 8 : i32
      %mul3A_492 = arith.muli %arg1, %mul3A_491 : i32
      %add3A_493 = arith.constant 560 : i32
      %add3A_494 = arith.addi %add3A_493, %mul3A_492 : i32
      %multiple_of3A_495 = tpu.assume_multiple %add3A_494, 8 : i32
      %dma_wait3A_496 = arith.constant 56 : i32
      %dma_wait3A_497 = arith.constant 0 : i32
      %dma_wait3A_498 = tpu.memref_slice %arg13[%dma_wait3A_496, %dma_wait3A_497] : memref<128x128xf32, #tpu.memory_space<vmem>> -> memref<8x128xf32, #tpu.memory_space<vmem>>
      %dma_wait3A_499 = arith.constant 0 : i32
      %dma_wait3A_500 = tpu.memref_slice %arg23[%multiple_of3A_495, %dma_wait3A_499] : memref<10240x128xf32, #tpu.memory_space<vmem_shared>> -> memref<8x128xf32, #tpu.memory_space<vmem_shared>>
      %dma_wait3A_501 = arith.constant 56 : i32
      %dma_wait3A_502 = arith.constant 0 : i32
      %dma_wait3A_503 = tpu.memref_slice %arg13[%dma_wait3A_501, %dma_wait3A_502] : memref<128x128xf32, #tpu.memory_space<vmem>> -> memref<8x128xf32, #tpu.memory_space<vmem>>
      %dma_wait3A_504 = arith.constant 0 : i32
      %dma_wait3A_505 = tpu.memref_slice %arg23[%multiple_of3A_495, %dma_wait3A_504] : memref<10240x128xf32, #tpu.memory_space<vmem_shared>> -> memref<8x128xf32, #tpu.memory_space<vmem_shared>>
      tpu.wait_dma2 semaphore(%arg19 : memref<!tpu.dma_semaphore, #tpu.memory_space<semaphore_mem>>) src(%dma_wait3A_505 : memref<8x128xf32, #tpu.memory_space<vmem_shared>>) dst(%dma_wait3A_503 : memref<8x128xf32, #tpu.memory_space<vmem>>)
      %mul3A_506 = arith.constant 8 : i32
      %mul3A_507 = arith.muli %arg1, %mul3A_506 : i32
      %add3A_508 = arith.constant 640 : i32
      %add3A_509 = arith.addi %add3A_508, %mul3A_507 : i32
      %multiple_of3A_510 = tpu.assume_multiple %add3A_509, 8 : i32
      %dma_wait3A_511 = arith.constant 64 : i32
      %dma_wait3A_512 = arith.constant 0 : i32
      %dma_wait3A_513 = tpu.memref_slice %arg13[%dma_wait3A_511, %dma_wait3A_512] : memref<128x128xf32, #tpu.memory_space<vmem>> -> memref<8x128xf32, #tpu.memory_space<vmem>>
      %dma_wait3A_514 = arith.constant 0 : i32
      %dma_wait3A_515 = tpu.memref_slice %arg23[%multiple_of3A_510, %dma_wait3A_514] : memref<10240x128xf32, #tpu.memory_space<vmem_shared>> -> memref<8x128xf32, #tpu.memory_space<vmem_shared>>
      %dma_wait3A_516 = arith.constant 64 : i32
      %dma_wait3A_517 = arith.constant 0 : i32
      %dma_wait3A_518 = tpu.memref_slice %arg13[%dma_wait3A_516, %dma_wait3A_517] : memref<128x128xf32, #tpu.memory_space<vmem>> -> memref<8x128xf32, #tpu.memory_space<vmem>>
      %dma_wait3A_519 = arith.constant 0 : i32
      %dma_wait3A_520 = tpu.memref_slice %arg23[%multiple_of3A_510, %dma_wait3A_519] : memref<10240x128xf32, #tpu.memory_space<vmem_shared>> -> memref<8x128xf32, #tpu.memory_space<vmem_shared>>
      tpu.wait_dma2 semaphore(%arg19 : memref<!tpu.dma_semaphore, #tpu.memory_space<semaphore_mem>>) src(%dma_wait3A_520 : memref<8x128xf32, #tpu.memory_space<vmem_shared>>) dst(%dma_wait3A_518 : memref<8x128xf32, #tpu.memory_space<vmem>>)
      %mul3A_521 = arith.constant 8 : i32
      %mul3A_522 = arith.muli %arg1, %mul3A_521 : i32
      %add3A_523 = arith.constant 720 : i32
      %add3A_524 = arith.addi %add3A_523, %mul3A_522 : i32
      %multiple_of3A_525 = tpu.assume_multiple %add3A_524, 8 : i32
      %dma_wait3A_526 = arith.constant 72 : i32
      %dma_wait3A_527 = arith.constant 0 : i32
      %dma_wait3A_528 = tpu.memref_slice %arg13[%dma_wait3A_526, %dma_wait3A_527] : memref<128x128xf32, #tpu.memory_space<vmem>> -> memref<8x128xf32, #tpu.memory_space<vmem>>
      %dma_wait3A_529 = arith.constant 0 : i32
      %dma_wait3A_530 = tpu.memref_slice %arg23[%multiple_of3A_525, %dma_wait3A_529] : memref<10240x128xf32, #tpu.memory_space<vmem_shared>> -> memref<8x128xf32, #tpu.memory_space<vmem_shared>>
      %dma_wait3A_531 = arith.constant 72 : i32
      %dma_wait3A_532 = arith.constant 0 : i32
      %dma_wait3A_533 = tpu.memref_slice %arg13[%dma_wait3A_531, %dma_wait3A_532] : memref<128x128xf32, #tpu.memory_space<vmem>> -> memref<8x128xf32, #tpu.memory_space<vmem>>
      %dma_wait3A_534 = arith.constant 0 : i32
      %dma_wait3A_535 = tpu.memref_slice %arg23[%multiple_of3A_525, %dma_wait3A_534] : memref<10240x128xf32, #tpu.memory_space<vmem_shared>> -> memref<8x128xf32, #tpu.memory_space<vmem_shared>>
      tpu.wait_dma2 semaphore(%arg19 : memref<!tpu.dma_semaphore, #tpu.memory_space<semaphore_mem>>) src(%dma_wait3A_535 : memref<8x128xf32, #tpu.memory_space<vmem_shared>>) dst(%dma_wait3A_533 : memref<8x128xf32, #tpu.memory_space<vmem>>)
      %mul3A_536 = arith.constant 8 : i32
      %mul3A_537 = arith.muli %arg1, %mul3A_536 : i32
      %add3A_538 = arith.constant 800 : i32
      %add3A_539 = arith.addi %add3A_538, %mul3A_537 : i32
      %multiple_of3A_540 = tpu.assume_multiple %add3A_539, 8 : i32
      %dma_wait3A_541 = arith.constant 80 : i32
      %dma_wait3A_542 = arith.constant 0 : i32
      %dma_wait3A_543 = tpu.memref_slice %arg13[%dma_wait3A_541, %dma_wait3A_542] : memref<128x128xf32, #tpu.memory_space<vmem>> -> memref<8x128xf32, #tpu.memory_space<vmem>>
      %dma_wait3A_544 = arith.constant 0 : i32
      %dma_wait3A_545 = tpu.memref_slice %arg23[%multiple_of3A_540, %dma_wait3A_544] : memref<10240x128xf32, #tpu.memory_space<vmem_shared>> -> memref<8x128xf32, #tpu.memory_space<vmem_shared>>
      %dma_wait3A_546 = arith.constant 80 : i32
      %dma_wait3A_547 = arith.constant 0 : i32
      %dma_wait3A_548 = tpu.memref_slice %arg13[%dma_wait3A_546, %dma_wait3A_547] : memref<128x128xf32, #tpu.memory_space<vmem>> -> memref<8x128xf32, #tpu.memory_space<vmem>>
      %dma_wait3A_549 = arith.constant 0 : i32
      %dma_wait3A_550 = tpu.memref_slice %arg23[%multiple_of3A_540, %dma_wait3A_549] : memref<10240x128xf32, #tpu.memory_space<vmem_shared>> -> memref<8x128xf32, #tpu.memory_space<vmem_shared>>
      tpu.wait_dma2 semaphore(%arg19 : memref<!tpu.dma_semaphore, #tpu.memory_space<semaphore_mem>>) src(%dma_wait3A_550 : memref<8x128xf32, #tpu.memory_space<vmem_shared>>) dst(%dma_wait3A_548 : memref<8x128xf32, #tpu.memory_space<vmem>>)
      %mul3A_551 = arith.constant 8 : i32
      %mul3A_552 = arith.muli %arg1, %mul3A_551 : i32
      %add3A_553 = arith.constant 880 : i32
      %add3A_554 = arith.addi %add3A_553, %mul3A_552 : i32
      %multiple_of3A_555 = tpu.assume_multiple %add3A_554, 8 : i32
      %dma_wait3A_556 = arith.constant 88 : i32
      %dma_wait3A_557 = arith.constant 0 : i32
      %dma_wait3A_558 = tpu.memref_slice %arg13[%dma_wait3A_556, %dma_wait3A_557] : memref<128x128xf32, #tpu.memory_space<vmem>> -> memref<8x128xf32, #tpu.memory_space<vmem>>
      %dma_wait3A_559 = arith.constant 0 : i32
      %dma_wait3A_560 = tpu.memref_slice %arg23[%multiple_of3A_555, %dma_wait3A_559] : memref<10240x128xf32, #tpu.memory_space<vmem_shared>> -> memref<8x128xf32, #tpu.memory_space<vmem_shared>>
      %dma_wait3A_561 = arith.constant 88 : i32
      %dma_wait3A_562 = arith.constant 0 : i32
      %dma_wait3A_563 = tpu.memref_slice %arg13[%dma_wait3A_561, %dma_wait3A_562] : memref<128x128xf32, #tpu.memory_space<vmem>> -> memref<8x128xf32, #tpu.memory_space<vmem>>
      %dma_wait3A_564 = arith.constant 0 : i32
      %dma_wait3A_565 = tpu.memref_slice %arg23[%multiple_of3A_555, %dma_wait3A_564] : memref<10240x128xf32, #tpu.memory_space<vmem_shared>> -> memref<8x128xf32, #tpu.memory_space<vmem_shared>>
      tpu.wait_dma2 semaphore(%arg19 : memref<!tpu.dma_semaphore, #tpu.memory_space<semaphore_mem>>) src(%dma_wait3A_565 : memref<8x128xf32, #tpu.memory_space<vmem_shared>>) dst(%dma_wait3A_563 : memref<8x128xf32, #tpu.memory_space<vmem>>)
      %mul3A_566 = arith.constant 8 : i32
      %mul3A_567 = arith.muli %arg1, %mul3A_566 : i32
      %add3A_568 = arith.constant 960 : i32
      %add3A_569 = arith.addi %add3A_568, %mul3A_567 : i32
      %multiple_of3A_570 = tpu.assume_multiple %add3A_569, 8 : i32
      %dma_wait3A_571 = arith.constant 96 : i32
      %dma_wait3A_572 = arith.constant 0 : i32
      %dma_wait3A_573 = tpu.memref_slice %arg13[%dma_wait3A_571, %dma_wait3A_572] : memref<128x128xf32, #tpu.memory_space<vmem>> -> memref<8x128xf32, #tpu.memory_space<vmem>>
      %dma_wait3A_574 = arith.constant 0 : i32
      %dma_wait3A_575 = tpu.memref_slice %arg23[%multiple_of3A_570, %dma_wait3A_574] : memref<10240x128xf32, #tpu.memory_space<vmem_shared>> -> memref<8x128xf32, #tpu.memory_space<vmem_shared>>
      %dma_wait3A_576 = arith.constant 96 : i32
      %dma_wait3A_577 = arith.constant 0 : i32
      %dma_wait3A_578 = tpu.memref_slice %arg13[%dma_wait3A_576, %dma_wait3A_577] : memref<128x128xf32, #tpu.memory_space<vmem>> -> memref<8x128xf32, #tpu.memory_space<vmem>>
      %dma_wait3A_579 = arith.constant 0 : i32
      %dma_wait3A_580 = tpu.memref_slice %arg23[%multiple_of3A_570, %dma_wait3A_579] : memref<10240x128xf32, #tpu.memory_space<vmem_shared>> -> memref<8x128xf32, #tpu.memory_space<vmem_shared>>
      tpu.wait_dma2 semaphore(%arg19 : memref<!tpu.dma_semaphore, #tpu.memory_space<semaphore_mem>>) src(%dma_wait3A_580 : memref<8x128xf32, #tpu.memory_space<vmem_shared>>) dst(%dma_wait3A_578 : memref<8x128xf32, #tpu.memory_space<vmem>>)
      %mul3A_581 = arith.constant 8 : i32
      %mul3A_582 = arith.muli %arg1, %mul3A_581 : i32
      %add3A_583 = arith.constant 1040 : i32
      %add3A_584 = arith.addi %add3A_583, %mul3A_582 : i32
      %multiple_of3A_585 = tpu.assume_multiple %add3A_584, 8 : i32
      %dma_wait3A_586 = arith.constant 104 : i32
      %dma_wait3A_587 = arith.constant 0 : i32
      %dma_wait3A_588 = tpu.memref_slice %arg13[%dma_wait3A_586, %dma_wait3A_587] : memref<128x128xf32, #tpu.memory_space<vmem>> -> memref<8x128xf32, #tpu.memory_space<vmem>>
      %dma_wait3A_589 = arith.constant 0 : i32
      %dma_wait3A_590 = tpu.memref_slice %arg23[%multiple_of3A_585, %dma_wait3A_589] : memref<10240x128xf32, #tpu.memory_space<vmem_shared>> -> memref<8x128xf32, #tpu.memory_space<vmem_shared>>
      %dma_wait3A_591 = arith.constant 104 : i32
      %dma_wait3A_592 = arith.constant 0 : i32
      %dma_wait3A_593 = tpu.memref_slice %arg13[%dma_wait3A_591, %dma_wait3A_592] : memref<128x128xf32, #tpu.memory_space<vmem>> -> memref<8x128xf32, #tpu.memory_space<vmem>>
      %dma_wait3A_594 = arith.constant 0 : i32
      %dma_wait3A_595 = tpu.memref_slice %arg23[%multiple_of3A_585, %dma_wait3A_594] : memref<10240x128xf32, #tpu.memory_space<vmem_shared>> -> memref<8x128xf32, #tpu.memory_space<vmem_shared>>
      tpu.wait_dma2 semaphore(%arg19 : memref<!tpu.dma_semaphore, #tpu.memory_space<semaphore_mem>>) src(%dma_wait3A_595 : memref<8x128xf32, #tpu.memory_space<vmem_shared>>) dst(%dma_wait3A_593 : memref<8x128xf32, #tpu.memory_space<vmem>>)
      %mul3A_596 = arith.constant 8 : i32
      %mul3A_597 = arith.muli %arg1, %mul3A_596 : i32
      %add3A_598 = arith.constant 1120 : i32
      %add3A_599 = arith.addi %add3A_598, %mul3A_597 : i32
      %multiple_of3A_600 = tpu.assume_multiple %add3A_599, 8 : i32
      %dma_wait3A_601 = arith.constant 112 : i32
      %dma_wait3A_602 = arith.constant 0 : i32
      %dma_wait3A_603 = tpu.memref_slice %arg13[%dma_wait3A_601, %dma_wait3A_602] : memref<128x128xf32, #tpu.memory_space<vmem>> -> memref<8x128xf32, #tpu.memory_space<vmem>>
      %dma_wait3A_604 = arith.constant 0 : i32
      %dma_wait3A_605 = tpu.memref_slice %arg23[%multiple_of3A_600, %dma_wait3A_604] : memref<10240x128xf32, #tpu.memory_space<vmem_shared>> -> memref<8x128xf32, #tpu.memory_space<vmem_shared>>
      %dma_wait3A_606 = arith.constant 112 : i32
      %dma_wait3A_607 = arith.constant 0 : i32
      %dma_wait3A_608 = tpu.memref_slice %arg13[%dma_wait3A_606, %dma_wait3A_607] : memref<128x128xf32, #tpu.memory_space<vmem>> -> memref<8x128xf32, #tpu.memory_space<vmem>>
      %dma_wait3A_609 = arith.constant 0 : i32
      %dma_wait3A_610 = tpu.memref_slice %arg23[%multiple_of3A_600, %dma_wait3A_609] : memref<10240x128xf32, #tpu.memory_space<vmem_shared>> -> memref<8x128xf32, #tpu.memory_space<vmem_shared>>
      tpu.wait_dma2 semaphore(%arg19 : memref<!tpu.dma_semaphore, #tpu.memory_space<semaphore_mem>>) src(%dma_wait3A_610 : memref<8x128xf32, #tpu.memory_space<vmem_shared>>) dst(%dma_wait3A_608 : memref<8x128xf32, #tpu.memory_space<vmem>>)
      %mul3A_611 = arith.constant 8 : i32
      %mul3A_612 = arith.muli %arg1, %mul3A_611 : i32
      %add3A_613 = arith.constant 1200 : i32
      %add3A_614 = arith.addi %add3A_613, %mul3A_612 : i32
      %multiple_of3A_615 = tpu.assume_multiple %add3A_614, 8 : i32
      %dma_wait3A_616 = arith.constant 120 : i32
      %dma_wait3A_617 = arith.constant 0 : i32
      %dma_wait3A_618 = tpu.memref_slice %arg13[%dma_wait3A_616, %dma_wait3A_617] : memref<128x128xf32, #tpu.memory_space<vmem>> -> memref<8x128xf32, #tpu.memory_space<vmem>>
      %dma_wait3A_619 = arith.constant 0 : i32
      %dma_wait3A_620 = tpu.memref_slice %arg23[%multiple_of3A_615, %dma_wait3A_619] : memref<10240x128xf32, #tpu.memory_space<vmem_shared>> -> memref<8x128xf32, #tpu.memory_space<vmem_shared>>
      %dma_wait3A_621 = arith.constant 120 : i32
      %dma_wait3A_622 = arith.constant 0 : i32
      %dma_wait3A_623 = tpu.memref_slice %arg13[%dma_wait3A_621, %dma_wait3A_622] : memref<128x128xf32, #tpu.memory_space<vmem>> -> memref<8x128xf32, #tpu.memory_space<vmem>>
      %dma_wait3A_624 = arith.constant 0 : i32
      %dma_wait3A_625 = tpu.memref_slice %arg23[%multiple_of3A_615, %dma_wait3A_624] : memref<10240x128xf32, #tpu.memory_space<vmem_shared>> -> memref<8x128xf32, #tpu.memory_space<vmem_shared>>
      tpu.wait_dma2 semaphore(%arg19 : memref<!tpu.dma_semaphore, #tpu.memory_space<semaphore_mem>>) src(%dma_wait3A_625 : memref<8x128xf32, #tpu.memory_space<vmem_shared>>) dst(%dma_wait3A_623 : memref<8x128xf32, #tpu.memory_space<vmem>>)
      %scan3A_626 = arith.constant 0 : i32
      %scan3A_627 = arith.constant 0 : i32
      %scan3A_628 = arith.constant 64 : i32
      %scan3A_629 = arith.addi %scan3A_627, %scan3A_628 : i32
      %scan3A_630 = arith.constant 1 : i32
      scf.for %scan3A_639 = %scan3A_627 to %scan3A_629 step %scan3A_630  : i32 {
        %jit3A = arith.constant 8 : i32
        %div3A = arith.divsi %scan3A_639, %jit3A : i32
        %sign3A = arith.constant 0 : i32
        %sign3A_640 = arith.cmpi sgt, %scan3A_639, %sign3A : i32
        %sign3A_641 = arith.extui %sign3A_640 : i1 to i32
        %sign3A_642 = arith.constant 0 : i32
        %sign3A_643 = arith.cmpi slt, %scan3A_639, %sign3A_642 : i32
        %sign3A_644 = arith.extui %sign3A_643 : i1 to i32
        %sign3A_645 = arith.subi %sign3A_641, %sign3A_644 : i32
        %sign3A_646 = arith.constant 0 : i32
        %sign3A_647 = arith.cmpi sgt, %jit3A, %sign3A_646 : i32
        %sign3A_648 = arith.extui %sign3A_647 : i1 to i32
        %sign3A_649 = arith.constant 0 : i32
        %sign3A_650 = arith.cmpi slt, %jit3A, %sign3A_649 : i32
        %sign3A_651 = arith.extui %sign3A_650 : i1 to i32
        %sign3A_652 = arith.subi %sign3A_648, %sign3A_651 : i32
        %ne3A = arith.cmpi ne, %sign3A_645, %sign3A_652 : i32
        %rem3A = arith.remsi %scan3A_639, %jit3A : i32
        %ne3A_653 = arith.constant 0 : i32
        %ne3A_654 = arith.cmpi ne, %rem3A, %ne3A_653 : i32
        %and3A_655 = arith.andi %ne3A, %ne3A_654 : i1
        %sub3A_656 = arith.constant 1 : i32
        %sub3A_657 = arith.subi %div3A, %sub3A_656 : i32
        %select_n3A = arith.select %and3A_655, %sub3A_657, %div3A : i32
        %jit3A_658 = arith.constant 8 : i32
        %eq3A_659 = arith.constant 0 : i32
        %eq3A_660 = arith.cmpi eq, %jit3A_658, %eq3A_659 : i32
        %jit3A_661 = arith.constant 1 : i32
        %select_n3A_662 = arith.select %eq3A_660, %jit3A_661, %jit3A_658 : i32
        %rem3A_663 = arith.remsi %scan3A_639, %select_n3A_662 : i32
        %ne3A_664 = arith.constant 0 : i32
        %ne3A_665 = arith.cmpi ne, %rem3A_663, %ne3A_664 : i32
        %lt3A_666 = arith.constant 0 : i32
        %lt3A_667 = arith.cmpi slt, %rem3A_663, %lt3A_666 : i32
        %lt3A_668 = arith.constant 0 : i32
        %lt3A_669 = arith.cmpi slt, %select_n3A_662, %lt3A_668 : i32
        %ne3A_670 = arith.xori %lt3A_667, %lt3A_669 : i1
        %and3A_671 = arith.andi %ne3A_670, %ne3A_665 : i1
        %add3A_672 = arith.addi %rem3A_663, %select_n3A_662 : i32
        %select_n3A_673 = arith.select %and3A_671, %add3A_672, %rem3A_663 : i32
        %mul3A_674 = arith.constant 16 : i32
        %mul3A_675 = arith.muli %select_n3A_673, %mul3A_674 : i32
        %multiple_of3A_676 = tpu.assume_multiple %mul3A_675, 16 : i32
        %get3A_677 = arith.index_cast %select_n3A : i32 to index
        %get3A_678 = arith.index_cast %multiple_of3A_676 : i32 to index
        %get3A_679 = tpu.vector_load %arg13[%get3A_677, %get3A_678] {strides = array<i32>} : memref<128x128xf32, #tpu.memory_space<vmem>>, vector<16xf32>,
        %add3A_680 = arith.constant 8 : i32
        %add3A_681 = arith.addi %add3A_680, %select_n3A : i32
        %get3A_682 = arith.index_cast %add3A_681 : i32 to index
        %get3A_683 = arith.index_cast %multiple_of3A_676 : i32 to index
        %get3A_684 = tpu.vector_load %arg13[%get3A_682, %get3A_683] {strides = array<i32>} : memref<128x128xf32, #tpu.memory_space<vmem>>, vector<16xf32>,
        %add3A_685 = arith.addf %get3A_679, %get3A_684 : vector<16xf32>
        %add3A_686 = arith.constant 16 : i32
        %add3A_687 = arith.addi %add3A_686, %select_n3A : i32
        %get3A_688 = arith.index_cast %add3A_687 : i32 to index
        %get3A_689 = arith.index_cast %multiple_of3A_676 : i32 to index
        %get3A_690 = tpu.vector_load %arg13[%get3A_688, %get3A_689] {strides = array<i32>} : memref<128x128xf32, #tpu.memory_space<vmem>>, vector<16xf32>,
        %add3A_691 = arith.addf %add3A_685, %get3A_690 : vector<16xf32>
        %add3A_692 = arith.constant 24 : i32
        %add3A_693 = arith.addi %add3A_692, %select_n3A : i32
        %get3A_694 = arith.index_cast %add3A_693 : i32 to index
        %get3A_695 = arith.index_cast %multiple_of3A_676 : i32 to index
        %get3A_696 = tpu.vector_load %arg13[%get3A_694, %get3A_695] {strides = array<i32>} : memref<128x128xf32, #tpu.memory_space<vmem>>, vector<16xf32>,
        %add3A_697 = arith.addf %add3A_691, %get3A_696 : vector<16xf32>
        %add3A_698 = arith.constant 32 : i32
        %add3A_699 = arith.addi %add3A_698, %select_n3A : i32
        %get3A_700 = arith.index_cast %add3A_699 : i32 to index
        %get3A_701 = arith.index_cast %multiple_of3A_676 : i32 to index
        %get3A_702 = tpu.vector_load %arg13[%get3A_700, %get3A_701] {strides = array<i32>} : memref<128x128xf32, #tpu.memory_space<vmem>>, vector<16xf32>,
        %add3A_703 = arith.addf %add3A_697, %get3A_702 : vector<16xf32>
        %add3A_704 = arith.constant 40 : i32
        %add3A_705 = arith.addi %add3A_704, %select_n3A : i32
        %get3A_706 = arith.index_cast %add3A_705 : i32 to index
        %get3A_707 = arith.index_cast %multiple_of3A_676 : i32 to index
        %get3A_708 = tpu.vector_load %arg13[%get3A_706, %get3A_707] {strides = array<i32>} : memref<128x128xf32, #tpu.memory_space<vmem>>, vector<16xf32>,
        %add3A_709 = arith.addf %add3A_703, %get3A_708 : vector<16xf32>
        %add3A_710 = arith.constant 48 : i32
        %add3A_711 = arith.addi %add3A_710, %select_n3A : i32
        %get3A_712 = arith.index_cast %add3A_711 : i32 to index
        %get3A_713 = arith.index_cast %multiple_of3A_676 : i32 to index
        %get3A_714 = tpu.vector_load %arg13[%get3A_712, %get3A_713] {strides = array<i32>} : memref<128x128xf32, #tpu.memory_space<vmem>>, vector<16xf32>,
        %add3A_715 = arith.addf %add3A_709, %get3A_714 : vector<16xf32>
        %add3A_716 = arith.constant 56 : i32
        %add3A_717 = arith.addi %add3A_716, %select_n3A : i32
        %get3A_718 = arith.index_cast %add3A_717 : i32 to index
        %get3A_719 = arith.index_cast %multiple_of3A_676 : i32 to index
        %get3A_720 = tpu.vector_load %arg13[%get3A_718, %get3A_719] {strides = array<i32>} : memref<128x128xf32, #tpu.memory_space<vmem>>, vector<16xf32>,
        %add3A_721 = arith.addf %add3A_715, %get3A_720 : vector<16xf32>
        %add3A_722 = arith.constant 64 : i32
        %add3A_723 = arith.addi %add3A_722, %select_n3A : i32
        %get3A_724 = arith.index_cast %add3A_723 : i32 to index
        %get3A_725 = arith.index_cast %multiple_of3A_676 : i32 to index
        %get3A_726 = tpu.vector_load %arg13[%get3A_724, %get3A_725] {strides = array<i32>} : memref<128x128xf32, #tpu.memory_space<vmem>>, vector<16xf32>,
        %add3A_727 = arith.addf %add3A_721, %get3A_726 : vector<16xf32>
        %add3A_728 = arith.constant 72 : i32
        %add3A_729 = arith.addi %add3A_728, %select_n3A : i32
        %get3A_730 = arith.index_cast %add3A_729 : i32 to index
        %get3A_731 = arith.index_cast %multiple_of3A_676 : i32 to index
        %get3A_732 = tpu.vector_load %arg13[%get3A_730, %get3A_731] {strides = array<i32>} : memref<128x128xf32, #tpu.memory_space<vmem>>, vector<16xf32>,
        %add3A_733 = arith.addf %add3A_727, %get3A_732 : vector<16xf32>
        %add3A_734 = arith.constant 80 : i32
        %add3A_735 = arith.addi %add3A_734, %select_n3A : i32
        %get3A_736 = arith.index_cast %add3A_735 : i32 to index
        %get3A_737 = arith.index_cast %multiple_of3A_676 : i32 to index
        %get3A_738 = tpu.vector_load %arg13[%get3A_736, %get3A_737] {strides = array<i32>} : memref<128x128xf32, #tpu.memory_space<vmem>>, vector<16xf32>,
        %add3A_739 = arith.addf %add3A_733, %get3A_738 : vector<16xf32>
        %add3A_740 = arith.constant 88 : i32
        %add3A_741 = arith.addi %add3A_740, %select_n3A : i32
        %get3A_742 = arith.index_cast %add3A_741 : i32 to index
        %get3A_743 = arith.index_cast %multiple_of3A_676 : i32 to index
        %get3A_744 = tpu.vector_load %arg13[%get3A_742, %get3A_743] {strides = array<i32>} : memref<128x128xf32, #tpu.memory_space<vmem>>, vector<16xf32>,
        %add3A_745 = arith.addf %add3A_739, %get3A_744 : vector<16xf32>
        %add3A_746 = arith.constant 96 : i32
        %add3A_747 = arith.addi %add3A_746, %select_n3A : i32
        %get3A_748 = arith.index_cast %add3A_747 : i32 to index
        %get3A_749 = arith.index_cast %multiple_of3A_676 : i32 to index
        %get3A_750 = tpu.vector_load %arg13[%get3A_748, %get3A_749] {strides = array<i32>} : memref<128x128xf32, #tpu.memory_space<vmem>>, vector<16xf32>,
        %add3A_751 = arith.addf %add3A_745, %get3A_750 : vector<16xf32>
        %add3A_752 = arith.constant 104 : i32
        %add3A_753 = arith.addi %add3A_752, %select_n3A : i32
        %get3A_754 = arith.index_cast %add3A_753 : i32 to index
        %get3A_755 = arith.index_cast %multiple_of3A_676 : i32 to index
        %get3A_756 = tpu.vector_load %arg13[%get3A_754, %get3A_755] {strides = array<i32>} : memref<128x128xf32, #tpu.memory_space<vmem>>, vector<16xf32>,
        %add3A_757 = arith.addf %add3A_751, %get3A_756 : vector<16xf32>
        %add3A_758 = arith.constant 112 : i32
        %add3A_759 = arith.addi %add3A_758, %select_n3A : i32
        %get3A_760 = arith.index_cast %add3A_759 : i32 to index
        %get3A_761 = arith.index_cast %multiple_of3A_676 : i32 to index
        %get3A_762 = tpu.vector_load %arg13[%get3A_760, %get3A_761] {strides = array<i32>} : memref<128x128xf32, #tpu.memory_space<vmem>>, vector<16xf32>,
        %add3A_763 = arith.addf %add3A_757, %get3A_762 : vector<16xf32>
        %add3A_764 = arith.constant 120 : i32
        %add3A_765 = arith.addi %add3A_764, %select_n3A : i32
        %get3A_766 = arith.index_cast %add3A_765 : i32 to index
        %get3A_767 = arith.index_cast %multiple_of3A_676 : i32 to index
        %get3A_768 = tpu.vector_load %arg13[%get3A_766, %get3A_767] {strides = array<i32>} : memref<128x128xf32, #tpu.memory_space<vmem>>, vector<16xf32>,
        %add3A_769 = arith.addf %add3A_763, %get3A_768 : vector<16xf32>
        %swap3A_770 = arith.index_cast %select_n3A : i32 to index
        %swap3A_771 = arith.index_cast %multiple_of3A_676 : i32 to index
        %swap3A_772 = tpu.vector_load %arg12[%swap3A_770, %swap3A_771] {strides = array<i32>} : memref<128x128xf32, #tpu.memory_space<vmem>>, vector<16xf32>,
        tpu.vector_store %arg12[%swap3A_770, %swap3A_771], %add3A_769 {strides = array<i32>} : memref<128x128xf32, #tpu.memory_space<vmem>>, vector<16xf32>,
        %sub3A_773 = arith.constant 1.000000e+00 : f32
        %sub3A_774 = vector.broadcast %sub3A_773 : f32 to vector<16xf32>
        %sub3A_775 = arith.subf %add3A_769, %sub3A_774 : vector<16xf32>
        %max3A = arith.constant 0.000000e+00 : f32
        %max3A_776 = vector.broadcast %max3A : f32 to vector<16xf32>
        %max3A_777 = arith.maximumf %sub3A_775, %max3A_776 : vector<16xf32>
        %add3A_778 = arith.constant 8 : i32
        %add3A_779 = arith.addi %add3A_778, %select_n3A : i32
        %swap3A_780 = arith.index_cast %add3A_779 : i32 to index
        %swap3A_781 = arith.index_cast %multiple_of3A_676 : i32 to index
        %swap3A_782 = tpu.vector_load %arg12[%swap3A_780, %swap3A_781] {strides = array<i32>} : memref<128x128xf32, #tpu.memory_space<vmem>>, vector<16xf32>,
        tpu.vector_store %arg12[%swap3A_780, %swap3A_781], %max3A_777 {strides = array<i32>} : memref<128x128xf32, #tpu.memory_space<vmem>>, vector<16xf32>,
        %gt3A = arith.constant 0.000000e+00 : f32
        %gt3A_783 = vector.broadcast %gt3A : f32 to vector<16xf32>
        %gt3A_784 = arith.cmpf ogt, %add3A_769, %gt3A_783 : vector<16xf32>
        %jit3A_785 = arith.constant 1.000000e+00 : f32
        %jit3A_786 = arith.constant 0.000000e+00 : f32
        %broadcast_in_dim3A_787 = vector.broadcast %jit3A_785 : f32 to vector<16xf32>
        %broadcast_in_dim3A_788 = vector.broadcast %jit3A_786 : f32 to vector<16xf32>
        %select_n3A_789 = arith.select %gt3A_784, %broadcast_in_dim3A_787, %broadcast_in_dim3A_788 : vector<16xi1>, vector<16xf32>
        %add3A_790 = arith.constant 16 : i32
        %add3A_791 = arith.addi %add3A_790, %select_n3A : i32
        %swap3A_792 = arith.index_cast %add3A_791 : i32 to index
        %swap3A_793 = arith.index_cast %multiple_of3A_676 : i32 to index
        %swap3A_794 = tpu.vector_load %arg12[%swap3A_792, %swap3A_793] {strides = array<i32>} : memref<128x128xf32, #tpu.memory_space<vmem>>, vector<16xf32>,
        tpu.vector_store %arg12[%swap3A_792, %swap3A_793], %select_n3A_789 {strides = array<i32>} : memref<128x128xf32, #tpu.memory_space<vmem>>, vector<16xf32>,
      }
      %scan3A_631 = arith.constant 64 : i32
      %mul3A_632 = arith.constant 8 : i32
      %mul3A_633 = arith.muli %arg1, %mul3A_632 : i32
      %multiple_of3A_634 = tpu.assume_multiple %mul3A_633, 8 : i32
      "tpu.region"() ({
        %run_scoped3A_639 = tpu.sem_alloc : memref<!tpu.dma_semaphore, #tpu.memory_space<semaphore_mem>>
        %dma_start3A_640 = arith.constant 0 : i32
        %dma_start3A_641 = arith.constant 0 : i32
        %dma_start3A_642 = tpu.memref_slice %arg12[%dma_start3A_640, %dma_start3A_641] : memref<128x128xf32, #tpu.memory_space<vmem>> -> memref<8x128xf32, #tpu.memory_space<vmem>>
        %dma_start3A_643 = arith.constant 0 : i32
        %dma_start3A_644 = tpu.memref_slice %arg24[%multiple_of3A_634, %dma_start3A_643] : memref<80x128xf32, #tpu.memory_space<vmem_shared>> -> memref<8x128xf32, #tpu.memory_space<vmem_shared>>
        %dma_start3A_645 = arith.constant 0 : i32
        %dma_start3A_646 = tpu.memref_slice %arg24[%multiple_of3A_634, %dma_start3A_645] : memref<80x128xf32, #tpu.memory_space<vmem_shared>> -> memref<8x128xf32, #tpu.memory_space<vmem_shared>>
        %dma_start3A_647 = arith.constant 0 : i32
        %dma_start3A_648 = arith.constant 0 : i32
        %dma_start3A_649 = tpu.memref_slice %arg12[%dma_start3A_647, %dma_start3A_648] : memref<128x128xf32, #tpu.memory_space<vmem>> -> memref<8x128xf32, #tpu.memory_space<vmem>>
        tpu.enqueue_dma source(%dma_start3A_649 : memref<8x128xf32, #tpu.memory_space<vmem>>) target(%dma_start3A_646 : memref<8x128xf32, #tpu.memory_space<vmem_shared>>) target_semaphore(%run_scoped3A_639 : memref<!tpu.dma_semaphore, #tpu.memory_space<semaphore_mem>>)
        %dma_wait3A_650 = arith.constant 0 : i32
        %dma_wait3A_651 = arith.constant 0 : i32
        %dma_wait3A_652 = tpu.memref_slice %arg12[%dma_wait3A_650, %dma_wait3A_651] : memref<128x128xf32, #tpu.memory_space<vmem>> -> memref<8x128xf32, #tpu.memory_space<vmem>>
        %dma_wait3A_653 = arith.constant 0 : i32
        %dma_wait3A_654 = tpu.memref_slice %arg24[%multiple_of3A_634, %dma_wait3A_653] : memref<80x128xf32, #tpu.memory_space<vmem_shared>> -> memref<8x128xf32, #tpu.memory_space<vmem_shared>>
        %dma_wait3A_655 = arith.constant 0 : i32
        %dma_wait3A_656 = tpu.memref_slice %arg24[%multiple_of3A_634, %dma_wait3A_655] : memref<80x128xf32, #tpu.memory_space<vmem_shared>> -> memref<8x128xf32, #tpu.memory_space<vmem_shared>>
        %dma_wait3A_657 = arith.constant 0 : i32
        %dma_wait3A_658 = arith.constant 0 : i32
        %dma_wait3A_659 = tpu.memref_slice %arg12[%dma_wait3A_657, %dma_wait3A_658] : memref<128x128xf32, #tpu.memory_space<vmem>> -> memref<8x128xf32, #tpu.memory_space<vmem>>
        tpu.wait_dma2 semaphore(%run_scoped3A_639 : memref<!tpu.dma_semaphore, #tpu.memory_space<semaphore_mem>>) src(%dma_wait3A_659 : memref<8x128xf32, #tpu.memory_space<vmem>>) dst(%dma_wait3A_656 : memref<8x128xf32, #tpu.memory_space<vmem_shared>>)
        tpu.yield
      }) : () -> ()
      %eq3A = arith.constant 0 : i32
      %eq3A_635 = arith.cmpi eq, %arg0, %eq3A : i32
      %convert_element_type3A_636 = arith.extui %eq3A_635 : i1 to i32
      %cond3A_637 = arith.constant 0 : i32
      %cond3A_638 = arith.cmpi ne, %convert_element_type3A_636, %cond3A_637 : i32
      scf.if %cond3A_638 {
        "tpu.region"() ({
          %run_scoped3A_639 = tpu.sem_alloc : memref<!tpu.dma_semaphore, #tpu.memory_space<semaphore_mem>>
          %dma_start3A_640 = arith.constant 8 : i32
          %dma_start3A_641 = arith.constant 0 : i32
          %dma_start3A_642 = tpu.memref_slice %arg12[%dma_start3A_640, %dma_start3A_641] : memref<128x128xf32, #tpu.memory_space<vmem>> -> memref<8x128xf32, #tpu.memory_space<vmem>>
          %dma_start3A_643 = arith.constant 0 : i32
          %dma_start3A_644 = tpu.memref_slice %arg6[%multiple_of3A_634, %dma_start3A_643] : memref<80x128xf32, #tpu.memory_space<hbm>> -> memref<8x128xf32, #tpu.memory_space<hbm>>
          %dma_start3A_645 = arith.constant 0 : i32
          %dma_start3A_646 = tpu.memref_slice %arg6[%multiple_of3A_634, %dma_start3A_645] : memref<80x128xf32, #tpu.memory_space<hbm>> -> memref<8x128xf32, #tpu.memory_space<hbm>>
          %dma_start3A_647 = arith.constant 8 : i32
          %dma_start3A_648 = arith.constant 0 : i32
          %dma_start3A_649 = tpu.memref_slice %arg12[%dma_start3A_647, %dma_start3A_648] : memref<128x128xf32, #tpu.memory_space<vmem>> -> memref<8x128xf32, #tpu.memory_space<vmem>>
          tpu.enqueue_dma source(%dma_start3A_649 : memref<8x128xf32, #tpu.memory_space<vmem>>) target(%dma_start3A_646 : memref<8x128xf32, #tpu.memory_space<hbm>>) target_semaphore(%run_scoped3A_639 : memref<!tpu.dma_semaphore, #tpu.memory_space<semaphore_mem>>)
          %dma_wait3A_650 = arith.constant 8 : i32
          %dma_wait3A_651 = arith.constant 0 : i32
          %dma_wait3A_652 = tpu.memref_slice %arg12[%dma_wait3A_650, %dma_wait3A_651] : memref<128x128xf32, #tpu.memory_space<vmem>> -> memref<8x128xf32, #tpu.memory_space<vmem>>
          %dma_wait3A_653 = arith.constant 0 : i32
          %dma_wait3A_654 = tpu.memref_slice %arg6[%multiple_of3A_634, %dma_wait3A_653] : memref<80x128xf32, #tpu.memory_space<hbm>> -> memref<8x128xf32, #tpu.memory_space<hbm>>
          %dma_wait3A_655 = arith.constant 0 : i32
          %dma_wait3A_656 = tpu.memref_slice %arg6[%multiple_of3A_634, %dma_wait3A_655] : memref<80x128xf32, #tpu.memory_space<hbm>> -> memref<8x128xf32, #tpu.memory_space<hbm>>
          %dma_wait3A_657 = arith.constant 8 : i32
          %dma_wait3A_658 = arith.constant 0 : i32
          %dma_wait3A_659 = tpu.memref_slice %arg12[%dma_wait3A_657, %dma_wait3A_658] : memref<128x128xf32, #tpu.memory_space<vmem>> -> memref<8x128xf32, #tpu.memory_space<vmem>>
          tpu.wait_dma2 semaphore(%run_scoped3A_639 : memref<!tpu.dma_semaphore, #tpu.memory_space<semaphore_mem>>) src(%dma_wait3A_659 : memref<8x128xf32, #tpu.memory_space<vmem>>) dst(%dma_wait3A_656 : memref<8x128xf32, #tpu.memory_space<hbm>>)
          tpu.yield
        }) : () -> ()
        "tpu.region"() ({
          %run_scoped3A_639 = tpu.sem_alloc : memref<!tpu.dma_semaphore, #tpu.memory_space<semaphore_mem>>
          %dma_start3A_640 = arith.constant 16 : i32
          %dma_start3A_641 = arith.constant 0 : i32
          %dma_start3A_642 = tpu.memref_slice %arg12[%dma_start3A_640, %dma_start3A_641] : memref<128x128xf32, #tpu.memory_space<vmem>> -> memref<8x128xf32, #tpu.memory_space<vmem>>
          %dma_start3A_643 = arith.constant 0 : i32
          %dma_start3A_644 = tpu.memref_slice %arg7[%multiple_of3A_634, %dma_start3A_643] : memref<80x128xf32, #tpu.memory_space<hbm>> -> memref<8x128xf32, #tpu.memory_space<hbm>>
          %dma_start3A_645 = arith.constant 0 : i32
          %dma_start3A_646 = tpu.memref_slice %arg7[%multiple_of3A_634, %dma_start3A_645] : memref<80x128xf32, #tpu.memory_space<hbm>> -> memref<8x128xf32, #tpu.memory_space<hbm>>
          %dma_start3A_647 = arith.constant 16 : i32
          %dma_start3A_648 = arith.constant 0 : i32
          %dma_start3A_649 = tpu.memref_slice %arg12[%dma_start3A_647, %dma_start3A_648] : memref<128x128xf32, #tpu.memory_space<vmem>> -> memref<8x128xf32, #tpu.memory_space<vmem>>
          tpu.enqueue_dma source(%dma_start3A_649 : memref<8x128xf32, #tpu.memory_space<vmem>>) target(%dma_start3A_646 : memref<8x128xf32, #tpu.memory_space<hbm>>) target_semaphore(%run_scoped3A_639 : memref<!tpu.dma_semaphore, #tpu.memory_space<semaphore_mem>>)
          %dma_wait3A_650 = arith.constant 16 : i32
          %dma_wait3A_651 = arith.constant 0 : i32
          %dma_wait3A_652 = tpu.memref_slice %arg12[%dma_wait3A_650, %dma_wait3A_651] : memref<128x128xf32, #tpu.memory_space<vmem>> -> memref<8x128xf32, #tpu.memory_space<vmem>>
          %dma_wait3A_653 = arith.constant 0 : i32
          %dma_wait3A_654 = tpu.memref_slice %arg7[%multiple_of3A_634, %dma_wait3A_653] : memref<80x128xf32, #tpu.memory_space<hbm>> -> memref<8x128xf32, #tpu.memory_space<hbm>>
          %dma_wait3A_655 = arith.constant 0 : i32
          %dma_wait3A_656 = tpu.memref_slice %arg7[%multiple_of3A_634, %dma_wait3A_655] : memref<80x128xf32, #tpu.memory_space<hbm>> -> memref<8x128xf32, #tpu.memory_space<hbm>>
          %dma_wait3A_657 = arith.constant 16 : i32
          %dma_wait3A_658 = arith.constant 0 : i32
          %dma_wait3A_659 = tpu.memref_slice %arg12[%dma_wait3A_657, %dma_wait3A_658] : memref<128x128xf32, #tpu.memory_space<vmem>> -> memref<8x128xf32, #tpu.memory_space<vmem>>
          tpu.wait_dma2 semaphore(%run_scoped3A_639 : memref<!tpu.dma_semaphore, #tpu.memory_space<semaphore_mem>>) src(%dma_wait3A_659 : memref<8x128xf32, #tpu.memory_space<vmem>>) dst(%dma_wait3A_656 : memref<8x128xf32, #tpu.memory_space<hbm>>)
          tpu.yield
        }) : () -> ()
      } else {
      }
    } else {
    }
    %barrier3A_36 = arith.constant 0 : index
    tpu.barrier barrier_id(%barrier3A_36)
    "tpu.region"() ({
      %run_scoped3A_146 = tpu.sem_alloc : memref<!tpu.dma_semaphore, #tpu.memory_space<semaphore_mem>>
      tpu.enqueue_dma source(%arg24 : memref<80x128xf32, #tpu.memory_space<vmem_shared>>) target(%arg18 : memref<80x128xf32, #tpu.memory_space<vmem>>) target_semaphore(%run_scoped3A_146 : memref<!tpu.dma_semaphore, #tpu.memory_space<semaphore_mem>>)
      tpu.wait_dma2 semaphore(%run_scoped3A_146 : memref<!tpu.dma_semaphore, #tpu.memory_space<semaphore_mem>>) src(%arg24 : memref<80x128xf32, #tpu.memory_space<vmem_shared>>) dst(%arg18 : memref<80x128xf32, #tpu.memory_space<vmem>>)
      tpu.yield
    }) : () -> ()
    %scan3A_37 = arith.constant 0 : i32
    %scan3A_38 = arith.constant 0 : i32
    %scan3A_39 = arith.constant 128 : i32
    %scan3A_40 = arith.addi %scan3A_38, %scan3A_39 : i32
    %scan3A_41 = arith.constant 1 : i32
    scf.for %scan3A_146 = %scan3A_38 to %scan3A_40 step %scan3A_41  : i32 {
      %swap3A_147 = arith.index_cast %scan3A_146 : i32 to index
      %swap3A_148 = arith.constant 0 : index
      %swap3A_149 = tpu.vector_load %arg12[%swap3A_147, %swap3A_148] {strides = array<i32>} : memref<128x128xf32, #tpu.memory_space<vmem>>, vector<16xf32>,
      tpu.vector_store %arg12[%swap3A_147, %swap3A_148], %broadcast_in_dim3A_0 {strides = array<i32>} : memref<128x128xf32, #tpu.memory_space<vmem>>, vector<16xf32>,
      %swap3A_150 = arith.index_cast %scan3A_146 : i32 to index
      %swap3A_151 = arith.constant 16 : index
      %swap3A_152 = tpu.vector_load %arg12[%swap3A_150, %swap3A_151] {strides = array<i32>} : memref<128x128xf32, #tpu.memory_space<vmem>>, vector<16xf32>,
      tpu.vector_store %arg12[%swap3A_150, %swap3A_151], %broadcast_in_dim3A_0 {strides = array<i32>} : memref<128x128xf32, #tpu.memory_space<vmem>>, vector<16xf32>,
      %swap3A_153 = arith.index_cast %scan3A_146 : i32 to index
      %swap3A_154 = arith.constant 32 : index
      %swap3A_155 = tpu.vector_load %arg12[%swap3A_153, %swap3A_154] {strides = array<i32>} : memref<128x128xf32, #tpu.memory_space<vmem>>, vector<16xf32>,
      tpu.vector_store %arg12[%swap3A_153, %swap3A_154], %broadcast_in_dim3A_0 {strides = array<i32>} : memref<128x128xf32, #tpu.memory_space<vmem>>, vector<16xf32>,
      %swap3A_156 = arith.index_cast %scan3A_146 : i32 to index
      %swap3A_157 = arith.constant 48 : index
      %swap3A_158 = tpu.vector_load %arg12[%swap3A_156, %swap3A_157] {strides = array<i32>} : memref<128x128xf32, #tpu.memory_space<vmem>>, vector<16xf32>,
      tpu.vector_store %arg12[%swap3A_156, %swap3A_157], %broadcast_in_dim3A_0 {strides = array<i32>} : memref<128x128xf32, #tpu.memory_space<vmem>>, vector<16xf32>,
      %swap3A_159 = arith.index_cast %scan3A_146 : i32 to index
      %swap3A_160 = arith.constant 64 : index
      %swap3A_161 = tpu.vector_load %arg12[%swap3A_159, %swap3A_160] {strides = array<i32>} : memref<128x128xf32, #tpu.memory_space<vmem>>, vector<16xf32>,
      tpu.vector_store %arg12[%swap3A_159, %swap3A_160], %broadcast_in_dim3A_0 {strides = array<i32>} : memref<128x128xf32, #tpu.memory_space<vmem>>, vector<16xf32>,
      %swap3A_162 = arith.index_cast %scan3A_146 : i32 to index
      %swap3A_163 = arith.constant 80 : index
      %swap3A_164 = tpu.vector_load %arg12[%swap3A_162, %swap3A_163] {strides = array<i32>} : memref<128x128xf32, #tpu.memory_space<vmem>>, vector<16xf32>,
      tpu.vector_store %arg12[%swap3A_162, %swap3A_163], %broadcast_in_dim3A_0 {strides = array<i32>} : memref<128x128xf32, #tpu.memory_space<vmem>>, vector<16xf32>,
      %swap3A_165 = arith.index_cast %scan3A_146 : i32 to index
      %swap3A_166 = arith.constant 96 : index
      %swap3A_167 = tpu.vector_load %arg12[%swap3A_165, %swap3A_166] {strides = array<i32>} : memref<128x128xf32, #tpu.memory_space<vmem>>, vector<16xf32>,
      tpu.vector_store %arg12[%swap3A_165, %swap3A_166], %broadcast_in_dim3A_0 {strides = array<i32>} : memref<128x128xf32, #tpu.memory_space<vmem>>, vector<16xf32>,
      %swap3A_168 = arith.index_cast %scan3A_146 : i32 to index
      %swap3A_169 = arith.constant 112 : index
      %swap3A_170 = tpu.vector_load %arg12[%swap3A_168, %swap3A_169] {strides = array<i32>} : memref<128x128xf32, #tpu.memory_space<vmem>>, vector<16xf32>,
      tpu.vector_store %arg12[%swap3A_168, %swap3A_169], %broadcast_in_dim3A_0 {strides = array<i32>} : memref<128x128xf32, #tpu.memory_space<vmem>>, vector<16xf32>,
    }
    %scan3A_42 = arith.constant 128 : i32
    %mul3A_43 = arith.constant 640 : i32
    %mul3A_44 = arith.muli %arg1, %mul3A_43 : i32
    %multiple_of3A_45 = tpu.assume_multiple %mul3A_44, 8 : i32
    %add3A_46 = arith.constant 0 : i32
    %add3A_47 = arith.addi %multiple_of3A_45, %add3A_46 : i32
    "tpu.region"() ({
      %run_scoped3A_146 = tpu.sem_alloc : memref<!tpu.dma_semaphore, #tpu.memory_space<semaphore_mem>>
      %dma_start3A_147 = arith.constant 0 : i32
      %dma_start3A_148 = arith.constant 0 : i32
      %dma_start3A_149 = tpu.memref_slice %arg12[%dma_start3A_147, %dma_start3A_148] : memref<128x128xf32, #tpu.memory_space<vmem>> -> memref<128x128xf32, #tpu.memory_space<vmem>>
      %dma_start3A_150 = arith.constant 0 : i32
      %dma_start3A_151 = tpu.memref_slice %arg23[%add3A_47, %dma_start3A_150] : memref<10240x128xf32, #tpu.memory_space<vmem_shared>> -> memref<128x128xf32, #tpu.memory_space<vmem_shared>>
      %dma_start3A_152 = arith.constant 0 : i32
      %dma_start3A_153 = tpu.memref_slice %arg23[%add3A_47, %dma_start3A_152] : memref<10240x128xf32, #tpu.memory_space<vmem_shared>> -> memref<128x128xf32, #tpu.memory_space<vmem_shared>>
      %dma_start3A_154 = arith.constant 0 : i32
      %dma_start3A_155 = arith.constant 0 : i32
      %dma_start3A_156 = tpu.memref_slice %arg12[%dma_start3A_154, %dma_start3A_155] : memref<128x128xf32, #tpu.memory_space<vmem>> -> memref<128x128xf32, #tpu.memory_space<vmem>>
      tpu.enqueue_dma source(%dma_start3A_156 : memref<128x128xf32, #tpu.memory_space<vmem>>) target(%dma_start3A_153 : memref<128x128xf32, #tpu.memory_space<vmem_shared>>) target_semaphore(%run_scoped3A_146 : memref<!tpu.dma_semaphore, #tpu.memory_space<semaphore_mem>>)
      %dma_wait3A_157 = arith.constant 0 : i32
      %dma_wait3A_158 = arith.constant 0 : i32
      %dma_wait3A_159 = tpu.memref_slice %arg12[%dma_wait3A_157, %dma_wait3A_158] : memref<128x128xf32, #tpu.memory_space<vmem>> -> memref<128x128xf32, #tpu.memory_space<vmem>>
      %dma_wait3A_160 = arith.constant 0 : i32
      %dma_wait3A_161 = tpu.memref_slice %arg23[%add3A_47, %dma_wait3A_160] : memref<10240x128xf32, #tpu.memory_space<vmem_shared>> -> memref<128x128xf32, #tpu.memory_space<vmem_shared>>
      %dma_wait3A_162 = arith.constant 0 : i32
      %dma_wait3A_163 = tpu.memref_slice %arg23[%add3A_47, %dma_wait3A_162] : memref<10240x128xf32, #tpu.memory_space<vmem_shared>> -> memref<128x128xf32, #tpu.memory_space<vmem_shared>>
      %dma_wait3A_164 = arith.constant 0 : i32
      %dma_wait3A_165 = arith.constant 0 : i32
      %dma_wait3A_166 = tpu.memref_slice %arg12[%dma_wait3A_164, %dma_wait3A_165] : memref<128x128xf32, #tpu.memory_space<vmem>> -> memref<128x128xf32, #tpu.memory_space<vmem>>
      tpu.wait_dma2 semaphore(%run_scoped3A_146 : memref<!tpu.dma_semaphore, #tpu.memory_space<semaphore_mem>>) src(%dma_wait3A_166 : memref<128x128xf32, #tpu.memory_space<vmem>>) dst(%dma_wait3A_163 : memref<128x128xf32, #tpu.memory_space<vmem_shared>>)
      tpu.yield
    }) : () -> ()
    %add3A_48 = arith.constant 128 : i32
    %add3A_49 = arith.addi %multiple_of3A_45, %add3A_48 : i32
    "tpu.region"() ({
      %run_scoped3A_146 = tpu.sem_alloc : memref<!tpu.dma_semaphore, #tpu.memory_space<semaphore_mem>>
      %dma_start3A_147 = arith.constant 0 : i32
      %dma_start3A_148 = arith.constant 0 : i32
      %dma_start3A_149 = tpu.memref_slice %arg12[%dma_start3A_147, %dma_start3A_148] : memref<128x128xf32, #tpu.memory_space<vmem>> -> memref<128x128xf32, #tpu.memory_space<vmem>>
      %dma_start3A_150 = arith.constant 0 : i32
      %dma_start3A_151 = tpu.memref_slice %arg23[%add3A_49, %dma_start3A_150] : memref<10240x128xf32, #tpu.memory_space<vmem_shared>> -> memref<128x128xf32, #tpu.memory_space<vmem_shared>>
      %dma_start3A_152 = arith.constant 0 : i32
      %dma_start3A_153 = tpu.memref_slice %arg23[%add3A_49, %dma_start3A_152] : memref<10240x128xf32, #tpu.memory_space<vmem_shared>> -> memref<128x128xf32, #tpu.memory_space<vmem_shared>>
      %dma_start3A_154 = arith.constant 0 : i32
      %dma_start3A_155 = arith.constant 0 : i32
      %dma_start3A_156 = tpu.memref_slice %arg12[%dma_start3A_154, %dma_start3A_155] : memref<128x128xf32, #tpu.memory_space<vmem>> -> memref<128x128xf32, #tpu.memory_space<vmem>>
      tpu.enqueue_dma source(%dma_start3A_156 : memref<128x128xf32, #tpu.memory_space<vmem>>) target(%dma_start3A_153 : memref<128x128xf32, #tpu.memory_space<vmem_shared>>) target_semaphore(%run_scoped3A_146 : memref<!tpu.dma_semaphore, #tpu.memory_space<semaphore_mem>>)
      %dma_wait3A_157 = arith.constant 0 : i32
      %dma_wait3A_158 = arith.constant 0 : i32
      %dma_wait3A_159 = tpu.memref_slice %arg12[%dma_wait3A_157, %dma_wait3A_158] : memref<128x128xf32, #tpu.memory_space<vmem>> -> memref<128x128xf32, #tpu.memory_space<vmem>>
      %dma_wait3A_160 = arith.constant 0 : i32
      %dma_wait3A_161 = tpu.memref_slice %arg23[%add3A_49, %dma_wait3A_160] : memref<10240x128xf32, #tpu.memory_space<vmem_shared>> -> memref<128x128xf32, #tpu.memory_space<vmem_shared>>
      %dma_wait3A_162 = arith.constant 0 : i32
      %dma_wait3A_163 = tpu.memref_slice %arg23[%add3A_49, %dma_wait3A_162] : memref<10240x128xf32, #tpu.memory_space<vmem_shared>> -> memref<128x128xf32, #tpu.memory_space<vmem_shared>>
      %dma_wait3A_164 = arith.constant 0 : i32
      %dma_wait3A_165 = arith.constant 0 : i32
      %dma_wait3A_166 = tpu.memref_slice %arg12[%dma_wait3A_164, %dma_wait3A_165] : memref<128x128xf32, #tpu.memory_space<vmem>> -> memref<128x128xf32, #tpu.memory_space<vmem>>
      tpu.wait_dma2 semaphore(%run_scoped3A_146 : memref<!tpu.dma_semaphore, #tpu.memory_space<semaphore_mem>>) src(%dma_wait3A_166 : memref<128x128xf32, #tpu.memory_space<vmem>>) dst(%dma_wait3A_163 : memref<128x128xf32, #tpu.memory_space<vmem_shared>>)
      tpu.yield
    }) : () -> ()
    %add3A_50 = arith.constant 256 : i32
    %add3A_51 = arith.addi %multiple_of3A_45, %add3A_50 : i32
    "tpu.region"() ({
      %run_scoped3A_146 = tpu.sem_alloc : memref<!tpu.dma_semaphore, #tpu.memory_space<semaphore_mem>>
      %dma_start3A_147 = arith.constant 0 : i32
      %dma_start3A_148 = arith.constant 0 : i32
      %dma_start3A_149 = tpu.memref_slice %arg12[%dma_start3A_147, %dma_start3A_148] : memref<128x128xf32, #tpu.memory_space<vmem>> -> memref<128x128xf32, #tpu.memory_space<vmem>>
      %dma_start3A_150 = arith.constant 0 : i32
      %dma_start3A_151 = tpu.memref_slice %arg23[%add3A_51, %dma_start3A_150] : memref<10240x128xf32, #tpu.memory_space<vmem_shared>> -> memref<128x128xf32, #tpu.memory_space<vmem_shared>>
      %dma_start3A_152 = arith.constant 0 : i32
      %dma_start3A_153 = tpu.memref_slice %arg23[%add3A_51, %dma_start3A_152] : memref<10240x128xf32, #tpu.memory_space<vmem_shared>> -> memref<128x128xf32, #tpu.memory_space<vmem_shared>>
      %dma_start3A_154 = arith.constant 0 : i32
      %dma_start3A_155 = arith.constant 0 : i32
      %dma_start3A_156 = tpu.memref_slice %arg12[%dma_start3A_154, %dma_start3A_155] : memref<128x128xf32, #tpu.memory_space<vmem>> -> memref<128x128xf32, #tpu.memory_space<vmem>>
      tpu.enqueue_dma source(%dma_start3A_156 : memref<128x128xf32, #tpu.memory_space<vmem>>) target(%dma_start3A_153 : memref<128x128xf32, #tpu.memory_space<vmem_shared>>) target_semaphore(%run_scoped3A_146 : memref<!tpu.dma_semaphore, #tpu.memory_space<semaphore_mem>>)
      %dma_wait3A_157 = arith.constant 0 : i32
      %dma_wait3A_158 = arith.constant 0 : i32
      %dma_wait3A_159 = tpu.memref_slice %arg12[%dma_wait3A_157, %dma_wait3A_158] : memref<128x128xf32, #tpu.memory_space<vmem>> -> memref<128x128xf32, #tpu.memory_space<vmem>>
      %dma_wait3A_160 = arith.constant 0 : i32
      %dma_wait3A_161 = tpu.memref_slice %arg23[%add3A_51, %dma_wait3A_160] : memref<10240x128xf32, #tpu.memory_space<vmem_shared>> -> memref<128x128xf32, #tpu.memory_space<vmem_shared>>
      %dma_wait3A_162 = arith.constant 0 : i32
      %dma_wait3A_163 = tpu.memref_slice %arg23[%add3A_51, %dma_wait3A_162] : memref<10240x128xf32, #tpu.memory_space<vmem_shared>> -> memref<128x128xf32, #tpu.memory_space<vmem_shared>>
      %dma_wait3A_164 = arith.constant 0 : i32
      %dma_wait3A_165 = arith.constant 0 : i32
      %dma_wait3A_166 = tpu.memref_slice %arg12[%dma_wait3A_164, %dma_wait3A_165] : memref<128x128xf32, #tpu.memory_space<vmem>> -> memref<128x128xf32, #tpu.memory_space<vmem>>
      tpu.wait_dma2 semaphore(%run_scoped3A_146 : memref<!tpu.dma_semaphore, #tpu.memory_space<semaphore_mem>>) src(%dma_wait3A_166 : memref<128x128xf32, #tpu.memory_space<vmem>>) dst(%dma_wait3A_163 : memref<128x128xf32, #tpu.memory_space<vmem_shared>>)
      tpu.yield
    }) : () -> ()
    %add3A_52 = arith.constant 384 : i32
    %add3A_53 = arith.addi %multiple_of3A_45, %add3A_52 : i32
    "tpu.region"() ({
      %run_scoped3A_146 = tpu.sem_alloc : memref<!tpu.dma_semaphore, #tpu.memory_space<semaphore_mem>>
      %dma_start3A_147 = arith.constant 0 : i32
      %dma_start3A_148 = arith.constant 0 : i32
      %dma_start3A_149 = tpu.memref_slice %arg12[%dma_start3A_147, %dma_start3A_148] : memref<128x128xf32, #tpu.memory_space<vmem>> -> memref<128x128xf32, #tpu.memory_space<vmem>>
      %dma_start3A_150 = arith.constant 0 : i32
      %dma_start3A_151 = tpu.memref_slice %arg23[%add3A_53, %dma_start3A_150] : memref<10240x128xf32, #tpu.memory_space<vmem_shared>> -> memref<128x128xf32, #tpu.memory_space<vmem_shared>>
      %dma_start3A_152 = arith.constant 0 : i32
      %dma_start3A_153 = tpu.memref_slice %arg23[%add3A_53, %dma_start3A_152] : memref<10240x128xf32, #tpu.memory_space<vmem_shared>> -> memref<128x128xf32, #tpu.memory_space<vmem_shared>>
      %dma_start3A_154 = arith.constant 0 : i32
      %dma_start3A_155 = arith.constant 0 : i32
      %dma_start3A_156 = tpu.memref_slice %arg12[%dma_start3A_154, %dma_start3A_155] : memref<128x128xf32, #tpu.memory_space<vmem>> -> memref<128x128xf32, #tpu.memory_space<vmem>>
      tpu.enqueue_dma source(%dma_start3A_156 : memref<128x128xf32, #tpu.memory_space<vmem>>) target(%dma_start3A_153 : memref<128x128xf32, #tpu.memory_space<vmem_shared>>) target_semaphore(%run_scoped3A_146 : memref<!tpu.dma_semaphore, #tpu.memory_space<semaphore_mem>>)
      %dma_wait3A_157 = arith.constant 0 : i32
      %dma_wait3A_158 = arith.constant 0 : i32
      %dma_wait3A_159 = tpu.memref_slice %arg12[%dma_wait3A_157, %dma_wait3A_158] : memref<128x128xf32, #tpu.memory_space<vmem>> -> memref<128x128xf32, #tpu.memory_space<vmem>>
      %dma_wait3A_160 = arith.constant 0 : i32
      %dma_wait3A_161 = tpu.memref_slice %arg23[%add3A_53, %dma_wait3A_160] : memref<10240x128xf32, #tpu.memory_space<vmem_shared>> -> memref<128x128xf32, #tpu.memory_space<vmem_shared>>
      %dma_wait3A_162 = arith.constant 0 : i32
      %dma_wait3A_163 = tpu.memref_slice %arg23[%add3A_53, %dma_wait3A_162] : memref<10240x128xf32, #tpu.memory_space<vmem_shared>> -> memref<128x128xf32, #tpu.memory_space<vmem_shared>>
      %dma_wait3A_164 = arith.constant 0 : i32
      %dma_wait3A_165 = arith.constant 0 : i32
      %dma_wait3A_166 = tpu.memref_slice %arg12[%dma_wait3A_164, %dma_wait3A_165] : memref<128x128xf32, #tpu.memory_space<vmem>> -> memref<128x128xf32, #tpu.memory_space<vmem>>
      tpu.wait_dma2 semaphore(%run_scoped3A_146 : memref<!tpu.dma_semaphore, #tpu.memory_space<semaphore_mem>>) src(%dma_wait3A_166 : memref<128x128xf32, #tpu.memory_space<vmem>>) dst(%dma_wait3A_163 : memref<128x128xf32, #tpu.memory_space<vmem_shared>>)
      tpu.yield
    }) : () -> ()
    %add3A_54 = arith.constant 512 : i32
    %add3A_55 = arith.addi %multiple_of3A_45, %add3A_54 : i32
    "tpu.region"() ({
      %run_scoped3A_146 = tpu.sem_alloc : memref<!tpu.dma_semaphore, #tpu.memory_space<semaphore_mem>>
      %dma_start3A_147 = arith.constant 0 : i32
      %dma_start3A_148 = arith.constant 0 : i32
      %dma_start3A_149 = tpu.memref_slice %arg12[%dma_start3A_147, %dma_start3A_148] : memref<128x128xf32, #tpu.memory_space<vmem>> -> memref<128x128xf32, #tpu.memory_space<vmem>>
      %dma_start3A_150 = arith.constant 0 : i32
      %dma_start3A_151 = tpu.memref_slice %arg23[%add3A_55, %dma_start3A_150] : memref<10240x128xf32, #tpu.memory_space<vmem_shared>> -> memref<128x128xf32, #tpu.memory_space<vmem_shared>>
      %dma_start3A_152 = arith.constant 0 : i32
      %dma_start3A_153 = tpu.memref_slice %arg23[%add3A_55, %dma_start3A_152] : memref<10240x128xf32, #tpu.memory_space<vmem_shared>> -> memref<128x128xf32, #tpu.memory_space<vmem_shared>>
      %dma_start3A_154 = arith.constant 0 : i32
      %dma_start3A_155 = arith.constant 0 : i32
      %dma_start3A_156 = tpu.memref_slice %arg12[%dma_start3A_154, %dma_start3A_155] : memref<128x128xf32, #tpu.memory_space<vmem>> -> memref<128x128xf32, #tpu.memory_space<vmem>>
      tpu.enqueue_dma source(%dma_start3A_156 : memref<128x128xf32, #tpu.memory_space<vmem>>) target(%dma_start3A_153 : memref<128x128xf32, #tpu.memory_space<vmem_shared>>) target_semaphore(%run_scoped3A_146 : memref<!tpu.dma_semaphore, #tpu.memory_space<semaphore_mem>>)
      %dma_wait3A_157 = arith.constant 0 : i32
      %dma_wait3A_158 = arith.constant 0 : i32
      %dma_wait3A_159 = tpu.memref_slice %arg12[%dma_wait3A_157, %dma_wait3A_158] : memref<128x128xf32, #tpu.memory_space<vmem>> -> memref<128x128xf32, #tpu.memory_space<vmem>>
      %dma_wait3A_160 = arith.constant 0 : i32
      %dma_wait3A_161 = tpu.memref_slice %arg23[%add3A_55, %dma_wait3A_160] : memref<10240x128xf32, #tpu.memory_space<vmem_shared>> -> memref<128x128xf32, #tpu.memory_space<vmem_shared>>
      %dma_wait3A_162 = arith.constant 0 : i32
      %dma_wait3A_163 = tpu.memref_slice %arg23[%add3A_55, %dma_wait3A_162] : memref<10240x128xf32, #tpu.memory_space<vmem_shared>> -> memref<128x128xf32, #tpu.memory_space<vmem_shared>>
      %dma_wait3A_164 = arith.constant 0 : i32
      %dma_wait3A_165 = arith.constant 0 : i32
      %dma_wait3A_166 = tpu.memref_slice %arg12[%dma_wait3A_164, %dma_wait3A_165] : memref<128x128xf32, #tpu.memory_space<vmem>> -> memref<128x128xf32, #tpu.memory_space<vmem>>
      tpu.wait_dma2 semaphore(%run_scoped3A_146 : memref<!tpu.dma_semaphore, #tpu.memory_space<semaphore_mem>>) src(%dma_wait3A_166 : memref<128x128xf32, #tpu.memory_space<vmem>>) dst(%dma_wait3A_163 : memref<128x128xf32, #tpu.memory_space<vmem_shared>>)
      tpu.yield
    }) : () -> ()
    %barrier3A_56 = arith.constant 0 : index
    tpu.barrier barrier_id(%barrier3A_56)
    %mul3A_57 = arith.constant 160000 : i32
    %mul3A_58 = arith.muli %arg0, %mul3A_57 : i32
    %mul3A_59 = arith.constant 10000 : i32
    %mul3A_60 = arith.muli %arg1, %mul3A_59 : i32
    %add3A_61 = arith.addi %mul3A_58, %mul3A_60 : i32
    %add3A_62 = arith.constant 0 : i32
    %add3A_63 = arith.addi %add3A_61, %add3A_62 : i32
    %multiple_of3A_64 = tpu.assume_multiple %add3A_63, 8 : i32
    %dma_start3A_65 = arith.constant 0 : i32
    %dma_start3A_66 = arith.constant 0 : i32
    %dma_start3A_67 = tpu.memref_slice %arg14[%dma_start3A_65, %dma_start3A_66] : memref<1x128xi32, #tpu.memory_space<vmem>> -> memref<1x128xi32, #tpu.memory_space<vmem>>
    %dma_start3A_68 = tpu.memref_squeeze %dma_start3A_67 : memref<1x128xi32, #tpu.memory_space<vmem>> -> memref<128xi32, #tpu.memory_space<vmem>>
    %dma_start3A_69 = tpu.memref_slice %arg2[%multiple_of3A_64] : memref<320000xi32, #tpu.memory_space<hbm>> -> memref<128xi32, #tpu.memory_space<hbm>>
    %dma_start3A_70 = arith.constant 0 : i32
    %dma_start3A_71 = tpu.memref_slice %arg14[%dma_start3A_65, %dma_start3A_70] : memref<1x128xi32, #tpu.memory_space<vmem>> -> memref<1x128xi32, #tpu.memory_space<vmem>>
    %dma_start3A_72 = tpu.memref_squeeze %dma_start3A_71 : memref<1x128xi32, #tpu.memory_space<vmem>> -> memref<128xi32, #tpu.memory_space<vmem>>
    %dma_start3A_73 = tpu.memref_slice %arg2[%multiple_of3A_64] : memref<320000xi32, #tpu.memory_space<hbm>> -> memref<128xi32, #tpu.memory_space<hbm>>
    tpu.enqueue_dma source(%dma_start3A_73 : memref<128xi32, #tpu.memory_space<hbm>>) target(%dma_start3A_72 : memref<128xi32, #tpu.memory_space<vmem>>) target_semaphore(%arg19 : memref<!tpu.dma_semaphore, #tpu.memory_space<semaphore_mem>>)
    %dma_start3A_74 = arith.constant 0 : i32
    %dma_start3A_75 = tpu.memref_slice %arg10[%dma_start3A_74] : memref<400xf32, #tpu.memory_space<vmem>> -> memref<128xf32, #tpu.memory_space<vmem>>
    %dma_start3A_76 = tpu.memref_slice %arg3[%multiple_of3A_64] : memref<320000xf32, #tpu.memory_space<hbm>> -> memref<128xf32, #tpu.memory_space<hbm>>
    %dma_start3A_77 = arith.constant 0 : i32
    %dma_start3A_78 = tpu.memref_slice %arg10[%dma_start3A_77] : memref<400xf32, #tpu.memory_space<vmem>> -> memref<128xf32, #tpu.memory_space<vmem>>
    %dma_start3A_79 = tpu.memref_slice %arg3[%multiple_of3A_64] : memref<320000xf32, #tpu.memory_space<hbm>> -> memref<128xf32, #tpu.memory_space<hbm>>
    tpu.enqueue_dma source(%dma_start3A_79 : memref<128xf32, #tpu.memory_space<hbm>>) target(%dma_start3A_78 : memref<128xf32, #tpu.memory_space<vmem>>) target_semaphore(%arg19 : memref<!tpu.dma_semaphore, #tpu.memory_space<semaphore_mem>>)
    %dma_start3A_80 = arith.constant 0 : i32
    %dma_start3A_81 = arith.constant 0 : i32
    %dma_start3A_82 = tpu.memref_slice %arg12[%dma_start3A_80, %dma_start3A_81] : memref<128x128xf32, #tpu.memory_space<vmem>> -> memref<128x128xf32, #tpu.memory_space<vmem>>
    %dma_start3A_83 = arith.constant 0 : i32
    %dma_start3A_84 = tpu.memref_slice %arg4[%multiple_of3A_64, %dma_start3A_83] : memref<320000x128xf32, #tpu.memory_space<hbm>> -> memref<128x128xf32, #tpu.memory_space<hbm>>
    %dma_start3A_85 = arith.constant 0 : i32
    %dma_start3A_86 = arith.constant 0 : i32
    %dma_start3A_87 = tpu.memref_slice %arg12[%dma_start3A_85, %dma_start3A_86] : memref<128x128xf32, #tpu.memory_space<vmem>> -> memref<128x128xf32, #tpu.memory_space<vmem>>
    %dma_start3A_88 = arith.constant 0 : i32
    %dma_start3A_89 = tpu.memref_slice %arg4[%multiple_of3A_64, %dma_start3A_88] : memref<320000x128xf32, #tpu.memory_space<hbm>> -> memref<128x128xf32, #tpu.memory_space<hbm>>
    tpu.enqueue_dma source(%dma_start3A_89 : memref<128x128xf32, #tpu.memory_space<hbm>>) target(%dma_start3A_87 : memref<128x128xf32, #tpu.memory_space<vmem>>) target_semaphore(%arg19 : memref<!tpu.dma_semaphore, #tpu.memory_space<semaphore_mem>>)
    %scan3A_90 = arith.constant 0 : i32
    %scan3A_91 = arith.constant 0 : i32
    %scan3A_92 = arith.constant 78 : i32
    %scan3A_93 = arith.addi %scan3A_91, %scan3A_92 : i32
    %scan3A_94 = arith.constant 1 : i32
    scf.for %scan3A_146 = %scan3A_91 to %scan3A_93 step %scan3A_94  : i32 {
      %jit3A = arith.constant 2 : i32
      %eq3A = arith.constant 0 : i32
      %eq3A_147 = arith.cmpi eq, %jit3A, %eq3A : i32
      %jit3A_148 = arith.constant 1 : i32
      %select_n3A = arith.select %eq3A_147, %jit3A_148, %jit3A : i32
      %rem3A = arith.remsi %scan3A_146, %select_n3A : i32
      %ne3A = arith.constant 0 : i32
      %ne3A_149 = arith.cmpi ne, %rem3A, %ne3A : i32
      %lt3A_150 = arith.constant 0 : i32
      %lt3A_151 = arith.cmpi slt, %rem3A, %lt3A_150 : i32
      %lt3A_152 = arith.constant 0 : i32
      %lt3A_153 = arith.cmpi slt, %select_n3A, %lt3A_152 : i32
      %ne3A_154 = arith.xori %lt3A_151, %lt3A_153 : i1
      %and3A_155 = arith.andi %ne3A_154, %ne3A_149 : i1
      %add3A_156 = arith.addi %rem3A, %select_n3A : i32
      %select_n3A_157 = arith.select %and3A_155, %add3A_156, %rem3A : i32
      %eq3A_158 = arith.constant 0 : i32
      %eq3A_159 = arith.cmpi eq, %select_n3A_157, %eq3A_158 : i32
      %convert_element_type3A_160 = arith.extui %eq3A_159 : i1 to i32
      %cond3A_161 = arith.constant 0 : i32
      %cond3A_162 = arith.cmpi ne, %convert_element_type3A_160, %cond3A_161 : i32
      scf.if %cond3A_162 {
        %add3A_184 = arith.constant 1 : i32
        %add3A_185 = arith.addi %scan3A_146, %add3A_184 : i32
        %lt3A_186 = arith.constant 78 : i32
        %lt3A_187 = arith.cmpi slt, %add3A_185, %lt3A_186 : i32
        %convert_element_type3A_188 = arith.extui %lt3A_187 : i1 to i32
        %cond3A_189 = arith.constant 0 : i32
        %cond3A_190 = arith.cmpi ne, %convert_element_type3A_188, %cond3A_189 : i32
        scf.if %cond3A_190 {
          %add3A_422 = arith.constant 1 : i32
          %add3A_423 = arith.addi %scan3A_146, %add3A_422 : i32
          %ge3A = arith.constant 2 : i32
          %ge3A_424 = arith.cmpi sge, %add3A_423, %ge3A : i32
          %convert_element_type3A_425 = arith.extui %ge3A_424 : i1 to i32
          %cond3A_426 = arith.constant 0 : i32
          %cond3A_427 = arith.cmpi ne, %convert_element_type3A_425, %cond3A_426 : i32
          scf.if %cond3A_427 {
            %dma_wait3A_462 = arith.constant 0 : i32
            %dma_wait3A_463 = arith.constant 0 : i32
            %dma_wait3A_464 = arith.constant 0 : i32
            %dma_wait3A_465 = tpu.memref_slice %arg13[%dma_wait3A_463, %dma_wait3A_464] : memref<128x128xf32, #tpu.memory_space<vmem>> -> memref<128x128xf32, #tpu.memory_space<vmem>>
            %dma_wait3A_466 = arith.constant 0 : i32
            %dma_wait3A_467 = tpu.memref_slice %arg15[%dma_wait3A_462, %dma_wait3A_466] : memref<1x128xi32, #tpu.memory_space<vmem>> -> memref<1x128xi32, #tpu.memory_space<vmem>>
            %dma_wait3A_468 = tpu.memref_squeeze %dma_wait3A_467 : memref<1x128xi32, #tpu.memory_space<vmem>> -> memref<128xi32, #tpu.memory_space<vmem>>
            %dma_wait3A_469 = arith.constant 0 : i32
            %dma_wait3A_470 = arith.constant 0 : i32
            %dma_wait3A_471 = tpu.memref_slice %arg23[%dma_wait3A_469, %dma_wait3A_470] : memref<10240x128xf32, #tpu.memory_space<vmem_shared>> -> memref<10240x128xf32, #tpu.memory_space<vmem_shared>>
            tpu.wait_indirect_dma semaphore(%arg22 : memref<!tpu.dma_semaphore, #tpu.memory_space<semaphore_mem>>) src(%dma_wait3A_465 : memref<128x128xf32, #tpu.memory_space<vmem>>) dst(%dma_wait3A_471 : memref<10240x128xf32, #tpu.memory_space<vmem_shared>>)
          } else {
          }
          %mul3A_428 = arith.constant 160000 : i32
          %mul3A_429 = arith.muli %arg0, %mul3A_428 : i32
          %mul3A_430 = arith.constant 10000 : i32
          %mul3A_431 = arith.muli %arg1, %mul3A_430 : i32
          %add3A_432 = arith.addi %mul3A_429, %mul3A_431 : i32
          %mul3A_433 = arith.constant 128 : i32
          %mul3A_434 = arith.muli %add3A_423, %mul3A_433 : i32
          %add3A_435 = arith.addi %add3A_432, %mul3A_434 : i32
          %multiple_of3A_436 = tpu.assume_multiple %add3A_435, 8 : i32
          %dma_start3A_437 = arith.constant 0 : i32
          %dma_start3A_438 = arith.constant 0 : i32
          %dma_start3A_439 = tpu.memref_slice %arg15[%dma_start3A_437, %dma_start3A_438] : memref<1x128xi32, #tpu.memory_space<vmem>> -> memref<1x128xi32, #tpu.memory_space<vmem>>
          %dma_start3A_440 = tpu.memref_squeeze %dma_start3A_439 : memref<1x128xi32, #tpu.memory_space<vmem>> -> memref<128xi32, #tpu.memory_space<vmem>>
          %dma_start3A_441 = tpu.memref_slice %arg2[%multiple_of3A_436] : memref<320000xi32, #tpu.memory_space<hbm>> -> memref<128xi32, #tpu.memory_space<hbm>>
          %dma_start3A_442 = arith.constant 0 : i32
          %dma_start3A_443 = tpu.memref_slice %arg15[%dma_start3A_437, %dma_start3A_442] : memref<1x128xi32, #tpu.memory_space<vmem>> -> memref<1x128xi32, #tpu.memory_space<vmem>>
          %dma_start3A_444 = tpu.memref_squeeze %dma_start3A_443 : memref<1x128xi32, #tpu.memory_space<vmem>> -> memref<128xi32, #tpu.memory_space<vmem>>
          %dma_start3A_445 = tpu.memref_slice %arg2[%multiple_of3A_436] : memref<320000xi32, #tpu.memory_space<hbm>> -> memref<128xi32, #tpu.memory_space<hbm>>
          tpu.enqueue_dma source(%dma_start3A_445 : memref<128xi32, #tpu.memory_space<hbm>>) target(%dma_start3A_444 : memref<128xi32, #tpu.memory_space<vmem>>) target_semaphore(%arg20 : memref<!tpu.dma_semaphore, #tpu.memory_space<semaphore_mem>>)
          %dma_start3A_446 = arith.constant 0 : i32
          %dma_start3A_447 = tpu.memref_slice %arg11[%dma_start3A_446] : memref<400xf32, #tpu.memory_space<vmem>> -> memref<128xf32, #tpu.memory_space<vmem>>
          %dma_start3A_448 = tpu.memref_slice %arg3[%multiple_of3A_436] : memref<320000xf32, #tpu.memory_space<hbm>> -> memref<128xf32, #tpu.memory_space<hbm>>
          %dma_start3A_449 = arith.constant 0 : i32
          %dma_start3A_450 = tpu.memref_slice %arg11[%dma_start3A_449] : memref<400xf32, #tpu.memory_space<vmem>> -> memref<128xf32, #tpu.memory_space<vmem>>
          %dma_start3A_451 = tpu.memref_slice %arg3[%multiple_of3A_436] : memref<320000xf32, #tpu.memory_space<hbm>> -> memref<128xf32, #tpu.memory_space<hbm>>
          tpu.enqueue_dma source(%dma_start3A_451 : memref<128xf32, #tpu.memory_space<hbm>>) target(%dma_start3A_450 : memref<128xf32, #tpu.memory_space<vmem>>) target_semaphore(%arg20 : memref<!tpu.dma_semaphore, #tpu.memory_space<semaphore_mem>>)
          %dma_start3A_452 = arith.constant 0 : i32
          %dma_start3A_453 = arith.constant 0 : i32
          %dma_start3A_454 = tpu.memref_slice %arg13[%dma_start3A_452, %dma_start3A_453] : memref<128x128xf32, #tpu.memory_space<vmem>> -> memref<128x128xf32, #tpu.memory_space<vmem>>
          %dma_start3A_455 = arith.constant 0 : i32
          %dma_start3A_456 = tpu.memref_slice %arg4[%multiple_of3A_436, %dma_start3A_455] : memref<320000x128xf32, #tpu.memory_space<hbm>> -> memref<128x128xf32, #tpu.memory_space<hbm>>
          %dma_start3A_457 = arith.constant 0 : i32
          %dma_start3A_458 = arith.constant 0 : i32
          %dma_start3A_459 = tpu.memref_slice %arg13[%dma_start3A_457, %dma_start3A_458] : memref<128x128xf32, #tpu.memory_space<vmem>> -> memref<128x128xf32, #tpu.memory_space<vmem>>
          %dma_start3A_460 = arith.constant 0 : i32
          %dma_start3A_461 = tpu.memref_slice %arg4[%multiple_of3A_436, %dma_start3A_460] : memref<320000x128xf32, #tpu.memory_space<hbm>> -> memref<128x128xf32, #tpu.memory_space<hbm>>
          tpu.enqueue_dma source(%dma_start3A_461 : memref<128x128xf32, #tpu.memory_space<hbm>>) target(%dma_start3A_459 : memref<128x128xf32, #tpu.memory_space<vmem>>) target_semaphore(%arg20 : memref<!tpu.dma_semaphore, #tpu.memory_space<semaphore_mem>>)
        } else {
        }
        %mul3A_191 = arith.constant 160000 : i32
        %mul3A_192 = arith.muli %arg0, %mul3A_191 : i32
        %mul3A_193 = arith.constant 10000 : i32
        %mul3A_194 = arith.muli %arg1, %mul3A_193 : i32
        %add3A_195 = arith.addi %mul3A_192, %mul3A_194 : i32
        %mul3A_196 = arith.constant 128 : i32
        %mul3A_197 = arith.muli %scan3A_146, %mul3A_196 : i32
        %add3A_198 = arith.addi %add3A_195, %mul3A_197 : i32
        %multiple_of3A_199 = tpu.assume_multiple %add3A_198, 8 : i32
        %dma_wait3A_200 = arith.constant 0 : i32
        %dma_wait3A_201 = arith.constant 0 : i32
        %dma_wait3A_202 = tpu.memref_slice %arg14[%dma_wait3A_200, %dma_wait3A_201] : memref<1x128xi32, #tpu.memory_space<vmem>> -> memref<1x128xi32, #tpu.memory_space<vmem>>
        %dma_wait3A_203 = tpu.memref_squeeze %dma_wait3A_202 : memref<1x128xi32, #tpu.memory_space<vmem>> -> memref<128xi32, #tpu.memory_space<vmem>>
        %dma_wait3A_204 = tpu.memref_slice %arg2[%multiple_of3A_199] : memref<320000xi32, #tpu.memory_space<hbm>> -> memref<128xi32, #tpu.memory_space<hbm>>
        %dma_wait3A_205 = arith.constant 0 : i32
        %dma_wait3A_206 = tpu.memref_slice %arg14[%dma_wait3A_200, %dma_wait3A_205] : memref<1x128xi32, #tpu.memory_space<vmem>> -> memref<1x128xi32, #tpu.memory_space<vmem>>
        %dma_wait3A_207 = tpu.memref_squeeze %dma_wait3A_206 : memref<1x128xi32, #tpu.memory_space<vmem>> -> memref<128xi32, #tpu.memory_space<vmem>>
        %dma_wait3A_208 = tpu.memref_slice %arg2[%multiple_of3A_199] : memref<320000xi32, #tpu.memory_space<hbm>> -> memref<128xi32, #tpu.memory_space<hbm>>
        tpu.wait_dma2 semaphore(%arg19 : memref<!tpu.dma_semaphore, #tpu.memory_space<semaphore_mem>>) src(%dma_wait3A_208 : memref<128xi32, #tpu.memory_space<hbm>>) dst(%dma_wait3A_207 : memref<128xi32, #tpu.memory_space<vmem>>)
        %dma_wait3A_209 = arith.constant 0 : i32
        %dma_wait3A_210 = tpu.memref_slice %arg10[%dma_wait3A_209] : memref<400xf32, #tpu.memory_space<vmem>> -> memref<128xf32, #tpu.memory_space<vmem>>
        %dma_wait3A_211 = tpu.memref_slice %arg3[%multiple_of3A_199] : memref<320000xf32, #tpu.memory_space<hbm>> -> memref<128xf32, #tpu.memory_space<hbm>>
        %dma_wait3A_212 = arith.constant 0 : i32
        %dma_wait3A_213 = tpu.memref_slice %arg10[%dma_wait3A_212] : memref<400xf32, #tpu.memory_space<vmem>> -> memref<128xf32, #tpu.memory_space<vmem>>
        %dma_wait3A_214 = tpu.memref_slice %arg3[%multiple_of3A_199] : memref<320000xf32, #tpu.memory_space<hbm>> -> memref<128xf32, #tpu.memory_space<hbm>>
        tpu.wait_dma2 semaphore(%arg19 : memref<!tpu.dma_semaphore, #tpu.memory_space<semaphore_mem>>) src(%dma_wait3A_214 : memref<128xf32, #tpu.memory_space<hbm>>) dst(%dma_wait3A_213 : memref<128xf32, #tpu.memory_space<vmem>>)
        %dma_wait3A_215 = arith.constant 0 : i32
        %dma_wait3A_216 = arith.constant 0 : i32
        %dma_wait3A_217 = tpu.memref_slice %arg12[%dma_wait3A_215, %dma_wait3A_216] : memref<128x128xf32, #tpu.memory_space<vmem>> -> memref<128x128xf32, #tpu.memory_space<vmem>>
        %dma_wait3A_218 = arith.constant 0 : i32
        %dma_wait3A_219 = tpu.memref_slice %arg4[%multiple_of3A_199, %dma_wait3A_218] : memref<320000x128xf32, #tpu.memory_space<hbm>> -> memref<128x128xf32, #tpu.memory_space<hbm>>
        %dma_wait3A_220 = arith.constant 0 : i32
        %dma_wait3A_221 = arith.constant 0 : i32
        %dma_wait3A_222 = tpu.memref_slice %arg12[%dma_wait3A_220, %dma_wait3A_221] : memref<128x128xf32, #tpu.memory_space<vmem>> -> memref<128x128xf32, #tpu.memory_space<vmem>>
        %dma_wait3A_223 = arith.constant 0 : i32
        %dma_wait3A_224 = tpu.memref_slice %arg4[%multiple_of3A_199, %dma_wait3A_223] : memref<320000x128xf32, #tpu.memory_space<hbm>> -> memref<128x128xf32, #tpu.memory_space<hbm>>
        tpu.wait_dma2 semaphore(%arg19 : memref<!tpu.dma_semaphore, #tpu.memory_space<semaphore_mem>>) src(%dma_wait3A_224 : memref<128x128xf32, #tpu.memory_space<hbm>>) dst(%dma_wait3A_222 : memref<128x128xf32, #tpu.memory_space<vmem>>)
        %get3A_225 = arith.constant 0 : i32
        %get3A_226 = arith.index_cast %get3A_225 : i32 to index
        %get3A_227 = arith.constant 0 : index
        %get3A_228 = tpu.vector_load %arg14[%get3A_226, %get3A_227] {strides = array<i32>} : memref<1x128xi32, #tpu.memory_space<vmem>>, vector<16xi32>,
        %shift_right_arithmetic3A_229 = arith.constant 7 : i32
        %shift_right_arithmetic3A_230 = vector.broadcast %shift_right_arithmetic3A_229 : i32 to vector<16xi32>
        %shift_right_arithmetic3A_231 = arith.shrsi %get3A_228, %shift_right_arithmetic3A_230 : vector<16xi32>
        %and3A_232 = arith.constant 127 : i32
        %and3A_233 = vector.broadcast %and3A_232 : i32 to vector<16xi32>
        %and3A_234 = arith.andi %get3A_228, %and3A_233 : vector<16xi32>
        %gather3A_235 = tpu.vector_load_idx %arg18[%shift_right_arithmetic3A_231, %and3A_234] : memref<80x128xf32, #tpu.memory_space<vmem>>[vector<16xi32>, vector<16xi32>], vector<16xf32>,
        %get3A_236 = arith.constant 0 : index
        %get3A_237 = tpu.vector_load %arg10[%get3A_236] {strides = array<i32>} : memref<400xf32, #tpu.memory_space<vmem>>, vector<16xf32>,
        %sub3A_238 = arith.constant 1.000000e+00 : f32
        %sub3A_239 = vector.broadcast %sub3A_238 : f32 to vector<16xf32>
        %sub3A_240 = arith.subf %gather3A_235, %sub3A_239 : vector<16xf32>
        %sub3A_241 = arith.subf %get3A_237, %sub3A_240 : vector<16xf32>
        %mul3A_242 = arith.constant 1.000000e-01 : f32
        %mul3A_243 = vector.broadcast %mul3A_242 : f32 to vector<16xf32>
        %mul3A_244 = arith.mulf %sub3A_241, %mul3A_243 : vector<16xf32>
        %exp3A_245 = math.exp %mul3A_244 : vector<16xf32>
        %swap3A_246 = arith.constant 0 : index
        %swap3A_247 = tpu.vector_load %arg17[%swap3A_246] {strides = array<i32>} : memref<128xf32, #tpu.memory_space<vmem>>, vector<16xf32>,
        tpu.vector_store %arg17[%swap3A_246], %exp3A_245 {strides = array<i32>} : memref<128xf32, #tpu.memory_space<vmem>>, vector<16xf32>,
        %get3A_248 = arith.constant 0 : i32
        %get3A_249 = arith.index_cast %get3A_248 : i32 to index
        %get3A_250 = arith.constant 16 : index
        %get3A_251 = tpu.vector_load %arg14[%get3A_249, %get3A_250] {strides = array<i32>} : memref<1x128xi32, #tpu.memory_space<vmem>>, vector<16xi32>,
        %shift_right_arithmetic3A_252 = arith.constant 7 : i32
        %shift_right_arithmetic3A_253 = vector.broadcast %shift_right_arithmetic3A_252 : i32 to vector<16xi32>
        %shift_right_arithmetic3A_254 = arith.shrsi %get3A_251, %shift_right_arithmetic3A_253 : vector<16xi32>
        %and3A_255 = arith.constant 127 : i32
        %and3A_256 = vector.broadcast %and3A_255 : i32 to vector<16xi32>
        %and3A_257 = arith.andi %get3A_251, %and3A_256 : vector<16xi32>
        %gather3A_258 = tpu.vector_load_idx %arg18[%shift_right_arithmetic3A_254, %and3A_257] : memref<80x128xf32, #tpu.memory_space<vmem>>[vector<16xi32>, vector<16xi32>], vector<16xf32>,
        %get3A_259 = arith.constant 16 : index
        %get3A_260 = tpu.vector_load %arg10[%get3A_259] {strides = array<i32>} : memref<400xf32, #tpu.memory_space<vmem>>, vector<16xf32>,
        %sub3A_261 = arith.constant 1.000000e+00 : f32
        %sub3A_262 = vector.broadcast %sub3A_261 : f32 to vector<16xf32>
        %sub3A_263 = arith.subf %gather3A_258, %sub3A_262 : vector<16xf32>
        %sub3A_264 = arith.subf %get3A_260, %sub3A_263 : vector<16xf32>
        %mul3A_265 = arith.constant 1.000000e-01 : f32
        %mul3A_266 = vector.broadcast %mul3A_265 : f32 to vector<16xf32>
        %mul3A_267 = arith.mulf %sub3A_264, %mul3A_266 : vector<16xf32>
        %exp3A_268 = math.exp %mul3A_267 : vector<16xf32>
        %swap3A_269 = arith.constant 16 : index
        %swap3A_270 = tpu.vector_load %arg17[%swap3A_269] {strides = array<i32>} : memref<128xf32, #tpu.memory_space<vmem>>, vector<16xf32>,
        tpu.vector_store %arg17[%swap3A_269], %exp3A_268 {strides = array<i32>} : memref<128xf32, #tpu.memory_space<vmem>>, vector<16xf32>,
        %get3A_271 = arith.constant 0 : i32
        %get3A_272 = arith.index_cast %get3A_271 : i32 to index
        %get3A_273 = arith.constant 32 : index
        %get3A_274 = tpu.vector_load %arg14[%get3A_272, %get3A_273] {strides = array<i32>} : memref<1x128xi32, #tpu.memory_space<vmem>>, vector<16xi32>,
        %shift_right_arithmetic3A_275 = arith.constant 7 : i32
        %shift_right_arithmetic3A_276 = vector.broadcast %shift_right_arithmetic3A_275 : i32 to vector<16xi32>
        %shift_right_arithmetic3A_277 = arith.shrsi %get3A_274, %shift_right_arithmetic3A_276 : vector<16xi32>
        %and3A_278 = arith.constant 127 : i32
        %and3A_279 = vector.broadcast %and3A_278 : i32 to vector<16xi32>
        %and3A_280 = arith.andi %get3A_274, %and3A_279 : vector<16xi32>
        %gather3A_281 = tpu.vector_load_idx %arg18[%shift_right_arithmetic3A_277, %and3A_280] : memref<80x128xf32, #tpu.memory_space<vmem>>[vector<16xi32>, vector<16xi32>], vector<16xf32>,
        %get3A_282 = arith.constant 32 : index
        %get3A_283 = tpu.vector_load %arg10[%get3A_282] {strides = array<i32>} : memref<400xf32, #tpu.memory_space<vmem>>, vector<16xf32>,
        %sub3A_284 = arith.constant 1.000000e+00 : f32
        %sub3A_285 = vector.broadcast %sub3A_284 : f32 to vector<16xf32>
        %sub3A_286 = arith.subf %gather3A_281, %sub3A_285 : vector<16xf32>
        %sub3A_287 = arith.subf %get3A_283, %sub3A_286 : vector<16xf32>
        %mul3A_288 = arith.constant 1.000000e-01 : f32
        %mul3A_289 = vector.broadcast %mul3A_288 : f32 to vector<16xf32>
        %mul3A_290 = arith.mulf %sub3A_287, %mul3A_289 : vector<16xf32>
        %exp3A_291 = math.exp %mul3A_290 : vector<16xf32>
        %swap3A_292 = arith.constant 32 : index
        %swap3A_293 = tpu.vector_load %arg17[%swap3A_292] {strides = array<i32>} : memref<128xf32, #tpu.memory_space<vmem>>, vector<16xf32>,
        tpu.vector_store %arg17[%swap3A_292], %exp3A_291 {strides = array<i32>} : memref<128xf32, #tpu.memory_space<vmem>>, vector<16xf32>,
        %get3A_294 = arith.constant 0 : i32
        %get3A_295 = arith.index_cast %get3A_294 : i32 to index
        %get3A_296 = arith.constant 48 : index
        %get3A_297 = tpu.vector_load %arg14[%get3A_295, %get3A_296] {strides = array<i32>} : memref<1x128xi32, #tpu.memory_space<vmem>>, vector<16xi32>,
        %shift_right_arithmetic3A_298 = arith.constant 7 : i32
        %shift_right_arithmetic3A_299 = vector.broadcast %shift_right_arithmetic3A_298 : i32 to vector<16xi32>
        %shift_right_arithmetic3A_300 = arith.shrsi %get3A_297, %shift_right_arithmetic3A_299 : vector<16xi32>
        %and3A_301 = arith.constant 127 : i32
        %and3A_302 = vector.broadcast %and3A_301 : i32 to vector<16xi32>
        %and3A_303 = arith.andi %get3A_297, %and3A_302 : vector<16xi32>
        %gather3A_304 = tpu.vector_load_idx %arg18[%shift_right_arithmetic3A_300, %and3A_303] : memref<80x128xf32, #tpu.memory_space<vmem>>[vector<16xi32>, vector<16xi32>], vector<16xf32>,
        %get3A_305 = arith.constant 48 : index
        %get3A_306 = tpu.vector_load %arg10[%get3A_305] {strides = array<i32>} : memref<400xf32, #tpu.memory_space<vmem>>, vector<16xf32>,
        %sub3A_307 = arith.constant 1.000000e+00 : f32
        %sub3A_308 = vector.broadcast %sub3A_307 : f32 to vector<16xf32>
        %sub3A_309 = arith.subf %gather3A_304, %sub3A_308 : vector<16xf32>
        %sub3A_310 = arith.subf %get3A_306, %sub3A_309 : vector<16xf32>
        %mul3A_311 = arith.constant 1.000000e-01 : f32
        %mul3A_312 = vector.broadcast %mul3A_311 : f32 to vector<16xf32>
        %mul3A_313 = arith.mulf %sub3A_310, %mul3A_312 : vector<16xf32>
        %exp3A_314 = math.exp %mul3A_313 : vector<16xf32>
        %swap3A_315 = arith.constant 48 : index
        %swap3A_316 = tpu.vector_load %arg17[%swap3A_315] {strides = array<i32>} : memref<128xf32, #tpu.memory_space<vmem>>, vector<16xf32>,
        tpu.vector_store %arg17[%swap3A_315], %exp3A_314 {strides = array<i32>} : memref<128xf32, #tpu.memory_space<vmem>>, vector<16xf32>,
        %get3A_317 = arith.constant 0 : i32
        %get3A_318 = arith.index_cast %get3A_317 : i32 to index
        %get3A_319 = arith.constant 64 : index
        %get3A_320 = tpu.vector_load %arg14[%get3A_318, %get3A_319] {strides = array<i32>} : memref<1x128xi32, #tpu.memory_space<vmem>>, vector<16xi32>,
        %shift_right_arithmetic3A_321 = arith.constant 7 : i32
        %shift_right_arithmetic3A_322 = vector.broadcast %shift_right_arithmetic3A_321 : i32 to vector<16xi32>
        %shift_right_arithmetic3A_323 = arith.shrsi %get3A_320, %shift_right_arithmetic3A_322 : vector<16xi32>
        %and3A_324 = arith.constant 127 : i32
        %and3A_325 = vector.broadcast %and3A_324 : i32 to vector<16xi32>
        %and3A_326 = arith.andi %get3A_320, %and3A_325 : vector<16xi32>
        %gather3A_327 = tpu.vector_load_idx %arg18[%shift_right_arithmetic3A_323, %and3A_326] : memref<80x128xf32, #tpu.memory_space<vmem>>[vector<16xi32>, vector<16xi32>], vector<16xf32>,
        %get3A_328 = arith.constant 64 : index
        %get3A_329 = tpu.vector_load %arg10[%get3A_328] {strides = array<i32>} : memref<400xf32, #tpu.memory_space<vmem>>, vector<16xf32>,
        %sub3A_330 = arith.constant 1.000000e+00 : f32
        %sub3A_331 = vector.broadcast %sub3A_330 : f32 to vector<16xf32>
        %sub3A_332 = arith.subf %gather3A_327, %sub3A_331 : vector<16xf32>
        %sub3A_333 = arith.subf %get3A_329, %sub3A_332 : vector<16xf32>
        %mul3A_334 = arith.constant 1.000000e-01 : f32
        %mul3A_335 = vector.broadcast %mul3A_334 : f32 to vector<16xf32>
        %mul3A_336 = arith.mulf %sub3A_333, %mul3A_335 : vector<16xf32>
        %exp3A_337 = math.exp %mul3A_336 : vector<16xf32>
        %swap3A_338 = arith.constant 64 : index
        %swap3A_339 = tpu.vector_load %arg17[%swap3A_338] {strides = array<i32>} : memref<128xf32, #tpu.memory_space<vmem>>, vector<16xf32>,
        tpu.vector_store %arg17[%swap3A_338], %exp3A_337 {strides = array<i32>} : memref<128xf32, #tpu.memory_space<vmem>>, vector<16xf32>,
        %get3A_340 = arith.constant 0 : i32
        %get3A_341 = arith.index_cast %get3A_340 : i32 to index
        %get3A_342 = arith.constant 80 : index
        %get3A_343 = tpu.vector_load %arg14[%get3A_341, %get3A_342] {strides = array<i32>} : memref<1x128xi32, #tpu.memory_space<vmem>>, vector<16xi32>,
        %shift_right_arithmetic3A_344 = arith.constant 7 : i32
        %shift_right_arithmetic3A_345 = vector.broadcast %shift_right_arithmetic3A_344 : i32 to vector<16xi32>
        %shift_right_arithmetic3A_346 = arith.shrsi %get3A_343, %shift_right_arithmetic3A_345 : vector<16xi32>
        %and3A_347 = arith.constant 127 : i32
        %and3A_348 = vector.broadcast %and3A_347 : i32 to vector<16xi32>
        %and3A_349 = arith.andi %get3A_343, %and3A_348 : vector<16xi32>
        %gather3A_350 = tpu.vector_load_idx %arg18[%shift_right_arithmetic3A_346, %and3A_349] : memref<80x128xf32, #tpu.memory_space<vmem>>[vector<16xi32>, vector<16xi32>], vector<16xf32>,
        %get3A_351 = arith.constant 80 : index
        %get3A_352 = tpu.vector_load %arg10[%get3A_351] {strides = array<i32>} : memref<400xf32, #tpu.memory_space<vmem>>, vector<16xf32>,
        %sub3A_353 = arith.constant 1.000000e+00 : f32
        %sub3A_354 = vector.broadcast %sub3A_353 : f32 to vector<16xf32>
        %sub3A_355 = arith.subf %gather3A_350, %sub3A_354 : vector<16xf32>
        %sub3A_356 = arith.subf %get3A_352, %sub3A_355 : vector<16xf32>
        %mul3A_357 = arith.constant 1.000000e-01 : f32
        %mul3A_358 = vector.broadcast %mul3A_357 : f32 to vector<16xf32>
        %mul3A_359 = arith.mulf %sub3A_356, %mul3A_358 : vector<16xf32>
        %exp3A_360 = math.exp %mul3A_359 : vector<16xf32>
        %swap3A_361 = arith.constant 80 : index
        %swap3A_362 = tpu.vector_load %arg17[%swap3A_361] {strides = array<i32>} : memref<128xf32, #tpu.memory_space<vmem>>, vector<16xf32>,
        tpu.vector_store %arg17[%swap3A_361], %exp3A_360 {strides = array<i32>} : memref<128xf32, #tpu.memory_space<vmem>>, vector<16xf32>,
        %get3A_363 = arith.constant 0 : i32
        %get3A_364 = arith.index_cast %get3A_363 : i32 to index
        %get3A_365 = arith.constant 96 : index
        %get3A_366 = tpu.vector_load %arg14[%get3A_364, %get3A_365] {strides = array<i32>} : memref<1x128xi32, #tpu.memory_space<vmem>>, vector<16xi32>,
        %shift_right_arithmetic3A_367 = arith.constant 7 : i32
        %shift_right_arithmetic3A_368 = vector.broadcast %shift_right_arithmetic3A_367 : i32 to vector<16xi32>
        %shift_right_arithmetic3A_369 = arith.shrsi %get3A_366, %shift_right_arithmetic3A_368 : vector<16xi32>
        %and3A_370 = arith.constant 127 : i32
        %and3A_371 = vector.broadcast %and3A_370 : i32 to vector<16xi32>
        %and3A_372 = arith.andi %get3A_366, %and3A_371 : vector<16xi32>
        %gather3A_373 = tpu.vector_load_idx %arg18[%shift_right_arithmetic3A_369, %and3A_372] : memref<80x128xf32, #tpu.memory_space<vmem>>[vector<16xi32>, vector<16xi32>], vector<16xf32>,
        %get3A_374 = arith.constant 96 : index
        %get3A_375 = tpu.vector_load %arg10[%get3A_374] {strides = array<i32>} : memref<400xf32, #tpu.memory_space<vmem>>, vector<16xf32>,
        %sub3A_376 = arith.constant 1.000000e+00 : f32
        %sub3A_377 = vector.broadcast %sub3A_376 : f32 to vector<16xf32>
        %sub3A_378 = arith.subf %gather3A_373, %sub3A_377 : vector<16xf32>
        %sub3A_379 = arith.subf %get3A_375, %sub3A_378 : vector<16xf32>
        %mul3A_380 = arith.constant 1.000000e-01 : f32
        %mul3A_381 = vector.broadcast %mul3A_380 : f32 to vector<16xf32>
        %mul3A_382 = arith.mulf %sub3A_379, %mul3A_381 : vector<16xf32>
        %exp3A_383 = math.exp %mul3A_382 : vector<16xf32>
        %swap3A_384 = arith.constant 96 : index
        %swap3A_385 = tpu.vector_load %arg17[%swap3A_384] {strides = array<i32>} : memref<128xf32, #tpu.memory_space<vmem>>, vector<16xf32>,
        tpu.vector_store %arg17[%swap3A_384], %exp3A_383 {strides = array<i32>} : memref<128xf32, #tpu.memory_space<vmem>>, vector<16xf32>,
        %get3A_386 = arith.constant 0 : i32
        %get3A_387 = arith.index_cast %get3A_386 : i32 to index
        %get3A_388 = arith.constant 112 : index
        %get3A_389 = tpu.vector_load %arg14[%get3A_387, %get3A_388] {strides = array<i32>} : memref<1x128xi32, #tpu.memory_space<vmem>>, vector<16xi32>,
        %shift_right_arithmetic3A_390 = arith.constant 7 : i32
        %shift_right_arithmetic3A_391 = vector.broadcast %shift_right_arithmetic3A_390 : i32 to vector<16xi32>
        %shift_right_arithmetic3A_392 = arith.shrsi %get3A_389, %shift_right_arithmetic3A_391 : vector<16xi32>
        %and3A_393 = arith.constant 127 : i32
        %and3A_394 = vector.broadcast %and3A_393 : i32 to vector<16xi32>
        %and3A_395 = arith.andi %get3A_389, %and3A_394 : vector<16xi32>
        %gather3A_396 = tpu.vector_load_idx %arg18[%shift_right_arithmetic3A_392, %and3A_395] : memref<80x128xf32, #tpu.memory_space<vmem>>[vector<16xi32>, vector<16xi32>], vector<16xf32>,
        %get3A_397 = arith.constant 112 : index
        %get3A_398 = tpu.vector_load %arg10[%get3A_397] {strides = array<i32>} : memref<400xf32, #tpu.memory_space<vmem>>, vector<16xf32>,
        %sub3A_399 = arith.constant 1.000000e+00 : f32
        %sub3A_400 = vector.broadcast %sub3A_399 : f32 to vector<16xf32>
        %sub3A_401 = arith.subf %gather3A_396, %sub3A_400 : vector<16xf32>
        %sub3A_402 = arith.subf %get3A_398, %sub3A_401 : vector<16xf32>
        %mul3A_403 = arith.constant 1.000000e-01 : f32
        %mul3A_404 = vector.broadcast %mul3A_403 : f32 to vector<16xf32>
        %mul3A_405 = arith.mulf %sub3A_402, %mul3A_404 : vector<16xf32>
        %exp3A_406 = math.exp %mul3A_405 : vector<16xf32>
        %swap3A_407 = arith.constant 112 : index
        %swap3A_408 = tpu.vector_load %arg17[%swap3A_407] {strides = array<i32>} : memref<128xf32, #tpu.memory_space<vmem>>, vector<16xf32>,
        tpu.vector_store %arg17[%swap3A_407], %exp3A_406 {strides = array<i32>} : memref<128xf32, #tpu.memory_space<vmem>>, vector<16xf32>,
        %parallel_loop3A_409 = arith.constant 0 : i32
        %parallel_loop3A_410 = arith.constant 128 : i32
        %parallel_loop3A_411 = arith.constant 1 : i32
        scf.for %parallel_loop3A_422 = %parallel_loop3A_409 to %parallel_loop3A_410 step %parallel_loop3A_411  : i32 {
          %parallel_loop3A_423 = vector.broadcast %parallel_loop3A_422 : i32 to vector<16xi32>
          %parallel_loop3A_424 = tpu.vector_load_idx %arg17[%parallel_loop3A_423] : memref<128xf32, #tpu.memory_space<vmem>>[vector<16xi32>], vector<16xf32>,
          %parallel_loop3A_425 = arith.index_cast %parallel_loop3A_422 : i32 to index
          %parallel_loop3A_426 = arith.constant 0 : index
          %parallel_loop3A_427 = tpu.vector_load %arg12[%parallel_loop3A_425, %parallel_loop3A_426] {strides = array<i32>} : memref<128x128xf32, #tpu.memory_space<vmem>>, vector<16xf32>,
          %parallel_loop3A_428 = arith.mulf %parallel_loop3A_427, %parallel_loop3A_424 : vector<16xf32>
          %parallel_loop3A_429 = arith.index_cast %parallel_loop3A_422 : i32 to index
          %parallel_loop3A_430 = arith.constant 0 : index
          %parallel_loop3A_431 = tpu.vector_load %arg12[%parallel_loop3A_429, %parallel_loop3A_430] {strides = array<i32>} : memref<128x128xf32, #tpu.memory_space<vmem>>, vector<16xf32>,
          tpu.vector_store %arg12[%parallel_loop3A_429, %parallel_loop3A_430], %parallel_loop3A_428 {strides = array<i32>} : memref<128x128xf32, #tpu.memory_space<vmem>>, vector<16xf32>,
          %parallel_loop3A_432 = arith.index_cast %parallel_loop3A_422 : i32 to index
          %parallel_loop3A_433 = arith.constant 16 : index
          %parallel_loop3A_434 = tpu.vector_load %arg12[%parallel_loop3A_432, %parallel_loop3A_433] {strides = array<i32>} : memref<128x128xf32, #tpu.memory_space<vmem>>, vector<16xf32>,
          %parallel_loop3A_435 = arith.mulf %parallel_loop3A_434, %parallel_loop3A_424 : vector<16xf32>
          %parallel_loop3A_436 = arith.index_cast %parallel_loop3A_422 : i32 to index
          %parallel_loop3A_437 = arith.constant 16 : index
          %parallel_loop3A_438 = tpu.vector_load %arg12[%parallel_loop3A_436, %parallel_loop3A_437] {strides = array<i32>} : memref<128x128xf32, #tpu.memory_space<vmem>>, vector<16xf32>,
          tpu.vector_store %arg12[%parallel_loop3A_436, %parallel_loop3A_437], %parallel_loop3A_435 {strides = array<i32>} : memref<128x128xf32, #tpu.memory_space<vmem>>, vector<16xf32>,
          %parallel_loop3A_439 = arith.index_cast %parallel_loop3A_422 : i32 to index
          %parallel_loop3A_440 = arith.constant 32 : index
          %parallel_loop3A_441 = tpu.vector_load %arg12[%parallel_loop3A_439, %parallel_loop3A_440] {strides = array<i32>} : memref<128x128xf32, #tpu.memory_space<vmem>>, vector<16xf32>,
          %parallel_loop3A_442 = arith.mulf %parallel_loop3A_441, %parallel_loop3A_424 : vector<16xf32>
          %parallel_loop3A_443 = arith.index_cast %parallel_loop3A_422 : i32 to index
          %parallel_loop3A_444 = arith.constant 32 : index
          %parallel_loop3A_445 = tpu.vector_load %arg12[%parallel_loop3A_443, %parallel_loop3A_444] {strides = array<i32>} : memref<128x128xf32, #tpu.memory_space<vmem>>, vector<16xf32>,
          tpu.vector_store %arg12[%parallel_loop3A_443, %parallel_loop3A_444], %parallel_loop3A_442 {strides = array<i32>} : memref<128x128xf32, #tpu.memory_space<vmem>>, vector<16xf32>,
          %parallel_loop3A_446 = arith.index_cast %parallel_loop3A_422 : i32 to index
          %parallel_loop3A_447 = arith.constant 48 : index
          %parallel_loop3A_448 = tpu.vector_load %arg12[%parallel_loop3A_446, %parallel_loop3A_447] {strides = array<i32>} : memref<128x128xf32, #tpu.memory_space<vmem>>, vector<16xf32>,
          %parallel_loop3A_449 = arith.mulf %parallel_loop3A_448, %parallel_loop3A_424 : vector<16xf32>
          %parallel_loop3A_450 = arith.index_cast %parallel_loop3A_422 : i32 to index
          %parallel_loop3A_451 = arith.constant 48 : index
          %parallel_loop3A_452 = tpu.vector_load %arg12[%parallel_loop3A_450, %parallel_loop3A_451] {strides = array<i32>} : memref<128x128xf32, #tpu.memory_space<vmem>>, vector<16xf32>,
          tpu.vector_store %arg12[%parallel_loop3A_450, %parallel_loop3A_451], %parallel_loop3A_449 {strides = array<i32>} : memref<128x128xf32, #tpu.memory_space<vmem>>, vector<16xf32>,
          %parallel_loop3A_453 = arith.index_cast %parallel_loop3A_422 : i32 to index
          %parallel_loop3A_454 = arith.constant 64 : index
          %parallel_loop3A_455 = tpu.vector_load %arg12[%parallel_loop3A_453, %parallel_loop3A_454] {strides = array<i32>} : memref<128x128xf32, #tpu.memory_space<vmem>>, vector<16xf32>,
          %parallel_loop3A_456 = arith.mulf %parallel_loop3A_455, %parallel_loop3A_424 : vector<16xf32>
          %parallel_loop3A_457 = arith.index_cast %parallel_loop3A_422 : i32 to index
          %parallel_loop3A_458 = arith.constant 64 : index
          %parallel_loop3A_459 = tpu.vector_load %arg12[%parallel_loop3A_457, %parallel_loop3A_458] {strides = array<i32>} : memref<128x128xf32, #tpu.memory_space<vmem>>, vector<16xf32>,
          tpu.vector_store %arg12[%parallel_loop3A_457, %parallel_loop3A_458], %parallel_loop3A_456 {strides = array<i32>} : memref<128x128xf32, #tpu.memory_space<vmem>>, vector<16xf32>,
          %parallel_loop3A_460 = arith.index_cast %parallel_loop3A_422 : i32 to index
          %parallel_loop3A_461 = arith.constant 80 : index
          %parallel_loop3A_462 = tpu.vector_load %arg12[%parallel_loop3A_460, %parallel_loop3A_461] {strides = array<i32>} : memref<128x128xf32, #tpu.memory_space<vmem>>, vector<16xf32>,
          %parallel_loop3A_463 = arith.mulf %parallel_loop3A_462, %parallel_loop3A_424 : vector<16xf32>
          %parallel_loop3A_464 = arith.index_cast %parallel_loop3A_422 : i32 to index
          %parallel_loop3A_465 = arith.constant 80 : index
          %parallel_loop3A_466 = tpu.vector_load %arg12[%parallel_loop3A_464, %parallel_loop3A_465] {strides = array<i32>} : memref<128x128xf32, #tpu.memory_space<vmem>>, vector<16xf32>,
          tpu.vector_store %arg12[%parallel_loop3A_464, %parallel_loop3A_465], %parallel_loop3A_463 {strides = array<i32>} : memref<128x128xf32, #tpu.memory_space<vmem>>, vector<16xf32>,
          %parallel_loop3A_467 = arith.index_cast %parallel_loop3A_422 : i32 to index
          %parallel_loop3A_468 = arith.constant 96 : index
          %parallel_loop3A_469 = tpu.vector_load %arg12[%parallel_loop3A_467, %parallel_loop3A_468] {strides = array<i32>} : memref<128x128xf32, #tpu.memory_space<vmem>>, vector<16xf32>,
          %parallel_loop3A_470 = arith.mulf %parallel_loop3A_469, %parallel_loop3A_424 : vector<16xf32>
          %parallel_loop3A_471 = arith.index_cast %parallel_loop3A_422 : i32 to index
          %parallel_loop3A_472 = arith.constant 96 : index
          %parallel_loop3A_473 = tpu.vector_load %arg12[%parallel_loop3A_471, %parallel_loop3A_472] {strides = array<i32>} : memref<128x128xf32, #tpu.memory_space<vmem>>, vector<16xf32>,
          tpu.vector_store %arg12[%parallel_loop3A_471, %parallel_loop3A_472], %parallel_loop3A_470 {strides = array<i32>} : memref<128x128xf32, #tpu.memory_space<vmem>>, vector<16xf32>,
          %parallel_loop3A_474 = arith.index_cast %parallel_loop3A_422 : i32 to index
          %parallel_loop3A_475 = arith.constant 112 : index
          %parallel_loop3A_476 = tpu.vector_load %arg12[%parallel_loop3A_474, %parallel_loop3A_475] {strides = array<i32>} : memref<128x128xf32, #tpu.memory_space<vmem>>, vector<16xf32>,
          %parallel_loop3A_477 = arith.mulf %parallel_loop3A_476, %parallel_loop3A_424 : vector<16xf32>
          %parallel_loop3A_478 = arith.index_cast %parallel_loop3A_422 : i32 to index
          %parallel_loop3A_479 = arith.constant 112 : index
          %parallel_loop3A_480 = tpu.vector_load %arg12[%parallel_loop3A_478, %parallel_loop3A_479] {strides = array<i32>} : memref<128x128xf32, #tpu.memory_space<vmem>>, vector<16xf32>,
          tpu.vector_store %arg12[%parallel_loop3A_478, %parallel_loop3A_479], %parallel_loop3A_477 {strides = array<i32>} : memref<128x128xf32, #tpu.memory_space<vmem>>, vector<16xf32>,
        } {sc.loop_unroll_factor = 4 : i64, sc.parallel_access}
        %dma_start3A_412 = arith.constant 0 : i32
        %dma_start3A_413 = arith.constant 0 : i32
        %dma_start3A_414 = arith.constant 0 : i32
        %dma_start3A_415 = tpu.memref_slice %arg12[%dma_start3A_413, %dma_start3A_414] : memref<128x128xf32, #tpu.memory_space<vmem>> -> memref<128x128xf32, #tpu.memory_space<vmem>>
        %dma_start3A_416 = arith.constant 0 : i32
        %dma_start3A_417 = tpu.memref_slice %arg14[%dma_start3A_412, %dma_start3A_416] : memref<1x128xi32, #tpu.memory_space<vmem>> -> memref<1x128xi32, #tpu.memory_space<vmem>>
        %dma_start3A_418 = tpu.memref_squeeze %dma_start3A_417 : memref<1x128xi32, #tpu.memory_space<vmem>> -> memref<128xi32, #tpu.memory_space<vmem>>
        %dma_start3A_419 = arith.constant 0 : i32
        %dma_start3A_420 = arith.constant 0 : i32
        %dma_start3A_421 = tpu.memref_slice %arg23[%dma_start3A_419, %dma_start3A_420] : memref<10240x128xf32, #tpu.memory_space<vmem_shared>> -> memref<10240x128xf32, #tpu.memory_space<vmem_shared>>
        tpu.enqueue_indirect_dma source(%dma_start3A_415 : memref<128x128xf32, #tpu.memory_space<vmem>>) target(%dma_start3A_421 : memref<10240x128xf32, #tpu.memory_space<vmem_shared>>) offsets(%dma_start3A_418 : memref<128xi32, #tpu.memory_space<vmem>>) semaphore(%arg21 : memref<!tpu.dma_semaphore, #tpu.memory_space<semaphore_mem>>) {add = true}
      } else {
      }
      %jit3A_163 = arith.constant 2 : i32
      %eq3A_164 = arith.constant 0 : i32
      %eq3A_165 = arith.cmpi eq, %jit3A_163, %eq3A_164 : i32
      %jit3A_166 = arith.constant 1 : i32
      %select_n3A_167 = arith.select %eq3A_165, %jit3A_166, %jit3A_163 : i32
      %rem3A_168 = arith.remsi %scan3A_146, %select_n3A_167 : i32
      %ne3A_169 = arith.constant 0 : i32
      %ne3A_170 = arith.cmpi ne, %rem3A_168, %ne3A_169 : i32
      %lt3A_171 = arith.constant 0 : i32
      %lt3A_172 = arith.cmpi slt, %rem3A_168, %lt3A_171 : i32
      %lt3A_173 = arith.constant 0 : i32
      %lt3A_174 = arith.cmpi slt, %select_n3A_167, %lt3A_173 : i32
      %ne3A_175 = arith.xori %lt3A_172, %lt3A_174 : i1
      %and3A_176 = arith.andi %ne3A_175, %ne3A_170 : i1
      %add3A_177 = arith.addi %rem3A_168, %select_n3A_167 : i32
      %select_n3A_178 = arith.select %and3A_176, %add3A_177, %rem3A_168 : i32
      %eq3A_179 = arith.constant 1 : i32
      %eq3A_180 = arith.cmpi eq, %select_n3A_178, %eq3A_179 : i32
      %convert_element_type3A_181 = arith.extui %eq3A_180 : i1 to i32
      %cond3A_182 = arith.constant 0 : i32
      %cond3A_183 = arith.cmpi ne, %convert_element_type3A_181, %cond3A_182 : i32
      scf.if %cond3A_183 {
        %add3A_184 = arith.constant 1 : i32
        %add3A_185 = arith.addi %scan3A_146, %add3A_184 : i32
        %lt3A_186 = arith.constant 78 : i32
        %lt3A_187 = arith.cmpi slt, %add3A_185, %lt3A_186 : i32
        %convert_element_type3A_188 = arith.extui %lt3A_187 : i1 to i32
        %cond3A_189 = arith.constant 0 : i32
        %cond3A_190 = arith.cmpi ne, %convert_element_type3A_188, %cond3A_189 : i32
        scf.if %cond3A_190 {
          %add3A_422 = arith.constant 1 : i32
          %add3A_423 = arith.addi %scan3A_146, %add3A_422 : i32
          %ge3A = arith.constant 2 : i32
          %ge3A_424 = arith.cmpi sge, %add3A_423, %ge3A : i32
          %convert_element_type3A_425 = arith.extui %ge3A_424 : i1 to i32
          %cond3A_426 = arith.constant 0 : i32
          %cond3A_427 = arith.cmpi ne, %convert_element_type3A_425, %cond3A_426 : i32
          scf.if %cond3A_427 {
            %dma_wait3A_462 = arith.constant 0 : i32
            %dma_wait3A_463 = arith.constant 0 : i32
            %dma_wait3A_464 = arith.constant 0 : i32
            %dma_wait3A_465 = tpu.memref_slice %arg12[%dma_wait3A_463, %dma_wait3A_464] : memref<128x128xf32, #tpu.memory_space<vmem>> -> memref<128x128xf32, #tpu.memory_space<vmem>>
            %dma_wait3A_466 = arith.constant 0 : i32
            %dma_wait3A_467 = tpu.memref_slice %arg14[%dma_wait3A_462, %dma_wait3A_466] : memref<1x128xi32, #tpu.memory_space<vmem>> -> memref<1x128xi32, #tpu.memory_space<vmem>>
            %dma_wait3A_468 = tpu.memref_squeeze %dma_wait3A_467 : memref<1x128xi32, #tpu.memory_space<vmem>> -> memref<128xi32, #tpu.memory_space<vmem>>
            %dma_wait3A_469 = arith.constant 0 : i32
            %dma_wait3A_470 = arith.constant 0 : i32
            %dma_wait3A_471 = tpu.memref_slice %arg23[%dma_wait3A_469, %dma_wait3A_470] : memref<10240x128xf32, #tpu.memory_space<vmem_shared>> -> memref<10240x128xf32, #tpu.memory_space<vmem_shared>>
            tpu.wait_indirect_dma semaphore(%arg21 : memref<!tpu.dma_semaphore, #tpu.memory_space<semaphore_mem>>) src(%dma_wait3A_465 : memref<128x128xf32, #tpu.memory_space<vmem>>) dst(%dma_wait3A_471 : memref<10240x128xf32, #tpu.memory_space<vmem_shared>>)
          } else {
          }
          %mul3A_428 = arith.constant 160000 : i32
          %mul3A_429 = arith.muli %arg0, %mul3A_428 : i32
          %mul3A_430 = arith.constant 10000 : i32
          %mul3A_431 = arith.muli %arg1, %mul3A_430 : i32
          %add3A_432 = arith.addi %mul3A_429, %mul3A_431 : i32
          %mul3A_433 = arith.constant 128 : i32
          %mul3A_434 = arith.muli %add3A_423, %mul3A_433 : i32
          %add3A_435 = arith.addi %add3A_432, %mul3A_434 : i32
          %multiple_of3A_436 = tpu.assume_multiple %add3A_435, 8 : i32
          %dma_start3A_437 = arith.constant 0 : i32
          %dma_start3A_438 = arith.constant 0 : i32
          %dma_start3A_439 = tpu.memref_slice %arg14[%dma_start3A_437, %dma_start3A_438] : memref<1x128xi32, #tpu.memory_space<vmem>> -> memref<1x128xi32, #tpu.memory_space<vmem>>
          %dma_start3A_440 = tpu.memref_squeeze %dma_start3A_439 : memref<1x128xi32, #tpu.memory_space<vmem>> -> memref<128xi32, #tpu.memory_space<vmem>>
          %dma_start3A_441 = tpu.memref_slice %arg2[%multiple_of3A_436] : memref<320000xi32, #tpu.memory_space<hbm>> -> memref<128xi32, #tpu.memory_space<hbm>>
          %dma_start3A_442 = arith.constant 0 : i32
          %dma_start3A_443 = tpu.memref_slice %arg14[%dma_start3A_437, %dma_start3A_442] : memref<1x128xi32, #tpu.memory_space<vmem>> -> memref<1x128xi32, #tpu.memory_space<vmem>>
          %dma_start3A_444 = tpu.memref_squeeze %dma_start3A_443 : memref<1x128xi32, #tpu.memory_space<vmem>> -> memref<128xi32, #tpu.memory_space<vmem>>
          %dma_start3A_445 = tpu.memref_slice %arg2[%multiple_of3A_436] : memref<320000xi32, #tpu.memory_space<hbm>> -> memref<128xi32, #tpu.memory_space<hbm>>
          tpu.enqueue_dma source(%dma_start3A_445 : memref<128xi32, #tpu.memory_space<hbm>>) target(%dma_start3A_444 : memref<128xi32, #tpu.memory_space<vmem>>) target_semaphore(%arg19 : memref<!tpu.dma_semaphore, #tpu.memory_space<semaphore_mem>>)
          %dma_start3A_446 = arith.constant 0 : i32
          %dma_start3A_447 = tpu.memref_slice %arg10[%dma_start3A_446] : memref<400xf32, #tpu.memory_space<vmem>> -> memref<128xf32, #tpu.memory_space<vmem>>
          %dma_start3A_448 = tpu.memref_slice %arg3[%multiple_of3A_436] : memref<320000xf32, #tpu.memory_space<hbm>> -> memref<128xf32, #tpu.memory_space<hbm>>
          %dma_start3A_449 = arith.constant 0 : i32
          %dma_start3A_450 = tpu.memref_slice %arg10[%dma_start3A_449] : memref<400xf32, #tpu.memory_space<vmem>> -> memref<128xf32, #tpu.memory_space<vmem>>
          %dma_start3A_451 = tpu.memref_slice %arg3[%multiple_of3A_436] : memref<320000xf32, #tpu.memory_space<hbm>> -> memref<128xf32, #tpu.memory_space<hbm>>
          tpu.enqueue_dma source(%dma_start3A_451 : memref<128xf32, #tpu.memory_space<hbm>>) target(%dma_start3A_450 : memref<128xf32, #tpu.memory_space<vmem>>) target_semaphore(%arg19 : memref<!tpu.dma_semaphore, #tpu.memory_space<semaphore_mem>>)
          %dma_start3A_452 = arith.constant 0 : i32
          %dma_start3A_453 = arith.constant 0 : i32
          %dma_start3A_454 = tpu.memref_slice %arg12[%dma_start3A_452, %dma_start3A_453] : memref<128x128xf32, #tpu.memory_space<vmem>> -> memref<128x128xf32, #tpu.memory_space<vmem>>
          %dma_start3A_455 = arith.constant 0 : i32
          %dma_start3A_456 = tpu.memref_slice %arg4[%multiple_of3A_436, %dma_start3A_455] : memref<320000x128xf32, #tpu.memory_space<hbm>> -> memref<128x128xf32, #tpu.memory_space<hbm>>
          %dma_start3A_457 = arith.constant 0 : i32
          %dma_start3A_458 = arith.constant 0 : i32
          %dma_start3A_459 = tpu.memref_slice %arg12[%dma_start3A_457, %dma_start3A_458] : memref<128x128xf32, #tpu.memory_space<vmem>> -> memref<128x128xf32, #tpu.memory_space<vmem>>
          %dma_start3A_460 = arith.constant 0 : i32
          %dma_start3A_461 = tpu.memref_slice %arg4[%multiple_of3A_436, %dma_start3A_460] : memref<320000x128xf32, #tpu.memory_space<hbm>> -> memref<128x128xf32, #tpu.memory_space<hbm>>
          tpu.enqueue_dma source(%dma_start3A_461 : memref<128x128xf32, #tpu.memory_space<hbm>>) target(%dma_start3A_459 : memref<128x128xf32, #tpu.memory_space<vmem>>) target_semaphore(%arg19 : memref<!tpu.dma_semaphore, #tpu.memory_space<semaphore_mem>>)
        } else {
        }
        %mul3A_191 = arith.constant 160000 : i32
        %mul3A_192 = arith.muli %arg0, %mul3A_191 : i32
        %mul3A_193 = arith.constant 10000 : i32
        %mul3A_194 = arith.muli %arg1, %mul3A_193 : i32
        %add3A_195 = arith.addi %mul3A_192, %mul3A_194 : i32
        %mul3A_196 = arith.constant 128 : i32
        %mul3A_197 = arith.muli %scan3A_146, %mul3A_196 : i32
        %add3A_198 = arith.addi %add3A_195, %mul3A_197 : i32
        %multiple_of3A_199 = tpu.assume_multiple %add3A_198, 8 : i32
        %dma_wait3A_200 = arith.constant 0 : i32
        %dma_wait3A_201 = arith.constant 0 : i32
        %dma_wait3A_202 = tpu.memref_slice %arg15[%dma_wait3A_200, %dma_wait3A_201] : memref<1x128xi32, #tpu.memory_space<vmem>> -> memref<1x128xi32, #tpu.memory_space<vmem>>
        %dma_wait3A_203 = tpu.memref_squeeze %dma_wait3A_202 : memref<1x128xi32, #tpu.memory_space<vmem>> -> memref<128xi32, #tpu.memory_space<vmem>>
        %dma_wait3A_204 = tpu.memref_slice %arg2[%multiple_of3A_199] : memref<320000xi32, #tpu.memory_space<hbm>> -> memref<128xi32, #tpu.memory_space<hbm>>
        %dma_wait3A_205 = arith.constant 0 : i32
        %dma_wait3A_206 = tpu.memref_slice %arg15[%dma_wait3A_200, %dma_wait3A_205] : memref<1x128xi32, #tpu.memory_space<vmem>> -> memref<1x128xi32, #tpu.memory_space<vmem>>
        %dma_wait3A_207 = tpu.memref_squeeze %dma_wait3A_206 : memref<1x128xi32, #tpu.memory_space<vmem>> -> memref<128xi32, #tpu.memory_space<vmem>>
        %dma_wait3A_208 = tpu.memref_slice %arg2[%multiple_of3A_199] : memref<320000xi32, #tpu.memory_space<hbm>> -> memref<128xi32, #tpu.memory_space<hbm>>
        tpu.wait_dma2 semaphore(%arg20 : memref<!tpu.dma_semaphore, #tpu.memory_space<semaphore_mem>>) src(%dma_wait3A_208 : memref<128xi32, #tpu.memory_space<hbm>>) dst(%dma_wait3A_207 : memref<128xi32, #tpu.memory_space<vmem>>)
        %dma_wait3A_209 = arith.constant 0 : i32
        %dma_wait3A_210 = tpu.memref_slice %arg11[%dma_wait3A_209] : memref<400xf32, #tpu.memory_space<vmem>> -> memref<128xf32, #tpu.memory_space<vmem>>
        %dma_wait3A_211 = tpu.memref_slice %arg3[%multiple_of3A_199] : memref<320000xf32, #tpu.memory_space<hbm>> -> memref<128xf32, #tpu.memory_space<hbm>>
        %dma_wait3A_212 = arith.constant 0 : i32
        %dma_wait3A_213 = tpu.memref_slice %arg11[%dma_wait3A_212] : memref<400xf32, #tpu.memory_space<vmem>> -> memref<128xf32, #tpu.memory_space<vmem>>
        %dma_wait3A_214 = tpu.memref_slice %arg3[%multiple_of3A_199] : memref<320000xf32, #tpu.memory_space<hbm>> -> memref<128xf32, #tpu.memory_space<hbm>>
        tpu.wait_dma2 semaphore(%arg20 : memref<!tpu.dma_semaphore, #tpu.memory_space<semaphore_mem>>) src(%dma_wait3A_214 : memref<128xf32, #tpu.memory_space<hbm>>) dst(%dma_wait3A_213 : memref<128xf32, #tpu.memory_space<vmem>>)
        %dma_wait3A_215 = arith.constant 0 : i32
        %dma_wait3A_216 = arith.constant 0 : i32
        %dma_wait3A_217 = tpu.memref_slice %arg13[%dma_wait3A_215, %dma_wait3A_216] : memref<128x128xf32, #tpu.memory_space<vmem>> -> memref<128x128xf32, #tpu.memory_space<vmem>>
        %dma_wait3A_218 = arith.constant 0 : i32
        %dma_wait3A_219 = tpu.memref_slice %arg4[%multiple_of3A_199, %dma_wait3A_218] : memref<320000x128xf32, #tpu.memory_space<hbm>> -> memref<128x128xf32, #tpu.memory_space<hbm>>
        %dma_wait3A_220 = arith.constant 0 : i32
        %dma_wait3A_221 = arith.constant 0 : i32
        %dma_wait3A_222 = tpu.memref_slice %arg13[%dma_wait3A_220, %dma_wait3A_221] : memref<128x128xf32, #tpu.memory_space<vmem>> -> memref<128x128xf32, #tpu.memory_space<vmem>>
        %dma_wait3A_223 = arith.constant 0 : i32
        %dma_wait3A_224 = tpu.memref_slice %arg4[%multiple_of3A_199, %dma_wait3A_223] : memref<320000x128xf32, #tpu.memory_space<hbm>> -> memref<128x128xf32, #tpu.memory_space<hbm>>
        tpu.wait_dma2 semaphore(%arg20 : memref<!tpu.dma_semaphore, #tpu.memory_space<semaphore_mem>>) src(%dma_wait3A_224 : memref<128x128xf32, #tpu.memory_space<hbm>>) dst(%dma_wait3A_222 : memref<128x128xf32, #tpu.memory_space<vmem>>)
        %get3A_225 = arith.constant 0 : i32
        %get3A_226 = arith.index_cast %get3A_225 : i32 to index
        %get3A_227 = arith.constant 0 : index
        %get3A_228 = tpu.vector_load %arg15[%get3A_226, %get3A_227] {strides = array<i32>} : memref<1x128xi32, #tpu.memory_space<vmem>>, vector<16xi32>,
        %shift_right_arithmetic3A_229 = arith.constant 7 : i32
        %shift_right_arithmetic3A_230 = vector.broadcast %shift_right_arithmetic3A_229 : i32 to vector<16xi32>
        %shift_right_arithmetic3A_231 = arith.shrsi %get3A_228, %shift_right_arithmetic3A_230 : vector<16xi32>
        %and3A_232 = arith.constant 127 : i32
        %and3A_233 = vector.broadcast %and3A_232 : i32 to vector<16xi32>
        %and3A_234 = arith.andi %get3A_228, %and3A_233 : vector<16xi32>
        %gather3A_235 = tpu.vector_load_idx %arg18[%shift_right_arithmetic3A_231, %and3A_234] : memref<80x128xf32, #tpu.memory_space<vmem>>[vector<16xi32>, vector<16xi32>], vector<16xf32>,
        %get3A_236 = arith.constant 0 : index
        %get3A_237 = tpu.vector_load %arg11[%get3A_236] {strides = array<i32>} : memref<400xf32, #tpu.memory_space<vmem>>, vector<16xf32>,
        %sub3A_238 = arith.constant 1.000000e+00 : f32
        %sub3A_239 = vector.broadcast %sub3A_238 : f32 to vector<16xf32>
        %sub3A_240 = arith.subf %gather3A_235, %sub3A_239 : vector<16xf32>
        %sub3A_241 = arith.subf %get3A_237, %sub3A_240 : vector<16xf32>
        %mul3A_242 = arith.constant 1.000000e-01 : f32
        %mul3A_243 = vector.broadcast %mul3A_242 : f32 to vector<16xf32>
        %mul3A_244 = arith.mulf %sub3A_241, %mul3A_243 : vector<16xf32>
        %exp3A_245 = math.exp %mul3A_244 : vector<16xf32>
        %swap3A_246 = arith.constant 0 : index
        %swap3A_247 = tpu.vector_load %arg17[%swap3A_246] {strides = array<i32>} : memref<128xf32, #tpu.memory_space<vmem>>, vector<16xf32>,
        tpu.vector_store %arg17[%swap3A_246], %exp3A_245 {strides = array<i32>} : memref<128xf32, #tpu.memory_space<vmem>>, vector<16xf32>,
        %get3A_248 = arith.constant 0 : i32
        %get3A_249 = arith.index_cast %get3A_248 : i32 to index
        %get3A_250 = arith.constant 16 : index
        %get3A_251 = tpu.vector_load %arg15[%get3A_249, %get3A_250] {strides = array<i32>} : memref<1x128xi32, #tpu.memory_space<vmem>>, vector<16xi32>,
        %shift_right_arithmetic3A_252 = arith.constant 7 : i32
        %shift_right_arithmetic3A_253 = vector.broadcast %shift_right_arithmetic3A_252 : i32 to vector<16xi32>
        %shift_right_arithmetic3A_254 = arith.shrsi %get3A_251, %shift_right_arithmetic3A_253 : vector<16xi32>
        %and3A_255 = arith.constant 127 : i32
        %and3A_256 = vector.broadcast %and3A_255 : i32 to vector<16xi32>
        %and3A_257 = arith.andi %get3A_251, %and3A_256 : vector<16xi32>
        %gather3A_258 = tpu.vector_load_idx %arg18[%shift_right_arithmetic3A_254, %and3A_257] : memref<80x128xf32, #tpu.memory_space<vmem>>[vector<16xi32>, vector<16xi32>], vector<16xf32>,
        %get3A_259 = arith.constant 16 : index
        %get3A_260 = tpu.vector_load %arg11[%get3A_259] {strides = array<i32>} : memref<400xf32, #tpu.memory_space<vmem>>, vector<16xf32>,
        %sub3A_261 = arith.constant 1.000000e+00 : f32
        %sub3A_262 = vector.broadcast %sub3A_261 : f32 to vector<16xf32>
        %sub3A_263 = arith.subf %gather3A_258, %sub3A_262 : vector<16xf32>
        %sub3A_264 = arith.subf %get3A_260, %sub3A_263 : vector<16xf32>
        %mul3A_265 = arith.constant 1.000000e-01 : f32
        %mul3A_266 = vector.broadcast %mul3A_265 : f32 to vector<16xf32>
        %mul3A_267 = arith.mulf %sub3A_264, %mul3A_266 : vector<16xf32>
        %exp3A_268 = math.exp %mul3A_267 : vector<16xf32>
        %swap3A_269 = arith.constant 16 : index
        %swap3A_270 = tpu.vector_load %arg17[%swap3A_269] {strides = array<i32>} : memref<128xf32, #tpu.memory_space<vmem>>, vector<16xf32>,
        tpu.vector_store %arg17[%swap3A_269], %exp3A_268 {strides = array<i32>} : memref<128xf32, #tpu.memory_space<vmem>>, vector<16xf32>,
        %get3A_271 = arith.constant 0 : i32
        %get3A_272 = arith.index_cast %get3A_271 : i32 to index
        %get3A_273 = arith.constant 32 : index
        %get3A_274 = tpu.vector_load %arg15[%get3A_272, %get3A_273] {strides = array<i32>} : memref<1x128xi32, #tpu.memory_space<vmem>>, vector<16xi32>,
        %shift_right_arithmetic3A_275 = arith.constant 7 : i32
        %shift_right_arithmetic3A_276 = vector.broadcast %shift_right_arithmetic3A_275 : i32 to vector<16xi32>
        %shift_right_arithmetic3A_277 = arith.shrsi %get3A_274, %shift_right_arithmetic3A_276 : vector<16xi32>
        %and3A_278 = arith.constant 127 : i32
        %and3A_279 = vector.broadcast %and3A_278 : i32 to vector<16xi32>
        %and3A_280 = arith.andi %get3A_274, %and3A_279 : vector<16xi32>
        %gather3A_281 = tpu.vector_load_idx %arg18[%shift_right_arithmetic3A_277, %and3A_280] : memref<80x128xf32, #tpu.memory_space<vmem>>[vector<16xi32>, vector<16xi32>], vector<16xf32>,
        %get3A_282 = arith.constant 32 : index
        %get3A_283 = tpu.vector_load %arg11[%get3A_282] {strides = array<i32>} : memref<400xf32, #tpu.memory_space<vmem>>, vector<16xf32>,
        %sub3A_284 = arith.constant 1.000000e+00 : f32
        %sub3A_285 = vector.broadcast %sub3A_284 : f32 to vector<16xf32>
        %sub3A_286 = arith.subf %gather3A_281, %sub3A_285 : vector<16xf32>
        %sub3A_287 = arith.subf %get3A_283, %sub3A_286 : vector<16xf32>
        %mul3A_288 = arith.constant 1.000000e-01 : f32
        %mul3A_289 = vector.broadcast %mul3A_288 : f32 to vector<16xf32>
        %mul3A_290 = arith.mulf %sub3A_287, %mul3A_289 : vector<16xf32>
        %exp3A_291 = math.exp %mul3A_290 : vector<16xf32>
        %swap3A_292 = arith.constant 32 : index
        %swap3A_293 = tpu.vector_load %arg17[%swap3A_292] {strides = array<i32>} : memref<128xf32, #tpu.memory_space<vmem>>, vector<16xf32>,
        tpu.vector_store %arg17[%swap3A_292], %exp3A_291 {strides = array<i32>} : memref<128xf32, #tpu.memory_space<vmem>>, vector<16xf32>,
        %get3A_294 = arith.constant 0 : i32
        %get3A_295 = arith.index_cast %get3A_294 : i32 to index
        %get3A_296 = arith.constant 48 : index
        %get3A_297 = tpu.vector_load %arg15[%get3A_295, %get3A_296] {strides = array<i32>} : memref<1x128xi32, #tpu.memory_space<vmem>>, vector<16xi32>,
        %shift_right_arithmetic3A_298 = arith.constant 7 : i32
        %shift_right_arithmetic3A_299 = vector.broadcast %shift_right_arithmetic3A_298 : i32 to vector<16xi32>
        %shift_right_arithmetic3A_300 = arith.shrsi %get3A_297, %shift_right_arithmetic3A_299 : vector<16xi32>
        %and3A_301 = arith.constant 127 : i32
        %and3A_302 = vector.broadcast %and3A_301 : i32 to vector<16xi32>
        %and3A_303 = arith.andi %get3A_297, %and3A_302 : vector<16xi32>
        %gather3A_304 = tpu.vector_load_idx %arg18[%shift_right_arithmetic3A_300, %and3A_303] : memref<80x128xf32, #tpu.memory_space<vmem>>[vector<16xi32>, vector<16xi32>], vector<16xf32>,
        %get3A_305 = arith.constant 48 : index
        %get3A_306 = tpu.vector_load %arg11[%get3A_305] {strides = array<i32>} : memref<400xf32, #tpu.memory_space<vmem>>, vector<16xf32>,
        %sub3A_307 = arith.constant 1.000000e+00 : f32
        %sub3A_308 = vector.broadcast %sub3A_307 : f32 to vector<16xf32>
        %sub3A_309 = arith.subf %gather3A_304, %sub3A_308 : vector<16xf32>
        %sub3A_310 = arith.subf %get3A_306, %sub3A_309 : vector<16xf32>
        %mul3A_311 = arith.constant 1.000000e-01 : f32
        %mul3A_312 = vector.broadcast %mul3A_311 : f32 to vector<16xf32>
        %mul3A_313 = arith.mulf %sub3A_310, %mul3A_312 : vector<16xf32>
        %exp3A_314 = math.exp %mul3A_313 : vector<16xf32>
        %swap3A_315 = arith.constant 48 : index
        %swap3A_316 = tpu.vector_load %arg17[%swap3A_315] {strides = array<i32>} : memref<128xf32, #tpu.memory_space<vmem>>, vector<16xf32>,
        tpu.vector_store %arg17[%swap3A_315], %exp3A_314 {strides = array<i32>} : memref<128xf32, #tpu.memory_space<vmem>>, vector<16xf32>,
        %get3A_317 = arith.constant 0 : i32
        %get3A_318 = arith.index_cast %get3A_317 : i32 to index
        %get3A_319 = arith.constant 64 : index
        %get3A_320 = tpu.vector_load %arg15[%get3A_318, %get3A_319] {strides = array<i32>} : memref<1x128xi32, #tpu.memory_space<vmem>>, vector<16xi32>,
        %shift_right_arithmetic3A_321 = arith.constant 7 : i32
        %shift_right_arithmetic3A_322 = vector.broadcast %shift_right_arithmetic3A_321 : i32 to vector<16xi32>
        %shift_right_arithmetic3A_323 = arith.shrsi %get3A_320, %shift_right_arithmetic3A_322 : vector<16xi32>
        %and3A_324 = arith.constant 127 : i32
        %and3A_325 = vector.broadcast %and3A_324 : i32 to vector<16xi32>
        %and3A_326 = arith.andi %get3A_320, %and3A_325 : vector<16xi32>
        %gather3A_327 = tpu.vector_load_idx %arg18[%shift_right_arithmetic3A_323, %and3A_326] : memref<80x128xf32, #tpu.memory_space<vmem>>[vector<16xi32>, vector<16xi32>], vector<16xf32>,
        %get3A_328 = arith.constant 64 : index
        %get3A_329 = tpu.vector_load %arg11[%get3A_328] {strides = array<i32>} : memref<400xf32, #tpu.memory_space<vmem>>, vector<16xf32>,
        %sub3A_330 = arith.constant 1.000000e+00 : f32
        %sub3A_331 = vector.broadcast %sub3A_330 : f32 to vector<16xf32>
        %sub3A_332 = arith.subf %gather3A_327, %sub3A_331 : vector<16xf32>
        %sub3A_333 = arith.subf %get3A_329, %sub3A_332 : vector<16xf32>
        %mul3A_334 = arith.constant 1.000000e-01 : f32
        %mul3A_335 = vector.broadcast %mul3A_334 : f32 to vector<16xf32>
        %mul3A_336 = arith.mulf %sub3A_333, %mul3A_335 : vector<16xf32>
        %exp3A_337 = math.exp %mul3A_336 : vector<16xf32>
        %swap3A_338 = arith.constant 64 : index
        %swap3A_339 = tpu.vector_load %arg17[%swap3A_338] {strides = array<i32>} : memref<128xf32, #tpu.memory_space<vmem>>, vector<16xf32>,
        tpu.vector_store %arg17[%swap3A_338], %exp3A_337 {strides = array<i32>} : memref<128xf32, #tpu.memory_space<vmem>>, vector<16xf32>,
        %get3A_340 = arith.constant 0 : i32
        %get3A_341 = arith.index_cast %get3A_340 : i32 to index
        %get3A_342 = arith.constant 80 : index
        %get3A_343 = tpu.vector_load %arg15[%get3A_341, %get3A_342] {strides = array<i32>} : memref<1x128xi32, #tpu.memory_space<vmem>>, vector<16xi32>,
        %shift_right_arithmetic3A_344 = arith.constant 7 : i32
        %shift_right_arithmetic3A_345 = vector.broadcast %shift_right_arithmetic3A_344 : i32 to vector<16xi32>
        %shift_right_arithmetic3A_346 = arith.shrsi %get3A_343, %shift_right_arithmetic3A_345 : vector<16xi32>
        %and3A_347 = arith.constant 127 : i32
        %and3A_348 = vector.broadcast %and3A_347 : i32 to vector<16xi32>
        %and3A_349 = arith.andi %get3A_343, %and3A_348 : vector<16xi32>
        %gather3A_350 = tpu.vector_load_idx %arg18[%shift_right_arithmetic3A_346, %and3A_349] : memref<80x128xf32, #tpu.memory_space<vmem>>[vector<16xi32>, vector<16xi32>], vector<16xf32>,
        %get3A_351 = arith.constant 80 : index
        %get3A_352 = tpu.vector_load %arg11[%get3A_351] {strides = array<i32>} : memref<400xf32, #tpu.memory_space<vmem>>, vector<16xf32>,
        %sub3A_353 = arith.constant 1.000000e+00 : f32
        %sub3A_354 = vector.broadcast %sub3A_353 : f32 to vector<16xf32>
        %sub3A_355 = arith.subf %gather3A_350, %sub3A_354 : vector<16xf32>
        %sub3A_356 = arith.subf %get3A_352, %sub3A_355 : vector<16xf32>
        %mul3A_357 = arith.constant 1.000000e-01 : f32
        %mul3A_358 = vector.broadcast %mul3A_357 : f32 to vector<16xf32>
        %mul3A_359 = arith.mulf %sub3A_356, %mul3A_358 : vector<16xf32>
        %exp3A_360 = math.exp %mul3A_359 : vector<16xf32>
        %swap3A_361 = arith.constant 80 : index
        %swap3A_362 = tpu.vector_load %arg17[%swap3A_361] {strides = array<i32>} : memref<128xf32, #tpu.memory_space<vmem>>, vector<16xf32>,
        tpu.vector_store %arg17[%swap3A_361], %exp3A_360 {strides = array<i32>} : memref<128xf32, #tpu.memory_space<vmem>>, vector<16xf32>,
        %get3A_363 = arith.constant 0 : i32
        %get3A_364 = arith.index_cast %get3A_363 : i32 to index
        %get3A_365 = arith.constant 96 : index
        %get3A_366 = tpu.vector_load %arg15[%get3A_364, %get3A_365] {strides = array<i32>} : memref<1x128xi32, #tpu.memory_space<vmem>>, vector<16xi32>,
        %shift_right_arithmetic3A_367 = arith.constant 7 : i32
        %shift_right_arithmetic3A_368 = vector.broadcast %shift_right_arithmetic3A_367 : i32 to vector<16xi32>
        %shift_right_arithmetic3A_369 = arith.shrsi %get3A_366, %shift_right_arithmetic3A_368 : vector<16xi32>
        %and3A_370 = arith.constant 127 : i32
        %and3A_371 = vector.broadcast %and3A_370 : i32 to vector<16xi32>
        %and3A_372 = arith.andi %get3A_366, %and3A_371 : vector<16xi32>
        %gather3A_373 = tpu.vector_load_idx %arg18[%shift_right_arithmetic3A_369, %and3A_372] : memref<80x128xf32, #tpu.memory_space<vmem>>[vector<16xi32>, vector<16xi32>], vector<16xf32>,
        %get3A_374 = arith.constant 96 : index
        %get3A_375 = tpu.vector_load %arg11[%get3A_374] {strides = array<i32>} : memref<400xf32, #tpu.memory_space<vmem>>, vector<16xf32>,
        %sub3A_376 = arith.constant 1.000000e+00 : f32
        %sub3A_377 = vector.broadcast %sub3A_376 : f32 to vector<16xf32>
        %sub3A_378 = arith.subf %gather3A_373, %sub3A_377 : vector<16xf32>
        %sub3A_379 = arith.subf %get3A_375, %sub3A_378 : vector<16xf32>
        %mul3A_380 = arith.constant 1.000000e-01 : f32
        %mul3A_381 = vector.broadcast %mul3A_380 : f32 to vector<16xf32>
        %mul3A_382 = arith.mulf %sub3A_379, %mul3A_381 : vector<16xf32>
        %exp3A_383 = math.exp %mul3A_382 : vector<16xf32>
        %swap3A_384 = arith.constant 96 : index
        %swap3A_385 = tpu.vector_load %arg17[%swap3A_384] {strides = array<i32>} : memref<128xf32, #tpu.memory_space<vmem>>, vector<16xf32>,
        tpu.vector_store %arg17[%swap3A_384], %exp3A_383 {strides = array<i32>} : memref<128xf32, #tpu.memory_space<vmem>>, vector<16xf32>,
        %get3A_386 = arith.constant 0 : i32
        %get3A_387 = arith.index_cast %get3A_386 : i32 to index
        %get3A_388 = arith.constant 112 : index
        %get3A_389 = tpu.vector_load %arg15[%get3A_387, %get3A_388] {strides = array<i32>} : memref<1x128xi32, #tpu.memory_space<vmem>>, vector<16xi32>,
        %shift_right_arithmetic3A_390 = arith.constant 7 : i32
        %shift_right_arithmetic3A_391 = vector.broadcast %shift_right_arithmetic3A_390 : i32 to vector<16xi32>
        %shift_right_arithmetic3A_392 = arith.shrsi %get3A_389, %shift_right_arithmetic3A_391 : vector<16xi32>
        %and3A_393 = arith.constant 127 : i32
        %and3A_394 = vector.broadcast %and3A_393 : i32 to vector<16xi32>
        %and3A_395 = arith.andi %get3A_389, %and3A_394 : vector<16xi32>
        %gather3A_396 = tpu.vector_load_idx %arg18[%shift_right_arithmetic3A_392, %and3A_395] : memref<80x128xf32, #tpu.memory_space<vmem>>[vector<16xi32>, vector<16xi32>], vector<16xf32>,
        %get3A_397 = arith.constant 112 : index
        %get3A_398 = tpu.vector_load %arg11[%get3A_397] {strides = array<i32>} : memref<400xf32, #tpu.memory_space<vmem>>, vector<16xf32>,
        %sub3A_399 = arith.constant 1.000000e+00 : f32
        %sub3A_400 = vector.broadcast %sub3A_399 : f32 to vector<16xf32>
        %sub3A_401 = arith.subf %gather3A_396, %sub3A_400 : vector<16xf32>
        %sub3A_402 = arith.subf %get3A_398, %sub3A_401 : vector<16xf32>
        %mul3A_403 = arith.constant 1.000000e-01 : f32
        %mul3A_404 = vector.broadcast %mul3A_403 : f32 to vector<16xf32>
        %mul3A_405 = arith.mulf %sub3A_402, %mul3A_404 : vector<16xf32>
        %exp3A_406 = math.exp %mul3A_405 : vector<16xf32>
        %swap3A_407 = arith.constant 112 : index
        %swap3A_408 = tpu.vector_load %arg17[%swap3A_407] {strides = array<i32>} : memref<128xf32, #tpu.memory_space<vmem>>, vector<16xf32>,
        tpu.vector_store %arg17[%swap3A_407], %exp3A_406 {strides = array<i32>} : memref<128xf32, #tpu.memory_space<vmem>>, vector<16xf32>,
        %parallel_loop3A_409 = arith.constant 0 : i32
        %parallel_loop3A_410 = arith.constant 128 : i32
        %parallel_loop3A_411 = arith.constant 1 : i32
        scf.for %parallel_loop3A_422 = %parallel_loop3A_409 to %parallel_loop3A_410 step %parallel_loop3A_411  : i32 {
          %parallel_loop3A_423 = vector.broadcast %parallel_loop3A_422 : i32 to vector<16xi32>
          %parallel_loop3A_424 = tpu.vector_load_idx %arg17[%parallel_loop3A_423] : memref<128xf32, #tpu.memory_space<vmem>>[vector<16xi32>], vector<16xf32>,
          %parallel_loop3A_425 = arith.index_cast %parallel_loop3A_422 : i32 to index
          %parallel_loop3A_426 = arith.constant 0 : index
          %parallel_loop3A_427 = tpu.vector_load %arg13[%parallel_loop3A_425, %parallel_loop3A_426] {strides = array<i32>} : memref<128x128xf32, #tpu.memory_space<vmem>>, vector<16xf32>,
          %parallel_loop3A_428 = arith.mulf %parallel_loop3A_427, %parallel_loop3A_424 : vector<16xf32>
          %parallel_loop3A_429 = arith.index_cast %parallel_loop3A_422 : i32 to index
          %parallel_loop3A_430 = arith.constant 0 : index
          %parallel_loop3A_431 = tpu.vector_load %arg13[%parallel_loop3A_429, %parallel_loop3A_430] {strides = array<i32>} : memref<128x128xf32, #tpu.memory_space<vmem>>, vector<16xf32>,
          tpu.vector_store %arg13[%parallel_loop3A_429, %parallel_loop3A_430], %parallel_loop3A_428 {strides = array<i32>} : memref<128x128xf32, #tpu.memory_space<vmem>>, vector<16xf32>,
          %parallel_loop3A_432 = arith.index_cast %parallel_loop3A_422 : i32 to index
          %parallel_loop3A_433 = arith.constant 16 : index
          %parallel_loop3A_434 = tpu.vector_load %arg13[%parallel_loop3A_432, %parallel_loop3A_433] {strides = array<i32>} : memref<128x128xf32, #tpu.memory_space<vmem>>, vector<16xf32>,
          %parallel_loop3A_435 = arith.mulf %parallel_loop3A_434, %parallel_loop3A_424 : vector<16xf32>
          %parallel_loop3A_436 = arith.index_cast %parallel_loop3A_422 : i32 to index
          %parallel_loop3A_437 = arith.constant 16 : index
          %parallel_loop3A_438 = tpu.vector_load %arg13[%parallel_loop3A_436, %parallel_loop3A_437] {strides = array<i32>} : memref<128x128xf32, #tpu.memory_space<vmem>>, vector<16xf32>,
          tpu.vector_store %arg13[%parallel_loop3A_436, %parallel_loop3A_437], %parallel_loop3A_435 {strides = array<i32>} : memref<128x128xf32, #tpu.memory_space<vmem>>, vector<16xf32>,
          %parallel_loop3A_439 = arith.index_cast %parallel_loop3A_422 : i32 to index
          %parallel_loop3A_440 = arith.constant 32 : index
          %parallel_loop3A_441 = tpu.vector_load %arg13[%parallel_loop3A_439, %parallel_loop3A_440] {strides = array<i32>} : memref<128x128xf32, #tpu.memory_space<vmem>>, vector<16xf32>,
          %parallel_loop3A_442 = arith.mulf %parallel_loop3A_441, %parallel_loop3A_424 : vector<16xf32>
          %parallel_loop3A_443 = arith.index_cast %parallel_loop3A_422 : i32 to index
          %parallel_loop3A_444 = arith.constant 32 : index
          %parallel_loop3A_445 = tpu.vector_load %arg13[%parallel_loop3A_443, %parallel_loop3A_444] {strides = array<i32>} : memref<128x128xf32, #tpu.memory_space<vmem>>, vector<16xf32>,
          tpu.vector_store %arg13[%parallel_loop3A_443, %parallel_loop3A_444], %parallel_loop3A_442 {strides = array<i32>} : memref<128x128xf32, #tpu.memory_space<vmem>>, vector<16xf32>,
          %parallel_loop3A_446 = arith.index_cast %parallel_loop3A_422 : i32 to index
          %parallel_loop3A_447 = arith.constant 48 : index
          %parallel_loop3A_448 = tpu.vector_load %arg13[%parallel_loop3A_446, %parallel_loop3A_447] {strides = array<i32>} : memref<128x128xf32, #tpu.memory_space<vmem>>, vector<16xf32>,
          %parallel_loop3A_449 = arith.mulf %parallel_loop3A_448, %parallel_loop3A_424 : vector<16xf32>
          %parallel_loop3A_450 = arith.index_cast %parallel_loop3A_422 : i32 to index
          %parallel_loop3A_451 = arith.constant 48 : index
          %parallel_loop3A_452 = tpu.vector_load %arg13[%parallel_loop3A_450, %parallel_loop3A_451] {strides = array<i32>} : memref<128x128xf32, #tpu.memory_space<vmem>>, vector<16xf32>,
          tpu.vector_store %arg13[%parallel_loop3A_450, %parallel_loop3A_451], %parallel_loop3A_449 {strides = array<i32>} : memref<128x128xf32, #tpu.memory_space<vmem>>, vector<16xf32>,
          %parallel_loop3A_453 = arith.index_cast %parallel_loop3A_422 : i32 to index
          %parallel_loop3A_454 = arith.constant 64 : index
          %parallel_loop3A_455 = tpu.vector_load %arg13[%parallel_loop3A_453, %parallel_loop3A_454] {strides = array<i32>} : memref<128x128xf32, #tpu.memory_space<vmem>>, vector<16xf32>,
          %parallel_loop3A_456 = arith.mulf %parallel_loop3A_455, %parallel_loop3A_424 : vector<16xf32>
          %parallel_loop3A_457 = arith.index_cast %parallel_loop3A_422 : i32 to index
          %parallel_loop3A_458 = arith.constant 64 : index
          %parallel_loop3A_459 = tpu.vector_load %arg13[%parallel_loop3A_457, %parallel_loop3A_458] {strides = array<i32>} : memref<128x128xf32, #tpu.memory_space<vmem>>, vector<16xf32>,
          tpu.vector_store %arg13[%parallel_loop3A_457, %parallel_loop3A_458], %parallel_loop3A_456 {strides = array<i32>} : memref<128x128xf32, #tpu.memory_space<vmem>>, vector<16xf32>,
          %parallel_loop3A_460 = arith.index_cast %parallel_loop3A_422 : i32 to index
          %parallel_loop3A_461 = arith.constant 80 : index
          %parallel_loop3A_462 = tpu.vector_load %arg13[%parallel_loop3A_460, %parallel_loop3A_461] {strides = array<i32>} : memref<128x128xf32, #tpu.memory_space<vmem>>, vector<16xf32>,
          %parallel_loop3A_463 = arith.mulf %parallel_loop3A_462, %parallel_loop3A_424 : vector<16xf32>
          %parallel_loop3A_464 = arith.index_cast %parallel_loop3A_422 : i32 to index
          %parallel_loop3A_465 = arith.constant 80 : index
          %parallel_loop3A_466 = tpu.vector_load %arg13[%parallel_loop3A_464, %parallel_loop3A_465] {strides = array<i32>} : memref<128x128xf32, #tpu.memory_space<vmem>>, vector<16xf32>,
          tpu.vector_store %arg13[%parallel_loop3A_464, %parallel_loop3A_465], %parallel_loop3A_463 {strides = array<i32>} : memref<128x128xf32, #tpu.memory_space<vmem>>, vector<16xf32>,
          %parallel_loop3A_467 = arith.index_cast %parallel_loop3A_422 : i32 to index
          %parallel_loop3A_468 = arith.constant 96 : index
          %parallel_loop3A_469 = tpu.vector_load %arg13[%parallel_loop3A_467, %parallel_loop3A_468] {strides = array<i32>} : memref<128x128xf32, #tpu.memory_space<vmem>>, vector<16xf32>,
          %parallel_loop3A_470 = arith.mulf %parallel_loop3A_469, %parallel_loop3A_424 : vector<16xf32>
          %parallel_loop3A_471 = arith.index_cast %parallel_loop3A_422 : i32 to index
          %parallel_loop3A_472 = arith.constant 96 : index
          %parallel_loop3A_473 = tpu.vector_load %arg13[%parallel_loop3A_471, %parallel_loop3A_472] {strides = array<i32>} : memref<128x128xf32, #tpu.memory_space<vmem>>, vector<16xf32>,
          tpu.vector_store %arg13[%parallel_loop3A_471, %parallel_loop3A_472], %parallel_loop3A_470 {strides = array<i32>} : memref<128x128xf32, #tpu.memory_space<vmem>>, vector<16xf32>,
          %parallel_loop3A_474 = arith.index_cast %parallel_loop3A_422 : i32 to index
          %parallel_loop3A_475 = arith.constant 112 : index
          %parallel_loop3A_476 = tpu.vector_load %arg13[%parallel_loop3A_474, %parallel_loop3A_475] {strides = array<i32>} : memref<128x128xf32, #tpu.memory_space<vmem>>, vector<16xf32>,
          %parallel_loop3A_477 = arith.mulf %parallel_loop3A_476, %parallel_loop3A_424 : vector<16xf32>
          %parallel_loop3A_478 = arith.index_cast %parallel_loop3A_422 : i32 to index
          %parallel_loop3A_479 = arith.constant 112 : index
          %parallel_loop3A_480 = tpu.vector_load %arg13[%parallel_loop3A_478, %parallel_loop3A_479] {strides = array<i32>} : memref<128x128xf32, #tpu.memory_space<vmem>>, vector<16xf32>,
          tpu.vector_store %arg13[%parallel_loop3A_478, %parallel_loop3A_479], %parallel_loop3A_477 {strides = array<i32>} : memref<128x128xf32, #tpu.memory_space<vmem>>, vector<16xf32>,
        } {sc.loop_unroll_factor = 4 : i64, sc.parallel_access}
        %dma_start3A_412 = arith.constant 0 : i32
        %dma_start3A_413 = arith.constant 0 : i32
        %dma_start3A_414 = arith.constant 0 : i32
        %dma_start3A_415 = tpu.memref_slice %arg13[%dma_start3A_413, %dma_start3A_414] : memref<128x128xf32, #tpu.memory_space<vmem>> -> memref<128x128xf32, #tpu.memory_space<vmem>>
        %dma_start3A_416 = arith.constant 0 : i32
        %dma_start3A_417 = tpu.memref_slice %arg15[%dma_start3A_412, %dma_start3A_416] : memref<1x128xi32, #tpu.memory_space<vmem>> -> memref<1x128xi32, #tpu.memory_space<vmem>>
        %dma_start3A_418 = tpu.memref_squeeze %dma_start3A_417 : memref<1x128xi32, #tpu.memory_space<vmem>> -> memref<128xi32, #tpu.memory_space<vmem>>
        %dma_start3A_419 = arith.constant 0 : i32
        %dma_start3A_420 = arith.constant 0 : i32
        %dma_start3A_421 = tpu.memref_slice %arg23[%dma_start3A_419, %dma_start3A_420] : memref<10240x128xf32, #tpu.memory_space<vmem_shared>> -> memref<10240x128xf32, #tpu.memory_space<vmem_shared>>
        tpu.enqueue_indirect_dma source(%dma_start3A_415 : memref<128x128xf32, #tpu.memory_space<vmem>>) target(%dma_start3A_421 : memref<10240x128xf32, #tpu.memory_space<vmem_shared>>) offsets(%dma_start3A_418 : memref<128xi32, #tpu.memory_space<vmem>>) semaphore(%arg22 : memref<!tpu.dma_semaphore, #tpu.memory_space<semaphore_mem>>) {add = true}
      } else {
      }
    }
    %scan3A_95 = arith.constant 78 : i32
    %dma_wait3A = arith.constant 0 : i32
    %dma_wait3A_96 = arith.constant 0 : i32
    %dma_wait3A_97 = arith.constant 0 : i32
    %dma_wait3A_98 = tpu.memref_slice %arg12[%dma_wait3A_96, %dma_wait3A_97] : memref<128x128xf32, #tpu.memory_space<vmem>> -> memref<128x128xf32, #tpu.memory_space<vmem>>
    %dma_wait3A_99 = arith.constant 0 : i32
    %dma_wait3A_100 = tpu.memref_slice %arg14[%dma_wait3A, %dma_wait3A_99] : memref<1x128xi32, #tpu.memory_space<vmem>> -> memref<1x128xi32, #tpu.memory_space<vmem>>
    %dma_wait3A_101 = tpu.memref_squeeze %dma_wait3A_100 : memref<1x128xi32, #tpu.memory_space<vmem>> -> memref<128xi32, #tpu.memory_space<vmem>>
    %dma_wait3A_102 = arith.constant 0 : i32
    %dma_wait3A_103 = arith.constant 0 : i32
    %dma_wait3A_104 = tpu.memref_slice %arg23[%dma_wait3A_102, %dma_wait3A_103] : memref<10240x128xf32, #tpu.memory_space<vmem_shared>> -> memref<10240x128xf32, #tpu.memory_space<vmem_shared>>
    tpu.wait_indirect_dma semaphore(%arg21 : memref<!tpu.dma_semaphore, #tpu.memory_space<semaphore_mem>>) src(%dma_wait3A_98 : memref<128x128xf32, #tpu.memory_space<vmem>>) dst(%dma_wait3A_104 : memref<10240x128xf32, #tpu.memory_space<vmem_shared>>)
    %dma_wait3A_105 = arith.constant 0 : i32
    %dma_wait3A_106 = arith.constant 0 : i32
    %dma_wait3A_107 = arith.constant 0 : i32
    %dma_wait3A_108 = tpu.memref_slice %arg13[%dma_wait3A_106, %dma_wait3A_107] : memref<128x128xf32, #tpu.memory_space<vmem>> -> memref<128x128xf32, #tpu.memory_space<vmem>>
    %dma_wait3A_109 = arith.constant 0 : i32
    %dma_wait3A_110 = tpu.memref_slice %arg15[%dma_wait3A_105, %dma_wait3A_109] : memref<1x128xi32, #tpu.memory_space<vmem>> -> memref<1x128xi32, #tpu.memory_space<vmem>>
    %dma_wait3A_111 = tpu.memref_squeeze %dma_wait3A_110 : memref<1x128xi32, #tpu.memory_space<vmem>> -> memref<128xi32, #tpu.memory_space<vmem>>
    %dma_wait3A_112 = arith.constant 0 : i32
    %dma_wait3A_113 = arith.constant 0 : i32
    %dma_wait3A_114 = tpu.memref_slice %arg23[%dma_wait3A_112, %dma_wait3A_113] : memref<10240x128xf32, #tpu.memory_space<vmem_shared>> -> memref<10240x128xf32, #tpu.memory_space<vmem_shared>>
    tpu.wait_indirect_dma semaphore(%arg22 : memref<!tpu.dma_semaphore, #tpu.memory_space<semaphore_mem>>) src(%dma_wait3A_108 : memref<128x128xf32, #tpu.memory_space<vmem>>) dst(%dma_wait3A_114 : memref<10240x128xf32, #tpu.memory_space<vmem_shared>>)
    %mul3A_115 = arith.constant 160000 : i32
    %mul3A_116 = arith.muli %arg0, %mul3A_115 : i32
    %mul3A_117 = arith.constant 10000 : i32
    %mul3A_118 = arith.muli %arg1, %mul3A_117 : i32
    %add3A_119 = arith.addi %mul3A_116, %mul3A_118 : i32
    %add3A_120 = arith.constant 9984 : i32
    %add3A_121 = arith.addi %add3A_119, %add3A_120 : i32
    %multiple_of3A_122 = tpu.assume_multiple %add3A_121, 8 : i32
    %run_scoped3A = arith.constant 0 : i32
    "tpu.region"() ({
      %run_scoped3A_146 = tpu.sem_alloc : memref<!tpu.dma_semaphore, #tpu.memory_space<semaphore_mem>>
      %dma_start3A_147 = arith.constant 0 : i32
      %dma_start3A_148 = tpu.memref_slice %arg16[%run_scoped3A, %dma_start3A_147] : memref<1x16xi32, #tpu.memory_space<vmem>> -> memref<1x16xi32, #tpu.memory_space<vmem>>
      %dma_start3A_149 = tpu.memref_squeeze %dma_start3A_148 : memref<1x16xi32, #tpu.memory_space<vmem>> -> memref<16xi32, #tpu.memory_space<vmem>>
      %dma_start3A_150 = tpu.memref_slice %arg2[%multiple_of3A_122] : memref<320000xi32, #tpu.memory_space<hbm>> -> memref<16xi32, #tpu.memory_space<hbm>>
      %dma_start3A_151 = arith.constant 0 : i32
      %dma_start3A_152 = tpu.memref_slice %arg16[%run_scoped3A, %dma_start3A_151] : memref<1x16xi32, #tpu.memory_space<vmem>> -> memref<1x16xi32, #tpu.memory_space<vmem>>
      %dma_start3A_153 = tpu.memref_squeeze %dma_start3A_152 : memref<1x16xi32, #tpu.memory_space<vmem>> -> memref<16xi32, #tpu.memory_space<vmem>>
      %dma_start3A_154 = tpu.memref_slice %arg2[%multiple_of3A_122] : memref<320000xi32, #tpu.memory_space<hbm>> -> memref<16xi32, #tpu.memory_space<hbm>>
      tpu.enqueue_dma source(%dma_start3A_154 : memref<16xi32, #tpu.memory_space<hbm>>) target(%dma_start3A_153 : memref<16xi32, #tpu.memory_space<vmem>>) target_semaphore(%run_scoped3A_146 : memref<!tpu.dma_semaphore, #tpu.memory_space<semaphore_mem>>)
      %dma_wait3A_155 = arith.constant 0 : i32
      %dma_wait3A_156 = tpu.memref_slice %arg16[%run_scoped3A, %dma_wait3A_155] : memref<1x16xi32, #tpu.memory_space<vmem>> -> memref<1x16xi32, #tpu.memory_space<vmem>>
      %dma_wait3A_157 = tpu.memref_squeeze %dma_wait3A_156 : memref<1x16xi32, #tpu.memory_space<vmem>> -> memref<16xi32, #tpu.memory_space<vmem>>
      %dma_wait3A_158 = tpu.memref_slice %arg2[%multiple_of3A_122] : memref<320000xi32, #tpu.memory_space<hbm>> -> memref<16xi32, #tpu.memory_space<hbm>>
      %dma_wait3A_159 = arith.constant 0 : i32
      %dma_wait3A_160 = tpu.memref_slice %arg16[%run_scoped3A, %dma_wait3A_159] : memref<1x16xi32, #tpu.memory_space<vmem>> -> memref<1x16xi32, #tpu.memory_space<vmem>>
      %dma_wait3A_161 = tpu.memref_squeeze %dma_wait3A_160 : memref<1x16xi32, #tpu.memory_space<vmem>> -> memref<16xi32, #tpu.memory_space<vmem>>
      %dma_wait3A_162 = tpu.memref_slice %arg2[%multiple_of3A_122] : memref<320000xi32, #tpu.memory_space<hbm>> -> memref<16xi32, #tpu.memory_space<hbm>>
      tpu.wait_dma2 semaphore(%run_scoped3A_146 : memref<!tpu.dma_semaphore, #tpu.memory_space<semaphore_mem>>) src(%dma_wait3A_162 : memref<16xi32, #tpu.memory_space<hbm>>) dst(%dma_wait3A_161 : memref<16xi32, #tpu.memory_space<vmem>>)
      tpu.yield
    }) : () -> ()
    "tpu.region"() ({
      %run_scoped3A_146 = tpu.sem_alloc : memref<!tpu.dma_semaphore, #tpu.memory_space<semaphore_mem>>
      %dma_start3A_147 = arith.constant 0 : i32
      %dma_start3A_148 = tpu.memref_slice %arg10[%dma_start3A_147] : memref<400xf32, #tpu.memory_space<vmem>> -> memref<16xf32, #tpu.memory_space<vmem>>
      %dma_start3A_149 = tpu.memref_slice %arg3[%multiple_of3A_122] : memref<320000xf32, #tpu.memory_space<hbm>> -> memref<16xf32, #tpu.memory_space<hbm>>
      %dma_start3A_150 = arith.constant 0 : i32
      %dma_start3A_151 = tpu.memref_slice %arg10[%dma_start3A_150] : memref<400xf32, #tpu.memory_space<vmem>> -> memref<16xf32, #tpu.memory_space<vmem>>
      %dma_start3A_152 = tpu.memref_slice %arg3[%multiple_of3A_122] : memref<320000xf32, #tpu.memory_space<hbm>> -> memref<16xf32, #tpu.memory_space<hbm>>
      tpu.enqueue_dma source(%dma_start3A_152 : memref<16xf32, #tpu.memory_space<hbm>>) target(%dma_start3A_151 : memref<16xf32, #tpu.memory_space<vmem>>) target_semaphore(%run_scoped3A_146 : memref<!tpu.dma_semaphore, #tpu.memory_space<semaphore_mem>>)
      %dma_wait3A_153 = arith.constant 0 : i32
      %dma_wait3A_154 = tpu.memref_slice %arg10[%dma_wait3A_153] : memref<400xf32, #tpu.memory_space<vmem>> -> memref<16xf32, #tpu.memory_space<vmem>>
      %dma_wait3A_155 = tpu.memref_slice %arg3[%multiple_of3A_122] : memref<320000xf32, #tpu.memory_space<hbm>> -> memref<16xf32, #tpu.memory_space<hbm>>
      %dma_wait3A_156 = arith.constant 0 : i32
      %dma_wait3A_157 = tpu.memref_slice %arg10[%dma_wait3A_156] : memref<400xf32, #tpu.memory_space<vmem>> -> memref<16xf32, #tpu.memory_space<vmem>>
      %dma_wait3A_158 = tpu.memref_slice %arg3[%multiple_of3A_122] : memref<320000xf32, #tpu.memory_space<hbm>> -> memref<16xf32, #tpu.memory_space<hbm>>
      tpu.wait_dma2 semaphore(%run_scoped3A_146 : memref<!tpu.dma_semaphore, #tpu.memory_space<semaphore_mem>>) src(%dma_wait3A_158 : memref<16xf32, #tpu.memory_space<hbm>>) dst(%dma_wait3A_157 : memref<16xf32, #tpu.memory_space<vmem>>)
      tpu.yield
    }) : () -> ()
    "tpu.region"() ({
      %run_scoped3A_146 = tpu.sem_alloc : memref<!tpu.dma_semaphore, #tpu.memory_space<semaphore_mem>>
      %dma_start3A_147 = arith.constant 0 : i32
      %dma_start3A_148 = arith.constant 0 : i32
      %dma_start3A_149 = tpu.memref_slice %arg12[%dma_start3A_147, %dma_start3A_148] : memref<128x128xf32, #tpu.memory_space<vmem>> -> memref<16x128xf32, #tpu.memory_space<vmem>>
      %dma_start3A_150 = arith.constant 0 : i32
      %dma_start3A_151 = tpu.memref_slice %arg4[%multiple_of3A_122, %dma_start3A_150] : memref<320000x128xf32, #tpu.memory_space<hbm>> -> memref<16x128xf32, #tpu.memory_space<hbm>>
      %dma_start3A_152 = arith.constant 0 : i32
      %dma_start3A_153 = arith.constant 0 : i32
      %dma_start3A_154 = tpu.memref_slice %arg12[%dma_start3A_152, %dma_start3A_153] : memref<128x128xf32, #tpu.memory_space<vmem>> -> memref<16x128xf32, #tpu.memory_space<vmem>>
      %dma_start3A_155 = arith.constant 0 : i32
      %dma_start3A_156 = tpu.memref_slice %arg4[%multiple_of3A_122, %dma_start3A_155] : memref<320000x128xf32, #tpu.memory_space<hbm>> -> memref<16x128xf32, #tpu.memory_space<hbm>>
      tpu.enqueue_dma source(%dma_start3A_156 : memref<16x128xf32, #tpu.memory_space<hbm>>) target(%dma_start3A_154 : memref<16x128xf32, #tpu.memory_space<vmem>>) target_semaphore(%run_scoped3A_146 : memref<!tpu.dma_semaphore, #tpu.memory_space<semaphore_mem>>)
      %dma_wait3A_157 = arith.constant 0 : i32
      %dma_wait3A_158 = arith.constant 0 : i32
      %dma_wait3A_159 = tpu.memref_slice %arg12[%dma_wait3A_157, %dma_wait3A_158] : memref<128x128xf32, #tpu.memory_space<vmem>> -> memref<16x128xf32, #tpu.memory_space<vmem>>
      %dma_wait3A_160 = arith.constant 0 : i32
      %dma_wait3A_161 = tpu.memref_slice %arg4[%multiple_of3A_122, %dma_wait3A_160] : memref<320000x128xf32, #tpu.memory_space<hbm>> -> memref<16x128xf32, #tpu.memory_space<hbm>>
      %dma_wait3A_162 = arith.constant 0 : i32
      %dma_wait3A_163 = arith.constant 0 : i32
      %dma_wait3A_164 = tpu.memref_slice %arg12[%dma_wait3A_162, %dma_wait3A_163] : memref<128x128xf32, #tpu.memory_space<vmem>> -> memref<16x128xf32, #tpu.memory_space<vmem>>
      %dma_wait3A_165 = arith.constant 0 : i32
      %dma_wait3A_166 = tpu.memref_slice %arg4[%multiple_of3A_122, %dma_wait3A_165] : memref<320000x128xf32, #tpu.memory_space<hbm>> -> memref<16x128xf32, #tpu.memory_space<hbm>>
      tpu.wait_dma2 semaphore(%run_scoped3A_146 : memref<!tpu.dma_semaphore, #tpu.memory_space<semaphore_mem>>) src(%dma_wait3A_166 : memref<16x128xf32, #tpu.memory_space<hbm>>) dst(%dma_wait3A_164 : memref<16x128xf32, #tpu.memory_space<vmem>>)
      tpu.yield
    }) : () -> ()
    %get3A = arith.constant 0 : i32
    %get3A_123 = arith.index_cast %get3A : i32 to index
    %get3A_124 = arith.constant 0 : index
    %get3A_125 = tpu.vector_load %arg16[%get3A_123, %get3A_124] {strides = array<i32>} : memref<1x16xi32, #tpu.memory_space<vmem>>, vector<16xi32>,
    %shift_right_arithmetic3A = arith.constant 7 : i32
    %shift_right_arithmetic3A_126 = vector.broadcast %shift_right_arithmetic3A : i32 to vector<16xi32>
    %shift_right_arithmetic3A_127 = arith.shrsi %get3A_125, %shift_right_arithmetic3A_126 : vector<16xi32>
    %and3A = arith.constant 127 : i32
    %and3A_128 = vector.broadcast %and3A : i32 to vector<16xi32>
    %and3A_129 = arith.andi %get3A_125, %and3A_128 : vector<16xi32>
    %gather3A = tpu.vector_load_idx %arg18[%shift_right_arithmetic3A_127, %and3A_129] : memref<80x128xf32, #tpu.memory_space<vmem>>[vector<16xi32>, vector<16xi32>], vector<16xf32>,
    %get3A_130 = arith.constant 0 : index
    %get3A_131 = tpu.vector_load %arg10[%get3A_130] {strides = array<i32>} : memref<400xf32, #tpu.memory_space<vmem>>, vector<16xf32>,
    %sub3A = arith.constant 1.000000e+00 : f32
    %sub3A_132 = vector.broadcast %sub3A : f32 to vector<16xf32>
    %sub3A_133 = arith.subf %gather3A, %sub3A_132 : vector<16xf32>
    %sub3A_134 = arith.subf %get3A_131, %sub3A_133 : vector<16xf32>
    %mul3A_135 = arith.constant 1.000000e-01 : f32
    %mul3A_136 = vector.broadcast %mul3A_135 : f32 to vector<16xf32>
    %mul3A_137 = arith.mulf %sub3A_134, %mul3A_136 : vector<16xf32>
    %exp3A = math.exp %mul3A_137 : vector<16xf32>
    %swap3A = arith.constant 0 : index
    %swap3A_138 = tpu.vector_load %arg17[%swap3A] {strides = array<i32>} : memref<128xf32, #tpu.memory_space<vmem>>, vector<16xf32>,
    tpu.vector_store %arg17[%swap3A], %exp3A {strides = array<i32>} : memref<128xf32, #tpu.memory_space<vmem>>, vector<16xf32>,
    %parallel_loop3A = arith.constant 0 : i32
    %parallel_loop3A_139 = arith.constant 16 : i32
    %parallel_loop3A_140 = arith.constant 1 : i32
    scf.for %parallel_loop3A_146 = %parallel_loop3A to %parallel_loop3A_139 step %parallel_loop3A_140  : i32 {
      %parallel_loop3A_147 = vector.broadcast %parallel_loop3A_146 : i32 to vector<16xi32>
      %parallel_loop3A_148 = tpu.vector_load_idx %arg17[%parallel_loop3A_147] : memref<128xf32, #tpu.memory_space<vmem>>[vector<16xi32>], vector<16xf32>,
      %parallel_loop3A_149 = arith.index_cast %parallel_loop3A_146 : i32 to index
      %parallel_loop3A_150 = arith.constant 0 : index
      %parallel_loop3A_151 = tpu.vector_load %arg12[%parallel_loop3A_149, %parallel_loop3A_150] {strides = array<i32>} : memref<128x128xf32, #tpu.memory_space<vmem>>, vector<16xf32>,
      %parallel_loop3A_152 = arith.mulf %parallel_loop3A_151, %parallel_loop3A_148 : vector<16xf32>
      %parallel_loop3A_153 = arith.index_cast %parallel_loop3A_146 : i32 to index
      %parallel_loop3A_154 = arith.constant 0 : index
      %parallel_loop3A_155 = tpu.vector_load %arg12[%parallel_loop3A_153, %parallel_loop3A_154] {strides = array<i32>} : memref<128x128xf32, #tpu.memory_space<vmem>>, vector<16xf32>,
      tpu.vector_store %arg12[%parallel_loop3A_153, %parallel_loop3A_154], %parallel_loop3A_152 {strides = array<i32>} : memref<128x128xf32, #tpu.memory_space<vmem>>, vector<16xf32>,
      %parallel_loop3A_156 = arith.index_cast %parallel_loop3A_146 : i32 to index
      %parallel_loop3A_157 = arith.constant 16 : index
      %parallel_loop3A_158 = tpu.vector_load %arg12[%parallel_loop3A_156, %parallel_loop3A_157] {strides = array<i32>} : memref<128x128xf32, #tpu.memory_space<vmem>>, vector<16xf32>,
      %parallel_loop3A_159 = arith.mulf %parallel_loop3A_158, %parallel_loop3A_148 : vector<16xf32>
      %parallel_loop3A_160 = arith.index_cast %parallel_loop3A_146 : i32 to index
      %parallel_loop3A_161 = arith.constant 16 : index
      %parallel_loop3A_162 = tpu.vector_load %arg12[%parallel_loop3A_160, %parallel_loop3A_161] {strides = array<i32>} : memref<128x128xf32, #tpu.memory_space<vmem>>, vector<16xf32>,
      tpu.vector_store %arg12[%parallel_loop3A_160, %parallel_loop3A_161], %parallel_loop3A_159 {strides = array<i32>} : memref<128x128xf32, #tpu.memory_space<vmem>>, vector<16xf32>,
      %parallel_loop3A_163 = arith.index_cast %parallel_loop3A_146 : i32 to index
      %parallel_loop3A_164 = arith.constant 32 : index
      %parallel_loop3A_165 = tpu.vector_load %arg12[%parallel_loop3A_163, %parallel_loop3A_164] {strides = array<i32>} : memref<128x128xf32, #tpu.memory_space<vmem>>, vector<16xf32>,
      %parallel_loop3A_166 = arith.mulf %parallel_loop3A_165, %parallel_loop3A_148 : vector<16xf32>
      %parallel_loop3A_167 = arith.index_cast %parallel_loop3A_146 : i32 to index
      %parallel_loop3A_168 = arith.constant 32 : index
      %parallel_loop3A_169 = tpu.vector_load %arg12[%parallel_loop3A_167, %parallel_loop3A_168] {strides = array<i32>} : memref<128x128xf32, #tpu.memory_space<vmem>>, vector<16xf32>,
      tpu.vector_store %arg12[%parallel_loop3A_167, %parallel_loop3A_168], %parallel_loop3A_166 {strides = array<i32>} : memref<128x128xf32, #tpu.memory_space<vmem>>, vector<16xf32>,
      %parallel_loop3A_170 = arith.index_cast %parallel_loop3A_146 : i32 to index
      %parallel_loop3A_171 = arith.constant 48 : index
      %parallel_loop3A_172 = tpu.vector_load %arg12[%parallel_loop3A_170, %parallel_loop3A_171] {strides = array<i32>} : memref<128x128xf32, #tpu.memory_space<vmem>>, vector<16xf32>,
      %parallel_loop3A_173 = arith.mulf %parallel_loop3A_172, %parallel_loop3A_148 : vector<16xf32>
      %parallel_loop3A_174 = arith.index_cast %parallel_loop3A_146 : i32 to index
      %parallel_loop3A_175 = arith.constant 48 : index
      %parallel_loop3A_176 = tpu.vector_load %arg12[%parallel_loop3A_174, %parallel_loop3A_175] {strides = array<i32>} : memref<128x128xf32, #tpu.memory_space<vmem>>, vector<16xf32>,
      tpu.vector_store %arg12[%parallel_loop3A_174, %parallel_loop3A_175], %parallel_loop3A_173 {strides = array<i32>} : memref<128x128xf32, #tpu.memory_space<vmem>>, vector<16xf32>,
      %parallel_loop3A_177 = arith.index_cast %parallel_loop3A_146 : i32 to index
      %parallel_loop3A_178 = arith.constant 64 : index
      %parallel_loop3A_179 = tpu.vector_load %arg12[%parallel_loop3A_177, %parallel_loop3A_178] {strides = array<i32>} : memref<128x128xf32, #tpu.memory_space<vmem>>, vector<16xf32>,
      %parallel_loop3A_180 = arith.mulf %parallel_loop3A_179, %parallel_loop3A_148 : vector<16xf32>
      %parallel_loop3A_181 = arith.index_cast %parallel_loop3A_146 : i32 to index
      %parallel_loop3A_182 = arith.constant 64 : index
      %parallel_loop3A_183 = tpu.vector_load %arg12[%parallel_loop3A_181, %parallel_loop3A_182] {strides = array<i32>} : memref<128x128xf32, #tpu.memory_space<vmem>>, vector<16xf32>,
      tpu.vector_store %arg12[%parallel_loop3A_181, %parallel_loop3A_182], %parallel_loop3A_180 {strides = array<i32>} : memref<128x128xf32, #tpu.memory_space<vmem>>, vector<16xf32>,
      %parallel_loop3A_184 = arith.index_cast %parallel_loop3A_146 : i32 to index
      %parallel_loop3A_185 = arith.constant 80 : index
      %parallel_loop3A_186 = tpu.vector_load %arg12[%parallel_loop3A_184, %parallel_loop3A_185] {strides = array<i32>} : memref<128x128xf32, #tpu.memory_space<vmem>>, vector<16xf32>,
      %parallel_loop3A_187 = arith.mulf %parallel_loop3A_186, %parallel_loop3A_148 : vector<16xf32>
      %parallel_loop3A_188 = arith.index_cast %parallel_loop3A_146 : i32 to index
      %parallel_loop3A_189 = arith.constant 80 : index
      %parallel_loop3A_190 = tpu.vector_load %arg12[%parallel_loop3A_188, %parallel_loop3A_189] {strides = array<i32>} : memref<128x128xf32, #tpu.memory_space<vmem>>, vector<16xf32>,
      tpu.vector_store %arg12[%parallel_loop3A_188, %parallel_loop3A_189], %parallel_loop3A_187 {strides = array<i32>} : memref<128x128xf32, #tpu.memory_space<vmem>>, vector<16xf32>,
      %parallel_loop3A_191 = arith.index_cast %parallel_loop3A_146 : i32 to index
      %parallel_loop3A_192 = arith.constant 96 : index
      %parallel_loop3A_193 = tpu.vector_load %arg12[%parallel_loop3A_191, %parallel_loop3A_192] {strides = array<i32>} : memref<128x128xf32, #tpu.memory_space<vmem>>, vector<16xf32>,
      %parallel_loop3A_194 = arith.mulf %parallel_loop3A_193, %parallel_loop3A_148 : vector<16xf32>
      %parallel_loop3A_195 = arith.index_cast %parallel_loop3A_146 : i32 to index
      %parallel_loop3A_196 = arith.constant 96 : index
      %parallel_loop3A_197 = tpu.vector_load %arg12[%parallel_loop3A_195, %parallel_loop3A_196] {strides = array<i32>} : memref<128x128xf32, #tpu.memory_space<vmem>>, vector<16xf32>,
      tpu.vector_store %arg12[%parallel_loop3A_195, %parallel_loop3A_196], %parallel_loop3A_194 {strides = array<i32>} : memref<128x128xf32, #tpu.memory_space<vmem>>, vector<16xf32>,
      %parallel_loop3A_198 = arith.index_cast %parallel_loop3A_146 : i32 to index
      %parallel_loop3A_199 = arith.constant 112 : index
      %parallel_loop3A_200 = tpu.vector_load %arg12[%parallel_loop3A_198, %parallel_loop3A_199] {strides = array<i32>} : memref<128x128xf32, #tpu.memory_space<vmem>>, vector<16xf32>,
      %parallel_loop3A_201 = arith.mulf %parallel_loop3A_200, %parallel_loop3A_148 : vector<16xf32>
      %parallel_loop3A_202 = arith.index_cast %parallel_loop3A_146 : i32 to index
      %parallel_loop3A_203 = arith.constant 112 : index
      %parallel_loop3A_204 = tpu.vector_load %arg12[%parallel_loop3A_202, %parallel_loop3A_203] {strides = array<i32>} : memref<128x128xf32, #tpu.memory_space<vmem>>, vector<16xf32>,
      tpu.vector_store %arg12[%parallel_loop3A_202, %parallel_loop3A_203], %parallel_loop3A_201 {strides = array<i32>} : memref<128x128xf32, #tpu.memory_space<vmem>>, vector<16xf32>,
    } {sc.loop_unroll_factor = 4 : i64, sc.parallel_access}
    %run_scoped3A_141 = arith.constant 0 : i32
    "tpu.region"() ({
      %run_scoped3A_146 = tpu.sem_alloc : memref<!tpu.dma_semaphore, #tpu.memory_space<semaphore_mem>>
      %dma_start3A_147 = arith.constant 0 : i32
      %dma_start3A_148 = arith.constant 0 : i32
      %dma_start3A_149 = tpu.memref_slice %arg12[%dma_start3A_147, %dma_start3A_148] : memref<128x128xf32, #tpu.memory_space<vmem>> -> memref<16x128xf32, #tpu.memory_space<vmem>>
      %dma_start3A_150 = arith.constant 0 : i32
      %dma_start3A_151 = tpu.memref_slice %arg16[%run_scoped3A_141, %dma_start3A_150] : memref<1x16xi32, #tpu.memory_space<vmem>> -> memref<1x16xi32, #tpu.memory_space<vmem>>
      %dma_start3A_152 = tpu.memref_squeeze %dma_start3A_151 : memref<1x16xi32, #tpu.memory_space<vmem>> -> memref<16xi32, #tpu.memory_space<vmem>>
      %dma_start3A_153 = arith.constant 0 : i32
      %dma_start3A_154 = arith.constant 0 : i32
      %dma_start3A_155 = tpu.memref_slice %arg23[%dma_start3A_153, %dma_start3A_154] : memref<10240x128xf32, #tpu.memory_space<vmem_shared>> -> memref<10240x128xf32, #tpu.memory_space<vmem_shared>>
      tpu.enqueue_indirect_dma source(%dma_start3A_149 : memref<16x128xf32, #tpu.memory_space<vmem>>) target(%dma_start3A_155 : memref<10240x128xf32, #tpu.memory_space<vmem_shared>>) offsets(%dma_start3A_152 : memref<16xi32, #tpu.memory_space<vmem>>) semaphore(%run_scoped3A_146 : memref<!tpu.dma_semaphore, #tpu.memory_space<semaphore_mem>>) {add = true}
      %dma_wait3A_156 = arith.constant 0 : i32
      %dma_wait3A_157 = arith.constant 0 : i32
      %dma_wait3A_158 = tpu.memref_slice %arg12[%dma_wait3A_156, %dma_wait3A_157] : memref<128x128xf32, #tpu.memory_space<vmem>> -> memref<16x128xf32, #tpu.memory_space<vmem>>
      %dma_wait3A_159 = arith.constant 0 : i32
      %dma_wait3A_160 = tpu.memref_slice %arg16[%run_scoped3A_141, %dma_wait3A_159] : memref<1x16xi32, #tpu.memory_space<vmem>> -> memref<1x16xi32, #tpu.memory_space<vmem>>
      %dma_wait3A_161 = tpu.memref_squeeze %dma_wait3A_160 : memref<1x16xi32, #tpu.memory_space<vmem>> -> memref<16xi32, #tpu.memory_space<vmem>>
      %dma_wait3A_162 = arith.constant 0 : i32
      %dma_wait3A_163 = arith.constant 0 : i32
      %dma_wait3A_164 = tpu.memref_slice %arg23[%dma_wait3A_162, %dma_wait3A_163] : memref<10240x128xf32, #tpu.memory_space<vmem_shared>> -> memref<10240x128xf32, #tpu.memory_space<vmem_shared>>
      tpu.wait_indirect_dma semaphore(%run_scoped3A_146 : memref<!tpu.dma_semaphore, #tpu.memory_space<semaphore_mem>>) src(%dma_wait3A_158 : memref<16x128xf32, #tpu.memory_space<vmem>>) dst(%dma_wait3A_164 : memref<10240x128xf32, #tpu.memory_space<vmem_shared>>)
      tpu.yield
    }) : () -> ()
    %barrier3A_142 = arith.constant 0 : index
    tpu.barrier barrier_id(%barrier3A_142)
    %mul3A_143 = arith.constant 640 : i32
    %mul3A_144 = arith.muli %arg1, %mul3A_143 : i32
    %multiple_of3A_145 = tpu.assume_multiple %mul3A_144, 8 : i32
    "tpu.region"() ({
      %run_scoped3A_146 = tpu.sem_alloc : memref<!tpu.dma_semaphore, #tpu.memory_space<semaphore_mem>>
      %dma_start3A_147 = arith.constant 0 : i32
      %dma_start3A_148 = tpu.memref_slice %arg5[%arg0, %multiple_of3A_145, %dma_start3A_147] : memref<2x10240x128xf32, #tpu.memory_space<hbm>> -> memref<1x640x128xf32, #tpu.memory_space<hbm>>
      %dma_start3A_149 = tpu.memref_squeeze %dma_start3A_148 : memref<1x640x128xf32, #tpu.memory_space<hbm>> -> memref<640x128xf32, #tpu.memory_space<hbm>>
      %dma_start3A_150 = arith.constant 0 : i32
      %dma_start3A_151 = tpu.memref_slice %arg23[%multiple_of3A_145, %dma_start3A_150] : memref<10240x128xf32, #tpu.memory_space<vmem_shared>> -> memref<640x128xf32, #tpu.memory_space<vmem_shared>>
      tpu.enqueue_dma source(%dma_start3A_151 : memref<640x128xf32, #tpu.memory_space<vmem_shared>>) target(%dma_start3A_149 : memref<640x128xf32, #tpu.memory_space<hbm>>) target_semaphore(%run_scoped3A_146 : memref<!tpu.dma_semaphore, #tpu.memory_space<semaphore_mem>>)
      %dma_wait3A_152 = arith.constant 0 : i32
      %dma_wait3A_153 = tpu.memref_slice %arg5[%arg0, %multiple_of3A_145, %dma_wait3A_152] : memref<2x10240x128xf32, #tpu.memory_space<hbm>> -> memref<1x640x128xf32, #tpu.memory_space<hbm>>
      %dma_wait3A_154 = tpu.memref_squeeze %dma_wait3A_153 : memref<1x640x128xf32, #tpu.memory_space<hbm>> -> memref<640x128xf32, #tpu.memory_space<hbm>>
      %dma_wait3A_155 = arith.constant 0 : i32
      %dma_wait3A_156 = tpu.memref_slice %arg23[%multiple_of3A_145, %dma_wait3A_155] : memref<10240x128xf32, #tpu.memory_space<vmem_shared>> -> memref<640x128xf32, #tpu.memory_space<vmem_shared>>
      tpu.wait_dma2 semaphore(%run_scoped3A_146 : memref<!tpu.dma_semaphore, #tpu.memory_space<semaphore_mem>>) src(%dma_wait3A_156 : memref<640x128xf32, #tpu.memory_space<vmem_shared>>) dst(%dma_wait3A_154 : memref<640x128xf32, #tpu.memory_space<hbm>>)
      tpu.yield
    }) : () -> ()
    return
  }
}

</mosaic_0001>

<sc_bundles>
// kernel: _sc_call.3.cloned.1.call-start
scs
__scs_entry_jumppad:
0x0: {  	(pc) =	sbr.rel $0x88, $3  }
0x1: {  	(tag) =	ssettag $0x0;
	lr =	simm.s32 $0x1  }
0x2: {  	[smem:$0x3F9E] =	sst lr;
	_ =	strace $0xD0000000  }
0x3: {  	_ = 	snop  }
0x4: {  	_ = 	snop  }
0x5: {  	_ = 	snop  }
0x6: {  	_ = 	snop  }
0x7: {  	_ = 	snop  }
__scs_overlays_trampoline_lowered:
0x8: {  	[smem:$0x3FAD] =	sst s0  }
0x9: {  	[smem:$0x3FAE] =	sst s1  }
0xa: {  	[smem:$0x3FAF] =	sst s2  }
0xb: {  	[smem:$0x3FB0] =	sst s3  }
0xc: {  	[smem:$0x3FB1] =	sst s4  }
0xd: {  	[smem:$0x3FB2] =	sst s5  }
0xe: {  	[smem:$0x3FB3] =	sst s6  }
0xf: {  	[smem:$0x3FB4] =	sst s7  }
0x10: {  	[smem:$0x3FB5] =	sst s8  }
0x11: {  	[smem:$0x3FB6] =	sst s9;
	s0 =	simm.s32 @!p0 $0x0  }
0x12: {  	s1 =	sld [smem:$0x3F9C];
	s0 =	simm.s32 @p0 $0x1  }
0x13: {  	[smem:$0x3FB7] =	sst s0;
	s0 =	simm.s32 @!p1 $0x0  }
0x14: {  	s2 =	sld [smem:$0x3F9B];
	s0 =	simm.s32 @p1 $0x1  }
0x15: {  	[smem:$0x3FB8] =	sst s0;
	s0 =	simm.s32 @!p2 $0x0  }
0x16: {  	s3 =	sld [smem:$0x3FDB];
	s0 =	simm.s32 @p2 $0x1  }
0x17: {  	s4 =	simm.s32 $0x1BF5;
	[smem:$0x3FBA] =	sst s0  }
0x18: {  	s0 =	sld [smem:$0x3F9D];
	_ =	swait.ge [sflag:s4], $0x0  }
0x19: {  	s7 =	sld [smem:$0x3F9E]  }
0x1a: {  	s8 =	sadd.s32 $0xFFFFE003, lr  }
0x1b: {  	s9 =	sadd.s32 $0xFFFFFEF7, lr;
	s5 =	simm.s32 $0xFFFFFFFF;
	p2 =	slt.u32 s8, $0xFFFFF086  }
0x1c: {  	p1 =	slt.u32 s9, $0xF7A;
	s5 =	simm.s32 @!p2 $0x0  }
0x1d: {  	s5 =	simm.s32 @p1 $0x1;
	p0 =	seq.s32 s7, s2  }
0x1e: {  	s7 =	smul.u32 @!p0 $0xF7A, s2;
	p2 =	seq.s32 @!p0 s5, $0x0  }
0x1f: {  	s9 =	smul.u32 $0xF7A, s1;
	s8 =	simm.s32 @!p0 $0x1BF5;
	p2 =	por !p2, p0  }
0x20: {  	[sflag:s8] =	ssyncset.s32 @!p0 $0xFFFFF086;
	s6 =	sadd.s32 @!p0 s3, s7;
	s7 =	simm.s32 @!p0 $0x108  }
0x21: {  	s3 =	sadd.s32 s3, s9;
	s6 =	sadd.s32 @!p0 $0x88, s6;
	s7 =	simm.s32 @p2 $0x1082  }
0x22: {  	[simem:s7], [sflag:s8] =	dma.local @!p0 [hbm:s6], $0xF7A  }
0x23: {  	s9 =	sor.u32 $0xD0000000, s2;
	s6 =	simm.s32 $0x108;
	_ =	swait.ge @!p0 [sflag:s8], $0x0  }
0x24: {  	s3 =	sadd.s32 $0x88, s3;
	s6 =	simm.s32 @!p1 $0x1082;
	[sflag:s4] =	ssyncset.s32 $0xFFFFF086  }
0x25: {  	[simem:s6], [sflag:s4] =	dma.local [hbm:s3], $0xF7A  }
0x26: {  	[smem:$0x3F9E] =	sst s1;
	(tag) =	ssettag s2;
	_ =	strace s9  }
0x27: {  	s1 =	sld [smem:$0x3FAE]  }
0x28: {  	s2 =	sld [smem:$0x3FAF]  }
0x29: {  	s4 =	sld [smem:$0x3FB1]  }
0x2a: {  	p0 =	seq.s32 s5, $0x0;
	s5 =	sld [smem:$0x3FB2]  }
0x2b: {  	s6 =	sld [smem:$0x3FB3]  }
0x2c: {  	s7 =	sld [smem:$0x3FB4]  }
0x2d: {  	s3 =	simm.s32 $0x108;
	s8 =	sld [smem:$0x3FB5]  }
0x2e: {  	s3 =	simm.s32 @!p0 $0x1082;
	s9 =	sld [smem:$0x3FB6]  }
0x2f: {  	lr =	sadd.s32 s0, s3;
	s0 =	sld [smem:$0x3FAD]  }
0x30: {  	s3 =	sld [smem:$0x3FB0]  }
0x31: {  	[smem:$0x3FB9] =	sst s10  }
0x32: {  	s10 =	sld [smem:$0x3FB7];
	_ =	sdelay $0x3  }
0x33: {  	p0 =	seq.s32 s10, $0x1;
	s10 =	sld [smem:$0x3FB9];
	_ =	sdelay $0x3  }
0x34: {  	[smem:$0x3FB9] =	sst s10  }
0x35: {  	s10 =	sld [smem:$0x3FB8];
	_ =	sdelay $0x3  }
0x36: {  	p1 =	seq.s32 s10, $0x1;
	s10 =	sld [smem:$0x3FB9];
	_ =	sdelay $0x3  }
0x37: {  	[smem:$0x3FB9] =	sst s10  }
0x38: {  	s10 =	sld [smem:$0x3FBA]  }
0x39: {  	_ = 	snop;
	(pc) =	sbr.ind lr, $3  }
0x3a: {  	_ = 	snop  }
0x3b: {  	_ = 	snop  }
0x3c: {  	p2 =	seq.s32 s10, $0x1;
	s10 =	sld [smem:$0x3FB9]  }
0x3d: {  	_ =	shalt  }
0x3e: {  	_ =	shalt  }
0x3f: {  	_ =	shalt  }
0x40: {  	_ =	shalt  }
0x41: {  	_ =	shalt  }
0x42: {  	_ =	shalt  }
0x43: {  	_ =	shalt  }
0x44: {  	_ =	shalt  }
0x45: {  	_ =	shalt  }
0x46: {  	_ =	shalt  }
0x47: {  	_ =	shalt  }
0x48: {  	_ =	shalt  }
0x49: {  	_ =	shalt  }
0x4a: {  	_ =	shalt  }
0x4b: {  	_ =	shalt  }
0x4c: {  	_ =	shalt  }
0x4d: {  	_ =	shalt  }
0x4e: {  	_ =	shalt  }
0x4f: {  	_ =	shalt  }
0x50: {  	_ =	shalt  }
0x51: {  	_ =	shalt  }
0x52: {  	_ =	shalt  }
0x53: {  	_ =	shalt  }
0x54: {  	_ =	shalt  }
0x55: {  	_ =	shalt  }
0x56: {  	_ =	shalt  }
0x57: {  	_ =	shalt  }
0x58: {  	_ =	shalt  }
0x59: {  	_ =	shalt  }
0x5a: {  	_ =	shalt  }
0x5b: {  	_ =	shalt  }
0x5c: {  	_ =	shalt  }
0x5d: {  	_ =	shalt  }
0x5e: {  	_ =	shalt  }
0x5f: {  	_ =	shalt  }
0x60: {  	_ =	shalt  }
0x61: {  	_ =	shalt  }
0x62: {  	_ =	shalt  }
0x63: {  	_ =	shalt  }
0x64: {  	_ =	shalt  }
0x65: {  	_ =	shalt  }
0x66: {  	_ =	shalt  }
0x67: {  	_ =	shalt  }
0x68: {  	_ =	shalt  }
0x69: {  	_ =	shalt  }
0x6a: {  	_ =	shalt  }
0x6b: {  	_ =	shalt  }
0x6c: {  	_ =	shalt  }
0x6d: {  	_ =	shalt  }
0x6e: {  	_ =	shalt  }
0x6f: {  	_ =	shalt  }
0x70: {  	_ =	shalt  }
0x71: {  	_ =	shalt  }
0x72: {  	_ =	shalt  }
0x73: {  	_ =	shalt  }
0x74: {  	_ =	shalt  }
0x75: {  	_ =	shalt  }
0x76: {  	_ =	shalt  }
0x77: {  	_ =	shalt  }
0x78: {  	_ =	shalt  }
0x79: {  	_ =	shalt  }
0x7a: {  	_ =	shalt  }
0x7b: {  	_ =	shalt  }
0x7c: {  	_ =	shalt  }
0x7d: {  	_ =	shalt  }
0x7e: {  	_ =	shalt  }
0x7f: {  	_ =	shalt  }
0x80: {  	_ =	shalt  }
0x81: {  	_ =	shalt  }
0x82: {  	_ =	shalt  }
0x83: {  	_ =	shalt  }
0x84: {  	_ =	shalt  }
0x85: {  	_ =	shalt  }
0x86: {  	_ =	shalt  }
0x87: {  	_ =	shalt  }
.Lfunc_end0:
.L_simem_size_0:
called_computation_lowered:
.L_overlay_start_0:
0x88: {  	s2 =	sld [smem:$0x3FD9]  }
0x89: {  	s3 =	sld [smem:$0x3FFE];
	_ =	sdelay $0x1  }
0x8a: {  	s1 =	srdreg.scid  }
0x8b: {  	s0 =	sand.u32 $0x1, s1  }
0x8c: {  	s15 =	sshll.u32 s0, $0xA;
	s2 =	sadd.s32 s3, s2  }
0x8d: {  	s2 =	sadd.s32 s2, s15  }
0x8e: {  	[smem:$0x3FC5] =	sst s2  }
0x8f: {  	_ = 	snop  }
0x90: {  	s2 =	sld [smem:$0x3FD0]  }
0x91: {  	s16 =	sld [smem:$0x3FC9]  }
0x92: {  	s4 =	sld [smem:$0x3FC8]  }
0x93: {  	s6 =	simm.s32 $0xA;
	s7 =	simm.s32 $0x10;
	s5 =	sld [smem:$0x3FC7]  }
0x94: {  	[smem:s7], [sflag:s6] =	dma.local [hbm:s2], $0x1  }
0x95: {  	_ =	swait.eq [sflag:s6], $0x1  }
0x96: {  	s17 =	sld [smem:$0x10];
	[sflag:s6] =	ssyncset.done $0x0  }
0x97: {  	s18 =	sld [smem:$0x11];
	[sflag:s6] =	ssyncadd.s32 $0xFFFFFFFF  }
0x98: {  	s19 =	sld [smem:$0x12];
	(tm) =	ssettm $0x1  }
0x99: {  	s8 =	sld [smem:$0x3FFB];
	_ =	sdelay $0x3  }
0x9a: {  	_ =	strace s8  }
0x9b: {  	s8 =	sld [smem:$0x3FFC];
	_ =	sdelay $0x3  }
0x9c: {  	_ =	strace s8  }
0x9d: {  	s8 =	sld [smem:$0x3FFD];
	_ =	sdelay $0x3  }
0x9e: {  	_ =	strace s8  }
0x9f: {  	_ =	strace $0x8FFFFFFF  }
0xa0: {  	s20 =	sld [smem:$0x3FDB];
	_ =	sdelay $0x1  }
0xa1: {  	s9 =	simm.s32 $_scs_section_size  }
0xa2: {  	s10 =	simm.s32 $_size__tile_overlayer_lowered;
	s11 =	simm.s32 $_tile_overlayer_lowered  }
0xa3: {  	s23 =	simm.s32 $0x1BFF;
	s22 =	sshll.u32 s11, $0x1;
	s8 =	sadd.s32 s9, s20  }
0xa4: {  	s12 =	simm.s32 $0x0;
	s21 =	sshll.u32 s10, $0x1;
	s10 =	sadd.s32 s22, s8  }
0xa5: {  	[timem:s12], [sflag:s23] =	dma.local [hbm:s10], s21  }
0xa6: {  	_ =	swait.ge [sflag:s23], s21  }
0xa7: {  	s9 =	ssub.s32 $0x0, s21;
	[sflag:s23] =	ssyncset.done $0x0  }
0xa8: {  	[sflag:s23] =	ssyncadd.s32 s9;
	_ =	sdelay $0x1  }
0xa9: {  	s24 =	simm.s32 $0x1B8B  }
0xaa: {  	_ =	swait.ge [sflag:s24], $0x1  }
0xab: {  	[sflag:s24] =	ssyncset.done $0x0  }
0xac: {  	s25 =	simm.s32 $0x1B8E;
	[sflag:s24] =	ssyncadd.s32 $0xFFFFFFFF  }
0xad: {  	s26 =	simm.s32 $execute0_lowered;
	[smem:$0x3FD2] =	sst s25  }
0xae: {  	s9 =	sshll.u32 s26, $0x1;
	_ =	strace $0x80000046;
	[dreg:$0x1] =	wrdreg $0xFFFFFFFF  }
0xaf: {  	s28 =	simm.s32 $_size_execute0_lowered;
	s8 =	sadd.s32 s8, s9;
	[dreg:$0x0] =	wrdreg $0x0  }
0xb0: {  	s9 =	sshll.u32 s28, $0x1;
	[dreg:$0x2] =	wrdreg s8  }
0xb1: {  	[dreg:$0x3] =	wrdreg s9  }
0xb2: {  	[dreg:$0x4] =	wrdreg $0xC0  }
0xb3: {  	_ =	task [dreg:s12], $0x5FFFF  }
0xb4: {  	[dreg:$0x1] =	wrdreg $0xFFFFFFFF  }
0xb5: {  	[dreg:$0x0] =	wrdreg $0x60  }
0xb6: {  	[dreg:$0x2] =	wrdreg s16  }
0xb7: {  	[dreg:$0x3] =	wrdreg s4  }
0xb8: {  	[dreg:$0x4] =	wrdreg s5  }
0xb9: {  	[dreg:$0x5] =	wrdreg s17  }
0xba: {  	[dreg:$0x6] =	wrdreg s18  }
0xbb: {  	[dreg:$0x7] =	wrdreg s19  }
0xbc: {  	[dreg:$0x8] =	wrdreg $0xB2000  }
0xbd: {  	[dreg:$0x9] =	wrdreg $0x1F2000  }
0xbe: {  	[dreg:$0xa] =	wrdreg $0x9  }
0xbf: {  	_ =	task.clear_ibuf [dreg:s12], $0xBFFFF;
	_ =	strace $0x90000046  }
0xc0: {  	s29 =	simm.s32 $0x9;
	_ =	strace $0x80000048  }
0xc1: {  	_ =	swait.ge [sflag:s29], $0x1  }
0xc2: {  	[sflag:s29] =	ssyncadd.s32 $0xFFFFFFFF  }
0xc3: {  	_ =	strace $0x90000048  }
0xc4: {  	_ =	sfence  }
0xc5: {  	s30 =	sld [smem:$0x0];
	_ =	sdelay $0x2  }
0xc6: {  	s31 =	sshll.u32 s1, $0xD;
	s1 =	sshrl.u32 s1, $0x2  }
0xc7: {  	s3 =	sand.u32 $0x4000, s31;
	s1 =	sadd.s32 s1, s30  }
0xc8: {  	s0 =	sor.u32 s3, s0;
	s1 =	sshll.u32 s1, $0x11  }
0xc9: {  	s0 =	sor.u32 s1, s0  }
0xca: {  	s0 =	sadd.s32 $0x8F2B, s0  }
0xcb: {  	[sflag:s0] =	ssyncadd.remote.s32 $0x1  }
0xcc: {  	_ =	sfence.sel $0xFFFF  }
0xcd: {  	[dreg:$0x0] =	wrdreg $0xFFFFFFFF;
	(pc) =	sbr.abs _section_cstart, $3  }
0xce: {  	[dreg:$0x1] =	wrdreg $0xFFFFFFFF  }
0xcf: {  	_ =	task.clear_ibuf [dreg:s12], $0x2FFFF;
	_ =	strace $0x9FFFFFFF  }
0xd0: {  	(tm) =	ssettm $0x7FFFFFFF  }
0xd1: {  	_ =	shalt  }
tec
execute0_lowered:
.L_overlay_start_1:
0x0: {  	(tag) =	ssettag $0x1  }
0x1: {  	s0 =	rddreg [dreg:$0x0]  }
0x2: {  	s1 =	rddreg [dreg:$0x1]  }
0x3: {  	s3 =	rddreg [dreg:$0x2]  }
0x4: {  	s2 =	rddreg [dreg:$0x3]  }
0x5: {  	s4 =	rddreg [dreg:$0x4]  }
0x6: {  	s8 =	srdreg.scid;
	s17 =	stileid.u32  }
0x7: {  	s6 =	rddreg [dreg:$0x5];
	s10 =	sand.u32 $0x1, s8;
	s8 =	smul.u32 $0x4E20, s17  }
0x8: {  	s5 =	rddreg [dreg:$0x6];
	s13 =	smul.u32 $0xA000, s17  }
0x9: {  	s18 =	rddreg [dreg:$0x7];
	s7 =	simm.s32 $0x0;
	s31 =	smul.u32 $0x50000, s17  }
0xa: {  	[smem:$0x7FF] =	sst s7;
	s16 =	smul.u32 $0x2710, s17  }
0xb: {  	s20 =	sshll.u32 s17, $0xA;
	s15 =	sshll.u32 s17, $0x7;
	s24 =	smul.u32 $0x14000, s17  }
0xc: {  	s9 =	ssub.s32 $0x2, s10;
	_ =	strace $0x80000047;
	s14 =	smul.u32 $0x27100, s10  }
0xd: {  	s19 =	sadd.s32 s20, s5;
	s4 =	sadd.s32 s4, s15;
	s21 =	smul.u32 $0x140000, s10  }
0xe: {  	s6 =	sadd.s32 s6, s15;
	p0 =	sne.s32 s10, $0x0;
	[dreg:$0xe] =	wrdreg s4  }
0xf: {  	s11 =	sshrl.u32 s9, $0x1;
	s12 =	sshrl.u32 s8, $0x3;
	[dreg:$0xf] =	wrdreg s6  }
0x10: {  	s26 =	sshrl.u32 s13, $0x2;
	s10 =	sadd.s32 $0xC800, s19;
	[dreg:$0xc] =	wrdreg s19  }
0x11: {  	s13 =	sadd.s32 $0x14000, s19;
	s11 =	ssub.s32 s9, s11;
	[dreg:$0x1f] =	wrdreg s10  }
0x12: {  	s9 =	sadd.s32 s0, s12;
	s12 =	sadd.s32 s1, s12;
	[smem:$0x7F2] =	sst s13  }
0x13: {  	p1 =	sgt.u32 s17, $0x9;
	s22 =	sshrl.u32 s31, $0x2;
	[dreg:$0xa] =	wrdreg s12  }
0x14: {  	s23 =	sadd.s32 s16, s14;
	s12 =	sadd.s32 s26, s5;
	[dreg:$0x9] =	wrdreg s9  }
0x15: {  	s4 =	sadd.s32 s24, s21;
	s24 =	smax.u32 s11, $0x1;
	[dreg:$0xb] =	wrdreg s12  }
0x16: {  	s16 =	sadd.s32 s22, s5;
	s11 =	sadd.s32 $0xF000, s19;
	[dreg:$0x17] =	wrdreg s24  }
0x17: {  	s25 =	sshrl.u32 s23, $0x3;
	s12 =	sadd.s32 s20, s18;
	[smem:$0x7F0] =	sst s11  }
0x18: {  	s4 =	sshrl.u32 s4, $0x3;
	s26 =	sadd.s32 s0, s25;
	[dreg:$0xd] =	wrdreg s12  }
0x19: {  	s14 =	sadd.s32 $0x2700, s23;
	s6 =	sadd.s32 s1, s25;
	[dreg:$0x10] =	wrdreg s26  }
0x1a: {  	s2 =	sadd.s32 s2, s4;
	s15 =	sshrl.u32 s14, $0x3;
	[dreg:$0x11] =	wrdreg s6  }
0x1b: {  	s22 =	sshll.u32 s14, $0x4;
	s14 =	sadd.s32 $0x16800, s19;
	[dreg:$0x13] =	wrdreg s2  }
0x1c: {  	s18 =	smul.u32 $0x9C4, s17;
	s17 =	sadd.s32 $0x1B800, s19;
	[smem:$0x7F3] =	sst s14  }
0x1d: {  	s31 =	sshll.u32 s23, $0x4;
	s24 =	sadd.s32 $0x4000, s16;
	[smem:$0x7F5] =	sst s17  }
0x1e: {  	s12 =	sadd.s32 s3, s31;
	[smem:$0x7FA] =	sst s24  }
0x1f: {  	s21 =	sadd.s32 s0, s15;
	[dreg:$0x12] =	wrdreg s12  }
0x20: {  	s2 =	sadd.s32 s1, s15;
	[dreg:$0x14] =	wrdreg s21  }
0x21: {  	s26 =	sadd.s32 $0x32, s9;
	[dreg:$0x15] =	wrdreg s2  }
0x22: {  	s28 =	simm.s32 $0x400;
	s31 =	sadd.s32 $0x2800, s19;
	[dreg:$0x1a] =	wrdreg s26  }
0x23: {  	s30 =	simm.s32 $0x5;
	s6 =	sadd.s32 $0x7800, s19;
	[dreg:$0x1b] =	wrdreg s31  }
0x24: {  	s29 =	simm.s32 $0x0;
	s9 =	sadd.s32 $0xA000, s19;
	[dreg:$0x1d] =	wrdreg s6  }
0x25: {  	s10 =	simm.s32 $0x8A00;
	s15 =	sadd.s32 $0x19000, s19;
	[dreg:$0x1e] =	wrdreg s9  }
0x26: {  	s20 =	sadd.s32 $0x80, s23;
	s2 =	sadd.s32 s3, s22;
	[smem:$0x7F4] =	sst s15  }
0x27: {  	s23 =	sadd.s32 s18, s1;
	s12 =	sadd.s32 $0x11800, s19;
	[dreg:$0x16] =	wrdreg s2  }
0x28: {  	s4 =	sadd.s32 s18, s0;
	s18 =	sadd.s32 $0x1E000, s19;
	[smem:$0x7F1] =	sst s12  }
0x29: {  	s11 =	simm.s32 $0x8800;
	s21 =	sadd.s32 $0x20800, s19;
	[smem:$0x7F6] =	sst s18  }
0x2a: {  	s17 =	simm.s32 $0x2;
	s22 =	sadd.s32 $0x23000, s19;
	[smem:$0x7F7] =	sst s21  }
0x2b: {  	s26 =	sadd.s32 $0xC000, s16;
	s31 =	sadd.s32 $0x10000, s16;
	[smem:$0x7F8] =	sst s22  }
0x2c: {  	s15 =	simm.s32 $0x800;
	s2 =	sadd.s32 $0x32, s23;
	[smem:$0x7FC] =	sst s26  }
0x2d: {  	s25 =	sadd.s32 $0x32, s4;
	s4 =	sadd.s32 $0x5000, s19;
	[smem:$0x7FD] =	sst s31  }
0x2e: {  	s23 =	sadd.s32 $0x25800, s19;
	s12 =	simm.s32 $0x1;
	[dreg:$0x18] =	wrdreg s2  }
0x2f: {  	s18 =	simm.s32 $0x8980;
	s19 =	simm.s32 $0x80;
	[dreg:$0x19] =	wrdreg s25  }
0x30: {  	s21 =	simm.s32 $0x8880;
	s22 =	simm.s32 $0x3;
	[dreg:$0x1c] =	wrdreg s4  }
0x31: {  	[smem:$0x7F9] =	sst s23;
	s25 =	sadd.s32 $0x8000, s16;
	s4 =	simm.s32 $0x4800  }
0x32: {  	v0 =	vimm.f32 $0.0e+00;
	s23 =	simm.s32 $0x4;
	[smem:$0x7FB] =	sst s25;
	s25 =	simm.s32 $0x600  }
.LBB2_1:
0x33: {  	s2 =	simm.s32 $0x0;
	s6 =	simm.s32 $0x200  }
.LBB2_2:
0x34: {  	p2 =	sne.s32 s6, $0x9E00;
	[tilespmem:s2+$0x870] =	vst v0  }
0x35: {  	[tilespmem:s2+$0x800] =	vst v0  }
0x36: {  	[tilespmem:s2+$0x810] =	vst v0  }
.Ltmp0:
0x37: {  	[tilespmem:s2+$0x820] =	vst v0;
	(pc) =	sbr.rel @p2 .LBB2_2-.Ltmp0, $4  }
0x38: {  	[tilespmem:s2+$0x830] =	vst v0  }
0x39: {  	[tilespmem:s2+$0x840] =	vst v0  }
0x3a: {  	[tilespmem:s2+$0x850] =	vst v0  }
0x3b: {  	[tilespmem:s2+$0x860] =	vst v0;
	s2 =	sshra.s32 s6, $0x2;
	s6 =	sadd.s32 $0x200, s6  }
0x3c: {  	[tilespmem:s2+$0x870] =	vst v0  }
0x3d: {  	[tilespmem:s2+$0x800] =	vst v0  }
0x3e: {  	[tilespmem:s2+$0x810] =	vst v0  }
0x3f: {  	[tilespmem:s2+$0x820] =	vst v0  }
0x40: {  	[tilespmem:s2+$0x830] =	vst v0  }
0x41: {  	[tilespmem:s2+$0x840] =	vst v0  }
0x42: {  	[tilespmem:s2+$0x850] =	vst v0;
	s13 =	rddreg [dreg:$0x9]  }
0x43: {  	[tilespmem:s2+$0x860] =	vst v0;
	s24 =	simm.s32 $0x0;
	s14 =	rddreg [dreg:$0x1a]  }
0x44: {  	[tilespmem:s24], [sflag:$0x1] =	stream.linear.gather [hbm4b:s13+s24], $0x190, $0x38;
	[tilespmem:$0x1F480] =	vst v63  }
.Ltmp1:
0x45: {  	s6 =	simm.s32 $0x190;
	s26 =	rddreg [dreg:$0xa];
	(pc) =	sbr.rel .LBB2_4-.Ltmp1, $4  }
0x46: {  	[tilespmem:s6], [sflag:$0x1] =	stream.linear.gather [hbm4b:s14+s24], $0x10, $0x38;
	[tilespmem:$0x1F480] =	vst v63  }
0x47: {  	s31 =	rddreg [dreg:$0x19]  }
0x48: {  	[tilespmem:s28], [sflag:$0x1] =	stream.linear.gather [hbm4b:s26+s24], $0x190, $0x38;
	[tilespmem:$0x1F480] =	vst v63  }
0x49: {  	s6 =	simm.s32 $0x0;
	s26 =	rddreg [dreg:$0x18]  }
.LBB2_6:
0x4a: {  	s24 =	sadd.s32 $0x190, s24  }
0x4b: {  	p2 =	sne.s32 s24, $0x4E20  }
.Ltmp2:
0x4c: {  	_ = 	snop;
	(pc) =	sbr.rel @!p2 .LBB2_7-.Ltmp2, $2  }
0x4d: {  	_ =	sdelay $0x2  }
0x4e: {  	s6 =	sadd.s32 $0x1, s6;
	s26 =	sadd.s32 $0x32, s26;
	s31 =	sadd.s32 $0x32, s31  }
.LBB2_4:
0x4f: {  	s13 =	sand.u32 $0x1, s6  }
0x50: {  	p2 =	seq.s32 s13, $0x1  }
0x51: {  	s2 =	sadd.s32 @!p2 s24, s8  }
0x52: {  	s9 =	simm.s32 @!p2 $0x0;
	s14 =	simm.s32 @!p2 $0x200;
	s28 =	sadd.s32 @!p2 $0x190, s2  }
0x53: {  	[tilespmem:s14], [sflag:$0x2] =	stream.linear.gather @!p2 [hbm4b:s31+s9], $0x190, $0x38;
	[tilespmem:$0x1F480] =	vst v63  }
0x54: {  	p3 =	slt.s32 @!p2 s28, $0x4E060  }
0x55: {  	p3 =	por !p3, p2  }
0x56: {  	s28 =	simm.s32 @p3 $0x4E060  }
0x57: {  	s14 =	sshrl.u32 @!p2 s28, $0x3  }
0x58: {  	s14 =	sadd.s32 @!p2 s0, s14  }
0x59: {  	s28 =	simm.s32 @!p2 $0x390;
	s14 =	sadd.s32 @!p2 $0x32, s14  }
0x5a: {  	[tilespmem:s28], [sflag:$0x2] =	stream.linear.gather @!p2 [hbm4b:s14+s9], $0x10, $0x38;
	[tilespmem:$0x1F480] =	vst v63  }
0x5b: {  	s14 =	simm.s32 @!p2 $0x600  }
0x5c: {  	[tilespmem:s14], [sflag:$0x2] =	stream.linear.gather @!p2 [hbm4b:s26+s9], $0x190, $0x38;
	[tilespmem:$0x1F480] =	vst v63  }
0x5d: {  	s9 =	simm.s32 @!p2 $0x1  }
0x5e: {  	_ =	swait.ge @!p2 [sflag:s9], $0x190  }
0x5f: {  	[sflag:s9] =	ssyncset.done @!p2 $0x0  }
0x60: {  	[sflag:s9] =	ssyncadd.s32 @!p2 $0xFFFFFE70  }
0x61: {  	_ =	swait.ge @!p2 [sflag:s9], $0x10  }
0x62: {  	[sflag:s9] =	ssyncset.done @!p2 $0x0  }
0x63: {  	[sflag:s9] =	ssyncadd.s32 @!p2 $0xFFFFFFF0  }
0x64: {  	_ =	swait.ge @!p2 [sflag:s9], $0x190  }
0x65: {  	[sflag:s9] =	ssyncset.done @!p2 $0x0  }
0x66: {  	[sflag:s9] =	ssyncadd.s32 @!p2 $0xFFFFFE70  }
0x67: {  	v1 =	vld @!p2 [tilespmem:$0x0]  }
0x68: {  	v2 =	vld @!p2 [tilespmem:$0x1];
	_ =	sdelay $0x3  }
0x69: {  	v3 =	vld @!p2 [tilespmem:$0x400]  }
0x6a: {  	vm0 =	vne.s32 @!p2 v1, v2;
	_ =	sdelay $0x1  }
0x6b: {  	p3 =	slt.u32 @!p2 s2, $0x4E070  }
0x6c: {  	p3 =	por p3, p2  }
0x6d: {  	v2 =	vimm.s32 @!p3 $0xFFFFFFFF;
	v3 =	vadd.f32 @!p2 $1.000000000e+00, v3  }
0x6e: {  	s2 =	simm.s32 @!p2 $0x800;
	[tilespmem:$0x190] =	vst @!p3 v2  }
0x6f: {  	[tilespmem:v1+s2+$0x0] =	vst.idx.msk @!p2 vm0, v3  }
0x70: {  	v1 =	vld @!p2 [tilespmem:$0x10]  }
0x71: {  	v2 =	vld @!p2 [tilespmem:$0x11];
	_ =	sdelay $0x3  }
0x72: {  	v3 =	vld @!p2 [tilespmem:$0x410]  }
0x73: {  	vm0 =	vne.s32 @!p2 v1, v2;
	_ =	sdelay $0x3  }
0x74: {  	v2 =	vadd.f32 @!p2 $1.000000000e+00, v3;
	_ =	sdelay $0x1  }
0x75: {  	[tilespmem:v1+s2+$0x0] =	vst.idx.msk @!p2 vm0, v2  }
0x76: {  	v1 =	vld @!p2 [tilespmem:$0x20]  }
0x77: {  	v2 =	vld @!p2 [tilespmem:$0x21];
	_ =	sdelay $0x3  }
0x78: {  	v3 =	vld @!p2 [tilespmem:$0x420]  }
0x79: {  	vm0 =	vne.s32 @!p2 v1, v2;
	_ =	sdelay $0x3  }
0x7a: {  	v2 =	vadd.f32 @!p2 $1.000000000e+00, v3;
	_ =	sdelay $0x1  }
0x7b: {  	[tilespmem:v1+s2+$0x0] =	vst.idx.msk @!p2 vm0, v2  }
0x7c: {  	v1 =	vld @!p2 [tilespmem:$0x30]  }
0x7d: {  	v2 =	vld @!p2 [tilespmem:$0x31];
	_ =	sdelay $0x3  }
0x7e: {  	v3 =	vld @!p2 [tilespmem:$0x430]  }
0x7f: {  	vm0 =	vne.s32 @!p2 v1, v2;
	_ =	sdelay $0x3  }
0x80: {  	v2 =	vadd.f32 @!p2 $1.000000000e+00, v3;
	_ =	sdelay $0x1  }
0x81: {  	[tilespmem:v1+s2+$0x0] =	vst.idx.msk @!p2 vm0, v2  }
0x82: {  	v1 =	vld @!p2 [tilespmem:$0x40]  }
0x83: {  	v2 =	vld @!p2 [tilespmem:$0x41];
	_ =	sdelay $0x3  }
0x84: {  	v3 =	vld @!p2 [tilespmem:$0x440]  }
0x85: {  	vm0 =	vne.s32 @!p2 v1, v2;
	_ =	sdelay $0x3  }
0x86: {  	v2 =	vadd.f32 @!p2 $1.000000000e+00, v3;
	_ =	sdelay $0x1  }
0x87: {  	[tilespmem:v1+s2+$0x0] =	vst.idx.msk @!p2 vm0, v2  }
0x88: {  	v1 =	vld @!p2 [tilespmem:$0x50]  }
0x89: {  	v2 =	vld @!p2 [tilespmem:$0x51];
	_ =	sdelay $0x3  }
0x8a: {  	v3 =	vld @!p2 [tilespmem:$0x450]  }
0x8b: {  	vm0 =	vne.s32 @!p2 v1, v2;
	_ =	sdelay $0x3  }
0x8c: {  	v2 =	vadd.f32 @!p2 $1.000000000e+00, v3;
	_ =	sdelay $0x1  }
0x8d: {  	[tilespmem:v1+s2+$0x0] =	vst.idx.msk @!p2 vm0, v2  }
0x8e: {  	v1 =	vld @!p2 [tilespmem:$0x60]  }
0x8f: {  	v2 =	vld @!p2 [tilespmem:$0x61];
	_ =	sdelay $0x3  }
0x90: {  	v3 =	vld @!p2 [tilespmem:$0x460]  }
0x91: {  	vm0 =	vne.s32 @!p2 v1, v2;
	_ =	sdelay $0x3  }
0x92: {  	v2 =	vadd.f32 @!p2 $1.000000000e+00, v3;
	_ =	sdelay $0x1  }
0x93: {  	[tilespmem:v1+s2+$0x0] =	vst.idx.msk @!p2 vm0, v2  }
0x94: {  	v1 =	vld @!p2 [tilespmem:$0x70]  }
0x95: {  	v2 =	vld @!p2 [tilespmem:$0x71];
	_ =	sdelay $0x3  }
0x96: {  	v3 =	vld @!p2 [tilespmem:$0x470]  }
0x97: {  	vm0 =	vne.s32 @!p2 v1, v2;
	_ =	sdelay $0x3  }
0x98: {  	v2 =	vadd.f32 @!p2 $1.000000000e+00, v3;
	_ =	sdelay $0x1  }
0x99: {  	[tilespmem:v1+s2+$0x0] =	vst.idx.msk @!p2 vm0, v2  }
0x9a: {  	v1 =	vld @!p2 [tilespmem:$0x80]  }
0x9b: {  	v2 =	vld @!p2 [tilespmem:$0x81];
	_ =	sdelay $0x3  }
0x9c: {  	v3 =	vld @!p2 [tilespmem:$0x480]  }
0x9d: {  	vm0 =	vne.s32 @!p2 v1, v2;
	_ =	sdelay $0x3  }
0x9e: {  	v2 =	vadd.f32 @!p2 $1.000000000e+00, v3;
	_ =	sdelay $0x1  }
0x9f: {  	[tilespmem:v1+s2+$0x0] =	vst.idx.msk @!p2 vm0, v2  }
0xa0: {  	v1 =	vld @!p2 [tilespmem:$0x90]  }
0xa1: {  	v2 =	vld @!p2 [tilespmem:$0x91];
	_ =	sdelay $0x3  }
0xa2: {  	v3 =	vld @!p2 [tilespmem:$0x490]  }
0xa3: {  	vm0 =	vne.s32 @!p2 v1, v2;
	_ =	sdelay $0x3  }
0xa4: {  	v2 =	vadd.f32 @!p2 $1.000000000e+00, v3;
	_ =	sdelay $0x1  }
0xa5: {  	[tilespmem:v1+s2+$0x0] =	vst.idx.msk @!p2 vm0, v2  }
0xa6: {  	v1 =	vld @!p2 [tilespmem:$0xA0]  }
0xa7: {  	v2 =	vld @!p2 [tilespmem:$0xA1];
	_ =	sdelay $0x3  }
0xa8: {  	v3 =	vld @!p2 [tilespmem:$0x4A0]  }
0xa9: {  	vm0 =	vne.s32 @!p2 v1, v2;
	_ =	sdelay $0x3  }
0xaa: {  	v2 =	vadd.f32 @!p2 $1.000000000e+00, v3;
	_ =	sdelay $0x1  }
0xab: {  	[tilespmem:v1+s2+$0x0] =	vst.idx.msk @!p2 vm0, v2  }
0xac: {  	v1 =	vld @!p2 [tilespmem:$0xB0]  }
0xad: {  	v2 =	vld @!p2 [tilespmem:$0xB1];
	_ =	sdelay $0x3  }
0xae: {  	v3 =	vld @!p2 [tilespmem:$0x4B0]  }
0xaf: {  	vm0 =	vne.s32 @!p2 v1, v2;
	_ =	sdelay $0x3  }
0xb0: {  	v2 =	vadd.f32 @!p2 $1.000000000e+00, v3;
	_ =	sdelay $0x1  }
0xb1: {  	[tilespmem:v1+s2+$0x0] =	vst.idx.msk @!p2 vm0, v2  }
0xb2: {  	v1 =	vld @!p2 [tilespmem:$0xC0]  }
0xb3: {  	v2 =	vld @!p2 [tilespmem:$0xC1];
	_ =	sdelay $0x3  }
0xb4: {  	v3 =	vld @!p2 [tilespmem:$0x4C0]  }
0xb5: {  	vm0 =	vne.s32 @!p2 v1, v2;
	_ =	sdelay $0x3  }
0xb6: {  	v2 =	vadd.f32 @!p2 $1.000000000e+00, v3;
	_ =	sdelay $0x1  }
0xb7: {  	[tilespmem:v1+s2+$0x0] =	vst.idx.msk @!p2 vm0, v2  }
0xb8: {  	v1 =	vld @!p2 [tilespmem:$0xD0]  }
0xb9: {  	v2 =	vld @!p2 [tilespmem:$0xD1];
	_ =	sdelay $0x3  }
0xba: {  	v3 =	vld @!p2 [tilespmem:$0x4D0]  }
0xbb: {  	vm0 =	vne.s32 @!p2 v1, v2;
	_ =	sdelay $0x3  }
0xbc: {  	v2 =	vadd.f32 @!p2 $1.000000000e+00, v3;
	_ =	sdelay $0x1  }
0xbd: {  	[tilespmem:v1+s2+$0x0] =	vst.idx.msk @!p2 vm0, v2  }
0xbe: {  	v1 =	vld @!p2 [tilespmem:$0xE0]  }
0xbf: {  	v2 =	vld @!p2 [tilespmem:$0xE1];
	_ =	sdelay $0x3  }
0xc0: {  	v3 =	vld @!p2 [tilespmem:$0x4E0]  }
0xc1: {  	vm0 =	vne.s32 @!p2 v1, v2;
	_ =	sdelay $0x3  }
0xc2: {  	v2 =	vadd.f32 @!p2 $1.000000000e+00, v3;
	_ =	sdelay $0x1  }
0xc3: {  	[tilespmem:v1+s2+$0x0] =	vst.idx.msk @!p2 vm0, v2  }
0xc4: {  	v1 =	vld @!p2 [tilespmem:$0xF0]  }
0xc5: {  	v2 =	vld @!p2 [tilespmem:$0xF1];
	_ =	sdelay $0x3  }
0xc6: {  	v3 =	vld @!p2 [tilespmem:$0x4F0]  }
0xc7: {  	vm0 =	vne.s32 @!p2 v1, v2;
	_ =	sdelay $0x3  }
0xc8: {  	v2 =	vadd.f32 @!p2 $1.000000000e+00, v3;
	_ =	sdelay $0x1  }
0xc9: {  	[tilespmem:v1+s2+$0x0] =	vst.idx.msk @!p2 vm0, v2  }
0xca: {  	v1 =	vld @!p2 [tilespmem:$0x100]  }
0xcb: {  	v2 =	vld @!p2 [tilespmem:$0x101];
	_ =	sdelay $0x3  }
0xcc: {  	v3 =	vld @!p2 [tilespmem:$0x500]  }
0xcd: {  	vm0 =	vne.s32 @!p2 v1, v2;
	_ =	sdelay $0x3  }
0xce: {  	v2 =	vadd.f32 @!p2 $1.000000000e+00, v3;
	_ =	sdelay $0x1  }
0xcf: {  	[tilespmem:v1+s2+$0x0] =	vst.idx.msk @!p2 vm0, v2  }
0xd0: {  	v1 =	vld @!p2 [tilespmem:$0x110]  }
0xd1: {  	v2 =	vld @!p2 [tilespmem:$0x111];
	_ =	sdelay $0x3  }
0xd2: {  	v3 =	vld @!p2 [tilespmem:$0x510]  }
0xd3: {  	vm0 =	vne.s32 @!p2 v1, v2;
	_ =	sdelay $0x3  }
0xd4: {  	v2 =	vadd.f32 @!p2 $1.000000000e+00, v3;
	_ =	sdelay $0x1  }
0xd5: {  	[tilespmem:v1+s2+$0x0] =	vst.idx.msk @!p2 vm0, v2  }
0xd6: {  	v1 =	vld @!p2 [tilespmem:$0x120]  }
0xd7: {  	v2 =	vld @!p2 [tilespmem:$0x121];
	_ =	sdelay $0x3  }
0xd8: {  	v3 =	vld @!p2 [tilespmem:$0x520]  }
0xd9: {  	vm0 =	vne.s32 @!p2 v1, v2;
	_ =	sdelay $0x3  }
0xda: {  	v2 =	vadd.f32 @!p2 $1.000000000e+00, v3;
	_ =	sdelay $0x1  }
0xdb: {  	[tilespmem:v1+s2+$0x0] =	vst.idx.msk @!p2 vm0, v2  }
0xdc: {  	v1 =	vld @!p2 [tilespmem:$0x130]  }
0xdd: {  	v2 =	vld @!p2 [tilespmem:$0x131];
	_ =	sdelay $0x3  }
0xde: {  	v3 =	vld @!p2 [tilespmem:$0x530]  }
0xdf: {  	vm0 =	vne.s32 @!p2 v1, v2;
	_ =	sdelay $0x3  }
0xe0: {  	v2 =	vadd.f32 @!p2 $1.000000000e+00, v3;
	_ =	sdelay $0x1  }
0xe1: {  	[tilespmem:v1+s2+$0x0] =	vst.idx.msk @!p2 vm0, v2  }
0xe2: {  	v1 =	vld @!p2 [tilespmem:$0x140]  }
0xe3: {  	v2 =	vld @!p2 [tilespmem:$0x141];
	_ =	sdelay $0x3  }
0xe4: {  	v3 =	vld @!p2 [tilespmem:$0x540]  }
0xe5: {  	vm0 =	vne.s32 @!p2 v1, v2;
	_ =	sdelay $0x3  }
0xe6: {  	v2 =	vadd.f32 @!p2 $1.000000000e+00, v3;
	_ =	sdelay $0x1  }
0xe7: {  	[tilespmem:v1+s2+$0x0] =	vst.idx.msk @!p2 vm0, v2  }
0xe8: {  	v1 =	vld @!p2 [tilespmem:$0x150]  }
0xe9: {  	v2 =	vld @!p2 [tilespmem:$0x151];
	_ =	sdelay $0x3  }
0xea: {  	v3 =	vld @!p2 [tilespmem:$0x550]  }
0xeb: {  	vm0 =	vne.s32 @!p2 v1, v2;
	_ =	sdelay $0x3  }
0xec: {  	v2 =	vadd.f32 @!p2 $1.000000000e+00, v3;
	_ =	sdelay $0x1  }
0xed: {  	[tilespmem:v1+s2+$0x0] =	vst.idx.msk @!p2 vm0, v2  }
0xee: {  	v1 =	vld @!p2 [tilespmem:$0x160]  }
0xef: {  	v2 =	vld @!p2 [tilespmem:$0x161];
	_ =	sdelay $0x3  }
0xf0: {  	v3 =	vld @!p2 [tilespmem:$0x560]  }
0xf1: {  	vm0 =	vne.s32 @!p2 v1, v2;
	_ =	sdelay $0x3  }
0xf2: {  	v2 =	vadd.f32 @!p2 $1.000000000e+00, v3;
	_ =	sdelay $0x1  }
0xf3: {  	[tilespmem:v1+s2+$0x0] =	vst.idx.msk @!p2 vm0, v2  }
0xf4: {  	v1 =	vld @!p2 [tilespmem:$0x170]  }
0xf5: {  	v2 =	vld @!p2 [tilespmem:$0x171];
	_ =	sdelay $0x3  }
0xf6: {  	v3 =	vld @!p2 [tilespmem:$0x570]  }
0xf7: {  	vm0 =	vne.s32 @!p2 v1, v2;
	_ =	sdelay $0x3  }
0xf8: {  	v2 =	vadd.f32 @!p2 $1.000000000e+00, v3;
	_ =	sdelay $0x1  }
0xf9: {  	[tilespmem:v1+s2+$0x0] =	vst.idx.msk @!p2 vm0, v2  }
0xfa: {  	v1 =	vld @!p2 [tilespmem:$0x180]  }
0xfb: {  	v2 =	vld @!p2 [tilespmem:$0x181];
	_ =	sdelay $0x3  }
0xfc: {  	v3 =	vld @!p2 [tilespmem:$0x580]  }
0xfd: {  	p3 =	seq.s32 @!p2 s13, $0x0;
	vm0 =	vne.s32 @!p2 v1, v2  }
0xfe: {  	p3 =	por p2, !p3  }
.Ltmp3:
0xff: {  	_ = 	snop;
	(pc) =	sbr.rel @!p3 .LBB2_6-.Ltmp3, $3  }
0x100: {  	_ = 	snop  }
0x101: {  	v2 =	vadd.f32 @!p2 $1.000000000e+00, v3;
	_ =	sdelay $0x1  }
0x102: {  	[tilespmem:v1+s2+$0x0] =	vst.idx.msk @!p2 vm0, v2  }
0x103: {  	p2 =	seq.s32 s24, $0x4C90  }
0x104: {  	s2 =	sadd.s32 @!p2 s24, s8  }
0x105: {  	s9 =	simm.s32 @!p2 $0x0;
	s2 =	sadd.s32 @!p2 $0x190, s2  }
0x106: {  	[tilespmem:s9], [sflag:$0x1] =	stream.linear.gather @!p2 [hbm4b:s31+s9], $0x190, $0x38;
	[tilespmem:$0x1F480] =	vst v63  }
0x107: {  	p3 =	slt.s32 @!p2 s2, $0x4E060  }
0x108: {  	p3 =	por !p3, p2  }
0x109: {  	s2 =	simm.s32 @p3 $0x4E060  }
0x10a: {  	s2 =	sshrl.u32 @!p2 s2, $0x3  }
0x10b: {  	s2 =	sadd.s32 @!p2 s0, s2  }
0x10c: {  	s13 =	simm.s32 @!p2 $0x190;
	s2 =	sadd.s32 @!p2 $0x32, s2  }
0x10d: {  	[tilespmem:s13], [sflag:$0x1] =	stream.linear.gather @!p2 [hbm4b:s2+s9], $0x10, $0x38;
	[tilespmem:$0x1F480] =	vst v63  }
0x10e: {  	s2 =	simm.s32 @!p2 $0x400  }
0x10f: {  	[tilespmem:s2], [sflag:$0x1] =	stream.linear.gather @!p2 [hbm4b:s26+s9], $0x190, $0x38;
	[tilespmem:$0x1F480] =	vst v63  }
0x110: {  	_ =	swait.ge [sflag:s17], $0x190  }
0x111: {  	[sflag:s17] =	ssyncset.done $0x0  }
0x112: {  	[sflag:s17] =	ssyncadd.s32 $0xFFFFFE70  }
0x113: {  	_ =	swait.ge [sflag:s17], $0x10  }
0x114: {  	[sflag:s17] =	ssyncset.done $0x0  }
0x115: {  	[sflag:s17] =	ssyncadd.s32 $0xFFFFFFF0  }
0x116: {  	_ =	swait.ge [sflag:s17], $0x190  }
0x117: {  	[sflag:s17] =	ssyncset.done $0x0  }
0x118: {  	[sflag:s17] =	ssyncadd.s32 $0xFFFFFE70  }
0x119: {  	v1 =	vld [tilespmem:$0x200]  }
0x11a: {  	v2 =	vld [tilespmem:$0x201];
	_ =	sdelay $0x3  }
0x11b: {  	v3 =	vld [tilespmem:$0x600]  }
0x11c: {  	s2 =	smov.u32 s24;
	vm0 =	vne.s32 v1, v2  }
0x11d: {  	s2 =	simm.s32 @p2 $0x4C90  }
0x11e: {  	s2 =	sadd.s32 s8, s2  }
0x11f: {  	p2 =	slt.u32 s2, $0x4E070  }
0x120: {  	v2 =	vimm.s32 @!p2 $0xFFFFFFFF;
	v3 =	vadd.f32 $1.000000000e+00, v3  }
0x121: {  	[tilespmem:$0x390] =	vst @!p2 v2  }
0x122: {  	[tilespmem:v1+s15+$0x0] =	vst.idx.msk vm0, v3  }
0x123: {  	v1 =	vld [tilespmem:$0x210]  }
0x124: {  	v2 =	vld [tilespmem:$0x211];
	_ =	sdelay $0x3  }
0x125: {  	v3 =	vld [tilespmem:$0x610]  }
0x126: {  	vm4 =	vne.s32 v1, v2;
	_ =	sdelay $0x3  }
0x127: {  	v2 =	vadd.f32 $1.000000000e+00, v3;
	_ =	sdelay $0x1  }
0x128: {  	[tilespmem:v1+s15+$0x0] =	vst.idx.msk vm4, v2  }
0x129: {  	v1 =	vld [tilespmem:$0x220]  }
0x12a: {  	v2 =	vld [tilespmem:$0x221];
	_ =	sdelay $0x3  }
0x12b: {  	v3 =	vld [tilespmem:$0x620]  }
0x12c: {  	vm5 =	vne.s32 v1, v2;
	_ =	sdelay $0x3  }
0x12d: {  	v2 =	vadd.f32 $1.000000000e+00, v3;
	_ =	sdelay $0x1  }
0x12e: {  	[tilespmem:v1+s15+$0x0] =	vst.idx.msk vm5, v2  }
0x12f: {  	v1 =	vld [tilespmem:$0x230]  }
0x130: {  	v2 =	vld [tilespmem:$0x231];
	_ =	sdelay $0x3  }
0x131: {  	v3 =	vld [tilespmem:$0x630]  }
0x132: {  	vm6 =	vne.s32 v1, v2;
	_ =	sdelay $0x3  }
0x133: {  	v2 =	vadd.f32 $1.000000000e+00, v3;
	_ =	sdelay $0x1  }
0x134: {  	[tilespmem:v1+s15+$0x0] =	vst.idx.msk vm6, v2  }
0x135: {  	v1 =	vld [tilespmem:$0x240]  }
0x136: {  	v2 =	vld [tilespmem:$0x241];
	_ =	sdelay $0x3  }
0x137: {  	v3 =	vld [tilespmem:$0x640]  }
0x138: {  	vm7 =	vne.s32 v1, v2;
	_ =	sdelay $0x3  }
0x139: {  	v2 =	vadd.f32 $1.000000000e+00, v3;
	_ =	sdelay $0x1  }
0x13a: {  	[tilespmem:v1+s15+$0x0] =	vst.idx.msk vm7, v2  }
0x13b: {  	v1 =	vld [tilespmem:$0x250]  }
0x13c: {  	v2 =	vld [tilespmem:$0x251];
	_ =	sdelay $0x3  }
0x13d: {  	v3 =	vld [tilespmem:$0x650]  }
0x13e: {  	vm8 =	vne.s32 v1, v2;
	_ =	sdelay $0x3  }
0x13f: {  	v2 =	vadd.f32 $1.000000000e+00, v3;
	_ =	sdelay $0x1  }
0x140: {  	[tilespmem:v1+s15+$0x0] =	vst.idx.msk vm8, v2  }
0x141: {  	v1 =	vld [tilespmem:$0x260]  }
0x142: {  	v2 =	vld [tilespmem:$0x261];
	_ =	sdelay $0x3  }
0x143: {  	v3 =	vld [tilespmem:$0x660]  }
0x144: {  	vm9 =	vne.s32 v1, v2;
	_ =	sdelay $0x3  }
0x145: {  	v2 =	vadd.f32 $1.000000000e+00, v3;
	_ =	sdelay $0x1  }
0x146: {  	[tilespmem:v1+s15+$0x0] =	vst.idx.msk vm9, v2  }
0x147: {  	v1 =	vld [tilespmem:$0x270]  }
0x148: {  	v2 =	vld [tilespmem:$0x271];
	_ =	sdelay $0x3  }
0x149: {  	v3 =	vld [tilespmem:$0x670]  }
0x14a: {  	vm10 =	vne.s32 v1, v2;
	_ =	sdelay $0x3  }
0x14b: {  	v2 =	vadd.f32 $1.000000000e+00, v3;
	_ =	sdelay $0x1  }
0x14c: {  	[tilespmem:v1+s15+$0x0] =	vst.idx.msk vm10, v2  }
0x14d: {  	v1 =	vld [tilespmem:$0x280]  }
0x14e: {  	v2 =	vld [tilespmem:$0x281];
	_ =	sdelay $0x3  }
0x14f: {  	v3 =	vld [tilespmem:$0x680]  }
0x150: {  	vm11 =	vne.s32 v1, v2;
	_ =	sdelay $0x3  }
0x151: {  	v2 =	vadd.f32 $1.000000000e+00, v3;
	_ =	sdelay $0x1  }
0x152: {  	[tilespmem:v1+s15+$0x0] =	vst.idx.msk vm11, v2  }
0x153: {  	v1 =	vld [tilespmem:$0x290]  }
0x154: {  	v2 =	vld [tilespmem:$0x291];
	_ =	sdelay $0x3  }
0x155: {  	v3 =	vld [tilespmem:$0x690]  }
0x156: {  	vm12 =	vne.s32 v1, v2;
	_ =	sdelay $0x3  }
0x157: {  	v2 =	vadd.f32 $1.000000000e+00, v3;
	_ =	sdelay $0x1  }
0x158: {  	[tilespmem:v1+s15+$0x0] =	vst.idx.msk vm12, v2  }
0x159: {  	v1 =	vld [tilespmem:$0x2A0]  }
0x15a: {  	v2 =	vld [tilespmem:$0x2A1];
	_ =	sdelay $0x3  }
0x15b: {  	v3 =	vld [tilespmem:$0x6A0]  }
0x15c: {  	vm13 =	vne.s32 v1, v2;
	_ =	sdelay $0x3  }
0x15d: {  	v2 =	vadd.f32 $1.000000000e+00, v3;
	_ =	sdelay $0x1  }
0x15e: {  	[tilespmem:v1+s15+$0x0] =	vst.idx.msk vm13, v2  }
0x15f: {  	v1 =	vld [tilespmem:$0x2B0]  }
0x160: {  	v2 =	vld [tilespmem:$0x2B1];
	_ =	sdelay $0x3  }
0x161: {  	v3 =	vld [tilespmem:$0x6B0]  }
0x162: {  	vm14 =	vne.s32 v1, v2;
	_ =	sdelay $0x3  }
0x163: {  	v2 =	vadd.f32 $1.000000000e+00, v3;
	_ =	sdelay $0x1  }
0x164: {  	[tilespmem:v1+s15+$0x0] =	vst.idx.msk vm14, v2  }
0x165: {  	v1 =	vld [tilespmem:$0x2C0]  }
0x166: {  	v2 =	vld [tilespmem:$0x2C1];
	_ =	sdelay $0x3  }
0x167: {  	v3 =	vld [tilespmem:$0x6C0]  }
0x168: {  	vm15 =	vne.s32 v1, v2;
	_ =	sdelay $0x3  }
0x169: {  	v2 =	vadd.f32 $1.000000000e+00, v3;
	_ =	sdelay $0x1  }
0x16a: {  	[tilespmem:v1+s15+$0x0] =	vst.idx.msk vm15, v2  }
0x16b: {  	v1 =	vld [tilespmem:$0x2D0]  }
0x16c: {  	v2 =	vld [tilespmem:$0x2D1];
	_ =	sdelay $0x3  }
0x16d: {  	v3 =	vld [tilespmem:$0x6D0]  }
0x16e: {  	vm4 =	vne.s32 v1, v2;
	_ =	sdelay $0x3  }
0x16f: {  	v2 =	vadd.f32 $1.000000000e+00, v3;
	_ =	sdelay $0x1  }
0x170: {  	[tilespmem:v1+s15+$0x0] =	vst.idx.msk vm4, v2  }
0x171: {  	v1 =	vld [tilespmem:$0x2E0]  }
0x172: {  	v2 =	vld [tilespmem:$0x2E1];
	_ =	sdelay $0x3  }
0x173: {  	v3 =	vld [tilespmem:$0x6E0]  }
0x174: {  	vm5 =	vne.s32 v1, v2;
	_ =	sdelay $0x3  }
0x175: {  	v2 =	vadd.f32 $1.000000000e+00, v3;
	_ =	sdelay $0x1  }
0x176: {  	[tilespmem:v1+s15+$0x0] =	vst.idx.msk vm5, v2  }
0x177: {  	v1 =	vld [tilespmem:$0x2F0]  }
0x178: {  	v2 =	vld [tilespmem:$0x2F1];
	_ =	sdelay $0x3  }
0x179: {  	v3 =	vld [tilespmem:$0x6F0]  }
0x17a: {  	vm6 =	vne.s32 v1, v2;
	_ =	sdelay $0x3  }
0x17b: {  	v2 =	vadd.f32 $1.000000000e+00, v3;
	_ =	sdelay $0x1  }
0x17c: {  	[tilespmem:v1+s15+$0x0] =	vst.idx.msk vm6, v2  }
0x17d: {  	v1 =	vld [tilespmem:$0x300]  }
0x17e: {  	v2 =	vld [tilespmem:$0x301];
	_ =	sdelay $0x3  }
0x17f: {  	v3 =	vld [tilespmem:$0x700]  }
0x180: {  	vm7 =	vne.s32 v1, v2;
	_ =	sdelay $0x3  }
0x181: {  	v2 =	vadd.f32 $1.000000000e+00, v3;
	_ =	sdelay $0x1  }
0x182: {  	[tilespmem:v1+s15+$0x0] =	vst.idx.msk vm7, v2  }
0x183: {  	v1 =	vld [tilespmem:$0x310]  }
0x184: {  	v2 =	vld [tilespmem:$0x311];
	_ =	sdelay $0x3  }
0x185: {  	v3 =	vld [tilespmem:$0x710]  }
0x186: {  	vm8 =	vne.s32 v1, v2;
	_ =	sdelay $0x3  }
0x187: {  	v2 =	vadd.f32 $1.000000000e+00, v3;
	_ =	sdelay $0x1  }
0x188: {  	[tilespmem:v1+s15+$0x0] =	vst.idx.msk vm8, v2  }
0x189: {  	v1 =	vld [tilespmem:$0x320]  }
0x18a: {  	v2 =	vld [tilespmem:$0x321];
	_ =	sdelay $0x3  }
0x18b: {  	v3 =	vld [tilespmem:$0x720]  }
0x18c: {  	vm9 =	vne.s32 v1, v2;
	_ =	sdelay $0x3  }
0x18d: {  	v2 =	vadd.f32 $1.000000000e+00, v3;
	_ =	sdelay $0x1  }
0x18e: {  	[tilespmem:v1+s15+$0x0] =	vst.idx.msk vm9, v2  }
0x18f: {  	v1 =	vld [tilespmem:$0x330]  }
0x190: {  	v2 =	vld [tilespmem:$0x331];
	_ =	sdelay $0x3  }
0x191: {  	v3 =	vld [tilespmem:$0x730]  }
0x192: {  	vm10 =	vne.s32 v1, v2;
	_ =	sdelay $0x3  }
0x193: {  	v2 =	vadd.f32 $1.000000000e+00, v3;
	_ =	sdelay $0x1  }
0x194: {  	[tilespmem:v1+s15+$0x0] =	vst.idx.msk vm10, v2  }
0x195: {  	v1 =	vld [tilespmem:$0x340]  }
0x196: {  	v2 =	vld [tilespmem:$0x341];
	_ =	sdelay $0x3  }
0x197: {  	v3 =	vld [tilespmem:$0x740]  }
0x198: {  	vm11 =	vne.s32 v1, v2;
	_ =	sdelay $0x3  }
0x199: {  	v2 =	vadd.f32 $1.000000000e+00, v3;
	_ =	sdelay $0x1  }
0x19a: {  	[tilespmem:v1+s15+$0x0] =	vst.idx.msk vm11, v2  }
0x19b: {  	v1 =	vld [tilespmem:$0x350]  }
0x19c: {  	v2 =	vld [tilespmem:$0x351];
	_ =	sdelay $0x3  }
0x19d: {  	v3 =	vld [tilespmem:$0x750]  }
0x19e: {  	vm12 =	vne.s32 v1, v2;
	_ =	sdelay $0x3  }
0x19f: {  	v2 =	vadd.f32 $1.000000000e+00, v3;
	_ =	sdelay $0x1  }
0x1a0: {  	[tilespmem:v1+s15+$0x0] =	vst.idx.msk vm12, v2  }
0x1a1: {  	v1 =	vld [tilespmem:$0x360]  }
0x1a2: {  	v2 =	vld [tilespmem:$0x361];
	_ =	sdelay $0x3  }
0x1a3: {  	v3 =	vld [tilespmem:$0x760]  }
0x1a4: {  	vm13 =	vne.s32 v1, v2;
	_ =	sdelay $0x3  }
0x1a5: {  	v2 =	vadd.f32 $1.000000000e+00, v3;
	_ =	sdelay $0x1  }
0x1a6: {  	[tilespmem:v1+s15+$0x0] =	vst.idx.msk vm13, v2  }
0x1a7: {  	v1 =	vld [tilespmem:$0x370]  }
0x1a8: {  	v2 =	vld [tilespmem:$0x371];
	_ =	sdelay $0x3  }
0x1a9: {  	v3 =	vld [tilespmem:$0x770]  }
0x1aa: {  	vm14 =	vne.s32 v1, v2;
	_ =	sdelay $0x3  }
0x1ab: {  	v2 =	vadd.f32 $1.000000000e+00, v3;
	_ =	sdelay $0x1  }
0x1ac: {  	[tilespmem:v1+s15+$0x0] =	vst.idx.msk vm14, v2  }
0x1ad: {  	v1 =	vld [tilespmem:$0x380]  }
0x1ae: {  	v2 =	vld [tilespmem:$0x381];
	_ =	sdelay $0x3  }
0x1af: {  	v3 =	vld [tilespmem:$0x780]  }
0x1b0: {  	vm15 =	vne.s32 v1, v2;
	_ =	sdelay $0x1  }
.Ltmp4:
0x1b1: {  	_ = 	snop;
	(pc) =	sbr.rel .LBB2_6-.Ltmp4, $3  }
0x1b2: {  	_ = 	snop  }
0x1b3: {  	v2 =	vadd.f32 $1.000000000e+00, v3;
	_ =	sdelay $0x1  }
0x1b4: {  	[tilespmem:v1+s15+$0x0] =	vst.idx.msk vm15, v2  }
.LBB2_7:
0x1b5: {  	s2 =	rddreg [dreg:$0xb]  }
0x1b6: {  	[spmem:s2] =	stream.linear.scatter [tilespmem:s15], [sflag:$0x5], $0x2800, $0x38;
	[tilespmem:$0x1F480] =	vst v63  }
.Ltmp5:
0x1b7: {  	_ =	swait.ge [sflag:s30], $0x2800;
	(pc) =	sbr.rel @p1 .LBB2_11-.Ltmp5, $3  }
0x1b8: {  	[sflag:s30] =	ssyncset.done $0x0  }
0x1b9: {  	[sflag:s30] =	ssyncadd.s32 $0xFFFFD800  }
0x1ba: {  	[bflag:$0x0] =	sbarrier.arrive $0xFFFF;
	_ =	sdelay $0x1  }
0x1bb: {  	s2 =	rddreg [dreg:$0xc]  }
0x1bc: {  	s31 =	rddreg [dreg:$0x1b]  }
0x1bd: {  	[tilespmem:s4], [sflag:$0x1] =	stream.linear.gather [spmem:s2], $0x400, $0x38;
	[tilespmem:$0x1F480] =	vst v63  }
0x1be: {  	s6 =	simm.s32 $0x4C00;
	s13 =	rddreg [dreg:$0x1d]  }
0x1bf: {  	[tilespmem:s6], [sflag:$0x1] =	stream.linear.gather [spmem:s31], $0x400, $0x38;
	[tilespmem:$0x1F480] =	vst v63  }
0x1c0: {  	s9 =	simm.s32 $0x5000;
	s6 =	rddreg [dreg:$0x1c]  }
0x1c1: {  	[tilespmem:s9], [sflag:$0x1] =	stream.linear.gather [spmem:s6], $0x400, $0x38;
	[tilespmem:$0x1F480] =	vst v63  }
0x1c2: {  	s14 =	simm.s32 $0x5400;
	s24 =	rddreg [dreg:$0x1e]  }
0x1c3: {  	[tilespmem:s14], [sflag:$0x1] =	stream.linear.gather [spmem:s13], $0x400, $0x38;
	[tilespmem:$0x1F480] =	vst v63  }
0x1c4: {  	s26 =	simm.s32 $0x5800;
	s28 =	rddreg [dreg:$0x1f]  }
0x1c5: {  	[tilespmem:s26], [sflag:$0x1] =	stream.linear.gather [spmem:s24], $0x400, $0x38;
	[tilespmem:$0x1F480] =	vst v63  }
0x1c6: {  	s31 =	simm.s32 $0x5C00;
	s6 =	sld [smem:$0x7F0]  }
0x1c7: {  	[tilespmem:s31], [sflag:$0x1] =	stream.linear.gather [spmem:s28], $0x400, $0x38;
	[tilespmem:$0x1F480] =	vst v63  }
0x1c8: {  	s9 =	simm.s32 $0x6000;
	s13 =	sld [smem:$0x7F1]  }
0x1c9: {  	[tilespmem:s9], [sflag:$0x1] =	stream.linear.gather [spmem:s6], $0x400, $0x38;
	[tilespmem:$0x1F480] =	vst v63  }
0x1ca: {  	s14 =	simm.s32 $0x6400;
	s24 =	sld [smem:$0x7F2]  }
0x1cb: {  	[tilespmem:s14], [sflag:$0x1] =	stream.linear.gather [spmem:s13], $0x400, $0x38;
	[tilespmem:$0x1F480] =	vst v63  }
0x1cc: {  	s26 =	simm.s32 $0x6800;
	s28 =	sld [smem:$0x7F3]  }
0x1cd: {  	[tilespmem:s26], [sflag:$0x1] =	stream.linear.gather [spmem:s24], $0x400, $0x38;
	[tilespmem:$0x1F480] =	vst v63  }
0x1ce: {  	s31 =	simm.s32 $0x6C00;
	s6 =	sld [smem:$0x7F4]  }
0x1cf: {  	[tilespmem:s31], [sflag:$0x1] =	stream.linear.gather [spmem:s28], $0x400, $0x38;
	[tilespmem:$0x1F480] =	vst v63  }
0x1d0: {  	s9 =	simm.s32 $0x7000;
	s13 =	sld [smem:$0x7F5]  }
0x1d1: {  	[tilespmem:s9], [sflag:$0x1] =	stream.linear.gather [spmem:s6], $0x400, $0x38;
	[tilespmem:$0x1F480] =	vst v63  }
0x1d2: {  	s14 =	simm.s32 $0x7400;
	s24 =	sld [smem:$0x7F6]  }
0x1d3: {  	[tilespmem:s14], [sflag:$0x1] =	stream.linear.gather [spmem:s13], $0x400, $0x38;
	[tilespmem:$0x1F480] =	vst v63  }
0x1d4: {  	s26 =	simm.s32 $0x7800;
	s28 =	sld [smem:$0x7F7]  }
0x1d5: {  	[tilespmem:s26], [sflag:$0x1] =	stream.linear.gather [spmem:s24], $0x400, $0x38;
	[tilespmem:$0x1F480] =	vst v63  }
0x1d6: {  	s31 =	simm.s32 $0x7C00;
	s9 =	sld [smem:$0x7F8]  }
0x1d7: {  	[tilespmem:s31], [sflag:$0x1] =	stream.linear.gather [spmem:s28], $0x400, $0x38;
	[tilespmem:$0x1F480] =	vst v63  }
0x1d8: {  	s13 =	simm.s32 $0x8000;
	s14 =	sld [smem:$0x7F9]  }
0x1d9: {  	[tilespmem:s13], [sflag:$0x1] =	stream.linear.gather [spmem:s9], $0x400, $0x38;
	[tilespmem:$0x1F480] =	vst v63  }
0x1da: {  	s24 =	simm.s32 $0x8400  }
0x1db: {  	[tilespmem:s24], [sflag:$0x1] =	stream.linear.gather [spmem:s14], $0x400, $0x38;
	[tilespmem:$0x1F480] =	vst v63  }
0x1dc: {  	_ =	swait.ge [sflag:s12], $0x400  }
0x1dd: {  	[sflag:s12] =	ssyncset.done $0x0  }
0x1de: {  	[sflag:s12] =	ssyncadd.s32 $0xFFFFFC00  }
0x1df: {  	_ =	swait.ge [sflag:s12], $0x400  }
0x1e0: {  	[sflag:s12] =	ssyncset.done $0x0  }
0x1e1: {  	[sflag:s12] =	ssyncadd.s32 $0xFFFFFC00  }
0x1e2: {  	_ =	swait.ge [sflag:s12], $0x400  }
0x1e3: {  	[sflag:s12] =	ssyncset.done $0x0  }
0x1e4: {  	[sflag:s12] =	ssyncadd.s32 $0xFFFFFC00  }
0x1e5: {  	_ =	swait.ge [sflag:s12], $0x400  }
0x1e6: {  	[sflag:s12] =	ssyncset.done $0x0  }
0x1e7: {  	[sflag:s12] =	ssyncadd.s32 $0xFFFFFC00  }
0x1e8: {  	_ =	swait.ge [sflag:s12], $0x400  }
0x1e9: {  	[sflag:s12] =	ssyncset.done $0x0  }
0x1ea: {  	[sflag:s12] =	ssyncadd.s32 $0xFFFFFC00  }
0x1eb: {  	_ =	swait.ge [sflag:s12], $0x400  }
0x1ec: {  	[sflag:s12] =	ssyncset.done $0x0  }
0x1ed: {  	[sflag:s12] =	ssyncadd.s32 $0xFFFFFC00  }
0x1ee: {  	_ =	swait.ge [sflag:s12], $0x400  }
0x1ef: {  	[sflag:s12] =	ssyncset.done $0x0  }
0x1f0: {  	[sflag:s12] =	ssyncadd.s32 $0xFFFFFC00  }
0x1f1: {  	_ =	swait.ge [sflag:s12], $0x400  }
0x1f2: {  	[sflag:s12] =	ssyncset.done $0x0  }
0x1f3: {  	[sflag:s12] =	ssyncadd.s32 $0xFFFFFC00  }
0x1f4: {  	_ =	swait.ge [sflag:s12], $0x400  }
0x1f5: {  	[sflag:s12] =	ssyncset.done $0x0  }
0x1f6: {  	[sflag:s12] =	ssyncadd.s32 $0xFFFFFC00  }
0x1f7: {  	_ =	swait.ge [sflag:s12], $0x400  }
0x1f8: {  	[sflag:s12] =	ssyncset.done $0x0  }
0x1f9: {  	[sflag:s12] =	ssyncadd.s32 $0xFFFFFC00  }
0x1fa: {  	_ =	swait.ge [sflag:s12], $0x400  }
0x1fb: {  	[sflag:s12] =	ssyncset.done $0x0  }
0x1fc: {  	[sflag:s12] =	ssyncadd.s32 $0xFFFFFC00  }
0x1fd: {  	_ =	swait.ge [sflag:s12], $0x400  }
0x1fe: {  	[sflag:s12] =	ssyncset.done $0x0  }
0x1ff: {  	[sflag:s12] =	ssyncadd.s32 $0xFFFFFC00  }
0x200: {  	_ =	swait.ge [sflag:s12], $0x400  }
0x201: {  	[sflag:s12] =	ssyncset.done $0x0  }
0x202: {  	[sflag:s12] =	ssyncadd.s32 $0xFFFFFC00  }
0x203: {  	_ =	swait.ge [sflag:s12], $0x400  }
0x204: {  	[sflag:s12] =	ssyncset.done $0x0  }
0x205: {  	[sflag:s12] =	ssyncadd.s32 $0xFFFFFC00  }
0x206: {  	_ =	swait.ge [sflag:s12], $0x400  }
0x207: {  	[sflag:s12] =	ssyncset.done $0x0  }
0x208: {  	[sflag:s12] =	ssyncadd.s32 $0xFFFFFC00  }
0x209: {  	s26 =	simm.s32 $0x0;
	s28 =	simm.s32 $0x0;
	_ =	swait.ge [sflag:s12], $0x400  }
0x20a: {  	s31 =	sand.u32 $0xFFFFFF80, s28;
	s9 =	sand.u32 $0x70, s26;
	[sflag:s12] =	ssyncset.done $0x0  }
0x20b: {  	s2 =	sor.u32 s9, s31;
	[sflag:s12] =	ssyncadd.s32 $0xFFFFFC00  }
0x20c: {  	v1 =	vld [tilespmem:s2+$0x4800]  }
0x20d: {  	v2 =	vld [tilespmem:s2+$0x4C00];
	_ =	sdelay $0x1  }
0x20e: {  	s6 =	sand.u32 $0x3FFFFF80, s28;
	v3 =	vld [tilespmem:s2+$0x5000]  }
0x20f: {  	s6 =	sor.u32 s9, s6  }
0x210: {  	v4 =	vld [tilespmem:s6+$0x5400]  }
0x211: {  	v1 =	vadd.f32 v2, v1  }
0x212: {  	v2 =	vld [tilespmem:s6+$0x5800]  }
0x213: {  	v1 =	vadd.f32 v3, v1  }
0x214: {  	v3 =	vld [tilespmem:s6+$0x5C00]  }
0x215: {  	v1 =	vadd.f32 v4, v1  }
0x216: {  	v61 =	vld [tilespmem:s6+$0x6000]  }
0x217: {  	v1 =	vadd.f32 v2, v1  }
0x218: {  	v2 =	vld [tilespmem:s6+$0x6400]  }
0x219: {  	v1 =	vadd.f32 v3, v1  }
0x21a: {  	v3 =	vld [tilespmem:s6+$0x6800]  }
0x21b: {  	v1 =	vadd.f32 v61, v1  }
0x21c: {  	v62 =	vld [tilespmem:s6+$0x6C00]  }
0x21d: {  	v1 =	vadd.f32 v2, v1  }
0x21e: {  	v2 =	vld [tilespmem:s6+$0x7000]  }
0x21f: {  	v1 =	vadd.f32 v3, v1  }
0x220: {  	v3 =	vld [tilespmem:s6+$0x7400]  }
0x221: {  	v1 =	vadd.f32 v62, v1  }
0x222: {  	v63 =	vld [tilespmem:s6+$0x7800]  }
0x223: {  	v1 =	vadd.f32 v2, v1  }
0x224: {  	v2 =	vld [tilespmem:s6+$0x7C00]  }
0x225: {  	v1 =	vadd.f32 v3, v1;
	_ =	sdelay $0x1  }
0x226: {  	v3 =	vld [tilespmem:s6+$0x8000];
	v1 =	vadd.f32 v63, v1;
	_ =	sdelay $0x1  }
0x227: {  	v2 =	vadd.f32 v2, v1;
	v1 =	vld [tilespmem:s6+$0x8400];
	_ =	sdelay $0x2  }
0x228: {  	s13 =	simm.s32 $0x10;
	s24 =	simm.s32 $0x10;
	s6 =	simm.s32 $0x2;
	v2 =	vadd.f32 v3, v2  }
.LBB2_9:
0x229: {  	p2 =	sne.s32 s6, $0x3F;
	s9 =	sand.u32 $0x70, s13;
	s14 =	sand.u32 $0xFFFFFF80, s24  }
0x22a: {  	s14 =	sor.u32 s9, s14;
	v1 =	vadd.f32 v1, v2  }
0x22b: {  	v2 =	vld [tilespmem:s14+$0x4800]  }
0x22c: {  	v3 =	vld [tilespmem:s14+$0x4C00];
	[tilespmem:s2+$0x800] =	vst v1;
	v4 =	vadd.f32 $-1.000000000e+00, v1;
	vm0 =	vgt.f32 v1, $0.0e+00  }
0x22d: {  	v1 =	vsel vm0, $0x3F800000, v0  }
0x22e: {  	s24 =	sand.u32 $0x3FFFFF80, s24;
	v5 =	vld [tilespmem:s14+$0x5000];
	v4 =	vmax.f32 v4, $0.0e+00;
	[tilespmem:s2+$0x1000] =	vst v1  }
0x22f: {  	s9 =	sor.u32 s9, s24;
	[tilespmem:s2+$0xC00] =	vst v4;
	s2 =	smov.u32 s14  }
0x230: {  	v1 =	vld [tilespmem:s9+$0x5400]  }
0x231: {  	v2 =	vadd.f32 v3, v2;
	v3 =	vld [tilespmem:s9+$0x5800]  }
0x232: {  	v4 =	vld [tilespmem:s9+$0x5C00]  }
0x233: {  	v2 =	vadd.f32 v5, v2;
	v5 =	vld [tilespmem:s9+$0x6000]  }
0x234: {  	v6 =	vld [tilespmem:s9+$0x6400]  }
0x235: {  	v1 =	vadd.f32 v1, v2;
	v2 =	vld [tilespmem:s9+$0x6800]  }
0x236: {  	v7 =	vld [tilespmem:s9+$0x6C00]  }
0x237: {  	v1 =	vadd.f32 v3, v1;
	v3 =	vld [tilespmem:s9+$0x7000]  }
0x238: {  	v8 =	vld [tilespmem:s9+$0x7400]  }
0x239: {  	v1 =	vadd.f32 v4, v1;
	v4 =	vld [tilespmem:s9+$0x7800]  }
0x23a: {  	v9 =	vld [tilespmem:s9+$0x7C00]  }
0x23b: {  	v5 =	vadd.f32 v5, v1;
	v10 =	vld [tilespmem:s9+$0x8000]  }
0x23c: {  	v1 =	vld [tilespmem:s9+$0x8400]  }
0x23d: {  	v5 =	vadd.f32 v6, v5;
	_ =	sdelay $0x1  }
0x23e: {  	v2 =	vadd.f32 v2, v5;
	_ =	sdelay $0x1  }
0x23f: {  	v2 =	vadd.f32 v7, v2;
	_ =	sdelay $0x1  }
0x240: {  	v2 =	vadd.f32 v3, v2;
	_ =	sdelay $0x1  }
0x241: {  	v2 =	vadd.f32 v8, v2;
	_ =	sdelay $0x1  }
.Ltmp6:
0x242: {  	v2 =	vadd.f32 v4, v2;
	(pc) =	sbr.rel @p2 .LBB2_9-.Ltmp6, $3  }
0x243: {  	_ = 	snop  }
0x244: {  	v2 =	vadd.f32 v9, v2;
	_ =	sdelay $0x1  }
0x245: {  	s13 =	sadd.s32 $0x10, s13;
	s24 =	sshll.u32 s6, $0x4;
	s6 =	sadd.s32 $0x1, s6;
	v2 =	vadd.f32 v10, v2  }
0x246: {  	s6 =	sand.u32 $0x70, s13;
	s9 =	sand.u32 $0xFFFFFF80, s24  }
0x247: {  	s9 =	sor.u32 s6, s9;
	v1 =	vadd.f32 v1, v2  }
0x248: {  	v2 =	vld [tilespmem:s9+$0x4800]  }
0x249: {  	v3 =	vld [tilespmem:s9+$0x4C00];
	v4 =	vadd.f32 $-1.000000000e+00, v1;
	vm0 =	vgt.f32 v1, $0.0e+00  }
0x24a: {  	[tilespmem:s2+$0x800] =	vst v1;
	v1 =	vsel vm0, $0x3F800000, v0  }
0x24b: {  	s28 =	sand.u32 $0x3FFFFF80, s24;
	v5 =	vld [tilespmem:s9+$0x5000];
	v4 =	vmax.f32 v4, $0.0e+00;
	[tilespmem:s2+$0x1000] =	vst v1  }
0x24c: {  	s6 =	sor.u32 s6, s28;
	[tilespmem:s2+$0xC00] =	vst v4  }
0x24d: {  	v1 =	vld [tilespmem:s6+$0x5400]  }
0x24e: {  	v2 =	vadd.f32 v3, v2  }
0x24f: {  	v3 =	vld [tilespmem:s6+$0x5800]  }
0x250: {  	v2 =	vadd.f32 v5, v2  }
0x251: {  	v4 =	vld [tilespmem:s6+$0x5C00]  }
0x252: {  	v1 =	vadd.f32 v1, v2  }
0x253: {  	v2 =	vld [tilespmem:s6+$0x6000]  }
0x254: {  	v1 =	vadd.f32 v3, v1  }
0x255: {  	v3 =	vld [tilespmem:s6+$0x6400]  }
0x256: {  	v1 =	vadd.f32 v4, v1  }
0x257: {  	v61 =	vld [tilespmem:s6+$0x6800]  }
0x258: {  	v1 =	vadd.f32 v2, v1  }
0x259: {  	v2 =	vld [tilespmem:s6+$0x6C00]  }
0x25a: {  	v1 =	vadd.f32 v3, v1  }
0x25b: {  	v3 =	vld [tilespmem:s6+$0x7000]  }
0x25c: {  	v1 =	vadd.f32 v61, v1  }
0x25d: {  	v62 =	vld [tilespmem:s6+$0x7400]  }
0x25e: {  	v1 =	vadd.f32 v2, v1  }
0x25f: {  	v2 =	vld [tilespmem:s6+$0x7800]  }
0x260: {  	v1 =	vadd.f32 v3, v1  }
0x261: {  	v3 =	vld [tilespmem:s6+$0x7C00]  }
0x262: {  	v1 =	vadd.f32 v62, v1  }
0x263: {  	v63 =	vld [tilespmem:s6+$0x8000]  }
0x264: {  	v1 =	vadd.f32 v2, v1  }
0x265: {  	v2 =	vld [tilespmem:s6+$0x8400]  }
0x266: {  	v1 =	vadd.f32 v3, v1;
	_ =	sdelay $0x1  }
0x267: {  	v1 =	vadd.f32 v63, v1;
	_ =	sdelay $0x1  }
0x268: {  	v1 =	vadd.f32 v2, v1;
	_ =	sdelay $0x1  }
0x269: {  	v2 =	vadd.f32 $-1.000000000e+00, v1;
	vm15 =	vgt.f32 v1, $0.0e+00  }
0x26a: {  	[tilespmem:s9+$0x800] =	vst v1;
	v1 =	vsel vm15, $0x3F800000, v0  }
0x26b: {  	v2 =	vmax.f32 v2, $0.0e+00;
	[tilespmem:s9+$0x1000] =	vst v1  }
0x26c: {  	s31 =	rddreg [dreg:$0xd];
	[tilespmem:s9+$0xC00] =	vst v2  }
0x26d: {  	[spmem:s31] =	stream.linear.scatter [tilespmem:s15], [sflag:$0x5], $0x400, $0x38;
	[tilespmem:$0x1F480] =	vst v63  }
0x26e: {  	_ =	swait.ge [sflag:s30], $0x400  }
0x26f: {  	s2 =	simm.s32 @!p0 $0x0;
	[sflag:s30] =	ssyncset.done $0x0  }
0x270: {  	s6 =	simm.s32 @!p0 $0xC00;
	s9 =	rddreg [dreg:$0xe];
	[sflag:s30] =	ssyncadd.s32 $0xFFFFFC00  }
0x271: {  	[hbm4b:s9+s2] =	stream.linear.scatter @!p0 [tilespmem:s6], [sflag:$0x5], $0x400, $0x38;
	[tilespmem:$0x1F480] =	vst v63  }
0x272: {  	s6 =	simm.s32 @!p0 $0x5  }
0x273: {  	_ =	swait.ge @!p0 [sflag:s6], $0x400  }
0x274: {  	[sflag:s6] =	ssyncset.done @!p0 $0x0  }
0x275: {  	s9 =	simm.s32 @!p0 $0x1000;
	s13 =	rddreg [dreg:$0xf];
	[sflag:s6] =	ssyncadd.s32 @!p0 $0xFFFFFC00  }
0x276: {  	[hbm4b:s13+s2] =	stream.linear.scatter @!p0 [tilespmem:s9], [sflag:$0x5], $0x400, $0x38;
	[tilespmem:$0x1F480] =	vst v63  }
0x277: {  	_ =	swait.ge @!p0 [sflag:s6], $0x400  }
0x278: {  	[sflag:s6] =	ssyncset.done @!p0 $0x0  }
0x279: {  	[sflag:s6] =	ssyncadd.s32 @!p0 $0xFFFFFC00  }
.LBB2_11:
0x27a: {  	[bflag:$0x0] =	sbarrier.arrive $0xFFFF  }
0x27b: {  	s2 =	rddreg [dreg:$0x7]  }
0x27c: {  	[tilespmem:s10], [sflag:$0x5] =	stream.linear.gather [spmem:s2], $0x2800, $0x38;
	[tilespmem:$0x1F480] =	vst v63  }
0x27d: {  	_ =	swait.ge [sflag:s30], $0x2800  }
0x27e: {  	s6 =	simm.s32 $0x200;
	[sflag:s30] =	ssyncset.done $0x0  }
0x27f: {  	s28 =	simm.s32 $0x400;
	s2 =	simm.s32 $0x0;
	[sflag:s30] =	ssyncadd.s32 $0xFFFFD800  }
.LBB2_12:
0x280: {  	p2 =	sne.s32 s6, $0xFE00;
	[tilespmem:s2+$0x870] =	vst v0  }
0x281: {  	[tilespmem:s2+$0x800] =	vst v0  }
0x282: {  	[tilespmem:s2+$0x810] =	vst v0  }
.Ltmp7:
0x283: {  	[tilespmem:s2+$0x820] =	vst v0;
	(pc) =	sbr.rel @p2 .LBB2_12-.Ltmp7, $4  }
0x284: {  	[tilespmem:s2+$0x830] =	vst v0  }
0x285: {  	[tilespmem:s2+$0x840] =	vst v0  }
0x286: {  	[tilespmem:s2+$0x850] =	vst v0  }
0x287: {  	[tilespmem:s2+$0x860] =	vst v0;
	s2 =	sshra.s32 s6, $0x2;
	s6 =	sadd.s32 $0x200, s6  }
0x288: {  	[tilespmem:s2+$0x870] =	vst v0  }
0x289: {  	[tilespmem:s2+$0x800] =	vst v0  }
0x28a: {  	[tilespmem:s2+$0x810] =	vst v0  }
0x28b: {  	[tilespmem:s2+$0x820] =	vst v0  }
0x28c: {  	[tilespmem:s2+$0x830] =	vst v0  }
0x28d: {  	[tilespmem:s2+$0x840] =	vst v0  }
0x28e: {  	[tilespmem:s2+$0x850] =	vst v0  }
0x28f: {  	[tilespmem:s2+$0x860] =	vst v0  }
0x290: {  	[spmem:s16] =	stream.linear.scatter [tilespmem:s15], [sflag:$0x5], $0x4000, $0x38;
	[tilespmem:$0x1F480] =	vst v63  }
0x291: {  	_ =	swait.ge [sflag:s30], $0x4000  }
0x292: {  	s31 =	sld [smem:$0x7FA]  }
0x293: {  	[sflag:s30] =	ssyncset.done $0x0  }
0x294: {  	[sflag:s30] =	ssyncadd.s32 $0xFFFFC000  }
0x295: {  	[spmem:s31] =	stream.linear.scatter [tilespmem:s15], [sflag:$0x5], $0x4000, $0x38;
	[tilespmem:$0x1F480] =	vst v63  }
0x296: {  	_ =	swait.ge [sflag:s30], $0x4000  }
0x297: {  	s6 =	sld [smem:$0x7FB]  }
0x298: {  	[sflag:s30] =	ssyncset.done $0x0  }
0x299: {  	[sflag:s30] =	ssyncadd.s32 $0xFFFFC000  }
0x29a: {  	[spmem:s6] =	stream.linear.scatter [tilespmem:s15], [sflag:$0x5], $0x4000, $0x38;
	[tilespmem:$0x1F480] =	vst v63  }
0x29b: {  	_ =	swait.ge [sflag:s30], $0x4000  }
0x29c: {  	s9 =	sld [smem:$0x7FC]  }
0x29d: {  	[sflag:s30] =	ssyncset.done $0x0  }
0x29e: {  	[sflag:s30] =	ssyncadd.s32 $0xFFFFC000  }
0x29f: {  	[spmem:s9] =	stream.linear.scatter [tilespmem:s15], [sflag:$0x5], $0x4000, $0x38;
	[tilespmem:$0x1F480] =	vst v63  }
0x2a0: {  	_ =	swait.ge [sflag:s30], $0x4000  }
0x2a1: {  	s13 =	sld [smem:$0x7FD]  }
0x2a2: {  	[sflag:s30] =	ssyncset.done $0x0  }
0x2a3: {  	[sflag:s30] =	ssyncadd.s32 $0xFFFFC000  }
0x2a4: {  	[spmem:s13] =	stream.linear.scatter [tilespmem:s15], [sflag:$0x5], $0x4000, $0x38;
	[tilespmem:$0x1F480] =	vst v63  }
0x2a5: {  	_ =	swait.ge [sflag:s30], $0x4000  }
0x2a6: {  	[sflag:s30] =	ssyncset.done $0x0  }
0x2a7: {  	[sflag:s30] =	ssyncadd.s32 $0xFFFFC000  }
0x2a8: {  	[bflag:$0x0] =	sbarrier.arrive $0xFFFF  }
0x2a9: {  	s24 =	simm.s32 $0x0;
	s14 =	rddreg [dreg:$0x10]  }
0x2aa: {  	[tilespmem:s11], [sflag:$0x1] =	stream.linear.gather [hbm4b:s14+s24], $0x80, $0x38;
	[tilespmem:$0x1F480] =	vst v63  }
.Ltmp8:
0x2ab: {  	_ = 	snop;
	(pc) =	sbr.rel .LBB2_14-.Ltmp8, $4  }
0x2ac: {  	s26 =	rddreg [dreg:$0x11]  }
0x2ad: {  	[tilespmem:s28], [sflag:$0x1] =	stream.linear.gather [hbm4b:s26+s24], $0x80, $0x38;
	[tilespmem:$0x1F480] =	vst v63  }
0x2ae: {  	s31 =	rddreg [dreg:$0x12]  }
0x2af: {  	[tilespmem:s15], [sflag:$0x1] =	stream.linear.gather [hbm4b:s31+s24], $0x4000, $0x38;
	[tilespmem:$0x1F480] =	vst v63  }
.LBB2_25:
0x2b0: {  	s24 =	sadd.s32 $0x1, s24  }
0x2b1: {  	p2 =	sne.s32 s24, $0x4E  }
.Ltmp9:
0x2b2: {  	_ = 	snop;
	(pc) =	sbr.rel @!p2 .LBB2_26-.Ltmp9, $1  }
0x2b3: {  	_ =	sdelay $0x3  }
.LBB2_14:
0x2b4: {  	s31 =	sand.u32 $0x1, s24  }
0x2b5: {  	p2 =	seq.s32 s31, $0x1  }
.Ltmp10:
0x2b6: {  	_ = 	snop;
	(pc) =	sbr.rel @p2 .LBB2_22-.Ltmp10, $1  }
0x2b7: {  	_ =	sdelay $0x3  }
0x2b8: {  	p2 =	seq.s32 s24, $0x0  }
.Ltmp11:
0x2b9: {  	_ = 	snop;
	(pc) =	sbr.rel @p2 .LBB2_18-.Ltmp11, $1  }
0x2ba: {  	_ =	sdelay $0x3  }
0x2bb: {  	p2 =	seq.s32 s24, $0x4D  }
.Ltmp12:
0x2bc: {  	_ = 	snop;
	(pc) =	sbr.rel @p2 .LBB2_19-.Ltmp12, $1  }
0x2bd: {  	_ =	sdelay $0x3  }
0x2be: {  	_ =	swait.ge [sflag:s23], $0x4000  }
0x2bf: {  	[sflag:s23] =	ssyncset.done $0x0  }
0x2c0: {  	[sflag:s23] =	ssyncadd.s32 $0xFFFFC000  }
.LBB2_18:
0x2c1: {  	s2 =	sshll.u32 s24, $0x7  }
0x2c2: {  	s2 =	sadd.s32 s2, s20  }
0x2c3: {  	s6 =	sshrl.u32 s2, $0x3  }
0x2c4: {  	s9 =	sadd.s32 s0, s6  }
0x2c5: {  	[tilespmem:s21], [sflag:$0x2] =	stream.linear.gather [hbm4b:s9+s7], $0x80, $0x38;
	[tilespmem:$0x1F480] =	vst v63  }
0x2c6: {  	s2 =	sshll.u32 s2, $0x4;
	s6 =	sadd.s32 s1, s6  }
0x2c7: {  	[tilespmem:s25], [sflag:$0x2] =	stream.linear.gather [hbm4b:s6+s7], $0x80, $0x38;
	[tilespmem:$0x1F480] =	vst v63  }
0x2c8: {  	s2 =	sadd.s32 s3, s2  }
0x2c9: {  	[tilespmem:s4], [sflag:$0x2] =	stream.linear.gather [hbm4b:s2+s7], $0x4000, $0x38;
	[tilespmem:$0x1F480] =	vst v63  }
.LBB2_19:
0x2ca: {  	_ =	swait.ge [sflag:s12], $0x80  }
0x2cb: {  	[sflag:s12] =	ssyncset.done $0x0  }
0x2cc: {  	[sflag:s12] =	ssyncadd.s32 $0xFFFFFF80  }
0x2cd: {  	_ =	swait.ge [sflag:s12], $0x80  }
0x2ce: {  	[sflag:s12] =	ssyncset.done $0x0  }
0x2cf: {  	[sflag:s12] =	ssyncadd.s32 $0xFFFFFF80  }
0x2d0: {  	_ =	swait.ge [sflag:s12], $0x4000  }
0x2d1: {  	[sflag:s12] =	ssyncset.done $0x0  }
0x2d2: {  	[sflag:s12] =	ssyncadd.s32 $0xFFFFC000  }
0x2d3: {  	v1 =	vld [tilespmem:$0x8800];
	_ =	sdelay $0x7  }
0x2d4: {  	v1 =	vld.idx.msk [tilespmem:v1+s10+$0x0], $0xffff;
	_ =	sdelay $0x1  }
0x2d5: {  	v2 =	vld [tilespmem:$0x400];
	_ =	sdelay $0x2  }
0x2d6: {  	v1 =	vadd.f32 $-1.000000000e+00, v1;
	_ =	sdelay $0x1  }
0x2d7: {  	v1 =	vsub.f32 v2, v1;
	_ =	sdelay $0x1  }
0x2d8: {  	v1 =	vmul.f32 $1.000000010e-01, v1;
	_ =	sdelay $0x1  }
0x2d9: {  	v1 =	vmul.f32 $1.442695020e+00, v1;
	_ =	sdelay $0x1  }
0x2da: {  	(erf) = vpow2.f32 v1;
	_ =	sdelay $0x2  }
0x2db: {  	v1 =	vld [tilespmem:$0x8810];
	_ =	sdelay $0x5  }
0x2dc: {  	v2 =	vpop (erf)  }
0x2dd: {  	[tilespmem:$0x8980] =	vst v2  }
0x2de: {  	v1 =	vld.idx.msk [tilespmem:v1+s10+$0x0], $0xffff;
	_ =	sdelay $0x1  }
0x2df: {  	v2 =	vld [tilespmem:$0x410];
	_ =	sdelay $0x2  }
0x2e0: {  	v1 =	vadd.f32 $-1.000000000e+00, v1;
	_ =	sdelay $0x1  }
0x2e1: {  	v1 =	vsub.f32 v2, v1;
	_ =	sdelay $0x1  }
0x2e2: {  	v1 =	vmul.f32 $1.000000010e-01, v1;
	_ =	sdelay $0x1  }
0x2e3: {  	v1 =	vmul.f32 $1.442695020e+00, v1;
	_ =	sdelay $0x1  }
0x2e4: {  	(erf) = vpow2.f32 v1;
	_ =	sdelay $0x2  }
0x2e5: {  	v1 =	vld [tilespmem:$0x8820];
	_ =	sdelay $0x5  }
0x2e6: {  	v2 =	vpop (erf)  }
0x2e7: {  	[tilespmem:$0x8990] =	vst v2  }
0x2e8: {  	v1 =	vld.idx.msk [tilespmem:v1+s10+$0x0], $0xffff;
	_ =	sdelay $0x1  }
0x2e9: {  	v2 =	vld [tilespmem:$0x420];
	_ =	sdelay $0x2  }
0x2ea: {  	v1 =	vadd.f32 $-1.000000000e+00, v1;
	_ =	sdelay $0x1  }
0x2eb: {  	v1 =	vsub.f32 v2, v1;
	_ =	sdelay $0x1  }
0x2ec: {  	v1 =	vmul.f32 $1.000000010e-01, v1;
	_ =	sdelay $0x1  }
0x2ed: {  	v1 =	vmul.f32 $1.442695020e+00, v1;
	_ =	sdelay $0x1  }
0x2ee: {  	(erf) = vpow2.f32 v1;
	_ =	sdelay $0x2  }
0x2ef: {  	v1 =	vld [tilespmem:$0x8830];
	_ =	sdelay $0x5  }
0x2f0: {  	v2 =	vpop (erf)  }
0x2f1: {  	[tilespmem:$0x89A0] =	vst v2  }
0x2f2: {  	v1 =	vld.idx.msk [tilespmem:v1+s10+$0x0], $0xffff;
	_ =	sdelay $0x1  }
0x2f3: {  	v2 =	vld [tilespmem:$0x430];
	_ =	sdelay $0x2  }
0x2f4: {  	v1 =	vadd.f32 $-1.000000000e+00, v1;
	_ =	sdelay $0x1  }
0x2f5: {  	v1 =	vsub.f32 v2, v1;
	_ =	sdelay $0x1  }
0x2f6: {  	v1 =	vmul.f32 $1.000000010e-01, v1;
	_ =	sdelay $0x1  }
0x2f7: {  	v1 =	vmul.f32 $1.442695020e+00, v1;
	_ =	sdelay $0x1  }
0x2f8: {  	(erf) = vpow2.f32 v1;
	_ =	sdelay $0x2  }
0x2f9: {  	v1 =	vld [tilespmem:$0x8840];
	_ =	sdelay $0x5  }
0x2fa: {  	v2 =	vpop (erf)  }
0x2fb: {  	[tilespmem:$0x89B0] =	vst v2  }
0x2fc: {  	v1 =	vld.idx.msk [tilespmem:v1+s10+$0x0], $0xffff;
	_ =	sdelay $0x1  }
0x2fd: {  	v2 =	vld [tilespmem:$0x440];
	_ =	sdelay $0x2  }
0x2fe: {  	v1 =	vadd.f32 $-1.000000000e+00, v1;
	_ =	sdelay $0x1  }
0x2ff: {  	v1 =	vsub.f32 v2, v1;
	_ =	sdelay $0x1  }
0x300: {  	v1 =	vmul.f32 $1.000000010e-01, v1;
	_ =	sdelay $0x1  }
0x301: {  	v1 =	vmul.f32 $1.442695020e+00, v1;
	_ =	sdelay $0x1  }
0x302: {  	(erf) = vpow2.f32 v1;
	_ =	sdelay $0x2  }
0x303: {  	v1 =	vld [tilespmem:$0x8850];
	_ =	sdelay $0x5  }
0x304: {  	v2 =	vpop (erf)  }
0x305: {  	[tilespmem:$0x89C0] =	vst v2  }
0x306: {  	v1 =	vld.idx.msk [tilespmem:v1+s10+$0x0], $0xffff;
	_ =	sdelay $0x1  }
0x307: {  	v2 =	vld [tilespmem:$0x450];
	_ =	sdelay $0x2  }
0x308: {  	v1 =	vadd.f32 $-1.000000000e+00, v1;
	_ =	sdelay $0x1  }
0x309: {  	v1 =	vsub.f32 v2, v1;
	_ =	sdelay $0x1  }
0x30a: {  	v1 =	vmul.f32 $1.000000010e-01, v1;
	_ =	sdelay $0x1  }
0x30b: {  	v1 =	vmul.f32 $1.442695020e+00, v1;
	_ =	sdelay $0x1  }
0x30c: {  	(erf) = vpow2.f32 v1;
	_ =	sdelay $0x2  }
0x30d: {  	v1 =	vld [tilespmem:$0x8860];
	_ =	sdelay $0x5  }
0x30e: {  	v2 =	vpop (erf)  }
0x30f: {  	[tilespmem:$0x89D0] =	vst v2  }
0x310: {  	v1 =	vld.idx.msk [tilespmem:v1+s10+$0x0], $0xffff;
	_ =	sdelay $0x1  }
0x311: {  	v2 =	vld [tilespmem:$0x460];
	_ =	sdelay $0x2  }
0x312: {  	v1 =	vadd.f32 $-1.000000000e+00, v1;
	_ =	sdelay $0x1  }
0x313: {  	v1 =	vsub.f32 v2, v1;
	_ =	sdelay $0x1  }
0x314: {  	v1 =	vmul.f32 $1.000000010e-01, v1;
	_ =	sdelay $0x1  }
0x315: {  	v1 =	vmul.f32 $1.442695020e+00, v1;
	_ =	sdelay $0x1  }
0x316: {  	(erf) = vpow2.f32 v1;
	_ =	sdelay $0x2  }
0x317: {  	v1 =	vld [tilespmem:$0x8870];
	_ =	sdelay $0x5  }
0x318: {  	v2 =	vpop (erf)  }
0x319: {  	[tilespmem:$0x89E0] =	vst v2  }
0x31a: {  	v1 =	vld.idx.msk [tilespmem:v1+s10+$0x0], $0xffff;
	_ =	sdelay $0x1  }
0x31b: {  	v2 =	vld [tilespmem:$0x470];
	_ =	sdelay $0x2  }
0x31c: {  	v1 =	vadd.f32 $-1.000000000e+00, v1;
	_ =	sdelay $0x1  }
0x31d: {  	v1 =	vsub.f32 v2, v1;
	_ =	sdelay $0x1  }
0x31e: {  	v1 =	vmul.f32 $1.000000010e-01, v1;
	_ =	sdelay $0x1  }
0x31f: {  	v1 =	vmul.f32 $1.442695020e+00, v1;
	_ =	sdelay $0x1  }
0x320: {  	(erf) = vpow2.f32 v1;
	_ =	sdelay $0x1  }
0x321: {  	s2 =	simm.s32 $0x0  }
0x322: {  	s6 =	simm.s32 $0x2;
	v1 =	vmov s2  }
0x323: {  	v2 =	vmov s6;
	v1 =	vand.u32 $0xFFFFFFFC, v1  }
0x324: {  	v2 =	vand.u32 $0xFFFFFFFE, v2;
	v1 =	vbroadcast v1, $0x0  }
0x325: {  	v2 =	vbroadcast v2, $0x0;
	_ =	sdelay $0x2  }
0x326: {  	v3 =	vpop (erf)  }
0x327: {  	[tilespmem:$0x89F0] =	vst v3  }
0x328: {  	v1 =	vld.idx.msk [tilespmem:v1+s18+$0x0], $0xffff  }
0x329: {  	s6 =	simm.s32 $0x900;
	v2 =	vld.idx.msk [tilespmem:v2+s18+$0x0], $0xffff  }
0x32a: {  	s9 =	simm.s32 $0x1;
	v4 =	vld [tilespmem:s6+$0x70]  }
0x32b: {  	v3 =	vmov s9;
	v5 =	vld [tilespmem:s6+$0xFFFFFF00]  }
0x32c: {  	v3 =	vand.u32 $0xFFFFFFFD, v3;
	v6 =	vld [tilespmem:s6+$0xFFFFFF10]  }
0x32d: {  	v7 =	vld [tilespmem:s6+$0xFFFFFF20];
	v3 =	vbroadcast v3, $0x0  }
0x32e: {  	v8 =	vld [tilespmem:s6+$0xFFFFFF30]  }
0x32f: {  	v9 =	vld [tilespmem:s6+$0xFFFFFF40]  }
0x330: {  	v10 =	vld [tilespmem:s6+$0xFFFFFF50]  }
0x331: {  	v11 =	vld [tilespmem:s6+$0xFFFFFF60];
	v5 =	vmul.f32 v5, v1  }
0x332: {  	v13 =	vld [tilespmem:s6+$0x40];
	v4 =	vmul.f32 v4, v2  }
0x333: {  	v3 =	vld.idx.msk [tilespmem:v3+s18+$0x0], $0xffff;
	[tilespmem:s6+$0xFFFFFF00] =	vst v5;
	v5 =	vmul.f32 v6, v1  }
0x334: {  	v6 =	vld [tilespmem:s6+$0xFFFFFF70];
	[tilespmem:s6+$0x70] =	vst v4;
	v4 =	vmul.f32 v7, v1  }
0x335: {  	v7 =	vld [tilespmem:s6+$0xFFFFFF80];
	[tilespmem:s6+$0xFFFFFF10] =	vst v5;
	v5 =	vmul.f32 v8, v1  }
0x336: {  	v8 =	vld [tilespmem:s6+$0xFFFFFF90];
	[tilespmem:s6+$0xFFFFFF20] =	vst v4;
	v4 =	vmul.f32 v9, v1  }
0x337: {  	v9 =	vld [tilespmem:s6+$0xFFFFFFA0];
	[tilespmem:s6+$0xFFFFFF30] =	vst v5;
	v5 =	vmul.f32 v10, v1  }
0x338: {  	v10 =	vld [tilespmem:s6+$0xFFFFFFB0];
	[tilespmem:s6+$0xFFFFFF40] =	vst v4;
	v4 =	vmul.f32 v11, v1  }
0x339: {  	v11 =	vld [tilespmem:s6+$0xFFFFFFC0];
	v6 =	vmul.f32 v6, v1;
	[tilespmem:s6+$0xFFFFFF50] =	vst v5  }
0x33a: {  	v5 =	vmul.f32 v7, v3;
	v7 =	vld [tilespmem:s6+$0xFFFFFFD0];
	[tilespmem:s6+$0xFFFFFF60] =	vst v4  }
0x33b: {  	s13 =	simm.s32 $0x3;
	v4 =	vld [tilespmem:s6+$0xFFFFFFE0];
	v8 =	vmul.f32 v8, v3;
	[tilespmem:s6+$0xFFFFFF70] =	vst v6  }
0x33c: {  	v12 =	vmov s13;
	v6 =	vld [tilespmem:s6+$0xFFFFFFF0];
	[tilespmem:s6+$0xFFFFFF80] =	vst v5;
	v5 =	vmul.f32 v9, v3  }
0x33d: {  	v9 =	vld [tilespmem:s6+$0x0];
	[tilespmem:s6+$0xFFFFFF90] =	vst v8;
	v8 =	vmul.f32 v10, v3  }
0x33e: {  	v10 =	vld [tilespmem:s6+$0x10];
	[tilespmem:s6+$0xFFFFFFA0] =	vst v5;
	v5 =	vmul.f32 v11, v3  }
0x33f: {  	[tilespmem:s6+$0xFFFFFFB0] =	vst v8;
	v7 =	vmul.f32 v7, v3;
	v8 =	vld [tilespmem:s6+$0x20]  }
0x340: {  	v11 =	vld [tilespmem:s6+$0x30];
	v4 =	vmul.f32 v4, v3;
	[tilespmem:s6+$0xFFFFFFC0] =	vst v5  }
0x341: {  	v1 =	vld.idx.msk [tilespmem:v12+s18+$0x0], $0xffff;
	v3 =	vmul.f32 v6, v3;
	[tilespmem:s6+$0xFFFFFFD0] =	vst v7  }
0x342: {  	[tilespmem:s6+$0xFFFFFFE0] =	vst v4;
	v5 =	vmul.f32 v9, v2;
	v4 =	vld [tilespmem:s6+$0x50]  }
0x343: {  	s14 =	simm.s32 $0x4;
	[tilespmem:s6+$0xFFFFFFF0] =	vst v3;
	v6 =	vmul.f32 v10, v2;
	v3 =	vld [tilespmem:s6+$0x60]  }
0x344: {  	s26 =	simm.s32 $0x7;
	v7 =	vmov s14;
	[tilespmem:s6+$0x0] =	vst v5;
	v9 =	vmul.f32 v8, v2;
	v8 =	vld [tilespmem:s6+$0x80]  }
0x345: {  	s9 =	simm.s32 $0x5;
	v12 =	vand.u32 $0xFFFFFFFC, v7;
	v7 =	vld [tilespmem:s6+$0x90];
	v5 =	vmov s26;
	v10 =	vmul.f32 v11, v2;
	[tilespmem:s6+$0x10] =	vst v6  }
0x346: {  	s13 =	simm.s32 $0x8;
	s2 =	simm.s32 $0x6;
	v11 =	vmul.f32 v13, v2;
	s26 =	simm.s32 $0x900;
	v6 =	vbroadcast v12, $0x0;
	v12 =	vmov s9;
	[tilespmem:s6+$0x20] =	vst v9;
	v9 =	vld [tilespmem:s6+$0xA0]  }
.LBB2_20:
0x347: {  	p2 =	slt.u32 s13, $0x7C;
	v12 =	vand.u32 $0xFFFFFFFD, v12;
	v13 =	vmov s2;
	[tilespmem:s6+$0x30] =	vst v10;
	v4 =	vmul.f32 v4, v2;
	v10 =	vld [tilespmem:s6+$0xB0]  }
0x348: {  	v12 =	vbroadcast v12, $0x0;
	v13 =	vand.u32 $0xFFFFFFFE, v13;
	[tilespmem:s6+$0x40] =	vst v11;
	v2 =	vmul.f32 v3, v2;
	v3 =	vld [tilespmem:s6+$0xC0]  }
0x349: {  	v11 =	vbroadcast v13, $0x0;
	[tilespmem:s6+$0x50] =	vst v4;
	v4 =	vmul.f32 v8, v1;
	v8 =	vld [tilespmem:s6+$0xD0]  }
0x34a: {  	[tilespmem:s6+$0x60] =	vst v2;
	v2 =	vmul.f32 v7, v1;
	v7 =	vld [tilespmem:s6+$0xE0]  }
0x34b: {  	[tilespmem:s6+$0x80] =	vst v4;
	v4 =	vmul.f32 v9, v1;
	v9 =	vld [tilespmem:s6+$0xF0]  }
0x34c: {  	v5 =	vld.idx.msk [tilespmem:v5+s18+$0x0], $0xffff;
	[tilespmem:s6+$0x90] =	vst v2;
	v2 =	vmul.f32 v10, v1  }
0x34d: {  	v6 =	vld.idx.msk [tilespmem:v6+s18+$0x0], $0xffff;
	[tilespmem:s6+$0xA0] =	vst v4;
	v3 =	vmul.f32 v3, v1  }
0x34e: {  	v4 =	vld.idx.msk [tilespmem:v12+s18+$0x0], $0xffff;
	[tilespmem:s6+$0xB0] =	vst v2;
	v8 =	vmul.f32 v8, v1  }
0x34f: {  	s6 =	sadd.s32 $0x200, s6;
	v2 =	vld.idx.msk [tilespmem:v11+s18+$0x0], $0xffff;
	[tilespmem:s26+$0xC0] =	vst v3;
	v3 =	vmul.f32 v7, v1  }
0x350: {  	v7 =	vld [tilespmem:s6+$0x70];
	[tilespmem:s26+$0xD0] =	vst v8;
	v9 =	vmul.f32 v9, v1  }
0x351: {  	v8 =	vld [tilespmem:s6+$0xFFFFFF00];
	[tilespmem:s26+$0xE0] =	vst v3  }
0x352: {  	v1 =	vmov v5;
	v3 =	vld [tilespmem:s6+$0xFFFFFF10];
	[tilespmem:s26+$0xF0] =	vst v9;
	s26 =	smov.u32 s6  }
0x353: {  	v5 =	vld [tilespmem:s6+$0xFFFFFF20]  }
0x354: {  	v9 =	vld [tilespmem:s6+$0xFFFFFF30]  }
0x355: {  	v10 =	vld [tilespmem:s6+$0xFFFFFF40];
	v7 =	vmul.f32 v7, v2  }
0x356: {  	v8 =	vmul.f32 v8, v6;
	v11 =	vld [tilespmem:s6+$0xFFFFFF50]  }
0x357: {  	v3 =	vmul.f32 v3, v6;
	v12 =	vld [tilespmem:s6+$0xFFFFFF60];
	[tilespmem:s6+$0x70] =	vst v7  }
0x358: {  	[tilespmem:s6+$0xFFFFFF00] =	vst v8;
	v5 =	vmul.f32 v5, v6;
	v7 =	vld [tilespmem:s6+$0xFFFFFF70]  }
0x359: {  	[tilespmem:s6+$0xFFFFFF10] =	vst v3;
	v3 =	vmul.f32 v9, v6;
	v8 =	vld [tilespmem:s6+$0xFFFFFF80]  }
0x35a: {  	[tilespmem:s6+$0xFFFFFF20] =	vst v5;
	v5 =	vmul.f32 v10, v6;
	v9 =	vld [tilespmem:s6+$0xFFFFFF90]  }
0x35b: {  	[tilespmem:s6+$0xFFFFFF30] =	vst v3;
	v3 =	vmul.f32 v11, v6;
	v10 =	vld [tilespmem:s6+$0xFFFFFFA0]  }
0x35c: {  	[tilespmem:s6+$0xFFFFFF40] =	vst v5;
	v5 =	vmul.f32 v12, v6;
	v11 =	vld [tilespmem:s6+$0xFFFFFFB0]  }
0x35d: {  	[tilespmem:s6+$0xFFFFFF50] =	vst v3;
	v3 =	vmul.f32 v7, v6;
	v6 =	vld [tilespmem:s6+$0xFFFFFFC0]  }
0x35e: {  	[tilespmem:s6+$0xFFFFFF60] =	vst v5;
	v5 =	vmul.f32 v8, v4;
	v7 =	vld [tilespmem:s6+$0xFFFFFFD0]  }
0x35f: {  	[tilespmem:s6+$0xFFFFFF70] =	vst v3;
	v3 =	vmul.f32 v9, v4;
	v8 =	vld [tilespmem:s6+$0xFFFFFFE0]  }
0x360: {  	[tilespmem:s6+$0xFFFFFF80] =	vst v5;
	v5 =	vmul.f32 v10, v4;
	v9 =	vld [tilespmem:s6+$0xFFFFFFF0]  }
0x361: {  	[tilespmem:s6+$0xFFFFFF90] =	vst v3;
	v3 =	vmul.f32 v11, v4;
	v10 =	vld [tilespmem:s6+$0x0]  }
0x362: {  	[tilespmem:s6+$0xFFFFFFA0] =	vst v5;
	v5 =	vmul.f32 v6, v4;
	v6 =	vld [tilespmem:s6+$0x10]  }
0x363: {  	[tilespmem:s6+$0xFFFFFFB0] =	vst v3;
	v3 =	vmul.f32 v7, v4;
	v7 =	vld [tilespmem:s6+$0x20]  }
0x364: {  	[tilespmem:s6+$0xFFFFFFC0] =	vst v5;
	v5 =	vmul.f32 v8, v4;
	v11 =	vld [tilespmem:s6+$0x30]  }
0x365: {  	[tilespmem:s6+$0xFFFFFFD0] =	vst v3;
	v3 =	vmul.f32 v9, v4;
	v9 =	vld [tilespmem:s6+$0x40]  }
.Ltmp13:
0x366: {  	[tilespmem:s6+$0xFFFFFFE0] =	vst v5;
	v5 =	vmul.f32 v10, v2;
	v4 =	vld [tilespmem:s6+$0x50];
	(pc) =	sbr.rel @p2 .LBB2_20-.Ltmp13, $4  }
0x367: {  	[tilespmem:s6+$0xFFFFFFF0] =	vst v3;
	v6 =	vmul.f32 v6, v2;
	v3 =	vld [tilespmem:s6+$0x60]  }
0x368: {  	s2 =	sadd.s32 $0x3, s13;
	v10 =	vmov s13;
	[tilespmem:s6+$0x0] =	vst v5;
	v13 =	vmul.f32 v7, v2;
	v8 =	vld [tilespmem:s6+$0x80]  }
0x369: {  	s9 =	sadd.s32 $0x1, s13;
	v12 =	vand.u32 $0xFFFFFFFC, v10;
	v5 =	vmov s2;
	[tilespmem:s6+$0x10] =	vst v6;
	v10 =	vmul.f32 v11, v2;
	v7 =	vld [tilespmem:s6+$0x90]  }
0x36a: {  	s2 =	sadd.s32 $0x2, s13;
	s13 =	sadd.s32 $0x4, s13;
	v6 =	vbroadcast v12, $0x0;
	v12 =	vmov s9;
	[tilespmem:s6+$0x20] =	vst v13;
	v11 =	vmul.f32 v9, v2;
	v9 =	vld [tilespmem:s6+$0xA0]  }
0x36b: {  	v13 =	vld [tilespmem:s6+$0xB0]  }
0x36c: {  	v15 =	vld [tilespmem:s6+$0xC0]  }
0x36d: {  	v16 =	vld [tilespmem:s6+$0xD0]  }
0x36e: {  	v17 =	vld [tilespmem:s6+$0xE0]  }
0x36f: {  	v29 =	vld [tilespmem:s6+$0xF0];
	[tilespmem:s6+$0x30] =	vst v10;
	v4 =	vmul.f32 v4, v2  }
0x370: {  	v5 =	vld.idx.msk [tilespmem:v5+s18+$0x0], $0xffff;
	[tilespmem:s6+$0x40] =	vst v11;
	v2 =	vmul.f32 v3, v2  }
0x371: {  	s14 =	sadd.s32 $0x200, s6;
	v3 =	vld.idx.msk [tilespmem:v6+s18+$0x0], $0xffff;
	v8 =	vmul.f32 v8, v1;
	[tilespmem:s6+$0x50] =	vst v4  }
0x372: {  	v14 =	vmov s2;
	v34 =	vld [tilespmem:s14+$0x70];
	v30 =	vmul.f32 v7, v1;
	[tilespmem:s6+$0x60] =	vst v2  }
0x373: {  	v14 =	vand.u32 $0xFFFFFFFE, v14;
	v35 =	vld [tilespmem:s14+$0xFFFFFF00];
	[tilespmem:s6+$0x80] =	vst v8;
	v2 =	vmul.f32 v9, v1  }
0x374: {  	v37 =	vld [tilespmem:s14+$0xFFFFFF10];
	v14 =	vbroadcast v14, $0x0;
	[tilespmem:s6+$0x90] =	vst v30;
	v33 =	vmul.f32 v13, v1  }
0x375: {  	v38 =	vld [tilespmem:s14+$0xFFFFFF20];
	[tilespmem:s6+$0xA0] =	vst v2;
	v2 =	vmul.f32 v15, v1  }
0x376: {  	v12 =	vand.u32 $0xFFFFFFFD, v12;
	v39 =	vld [tilespmem:s14+$0xFFFFFF30];
	v36 =	vmul.f32 v16, v1;
	[tilespmem:s6+$0xB0] =	vst v33  }
0x377: {  	v12 =	vbroadcast v12, $0x0;
	v41 =	vld [tilespmem:s14+$0xFFFFFF50];
	[tilespmem:s26+$0xC0] =	vst v2;
	v2 =	vmul.f32 v17, v1  }
0x378: {  	v43 =	vld [tilespmem:s14+$0xFFFFFF60];
	[tilespmem:s26+$0xD0] =	vst v36;
	v1 =	vmul.f32 v29, v1  }
0x379: {  	v42 =	vmul.f32 v37, v3;
	[tilespmem:s26+$0xE0] =	vst v2;
	v2 =	vld [tilespmem:s14+$0xFFFFFF40]  }
0x37a: {  	v32 =	vld.idx.msk [tilespmem:v14+s18+$0x0], $0xffff;
	[tilespmem:s26+$0xF0] =	vst v1;
	v1 =	vmul.f32 v35, v3  }
0x37b: {  	v44 =	vld [tilespmem:s14+$0xFFFFFF70];
	v4 =	vmul.f32 v39, v3;
	[tilespmem:s14+$0xFFFFFF10] =	vst v42  }
0x37c: {  	v45 =	vld [tilespmem:s14+$0xFFFFFF80];
	[tilespmem:s14+$0xFFFFFF00] =	vst v1;
	v1 =	vmul.f32 v38, v3  }
0x37d: {  	v46 =	vmul.f32 v41, v3;
	v31 =	vld.idx.msk [tilespmem:v12+s18+$0x0], $0xffff;
	[tilespmem:s14+$0xFFFFFF30] =	vst v4  }
0x37e: {  	[tilespmem:s14+$0xFFFFFF20] =	vst v1;
	v1 =	vmul.f32 v2, v3;
	v2 =	vld [tilespmem:s14+$0xFFFFFF90]  }
0x37f: {  	v47 =	vld [tilespmem:s14+$0xFFFFFFA0];
	[tilespmem:s14+$0xFFFFFF50] =	vst v46;
	v40 =	vmul.f32 v34, v32  }
0x380: {  	v48 =	vld [tilespmem:s14+$0xFFFFFFB0];
	[tilespmem:s14+$0xFFFFFF40] =	vst v1;
	v1 =	vmul.f32 v43, v3  }
0x381: {  	v49 =	vld [tilespmem:s14+$0xFFFFFFC0];
	[tilespmem:s14+$0x70] =	vst v40;
	v3 =	vmul.f32 v44, v3  }
0x382: {  	v50 =	vld [tilespmem:s14+$0xFFFFFFD0];
	[tilespmem:s14+$0xFFFFFF60] =	vst v1;
	v1 =	vmul.f32 v45, v31  }
0x383: {  	[tilespmem:s14+$0xFFFFFF70] =	vst v3;
	v3 =	vld [tilespmem:s14+$0xFFFFFFE0];
	v2 =	vmul.f32 v2, v31  }
0x384: {  	v51 =	vld [tilespmem:s14+$0xFFFFFFF0];
	[tilespmem:s14+$0xFFFFFF80] =	vst v1;
	v1 =	vmul.f32 v47, v31  }
0x385: {  	v52 =	vld [tilespmem:s14+$0x0];
	[tilespmem:s14+$0xFFFFFF90] =	vst v2;
	v2 =	vmul.f32 v48, v31  }
0x386: {  	v53 =	vld [tilespmem:s14+$0x10];
	[tilespmem:s14+$0xFFFFFFA0] =	vst v1;
	v1 =	vmul.f32 v49, v31  }
0x387: {  	v54 =	vld [tilespmem:s14+$0x20];
	[tilespmem:s14+$0xFFFFFFB0] =	vst v2;
	v2 =	vmul.f32 v50, v31  }
0x388: {  	[tilespmem:s14+$0xFFFFFFC0] =	vst v1;
	v1 =	vmul.f32 v3, v31;
	v3 =	vld [tilespmem:s14+$0x30]  }
0x389: {  	v55 =	vld [tilespmem:s14+$0x40];
	[tilespmem:s14+$0xFFFFFFD0] =	vst v2;
	v2 =	vmul.f32 v51, v31  }
0x38a: {  	v56 =	vld [tilespmem:s14+$0x50];
	[tilespmem:s14+$0xFFFFFFE0] =	vst v1;
	v1 =	vmul.f32 v52, v32  }
0x38b: {  	v57 =	vld [tilespmem:s14+$0x60];
	[tilespmem:s14+$0xFFFFFFF0] =	vst v2;
	v2 =	vmul.f32 v53, v32  }
0x38c: {  	v58 =	vld [tilespmem:s14+$0x80];
	[tilespmem:s14+$0x0] =	vst v1;
	v1 =	vmul.f32 v54, v32  }
0x38d: {  	[tilespmem:s14+$0x10] =	vst v2;
	v2 =	vmul.f32 v3, v32;
	v3 =	vld [tilespmem:s14+$0x90]  }
0x38e: {  	v59 =	vld [tilespmem:s14+$0xA0];
	[tilespmem:s14+$0x20] =	vst v1;
	v1 =	vmul.f32 v55, v32  }
0x38f: {  	v60 =	vld [tilespmem:s14+$0xB0];
	[tilespmem:s14+$0x30] =	vst v2;
	v2 =	vmul.f32 v56, v32  }
0x390: {  	v61 =	vld [tilespmem:s14+$0xC0];
	[tilespmem:s14+$0x40] =	vst v1;
	v1 =	vmul.f32 v57, v32  }
0x391: {  	v62 =	vld [tilespmem:s14+$0xD0];
	[tilespmem:s14+$0x50] =	vst v2;
	v2 =	vmul.f32 v58, v5  }
0x392: {  	[tilespmem:s14+$0x60] =	vst v1;
	v1 =	vmul.f32 v3, v5;
	v3 =	vld [tilespmem:s14+$0xE0]  }
0x393: {  	v63 =	vld [tilespmem:s14+$0xF0];
	[tilespmem:s14+$0x80] =	vst v2;
	v2 =	vmul.f32 v59, v5  }
0x394: {  	[tilespmem:s14+$0x90] =	vst v1;
	v1 =	vmul.f32 v60, v5  }
0x395: {  	[tilespmem:s14+$0xA0] =	vst v2;
	v2 =	vmul.f32 v61, v5  }
0x396: {  	p2 =	seq.s32 s31, $0x0;
	[tilespmem:s14+$0xB0] =	vst v1;
	v1 =	vmul.f32 v62, v5  }
.Ltmp14:
0x397: {  	[tilespmem:s14+$0xC0] =	vst v2;
	v2 =	vmul.f32 v3, v5;
	(pc) =	sbr.rel @p2 .LBB2_25-.Ltmp14, $4  }
0x398: {  	[tilespmem:s14+$0xD0] =	vst v1;
	v1 =	vmul.f32 v63, v5  }
0x399: {  	[tilespmem:s14+$0xE0] =	vst v2  }
0x39a: {  	[tilespmem:s14+$0xF0] =	vst v1  }
0x39b: {  	[spmem:s5] =	stream.indirect.scatter.add.f32 [tilespmem:s15], [sflag:$0x3], $0x80, s11, s19, $0xb8;
	[tilespmem:$0x1F480] =	vst v63  }
.LBB2_22:
0x39c: {  	p2 =	seq.s32 s24, $0x4D  }
0x39d: {  	s2 =	simm.s32 @!p2 $0x3  }
0x39e: {  	s6 =	sshll.u32 @!p2 s24, $0x7;
	_ =	swait.ge @!p2 [sflag:s2], $0x4000  }
0x39f: {  	s6 =	sadd.s32 @!p2 s6, s20;
	[sflag:s2] =	ssyncset.done @!p2 $0x0  }
0x3a0: {  	[sflag:s2] =	ssyncadd.s32 @!p2 $0xFFFFC000;
	s2 =	sshrl.u32 @!p2 s6, $0x3  }
0x3a1: {  	s13 =	simm.s32 @!p2 $0x0;
	s14 =	simm.s32 @!p2 $0x8800;
	s9 =	sadd.s32 @!p2 s0, s2  }
0x3a2: {  	[tilespmem:s14], [sflag:$0x1] =	stream.linear.gather @!p2 [hbm4b:s9+s13], $0x80, $0x38;
	[tilespmem:$0x1F480] =	vst v63  }
0x3a3: {  	s2 =	sadd.s32 @!p2 s1, s2;
	s9 =	simm.s32 @!p2 $0x400  }
0x3a4: {  	[tilespmem:s9], [sflag:$0x1] =	stream.linear.gather @!p2 [hbm4b:s2+s13], $0x80, $0x38;
	[tilespmem:$0x1F480] =	vst v63  }
0x3a5: {  	s2 =	sshll.u32 @!p2 s6, $0x4  }
0x3a6: {  	s6 =	simm.s32 @!p2 $0x800;
	s2 =	sadd.s32 @!p2 s3, s2  }
0x3a7: {  	[tilespmem:s6], [sflag:$0x1] =	stream.linear.gather @!p2 [hbm4b:s2+s13], $0x4000, $0x38;
	[tilespmem:$0x1F480] =	vst v63  }
0x3a8: {  	_ =	swait.ge [sflag:s17], $0x80  }
0x3a9: {  	[sflag:s17] =	ssyncset.done $0x0  }
0x3aa: {  	[sflag:s17] =	ssyncadd.s32 $0xFFFFFF80  }
0x3ab: {  	_ =	swait.ge [sflag:s17], $0x80  }
0x3ac: {  	[sflag:s17] =	ssyncset.done $0x0  }
0x3ad: {  	[sflag:s17] =	ssyncadd.s32 $0xFFFFFF80  }
0x3ae: {  	_ =	swait.ge [sflag:s17], $0x4000  }
0x3af: {  	[sflag:s17] =	ssyncset.done $0x0  }
0x3b0: {  	[sflag:s17] =	ssyncadd.s32 $0xFFFFC000  }
0x3b1: {  	v1 =	vld [tilespmem:$0x8880];
	_ =	sdelay $0x7  }
0x3b2: {  	v1 =	vld.idx.msk [tilespmem:v1+s10+$0x0], $0xffff;
	_ =	sdelay $0x1  }
0x3b3: {  	v2 =	vld [tilespmem:$0x600];
	_ =	sdelay $0x2  }
0x3b4: {  	v1 =	vadd.f32 $-1.000000000e+00, v1;
	_ =	sdelay $0x1  }
0x3b5: {  	v1 =	vsub.f32 v2, v1;
	_ =	sdelay $0x1  }
0x3b6: {  	v1 =	vmul.f32 $1.000000010e-01, v1;
	_ =	sdelay $0x1  }
0x3b7: {  	v1 =	vmul.f32 $1.442695020e+00, v1;
	_ =	sdelay $0x1  }
0x3b8: {  	(erf) = vpow2.f32 v1;
	_ =	sdelay $0x2  }
0x3b9: {  	v1 =	vld [tilespmem:$0x8890];
	_ =	sdelay $0x5  }
0x3ba: {  	v2 =	vpop (erf)  }
0x3bb: {  	[tilespmem:$0x8980] =	vst v2  }
0x3bc: {  	v1 =	vld.idx.msk [tilespmem:v1+s10+$0x0], $0xffff;
	_ =	sdelay $0x1  }
0x3bd: {  	v2 =	vld [tilespmem:$0x610];
	_ =	sdelay $0x2  }
0x3be: {  	v1 =	vadd.f32 $-1.000000000e+00, v1;
	_ =	sdelay $0x1  }
0x3bf: {  	v1 =	vsub.f32 v2, v1;
	_ =	sdelay $0x1  }
0x3c0: {  	v1 =	vmul.f32 $1.000000010e-01, v1;
	_ =	sdelay $0x1  }
0x3c1: {  	v1 =	vmul.f32 $1.442695020e+00, v1;
	_ =	sdelay $0x1  }
0x3c2: {  	(erf) = vpow2.f32 v1;
	_ =	sdelay $0x2  }
0x3c3: {  	v1 =	vld [tilespmem:$0x88A0];
	_ =	sdelay $0x5  }
0x3c4: {  	v2 =	vpop (erf)  }
0x3c5: {  	[tilespmem:$0x8990] =	vst v2  }
0x3c6: {  	v1 =	vld.idx.msk [tilespmem:v1+s10+$0x0], $0xffff;
	_ =	sdelay $0x1  }
0x3c7: {  	v2 =	vld [tilespmem:$0x620];
	_ =	sdelay $0x2  }
0x3c8: {  	v1 =	vadd.f32 $-1.000000000e+00, v1;
	_ =	sdelay $0x1  }
0x3c9: {  	v1 =	vsub.f32 v2, v1;
	_ =	sdelay $0x1  }
0x3ca: {  	v1 =	vmul.f32 $1.000000010e-01, v1;
	_ =	sdelay $0x1  }
0x3cb: {  	v1 =	vmul.f32 $1.442695020e+00, v1;
	_ =	sdelay $0x1  }
0x3cc: {  	(erf) = vpow2.f32 v1;
	_ =	sdelay $0x2  }
0x3cd: {  	v1 =	vld [tilespmem:$0x88B0];
	_ =	sdelay $0x5  }
0x3ce: {  	v2 =	vpop (erf)  }
0x3cf: {  	[tilespmem:$0x89A0] =	vst v2  }
0x3d0: {  	v1 =	vld.idx.msk [tilespmem:v1+s10+$0x0], $0xffff;
	_ =	sdelay $0x1  }
0x3d1: {  	v2 =	vld [tilespmem:$0x630];
	_ =	sdelay $0x2  }
0x3d2: {  	v1 =	vadd.f32 $-1.000000000e+00, v1;
	_ =	sdelay $0x1  }
0x3d3: {  	v1 =	vsub.f32 v2, v1;
	_ =	sdelay $0x1  }
0x3d4: {  	v1 =	vmul.f32 $1.000000010e-01, v1;
	_ =	sdelay $0x1  }
0x3d5: {  	v1 =	vmul.f32 $1.442695020e+00, v1;
	_ =	sdelay $0x1  }
0x3d6: {  	(erf) = vpow2.f32 v1;
	_ =	sdelay $0x2  }
0x3d7: {  	v1 =	vld [tilespmem:$0x88C0];
	_ =	sdelay $0x5  }
0x3d8: {  	v2 =	vpop (erf)  }
0x3d9: {  	[tilespmem:$0x89B0] =	vst v2  }
0x3da: {  	v1 =	vld.idx.msk [tilespmem:v1+s10+$0x0], $0xffff;
	_ =	sdelay $0x1  }
0x3db: {  	v2 =	vld [tilespmem:$0x640];
	_ =	sdelay $0x2  }
0x3dc: {  	v1 =	vadd.f32 $-1.000000000e+00, v1;
	_ =	sdelay $0x1  }
0x3dd: {  	v1 =	vsub.f32 v2, v1;
	_ =	sdelay $0x1  }
0x3de: {  	v1 =	vmul.f32 $1.000000010e-01, v1;
	_ =	sdelay $0x1  }
0x3df: {  	v1 =	vmul.f32 $1.442695020e+00, v1;
	_ =	sdelay $0x1  }
0x3e0: {  	(erf) = vpow2.f32 v1;
	_ =	sdelay $0x2  }
0x3e1: {  	v1 =	vld [tilespmem:$0x88D0];
	_ =	sdelay $0x5  }
0x3e2: {  	v2 =	vpop (erf)  }
0x3e3: {  	[tilespmem:$0x89C0] =	vst v2  }
0x3e4: {  	v1 =	vld.idx.msk [tilespmem:v1+s10+$0x0], $0xffff;
	_ =	sdelay $0x1  }
0x3e5: {  	v2 =	vld [tilespmem:$0x650];
	_ =	sdelay $0x2  }
0x3e6: {  	v1 =	vadd.f32 $-1.000000000e+00, v1;
	_ =	sdelay $0x1  }
0x3e7: {  	v1 =	vsub.f32 v2, v1;
	_ =	sdelay $0x1  }
0x3e8: {  	v1 =	vmul.f32 $1.000000010e-01, v1;
	_ =	sdelay $0x1  }
0x3e9: {  	v1 =	vmul.f32 $1.442695020e+00, v1;
	_ =	sdelay $0x1  }
0x3ea: {  	(erf) = vpow2.f32 v1;
	_ =	sdelay $0x2  }
0x3eb: {  	v1 =	vld [tilespmem:$0x88E0];
	_ =	sdelay $0x5  }
0x3ec: {  	v2 =	vpop (erf)  }
0x3ed: {  	[tilespmem:$0x89D0] =	vst v2  }
0x3ee: {  	v1 =	vld.idx.msk [tilespmem:v1+s10+$0x0], $0xffff;
	_ =	sdelay $0x1  }
0x3ef: {  	v2 =	vld [tilespmem:$0x660];
	_ =	sdelay $0x2  }
0x3f0: {  	v1 =	vadd.f32 $-1.000000000e+00, v1;
	_ =	sdelay $0x1  }
0x3f1: {  	v1 =	vsub.f32 v2, v1;
	_ =	sdelay $0x1  }
0x3f2: {  	v1 =	vmul.f32 $1.000000010e-01, v1;
	_ =	sdelay $0x1  }
0x3f3: {  	v1 =	vmul.f32 $1.442695020e+00, v1;
	_ =	sdelay $0x1  }
0x3f4: {  	(erf) = vpow2.f32 v1;
	_ =	sdelay $0x2  }
0x3f5: {  	v1 =	vld [tilespmem:$0x88F0];
	_ =	sdelay $0x5  }
0x3f6: {  	v2 =	vpop (erf)  }
0x3f7: {  	[tilespmem:$0x89E0] =	vst v2  }
0x3f8: {  	v1 =	vld.idx.msk [tilespmem:v1+s10+$0x0], $0xffff;
	_ =	sdelay $0x1  }
0x3f9: {  	v2 =	vld [tilespmem:$0x670];
	_ =	sdelay $0x2  }
0x3fa: {  	v1 =	vadd.f32 $-1.000000000e+00, v1;
	_ =	sdelay $0x1  }
0x3fb: {  	v1 =	vsub.f32 v2, v1;
	_ =	sdelay $0x1  }
0x3fc: {  	v1 =	vmul.f32 $1.000000010e-01, v1;
	_ =	sdelay $0x1  }
0x3fd: {  	v1 =	vmul.f32 $1.442695020e+00, v1;
	_ =	sdelay $0x1  }
0x3fe: {  	(erf) = vpow2.f32 v1;
	_ =	sdelay $0x1  }
0x3ff: {  	s31 =	simm.s32 $0x0  }
0x400: {  	s6 =	simm.s32 $0x2;
	v1 =	vmov s31  }
0x401: {  	v2 =	vmov s6;
	v1 =	vand.u32 $0xFFFFFFFC, v1  }
0x402: {  	v2 =	vand.u32 $0xFFFFFFFE, v2;
	v1 =	vbroadcast v1, $0x0  }
0x403: {  	v2 =	vbroadcast v2, $0x0;
	_ =	sdelay $0x2  }
0x404: {  	v3 =	vpop (erf)  }
0x405: {  	[tilespmem:$0x89F0] =	vst v3  }
0x406: {  	v1 =	vld.idx.msk [tilespmem:v1+s18+$0x0], $0xffff  }
0x407: {  	s6 =	simm.s32 $0x4900;
	v2 =	vld.idx.msk [tilespmem:v2+s18+$0x0], $0xffff  }
0x408: {  	s9 =	simm.s32 $0x1;
	v4 =	vld [tilespmem:s6+$0x70]  }
0x409: {  	v3 =	vmov s9;
	v5 =	vld [tilespmem:s6+$0xFFFFFF00]  }
0x40a: {  	v3 =	vand.u32 $0xFFFFFFFD, v3;
	v6 =	vld [tilespmem:s6+$0xFFFFFF10]  }
0x40b: {  	v7 =	vld [tilespmem:s6+$0xFFFFFF20];
	v3 =	vbroadcast v3, $0x0  }
0x40c: {  	v8 =	vld [tilespmem:s6+$0xFFFFFF30]  }
0x40d: {  	v9 =	vld [tilespmem:s6+$0xFFFFFF40]  }
0x40e: {  	v10 =	vld [tilespmem:s6+$0xFFFFFF50]  }
0x40f: {  	v11 =	vld [tilespmem:s6+$0xFFFFFF60];
	v5 =	vmul.f32 v5, v1  }
0x410: {  	v13 =	vld [tilespmem:s6+$0x40];
	v4 =	vmul.f32 v4, v2  }
0x411: {  	v3 =	vld.idx.msk [tilespmem:v3+s18+$0x0], $0xffff;
	[tilespmem:s6+$0xFFFFFF00] =	vst v5;
	v5 =	vmul.f32 v6, v1  }
0x412: {  	v6 =	vld [tilespmem:s6+$0xFFFFFF70];
	[tilespmem:s6+$0x70] =	vst v4;
	v4 =	vmul.f32 v7, v1  }
0x413: {  	v7 =	vld [tilespmem:s6+$0xFFFFFF80];
	[tilespmem:s6+$0xFFFFFF10] =	vst v5;
	v5 =	vmul.f32 v8, v1  }
0x414: {  	v8 =	vld [tilespmem:s6+$0xFFFFFF90];
	[tilespmem:s6+$0xFFFFFF20] =	vst v4;
	v4 =	vmul.f32 v9, v1  }
0x415: {  	v9 =	vld [tilespmem:s6+$0xFFFFFFA0];
	[tilespmem:s6+$0xFFFFFF30] =	vst v5;
	v5 =	vmul.f32 v10, v1  }
0x416: {  	v10 =	vld [tilespmem:s6+$0xFFFFFFB0];
	[tilespmem:s6+$0xFFFFFF40] =	vst v4;
	v4 =	vmul.f32 v11, v1  }
0x417: {  	v11 =	vld [tilespmem:s6+$0xFFFFFFC0];
	v6 =	vmul.f32 v6, v1;
	[tilespmem:s6+$0xFFFFFF50] =	vst v5  }
0x418: {  	v5 =	vmul.f32 v7, v3;
	v7 =	vld [tilespmem:s6+$0xFFFFFFD0];
	[tilespmem:s6+$0xFFFFFF60] =	vst v4  }
0x419: {  	s13 =	simm.s32 $0x3;
	v4 =	vld [tilespmem:s6+$0xFFFFFFE0];
	v8 =	vmul.f32 v8, v3;
	[tilespmem:s6+$0xFFFFFF70] =	vst v6  }
0x41a: {  	v12 =	vmov s13;
	v6 =	vld [tilespmem:s6+$0xFFFFFFF0];
	[tilespmem:s6+$0xFFFFFF80] =	vst v5;
	v5 =	vmul.f32 v9, v3  }
0x41b: {  	v9 =	vld [tilespmem:s6+$0x0];
	[tilespmem:s6+$0xFFFFFF90] =	vst v8;
	v8 =	vmul.f32 v10, v3  }
0x41c: {  	v10 =	vld [tilespmem:s6+$0x10];
	[tilespmem:s6+$0xFFFFFFA0] =	vst v5;
	v5 =	vmul.f32 v11, v3  }
0x41d: {  	[tilespmem:s6+$0xFFFFFFB0] =	vst v8;
	v7 =	vmul.f32 v7, v3;
	v8 =	vld [tilespmem:s6+$0x20]  }
0x41e: {  	v11 =	vld [tilespmem:s6+$0x30];
	v4 =	vmul.f32 v4, v3;
	[tilespmem:s6+$0xFFFFFFC0] =	vst v5  }
0x41f: {  	v1 =	vld.idx.msk [tilespmem:v12+s18+$0x0], $0xffff;
	v3 =	vmul.f32 v6, v3;
	[tilespmem:s6+$0xFFFFFFD0] =	vst v7  }
0x420: {  	[tilespmem:s6+$0xFFFFFFE0] =	vst v4;
	v5 =	vmul.f32 v9, v2;
	v4 =	vld [tilespmem:s6+$0x50]  }
0x421: {  	s14 =	simm.s32 $0x4;
	[tilespmem:s6+$0xFFFFFFF0] =	vst v3;
	v6 =	vmul.f32 v10, v2;
	v3 =	vld [tilespmem:s6+$0x60]  }
0x422: {  	s26 =	simm.s32 $0x7;
	v7 =	vmov s14;
	[tilespmem:s6+$0x0] =	vst v5;
	v9 =	vmul.f32 v8, v2;
	v8 =	vld [tilespmem:s6+$0x80]  }
0x423: {  	s31 =	simm.s32 $0x5;
	v12 =	vand.u32 $0xFFFFFFFC, v7;
	v7 =	vld [tilespmem:s6+$0x90];
	v5 =	vmov s26;
	v10 =	vmul.f32 v11, v2;
	[tilespmem:s6+$0x10] =	vst v6  }
0x424: {  	s2 =	simm.s32 $0x6;
	s13 =	simm.s32 $0x8;
	v11 =	vmul.f32 v13, v2;
	s26 =	simm.s32 $0x4900;
	v6 =	vbroadcast v12, $0x0;
	v12 =	vmov s31;
	[tilespmem:s6+$0x20] =	vst v9;
	v9 =	vld [tilespmem:s6+$0xA0]  }
.LBB2_23:
0x425: {  	p2 =	slt.u32 s13, $0x7C;
	v12 =	vand.u32 $0xFFFFFFFD, v12;
	v13 =	vmov s2;
	[tilespmem:s6+$0x30] =	vst v10;
	v4 =	vmul.f32 v4, v2;
	v10 =	vld [tilespmem:s6+$0xB0]  }
0x426: {  	v12 =	vbroadcast v12, $0x0;
	v13 =	vand.u32 $0xFFFFFFFE, v13;
	[tilespmem:s6+$0x40] =	vst v11;
	v2 =	vmul.f32 v3, v2;
	v3 =	vld [tilespmem:s6+$0xC0]  }
0x427: {  	v11 =	vbroadcast v13, $0x0;
	[tilespmem:s6+$0x50] =	vst v4;
	v4 =	vmul.f32 v8, v1;
	v8 =	vld [tilespmem:s6+$0xD0]  }
0x428: {  	[tilespmem:s6+$0x60] =	vst v2;
	v2 =	vmul.f32 v7, v1;
	v7 =	vld [tilespmem:s6+$0xE0]  }
0x429: {  	[tilespmem:s6+$0x80] =	vst v4;
	v4 =	vmul.f32 v9, v1;
	v9 =	vld [tilespmem:s6+$0xF0]  }
0x42a: {  	v5 =	vld.idx.msk [tilespmem:v5+s18+$0x0], $0xffff;
	[tilespmem:s6+$0x90] =	vst v2;
	v2 =	vmul.f32 v10, v1  }
0x42b: {  	v6 =	vld.idx.msk [tilespmem:v6+s18+$0x0], $0xffff;
	[tilespmem:s6+$0xA0] =	vst v4;
	v3 =	vmul.f32 v3, v1  }
0x42c: {  	v4 =	vld.idx.msk [tilespmem:v12+s18+$0x0], $0xffff;
	[tilespmem:s6+$0xB0] =	vst v2;
	v8 =	vmul.f32 v8, v1  }
0x42d: {  	s6 =	sadd.s32 $0x200, s6;
	v2 =	vld.idx.msk [tilespmem:v11+s18+$0x0], $0xffff;
	[tilespmem:s26+$0xC0] =	vst v3;
	v3 =	vmul.f32 v7, v1  }
0x42e: {  	v7 =	vld [tilespmem:s6+$0x70];
	[tilespmem:s26+$0xD0] =	vst v8;
	v9 =	vmul.f32 v9, v1  }
0x42f: {  	v8 =	vld [tilespmem:s6+$0xFFFFFF00];
	[tilespmem:s26+$0xE0] =	vst v3  }
0x430: {  	v1 =	vmov v5;
	v3 =	vld [tilespmem:s6+$0xFFFFFF10];
	[tilespmem:s26+$0xF0] =	vst v9;
	s26 =	smov.u32 s6  }
0x431: {  	v5 =	vld [tilespmem:s6+$0xFFFFFF20]  }
0x432: {  	v9 =	vld [tilespmem:s6+$0xFFFFFF30]  }
0x433: {  	v10 =	vld [tilespmem:s6+$0xFFFFFF40];
	v7 =	vmul.f32 v7, v2  }
0x434: {  	v8 =	vmul.f32 v8, v6;
	v11 =	vld [tilespmem:s6+$0xFFFFFF50]  }
0x435: {  	v3 =	vmul.f32 v3, v6;
	v12 =	vld [tilespmem:s6+$0xFFFFFF60];
	[tilespmem:s6+$0x70] =	vst v7  }
0x436: {  	[tilespmem:s6+$0xFFFFFF00] =	vst v8;
	v5 =	vmul.f32 v5, v6;
	v7 =	vld [tilespmem:s6+$0xFFFFFF70]  }
0x437: {  	[tilespmem:s6+$0xFFFFFF10] =	vst v3;
	v3 =	vmul.f32 v9, v6;
	v8 =	vld [tilespmem:s6+$0xFFFFFF80]  }
0x438: {  	[tilespmem:s6+$0xFFFFFF20] =	vst v5;
	v5 =	vmul.f32 v10, v6;
	v9 =	vld [tilespmem:s6+$0xFFFFFF90]  }
0x439: {  	[tilespmem:s6+$0xFFFFFF30] =	vst v3;
	v3 =	vmul.f32 v11, v6;
	v10 =	vld [tilespmem:s6+$0xFFFFFFA0]  }
0x43a: {  	[tilespmem:s6+$0xFFFFFF40] =	vst v5;
	v5 =	vmul.f32 v12, v6;
	v11 =	vld [tilespmem:s6+$0xFFFFFFB0]  }
0x43b: {  	[tilespmem:s6+$0xFFFFFF50] =	vst v3;
	v3 =	vmul.f32 v7, v6;
	v6 =	vld [tilespmem:s6+$0xFFFFFFC0]  }
0x43c: {  	[tilespmem:s6+$0xFFFFFF60] =	vst v5;
	v5 =	vmul.f32 v8, v4;
	v7 =	vld [tilespmem:s6+$0xFFFFFFD0]  }
0x43d: {  	[tilespmem:s6+$0xFFFFFF70] =	vst v3;
	v3 =	vmul.f32 v9, v4;
	v8 =	vld [tilespmem:s6+$0xFFFFFFE0]  }
0x43e: {  	[tilespmem:s6+$0xFFFFFF80] =	vst v5;
	v5 =	vmul.f32 v10, v4;
	v9 =	vld [tilespmem:s6+$0xFFFFFFF0]  }
0x43f: {  	[tilespmem:s6+$0xFFFFFF90] =	vst v3;
	v3 =	vmul.f32 v11, v4;
	v10 =	vld [tilespmem:s6+$0x0]  }
0x440: {  	[tilespmem:s6+$0xFFFFFFA0] =	vst v5;
	v5 =	vmul.f32 v6, v4;
	v6 =	vld [tilespmem:s6+$0x10]  }
0x441: {  	[tilespmem:s6+$0xFFFFFFB0] =	vst v3;
	v3 =	vmul.f32 v7, v4;
	v7 =	vld [tilespmem:s6+$0x20]  }
0x442: {  	[tilespmem:s6+$0xFFFFFFC0] =	vst v5;
	v5 =	vmul.f32 v8, v4;
	v11 =	vld [tilespmem:s6+$0x30]  }
0x443: {  	[tilespmem:s6+$0xFFFFFFD0] =	vst v3;
	v3 =	vmul.f32 v9, v4;
	v9 =	vld [tilespmem:s6+$0x40]  }
.Ltmp15:
0x444: {  	[tilespmem:s6+$0xFFFFFFE0] =	vst v5;
	v5 =	vmul.f32 v10, v2;
	v4 =	vld [tilespmem:s6+$0x50];
	(pc) =	sbr.rel @p2 .LBB2_23-.Ltmp15, $4  }
0x445: {  	[tilespmem:s6+$0xFFFFFFF0] =	vst v3;
	v6 =	vmul.f32 v6, v2;
	v3 =	vld [tilespmem:s6+$0x60]  }
0x446: {  	s2 =	sadd.s32 $0x3, s13;
	v10 =	vmov s13;
	[tilespmem:s6+$0x0] =	vst v5;
	v13 =	vmul.f32 v7, v2;
	v8 =	vld [tilespmem:s6+$0x80]  }
0x447: {  	s9 =	sadd.s32 $0x1, s13;
	v12 =	vand.u32 $0xFFFFFFFC, v10;
	v5 =	vmov s2;
	[tilespmem:s6+$0x10] =	vst v6;
	v10 =	vmul.f32 v11, v2;
	v7 =	vld [tilespmem:s6+$0x90]  }
0x448: {  	s2 =	sadd.s32 $0x2, s13;
	s13 =	sadd.s32 $0x4, s13;
	v6 =	vbroadcast v12, $0x0;
	v12 =	vmov s9;
	[tilespmem:s6+$0x20] =	vst v13;
	v11 =	vmul.f32 v9, v2;
	v9 =	vld [tilespmem:s6+$0xA0]  }
0x449: {  	v13 =	vld [tilespmem:s6+$0xB0]  }
0x44a: {  	v15 =	vld [tilespmem:s6+$0xC0]  }
0x44b: {  	v16 =	vld [tilespmem:s6+$0xD0]  }
0x44c: {  	v17 =	vld [tilespmem:s6+$0xE0]  }
0x44d: {  	v29 =	vld [tilespmem:s6+$0xF0];
	[tilespmem:s6+$0x30] =	vst v10;
	v4 =	vmul.f32 v4, v2  }
0x44e: {  	v5 =	vld.idx.msk [tilespmem:v5+s18+$0x0], $0xffff;
	[tilespmem:s6+$0x40] =	vst v11;
	v2 =	vmul.f32 v3, v2  }
0x44f: {  	s31 =	sadd.s32 $0x200, s6;
	v3 =	vld.idx.msk [tilespmem:v6+s18+$0x0], $0xffff;
	v8 =	vmul.f32 v8, v1;
	[tilespmem:s6+$0x50] =	vst v4  }
0x450: {  	v14 =	vmov s2;
	v34 =	vld [tilespmem:s31+$0x70];
	v30 =	vmul.f32 v7, v1;
	[tilespmem:s6+$0x60] =	vst v2  }
0x451: {  	v14 =	vand.u32 $0xFFFFFFFE, v14;
	v35 =	vld [tilespmem:s31+$0xFFFFFF00];
	[tilespmem:s6+$0x80] =	vst v8;
	v2 =	vmul.f32 v9, v1  }
0x452: {  	v37 =	vld [tilespmem:s31+$0xFFFFFF10];
	v14 =	vbroadcast v14, $0x0;
	[tilespmem:s6+$0x90] =	vst v30;
	v33 =	vmul.f32 v13, v1  }
0x453: {  	v38 =	vld [tilespmem:s31+$0xFFFFFF20];
	[tilespmem:s6+$0xA0] =	vst v2;
	v2 =	vmul.f32 v15, v1  }
0x454: {  	v12 =	vand.u32 $0xFFFFFFFD, v12;
	v39 =	vld [tilespmem:s31+$0xFFFFFF30];
	v36 =	vmul.f32 v16, v1;
	[tilespmem:s6+$0xB0] =	vst v33  }
0x455: {  	v12 =	vbroadcast v12, $0x0;
	v41 =	vld [tilespmem:s31+$0xFFFFFF50];
	[tilespmem:s26+$0xC0] =	vst v2;
	v2 =	vmul.f32 v17, v1  }
0x456: {  	v43 =	vld [tilespmem:s31+$0xFFFFFF60];
	[tilespmem:s26+$0xD0] =	vst v36;
	v1 =	vmul.f32 v29, v1  }
0x457: {  	v42 =	vmul.f32 v37, v3;
	[tilespmem:s26+$0xE0] =	vst v2;
	v2 =	vld [tilespmem:s31+$0xFFFFFF40]  }
0x458: {  	v32 =	vld.idx.msk [tilespmem:v14+s18+$0x0], $0xffff;
	[tilespmem:s26+$0xF0] =	vst v1;
	v1 =	vmul.f32 v35, v3  }
0x459: {  	v44 =	vld [tilespmem:s31+$0xFFFFFF70];
	v4 =	vmul.f32 v39, v3;
	[tilespmem:s31+$0xFFFFFF10] =	vst v42  }
0x45a: {  	v45 =	vld [tilespmem:s31+$0xFFFFFF80];
	[tilespmem:s31+$0xFFFFFF00] =	vst v1;
	v1 =	vmul.f32 v38, v3  }
0x45b: {  	v46 =	vmul.f32 v41, v3;
	v31 =	vld.idx.msk [tilespmem:v12+s18+$0x0], $0xffff;
	[tilespmem:s31+$0xFFFFFF30] =	vst v4  }
0x45c: {  	[tilespmem:s31+$0xFFFFFF20] =	vst v1;
	v1 =	vmul.f32 v2, v3;
	v2 =	vld [tilespmem:s31+$0xFFFFFF90]  }
0x45d: {  	v47 =	vld [tilespmem:s31+$0xFFFFFFA0];
	[tilespmem:s31+$0xFFFFFF50] =	vst v46;
	v40 =	vmul.f32 v34, v32  }
0x45e: {  	v48 =	vld [tilespmem:s31+$0xFFFFFFB0];
	[tilespmem:s31+$0xFFFFFF40] =	vst v1;
	v1 =	vmul.f32 v43, v3  }
0x45f: {  	v49 =	vld [tilespmem:s31+$0xFFFFFFC0];
	[tilespmem:s31+$0x70] =	vst v40;
	v3 =	vmul.f32 v44, v3  }
0x460: {  	v50 =	vld [tilespmem:s31+$0xFFFFFFD0];
	[tilespmem:s31+$0xFFFFFF60] =	vst v1;
	v1 =	vmul.f32 v45, v31  }
0x461: {  	[tilespmem:s31+$0xFFFFFF70] =	vst v3;
	v3 =	vld [tilespmem:s31+$0xFFFFFFE0];
	v2 =	vmul.f32 v2, v31  }
0x462: {  	v51 =	vld [tilespmem:s31+$0xFFFFFFF0];
	[tilespmem:s31+$0xFFFFFF80] =	vst v1;
	v1 =	vmul.f32 v47, v31  }
0x463: {  	v52 =	vld [tilespmem:s31+$0x0];
	[tilespmem:s31+$0xFFFFFF90] =	vst v2;
	v2 =	vmul.f32 v48, v31  }
0x464: {  	v53 =	vld [tilespmem:s31+$0x10];
	[tilespmem:s31+$0xFFFFFFA0] =	vst v1;
	v1 =	vmul.f32 v49, v31  }
0x465: {  	v54 =	vld [tilespmem:s31+$0x20];
	[tilespmem:s31+$0xFFFFFFB0] =	vst v2;
	v2 =	vmul.f32 v50, v31  }
0x466: {  	[tilespmem:s31+$0xFFFFFFC0] =	vst v1;
	v1 =	vmul.f32 v3, v31;
	v3 =	vld [tilespmem:s31+$0x30]  }
0x467: {  	v55 =	vld [tilespmem:s31+$0x40];
	[tilespmem:s31+$0xFFFFFFD0] =	vst v2;
	v2 =	vmul.f32 v51, v31  }
0x468: {  	v56 =	vld [tilespmem:s31+$0x50];
	[tilespmem:s31+$0xFFFFFFE0] =	vst v1;
	v1 =	vmul.f32 v52, v32  }
0x469: {  	v57 =	vld [tilespmem:s31+$0x60];
	[tilespmem:s31+$0xFFFFFFF0] =	vst v2;
	v2 =	vmul.f32 v53, v32  }
0x46a: {  	v58 =	vld [tilespmem:s31+$0x80];
	[tilespmem:s31+$0x0] =	vst v1;
	v1 =	vmul.f32 v54, v32  }
0x46b: {  	[tilespmem:s31+$0x10] =	vst v2;
	v2 =	vmul.f32 v3, v32;
	v3 =	vld [tilespmem:s31+$0x90]  }
0x46c: {  	v59 =	vld [tilespmem:s31+$0xA0];
	[tilespmem:s31+$0x20] =	vst v1;
	v1 =	vmul.f32 v55, v32  }
0x46d: {  	v60 =	vld [tilespmem:s31+$0xB0];
	[tilespmem:s31+$0x30] =	vst v2;
	v2 =	vmul.f32 v56, v32  }
0x46e: {  	v61 =	vld [tilespmem:s31+$0xC0];
	[tilespmem:s31+$0x40] =	vst v1;
	v1 =	vmul.f32 v57, v32  }
0x46f: {  	v62 =	vld [tilespmem:s31+$0xD0];
	[tilespmem:s31+$0x50] =	vst v2;
	v2 =	vmul.f32 v58, v5  }
0x470: {  	[tilespmem:s31+$0x60] =	vst v1;
	v1 =	vmul.f32 v3, v5;
	v3 =	vld [tilespmem:s31+$0xE0]  }
0x471: {  	v63 =	vld [tilespmem:s31+$0xF0];
	[tilespmem:s31+$0x80] =	vst v2;
	v2 =	vmul.f32 v59, v5  }
0x472: {  	[tilespmem:s31+$0x90] =	vst v1;
	v1 =	vmul.f32 v60, v5  }
0x473: {  	[tilespmem:s31+$0xA0] =	vst v2;
	v2 =	vmul.f32 v61, v5  }
0x474: {  	[tilespmem:s31+$0xB0] =	vst v1;
	v1 =	vmul.f32 v62, v5  }
.Ltmp16:
0x475: {  	[tilespmem:s31+$0xC0] =	vst v2;
	v2 =	vmul.f32 v3, v5;
	(pc) =	sbr.rel .LBB2_25-.Ltmp16, $4  }
0x476: {  	[tilespmem:s31+$0xD0] =	vst v1;
	v1 =	vmul.f32 v63, v5  }
0x477: {  	[tilespmem:s31+$0xE0] =	vst v2  }
0x478: {  	[tilespmem:s31+$0xF0] =	vst v1  }
0x479: {  	[spmem:s5] =	stream.indirect.scatter.add.f32 [tilespmem:s4], [sflag:$0x4], $0x80, s21, s19, $0xb8;
	[tilespmem:$0x1F480] =	vst v63  }
.LBB2_26:
0x47a: {  	_ =	swait.ge [sflag:s22], $0x4000  }
0x47b: {  	[sflag:s22] =	ssyncset.done $0x0  }
0x47c: {  	[sflag:s22] =	ssyncadd.s32 $0xFFFFC000  }
0x47d: {  	_ =	swait.ge [sflag:s23], $0x4000  }
0x47e: {  	s2 =	simm.s32 $0x0;
	[sflag:s23] =	ssyncset.done $0x0  }
0x47f: {  	s14 =	simm.s32 $0x8900;
	s6 =	rddreg [dreg:$0x14];
	[sflag:s23] =	ssyncadd.s32 $0xFFFFC000  }
0x480: {  	[tilespmem:s14], [sflag:$0x5] =	stream.linear.gather [hbm4b:s6+s2], $0x10, $0x38;
	[tilespmem:$0x1F480] =	vst v63  }
0x481: {  	_ =	swait.ge [sflag:s30], $0x10  }
0x482: {  	[sflag:s30] =	ssyncset.done $0x0  }
0x483: {  	s26 =	rddreg [dreg:$0x15];
	[sflag:s30] =	ssyncadd.s32 $0xFFFFFFF0  }
0x484: {  	[tilespmem:s28], [sflag:$0x5] =	stream.linear.gather [hbm4b:s26+s2], $0x10, $0x38;
	[tilespmem:$0x1F480] =	vst v63  }
0x485: {  	_ =	swait.ge [sflag:s30], $0x10  }
0x486: {  	[sflag:s30] =	ssyncset.done $0x0  }
0x487: {  	s31 =	rddreg [dreg:$0x16];
	[sflag:s30] =	ssyncadd.s32 $0xFFFFFFF0  }
0x488: {  	[tilespmem:s15], [sflag:$0x5] =	stream.linear.gather [hbm4b:s31+s2], $0x800, $0x38;
	[tilespmem:$0x1F480] =	vst v63  }
0x489: {  	_ =	swait.ge [sflag:s30], $0x800  }
0x48a: {  	[sflag:s30] =	ssyncset.done $0x0  }
0x48b: {  	[sflag:s30] =	ssyncadd.s32 $0xFFFFF800  }
0x48c: {  	v1 =	vld [tilespmem:$0x8900];
	_ =	sdelay $0x7  }
0x48d: {  	v1 =	vld.idx.msk [tilespmem:v1+s10+$0x0], $0xffff;
	_ =	sdelay $0x1  }
0x48e: {  	v2 =	vld [tilespmem:$0x400];
	_ =	sdelay $0x2  }
0x48f: {  	v1 =	vadd.f32 $-1.000000000e+00, v1;
	_ =	sdelay $0x1  }
0x490: {  	v1 =	vsub.f32 v2, v1;
	_ =	sdelay $0x1  }
0x491: {  	v1 =	vmul.f32 $1.000000010e-01, v1;
	_ =	sdelay $0x1  }
0x492: {  	v1 =	vmul.f32 $1.442695020e+00, v1;
	_ =	sdelay $0x1  }
0x493: {  	(erf) = vpow2.f32 v1;
	_ =	sdelay $0x2  }
0x494: {  	s9 =	simm.s32 $0x2;
	v1 =	vmov s2  }
0x495: {  	v2 =	vmov s9;
	v1 =	vand.u32 $0xFFFFFFFC, v1  }
0x496: {  	v2 =	vand.u32 $0xFFFFFFFE, v2;
	v1 =	vbroadcast v1, $0x0  }
0x497: {  	v2 =	vbroadcast v2, $0x0;
	_ =	sdelay $0x2  }
0x498: {  	v3 =	vpop (erf)  }
0x499: {  	[tilespmem:$0x8980] =	vst v3  }
0x49a: {  	v1 =	vld.idx.msk [tilespmem:v1+s18+$0x0], $0xffff  }
0x49b: {  	s6 =	simm.s32 $0x900;
	v2 =	vld.idx.msk [tilespmem:v2+s18+$0x0], $0xffff  }
0x49c: {  	s13 =	simm.s32 $0x1;
	v4 =	vld [tilespmem:s6+$0x70]  }
0x49d: {  	v3 =	vmov s13;
	v5 =	vld [tilespmem:s6+$0xFFFFFF00]  }
0x49e: {  	v3 =	vand.u32 $0xFFFFFFFD, v3;
	v6 =	vld [tilespmem:s6+$0xFFFFFF10]  }
0x49f: {  	v7 =	vld [tilespmem:s6+$0xFFFFFF20];
	v3 =	vbroadcast v3, $0x0  }
0x4a0: {  	v8 =	vld [tilespmem:s6+$0xFFFFFF30]  }
0x4a1: {  	v9 =	vld [tilespmem:s6+$0xFFFFFF40]  }
0x4a2: {  	v10 =	vld [tilespmem:s6+$0xFFFFFF50]  }
0x4a3: {  	v11 =	vld [tilespmem:s6+$0xFFFFFF60];
	v5 =	vmul.f32 v5, v1  }
0x4a4: {  	v13 =	vld [tilespmem:s6+$0x40];
	v4 =	vmul.f32 v4, v2  }
0x4a5: {  	v3 =	vld.idx.msk [tilespmem:v3+s18+$0x0], $0xffff;
	[tilespmem:s6+$0xFFFFFF00] =	vst v5;
	v5 =	vmul.f32 v6, v1  }
0x4a6: {  	v6 =	vld [tilespmem:s6+$0xFFFFFF70];
	[tilespmem:s6+$0x70] =	vst v4;
	v4 =	vmul.f32 v7, v1  }
0x4a7: {  	v7 =	vld [tilespmem:s6+$0xFFFFFF80];
	[tilespmem:s6+$0xFFFFFF10] =	vst v5;
	v5 =	vmul.f32 v8, v1  }
0x4a8: {  	v8 =	vld [tilespmem:s6+$0xFFFFFF90];
	[tilespmem:s6+$0xFFFFFF20] =	vst v4;
	v4 =	vmul.f32 v9, v1  }
0x4a9: {  	v9 =	vld [tilespmem:s6+$0xFFFFFFA0];
	[tilespmem:s6+$0xFFFFFF30] =	vst v5;
	v5 =	vmul.f32 v10, v1  }
0x4aa: {  	v10 =	vld [tilespmem:s6+$0xFFFFFFB0];
	[tilespmem:s6+$0xFFFFFF40] =	vst v4;
	v4 =	vmul.f32 v11, v1  }
0x4ab: {  	v11 =	vld [tilespmem:s6+$0xFFFFFFC0];
	v6 =	vmul.f32 v6, v1;
	[tilespmem:s6+$0xFFFFFF50] =	vst v5  }
0x4ac: {  	v5 =	vmul.f32 v7, v3;
	v7 =	vld [tilespmem:s6+$0xFFFFFFD0];
	[tilespmem:s6+$0xFFFFFF60] =	vst v4  }
0x4ad: {  	s24 =	simm.s32 $0x3;
	v4 =	vld [tilespmem:s6+$0xFFFFFFE0];
	v8 =	vmul.f32 v8, v3;
	[tilespmem:s6+$0xFFFFFF70] =	vst v6  }
0x4ae: {  	v12 =	vmov s24;
	v6 =	vld [tilespmem:s6+$0xFFFFFFF0];
	[tilespmem:s6+$0xFFFFFF80] =	vst v5;
	v5 =	vmul.f32 v9, v3  }
0x4af: {  	v9 =	vld [tilespmem:s6+$0x0];
	[tilespmem:s6+$0xFFFFFF90] =	vst v8;
	v8 =	vmul.f32 v10, v3  }
0x4b0: {  	v10 =	vld [tilespmem:s6+$0x10];
	[tilespmem:s6+$0xFFFFFFA0] =	vst v5;
	v5 =	vmul.f32 v11, v3  }
0x4b1: {  	[tilespmem:s6+$0xFFFFFFB0] =	vst v8;
	v7 =	vmul.f32 v7, v3;
	v8 =	vld [tilespmem:s6+$0x20]  }
0x4b2: {  	v11 =	vld [tilespmem:s6+$0x30];
	v4 =	vmul.f32 v4, v3;
	[tilespmem:s6+$0xFFFFFFC0] =	vst v5  }
0x4b3: {  	v1 =	vld.idx.msk [tilespmem:v12+s18+$0x0], $0xffff;
	v3 =	vmul.f32 v6, v3;
	[tilespmem:s6+$0xFFFFFFD0] =	vst v7  }
0x4b4: {  	[tilespmem:s6+$0xFFFFFFE0] =	vst v4;
	v5 =	vmul.f32 v9, v2;
	v4 =	vld [tilespmem:s6+$0x50]  }
0x4b5: {  	s26 =	simm.s32 $0x4;
	[tilespmem:s6+$0xFFFFFFF0] =	vst v3;
	v6 =	vmul.f32 v10, v2;
	v3 =	vld [tilespmem:s6+$0x60]  }
0x4b6: {  	s31 =	simm.s32 $0x7;
	v7 =	vmov s26;
	[tilespmem:s6+$0x0] =	vst v5;
	v9 =	vmul.f32 v8, v2;
	v8 =	vld [tilespmem:s6+$0x80]  }
0x4b7: {  	s9 =	simm.s32 $0x5;
	v12 =	vand.u32 $0xFFFFFFFC, v7;
	v7 =	vld [tilespmem:s6+$0x90];
	v5 =	vmov s31;
	v10 =	vmul.f32 v11, v2;
	[tilespmem:s6+$0x10] =	vst v6  }
0x4b8: {  	s24 =	simm.s32 $0x900;
	s2 =	simm.s32 $0x6;
	s13 =	simm.s32 $0x8;
	v11 =	vmul.f32 v13, v2;
	v6 =	vbroadcast v12, $0x0;
	v12 =	vmov s9;
	[tilespmem:s6+$0x20] =	vst v9;
	v9 =	vld [tilespmem:s6+$0xA0]  }
.LBB2_27:
0x4b9: {  	p2 =	slt.u32 s13, $0xC;
	v12 =	vand.u32 $0xFFFFFFFD, v12;
	v13 =	vmov s2;
	[tilespmem:s6+$0x30] =	vst v10;
	v4 =	vmul.f32 v4, v2;
	v10 =	vld [tilespmem:s6+$0xB0]  }
0x4ba: {  	v12 =	vbroadcast v12, $0x0;
	v13 =	vand.u32 $0xFFFFFFFE, v13;
	[tilespmem:s6+$0x40] =	vst v11;
	v2 =	vmul.f32 v3, v2;
	v3 =	vld [tilespmem:s6+$0xC0]  }
0x4bb: {  	v11 =	vbroadcast v13, $0x0;
	[tilespmem:s6+$0x50] =	vst v4;
	v4 =	vmul.f32 v8, v1;
	v8 =	vld [tilespmem:s6+$0xD0]  }
0x4bc: {  	[tilespmem:s6+$0x60] =	vst v2;
	v2 =	vmul.f32 v7, v1;
	v7 =	vld [tilespmem:s6+$0xE0]  }
0x4bd: {  	[tilespmem:s6+$0x80] =	vst v4;
	v4 =	vmul.f32 v9, v1;
	v9 =	vld [tilespmem:s6+$0xF0]  }
0x4be: {  	v5 =	vld.idx.msk [tilespmem:v5+s18+$0x0], $0xffff;
	[tilespmem:s6+$0x90] =	vst v2;
	v2 =	vmul.f32 v10, v1  }
0x4bf: {  	v6 =	vld.idx.msk [tilespmem:v6+s18+$0x0], $0xffff;
	[tilespmem:s6+$0xA0] =	vst v4;
	v3 =	vmul.f32 v3, v1  }
0x4c0: {  	v4 =	vld.idx.msk [tilespmem:v12+s18+$0x0], $0xffff;
	[tilespmem:s6+$0xB0] =	vst v2;
	v8 =	vmul.f32 v8, v1  }
0x4c1: {  	s6 =	sadd.s32 $0x200, s6;
	v2 =	vld.idx.msk [tilespmem:v11+s18+$0x0], $0xffff;
	[tilespmem:s24+$0xC0] =	vst v3;
	v3 =	vmul.f32 v7, v1  }
0x4c2: {  	v7 =	vld [tilespmem:s6+$0x70];
	[tilespmem:s24+$0xD0] =	vst v8;
	v9 =	vmul.f32 v9, v1  }
0x4c3: {  	v8 =	vld [tilespmem:s6+$0xFFFFFF00];
	[tilespmem:s24+$0xE0] =	vst v3  }
0x4c4: {  	v1 =	vmov v5;
	v3 =	vld [tilespmem:s6+$0xFFFFFF10];
	[tilespmem:s24+$0xF0] =	vst v9;
	s24 =	smov.u32 s6  }
0x4c5: {  	v5 =	vld [tilespmem:s6+$0xFFFFFF20]  }
0x4c6: {  	v9 =	vld [tilespmem:s6+$0xFFFFFF30]  }
0x4c7: {  	v10 =	vld [tilespmem:s6+$0xFFFFFF40];
	v7 =	vmul.f32 v7, v2  }
0x4c8: {  	v8 =	vmul.f32 v8, v6;
	v11 =	vld [tilespmem:s6+$0xFFFFFF50]  }
0x4c9: {  	v3 =	vmul.f32 v3, v6;
	v12 =	vld [tilespmem:s6+$0xFFFFFF60];
	[tilespmem:s6+$0x70] =	vst v7  }
0x4ca: {  	[tilespmem:s6+$0xFFFFFF00] =	vst v8;
	v5 =	vmul.f32 v5, v6;
	v7 =	vld [tilespmem:s6+$0xFFFFFF70]  }
0x4cb: {  	[tilespmem:s6+$0xFFFFFF10] =	vst v3;
	v3 =	vmul.f32 v9, v6;
	v8 =	vld [tilespmem:s6+$0xFFFFFF80]  }
0x4cc: {  	[tilespmem:s6+$0xFFFFFF20] =	vst v5;
	v5 =	vmul.f32 v10, v6;
	v9 =	vld [tilespmem:s6+$0xFFFFFF90]  }
0x4cd: {  	[tilespmem:s6+$0xFFFFFF30] =	vst v3;
	v3 =	vmul.f32 v11, v6;
	v10 =	vld [tilespmem:s6+$0xFFFFFFA0]  }
0x4ce: {  	[tilespmem:s6+$0xFFFFFF40] =	vst v5;
	v5 =	vmul.f32 v12, v6;
	v11 =	vld [tilespmem:s6+$0xFFFFFFB0]  }
0x4cf: {  	[tilespmem:s6+$0xFFFFFF50] =	vst v3;
	v3 =	vmul.f32 v7, v6;
	v6 =	vld [tilespmem:s6+$0xFFFFFFC0]  }
0x4d0: {  	[tilespmem:s6+$0xFFFFFF60] =	vst v5;
	v5 =	vmul.f32 v8, v4;
	v7 =	vld [tilespmem:s6+$0xFFFFFFD0]  }
0x4d1: {  	[tilespmem:s6+$0xFFFFFF70] =	vst v3;
	v3 =	vmul.f32 v9, v4;
	v8 =	vld [tilespmem:s6+$0xFFFFFFE0]  }
0x4d2: {  	[tilespmem:s6+$0xFFFFFF80] =	vst v5;
	v5 =	vmul.f32 v10, v4;
	v9 =	vld [tilespmem:s6+$0xFFFFFFF0]  }
0x4d3: {  	[tilespmem:s6+$0xFFFFFF90] =	vst v3;
	v3 =	vmul.f32 v11, v4;
	v10 =	vld [tilespmem:s6+$0x0]  }
0x4d4: {  	[tilespmem:s6+$0xFFFFFFA0] =	vst v5;
	v5 =	vmul.f32 v6, v4;
	v6 =	vld [tilespmem:s6+$0x10]  }
0x4d5: {  	[tilespmem:s6+$0xFFFFFFB0] =	vst v3;
	v3 =	vmul.f32 v7, v4;
	v7 =	vld [tilespmem:s6+$0x20]  }
0x4d6: {  	[tilespmem:s6+$0xFFFFFFC0] =	vst v5;
	v5 =	vmul.f32 v8, v4;
	v11 =	vld [tilespmem:s6+$0x30]  }
0x4d7: {  	[tilespmem:s6+$0xFFFFFFD0] =	vst v3;
	v3 =	vmul.f32 v9, v4;
	v9 =	vld [tilespmem:s6+$0x40]  }
.Ltmp17:
0x4d8: {  	[tilespmem:s6+$0xFFFFFFE0] =	vst v5;
	v5 =	vmul.f32 v10, v2;
	v4 =	vld [tilespmem:s6+$0x50];
	(pc) =	sbr.rel @p2 .LBB2_27-.Ltmp17, $4  }
0x4d9: {  	[tilespmem:s6+$0xFFFFFFF0] =	vst v3;
	v6 =	vmul.f32 v6, v2;
	v3 =	vld [tilespmem:s6+$0x60]  }
0x4da: {  	s2 =	sadd.s32 $0x3, s13;
	v10 =	vmov s13;
	[tilespmem:s6+$0x0] =	vst v5;
	v13 =	vmul.f32 v7, v2;
	v8 =	vld [tilespmem:s6+$0x80]  }
0x4db: {  	s9 =	sadd.s32 $0x1, s13;
	v12 =	vand.u32 $0xFFFFFFFC, v10;
	v5 =	vmov s2;
	[tilespmem:s6+$0x10] =	vst v6;
	v10 =	vmul.f32 v11, v2;
	v7 =	vld [tilespmem:s6+$0x90]  }
0x4dc: {  	s2 =	sadd.s32 $0x2, s13;
	s13 =	sadd.s32 $0x4, s13;
	v6 =	vbroadcast v12, $0x0;
	v12 =	vmov s9;
	[tilespmem:s6+$0x20] =	vst v13;
	v11 =	vmul.f32 v9, v2;
	v9 =	vld [tilespmem:s6+$0xA0]  }
0x4dd: {  	v13 =	vld [tilespmem:s6+$0xB0]  }
0x4de: {  	v15 =	vld [tilespmem:s6+$0xC0]  }
0x4df: {  	v16 =	vld [tilespmem:s6+$0xD0]  }
0x4e0: {  	v17 =	vld [tilespmem:s6+$0xE0]  }
0x4e1: {  	v29 =	vld [tilespmem:s6+$0xF0];
	[tilespmem:s6+$0x30] =	vst v10;
	v4 =	vmul.f32 v4, v2  }
0x4e2: {  	v5 =	vld.idx.msk [tilespmem:v5+s18+$0x0], $0xffff;
	[tilespmem:s6+$0x40] =	vst v11;
	v2 =	vmul.f32 v3, v2  }
0x4e3: {  	s9 =	sadd.s32 $0x200, s6;
	v3 =	vld.idx.msk [tilespmem:v6+s18+$0x0], $0xffff;
	v8 =	vmul.f32 v8, v1;
	[tilespmem:s6+$0x50] =	vst v4  }
0x4e4: {  	v14 =	vmov s2;
	v34 =	vld [tilespmem:s9+$0x70];
	v30 =	vmul.f32 v7, v1;
	[tilespmem:s6+$0x60] =	vst v2  }
0x4e5: {  	v14 =	vand.u32 $0xFFFFFFFE, v14;
	v35 =	vld [tilespmem:s9+$0xFFFFFF00];
	[tilespmem:s6+$0x80] =	vst v8;
	v2 =	vmul.f32 v9, v1  }
0x4e6: {  	v37 =	vld [tilespmem:s9+$0xFFFFFF10];
	v14 =	vbroadcast v14, $0x0;
	[tilespmem:s6+$0x90] =	vst v30;
	v33 =	vmul.f32 v13, v1  }
0x4e7: {  	v38 =	vld [tilespmem:s9+$0xFFFFFF20];
	[tilespmem:s6+$0xA0] =	vst v2;
	v2 =	vmul.f32 v15, v1  }
0x4e8: {  	v12 =	vand.u32 $0xFFFFFFFD, v12;
	v39 =	vld [tilespmem:s9+$0xFFFFFF30];
	v36 =	vmul.f32 v16, v1;
	[tilespmem:s6+$0xB0] =	vst v33  }
0x4e9: {  	v12 =	vbroadcast v12, $0x0;
	v41 =	vld [tilespmem:s9+$0xFFFFFF50];
	[tilespmem:s24+$0xC0] =	vst v2;
	v2 =	vmul.f32 v17, v1  }
0x4ea: {  	v43 =	vld [tilespmem:s9+$0xFFFFFF60];
	[tilespmem:s24+$0xD0] =	vst v36;
	v1 =	vmul.f32 v29, v1  }
0x4eb: {  	v42 =	vmul.f32 v37, v3;
	[tilespmem:s24+$0xE0] =	vst v2;
	v2 =	vld [tilespmem:s9+$0xFFFFFF40]  }
0x4ec: {  	v32 =	vld.idx.msk [tilespmem:v14+s18+$0x0], $0xffff;
	[tilespmem:s24+$0xF0] =	vst v1;
	v1 =	vmul.f32 v35, v3  }
0x4ed: {  	v44 =	vld [tilespmem:s9+$0xFFFFFF70];
	v4 =	vmul.f32 v39, v3;
	[tilespmem:s9+$0xFFFFFF10] =	vst v42  }
0x4ee: {  	v45 =	vld [tilespmem:s9+$0xFFFFFF80];
	[tilespmem:s9+$0xFFFFFF00] =	vst v1;
	v1 =	vmul.f32 v38, v3  }
0x4ef: {  	v46 =	vmul.f32 v41, v3;
	v31 =	vld.idx.msk [tilespmem:v12+s18+$0x0], $0xffff;
	[tilespmem:s9+$0xFFFFFF30] =	vst v4  }
0x4f0: {  	[tilespmem:s9+$0xFFFFFF20] =	vst v1;
	v1 =	vmul.f32 v2, v3;
	v2 =	vld [tilespmem:s9+$0xFFFFFF90]  }
0x4f1: {  	v47 =	vld [tilespmem:s9+$0xFFFFFFA0];
	[tilespmem:s9+$0xFFFFFF50] =	vst v46;
	v40 =	vmul.f32 v34, v32  }
0x4f2: {  	v48 =	vld [tilespmem:s9+$0xFFFFFFB0];
	[tilespmem:s9+$0xFFFFFF40] =	vst v1;
	v1 =	vmul.f32 v43, v3  }
0x4f3: {  	v49 =	vld [tilespmem:s9+$0xFFFFFFC0];
	[tilespmem:s9+$0x70] =	vst v40;
	v3 =	vmul.f32 v44, v3  }
0x4f4: {  	v50 =	vld [tilespmem:s9+$0xFFFFFFD0];
	[tilespmem:s9+$0xFFFFFF60] =	vst v1;
	v1 =	vmul.f32 v45, v31  }
0x4f5: {  	[tilespmem:s9+$0xFFFFFF70] =	vst v3;
	v3 =	vld [tilespmem:s9+$0xFFFFFFE0];
	v2 =	vmul.f32 v2, v31  }
0x4f6: {  	v51 =	vld [tilespmem:s9+$0xFFFFFFF0];
	[tilespmem:s9+$0xFFFFFF80] =	vst v1;
	v1 =	vmul.f32 v47, v31  }
0x4f7: {  	v52 =	vld [tilespmem:s9+$0x0];
	[tilespmem:s9+$0xFFFFFF90] =	vst v2;
	v2 =	vmul.f32 v48, v31  }
0x4f8: {  	v53 =	vld [tilespmem:s9+$0x10];
	[tilespmem:s9+$0xFFFFFFA0] =	vst v1;
	v1 =	vmul.f32 v49, v31  }
0x4f9: {  	v54 =	vld [tilespmem:s9+$0x20];
	[tilespmem:s9+$0xFFFFFFB0] =	vst v2;
	v2 =	vmul.f32 v50, v31  }
0x4fa: {  	[tilespmem:s9+$0xFFFFFFC0] =	vst v1;
	v1 =	vmul.f32 v3, v31;
	v3 =	vld [tilespmem:s9+$0x30]  }
0x4fb: {  	v55 =	vld [tilespmem:s9+$0x40];
	[tilespmem:s9+$0xFFFFFFD0] =	vst v2;
	v2 =	vmul.f32 v51, v31  }
0x4fc: {  	v56 =	vld [tilespmem:s9+$0x50];
	[tilespmem:s9+$0xFFFFFFE0] =	vst v1;
	v1 =	vmul.f32 v52, v32  }
0x4fd: {  	v57 =	vld [tilespmem:s9+$0x60];
	[tilespmem:s9+$0xFFFFFFF0] =	vst v2;
	v2 =	vmul.f32 v53, v32  }
0x4fe: {  	v58 =	vld [tilespmem:s9+$0x80];
	[tilespmem:s9+$0x0] =	vst v1;
	v1 =	vmul.f32 v54, v32  }
0x4ff: {  	[tilespmem:s9+$0x10] =	vst v2;
	v2 =	vmul.f32 v3, v32;
	v3 =	vld [tilespmem:s9+$0x90]  }
0x500: {  	v59 =	vld [tilespmem:s9+$0xA0];
	[tilespmem:s9+$0x20] =	vst v1;
	v1 =	vmul.f32 v55, v32  }
0x501: {  	v60 =	vld [tilespmem:s9+$0xB0];
	[tilespmem:s9+$0x30] =	vst v2;
	v2 =	vmul.f32 v56, v32  }
0x502: {  	v61 =	vld [tilespmem:s9+$0xC0];
	[tilespmem:s9+$0x40] =	vst v1;
	v1 =	vmul.f32 v57, v32  }
0x503: {  	v62 =	vld [tilespmem:s9+$0xD0];
	[tilespmem:s9+$0x50] =	vst v2;
	v2 =	vmul.f32 v58, v5  }
0x504: {  	[tilespmem:s9+$0x60] =	vst v1;
	v1 =	vmul.f32 v3, v5;
	v3 =	vld [tilespmem:s9+$0xE0]  }
0x505: {  	v63 =	vld [tilespmem:s9+$0xF0];
	[tilespmem:s9+$0x80] =	vst v2;
	v2 =	vmul.f32 v59, v5  }
0x506: {  	[tilespmem:s9+$0x90] =	vst v1;
	v1 =	vmul.f32 v60, v5  }
0x507: {  	[tilespmem:s9+$0xA0] =	vst v2;
	v2 =	vmul.f32 v61, v5  }
0x508: {  	[tilespmem:s9+$0xB0] =	vst v1;
	v1 =	vmul.f32 v62, v5  }
0x509: {  	[tilespmem:s9+$0xC0] =	vst v2;
	v2 =	vmul.f32 v3, v5  }
0x50a: {  	[tilespmem:s9+$0xD0] =	vst v1;
	v1 =	vmul.f32 v63, v5  }
0x50b: {  	[tilespmem:s9+$0xE0] =	vst v2  }
0x50c: {  	s13 =	simm.s32 $0x10;
	[tilespmem:s9+$0xF0] =	vst v1  }
0x50d: {  	[spmem:s5] =	stream.indirect.scatter.add.f32 [tilespmem:s15], [sflag:$0x5], $0x80, s14, s13, $0xb8;
	[tilespmem:$0x1F480] =	vst v63  }
0x50e: {  	_ =	swait.ge [sflag:s30], $0x800  }
0x50f: {  	[sflag:s30] =	ssyncset.done $0x0  }
0x510: {  	s24 =	stileid.u32;
	[sflag:s30] =	ssyncadd.s32 $0xFFFFF800  }
0x511: {  	s2 =	sshll.u32 s24, $0x6;
	[bflag:$0x0] =	sbarrier.arrive $0xFFFF  }
0x512: {  	s26 =	sshrl.u32 s16, $0x3;
	s2 =	sor.u32 $0x1C05, s2;
	s9 =	rddreg [dreg:$0x13]  }
0x513: {  	[hbm:s9], [sflag:s2] =	dma.local [spmem:s26], $0x2800  }
0x514: {  	_ =	swait.ge [sflag:s30], $0x2800  }
0x515: {  	s29 =	sadd.s32 $0x1, s29;
	s31 =	rddreg [dreg:$0x17]  }
0x516: {  	p2 =	sne.s32 s29, s31  }
.Ltmp18:
0x517: {  	_ = 	snop;
	(pc) =	sbr.rel @p2 .LBB2_1-.Ltmp18, $3  }
0x518: {  	_ =	sdelay $0x1  }
0x519: {  	[sflag:s30] =	ssyncset.done $0x0  }
0x51a: {  	[sflag:s30] =	ssyncadd.s32 $0xFFFFD800  }
0x51b: {  	_ =	sfence.sel $0x180000  }
0x51c: {  	[bflag:$0x0] =	sbarrier.arrive $0xFFFF  }
0x51d: {  	_ =	strace $0x90000047  }
0x51e: {  	s0 =	stileid.u32;
	[bflag:$0x2] =	sbarrier.arrive $0xFFFF  }
0x51f: {  	p0 =	sne.s32 s0, $0x0;
	s0 =	rddreg [dreg:$0x8]  }
0x520: {  	s0 =	sadd.s32 @!p0 $0x100000, s0  }
0x521: {  	[sflag:s0] =	ssyncadd.tile.s32 @!p0 $0x1;
	_ =	shalt  }
.Lfunc_end2:
_tile_overlayer_lowered:
.L_overlay_start_2:
0x522: {  	(tag) =	ssettag $0x2  }
0x523: {  	s0 =	rddreg [dreg:$0x0];
	s2 =	stileid.u32  }
0x524: {  	s1 =	rddreg [dreg:$0x1];
	p0 =	sne.s32 s2, $0x0  }
0x525: {  	s3 =	rddreg [dreg:$0x2];
	[bflag:$0x3] =	sbarrier.arrive $0xFFFF;
	s2 =	simm.s32 @!p0 $0x1C05  }
0x526: {  	[timem:s3], [sflag:s2] =	dma.local @!p0 [hbm:s0], s1  }
0x527: {  	s0 =	simm.s32 @!p0 $0x5  }
0x528: {  	_ =	swait.ge @!p0 [sflag:s0], s1  }
0x529: {  	s1 =	ssub.s32 @!p0 $0x0, s1;
	[sflag:s0] =	ssyncset.done @!p0 $0x0  }
0x52a: {  	[sflag:s0] =	ssyncadd.s32 @!p0 s1  }
0x52b: {  	[bflag:$0x3] =	sbarrier.arrive $0xFFFF  }
0x52c: {  	_ =	shalt  }

</sc_bundles>
